<compile_context>
chip_gen: v7x
topology: tpu7x:2x2x1
jax: 0.10.2.dev20260603
libtpu: 0.0.44.dev20260713+nightly
codegen_flags: <defaults>
</compile_context>

<pallas_src>
import jax
import jax.numpy as jnp
from jax import lax
from jax.experimental import pallas as pl
from jax.experimental.pallas import tpu as pltpu
from jax.experimental.pallas import tpu_sc as plsc

_N = 10000
_E = 320000
_DIN = 128
_DHID = 64
_DOUT = 16

_NC = 2
_NS = 16
_NW = _NC * _NS
_EPW = _E // _NW
_C = 64
_EPP = 10240
_PADE = _EPP - _EPW
_STEPS = _EPP // _C
_NBUF = 5
_W = 128
_NPAD = 10240
_RPS = _NPAD // _NS

_mesh = plsc.VectorSubcoreMesh(core_axis_name="c", subcore_axis_name="s")


def _deg_body(dst_hbm, zeros_hbm, ones_hbm, deg_hbm, dstv, onesv, acc, sd):
    c = lax.axis_index("c")
    s = lax.axis_index("s")
    wid = c * _NS + s
    slab = pl.ds(s * _RPS, _RPS)
    pltpu.sync_copy(zeros_hbm.at[slab], acc.at[slab])
    pltpu.sync_copy(ones_hbm, onesv)
    pltpu.sync_copy(dst_hbm.at[wid], dstv)
    plsc.subcore_barrier()
    @pl.loop(0, _STEPS)
    def _fire(j):
        pltpu.async_copy(onesv, acc.at[dstv.at[j]], sd, add=True)
    @pl.loop(0, _STEPS)
    def _drain(j):
        pltpu.make_async_copy(onesv, acc.at[dstv.at[j]], sd).wait()
    plsc.subcore_barrier()
    pltpu.sync_copy(acc.at[slab], deg_hbm.at[c, slab])


def _prop_body(g_hbm, src_hbm, dst_hbm, zeros_hbm, out_hbm,
               srcv, dstv, *rest):
    rows = list(rest[:_NBUF])
    acc = rest[_NBUF]
    sems = rest[_NBUF + 1:]
    n = _NBUF
    sg, ss, si, sd = (sems[0:n], sems[n:2 * n],
                      sems[2 * n:3 * n], sems[3 * n:4 * n])
    c = lax.axis_index("c")
    s = lax.axis_index("s")
    wid = c * _NS + s
    slab = pl.ds(s * _RPS, _RPS)
    pltpu.sync_copy(zeros_hbm.at[slab], acc.at[slab])
    plsc.subcore_barrier()
    for b in range(_NBUF):
        pltpu.async_copy(src_hbm.at[wid, b], srcv.at[b], si[b])
        pltpu.async_copy(dst_hbm.at[wid, b], dstv.at[b], sd[b])
    for b in range(_NBUF):
        pltpu.make_async_copy(src_hbm.at[wid, b], srcv.at[b], si[b]).wait()
        pltpu.async_copy(g_hbm.at[srcv.at[b]], rows[b], sg[b])

    @pl.loop(0, _STEPS, step=_NBUF)
    def _pipe(j):
        for b in range(_NBUF):
            k = j + b
            pltpu.make_async_copy(
                dst_hbm.at[wid, b], dstv.at[b], sd[b]).wait()
            pltpu.make_async_copy(g_hbm.at[srcv.at[b]], rows[b], sg[b]).wait()
            pltpu.async_copy(rows[b], acc.at[dstv.at[b]], ss[b], add=True)
            @pl.when(k + _NBUF < _STEPS)
            def _(b=b, k=k):
                pltpu.async_copy(src_hbm.at[wid, k + _NBUF], srcv.at[b],
                                 si[b])
        for b in range(_NBUF):
            k = j + b
            pltpu.make_async_copy(rows[b], acc.at[dstv.at[b]], ss[b]).wait()
            @pl.when(k + _NBUF < _STEPS)
            def _(b=b, k=k):
                pltpu.async_copy(dst_hbm.at[wid, k + _NBUF], dstv.at[b],
                                 sd[b])
                pltpu.make_async_copy(src_hbm.at[wid, k + _NBUF],
                                      srcv.at[b], si[b]).wait()
                pltpu.async_copy(g_hbm.at[srcv.at[b]], rows[b], sg[b])

    plsc.subcore_barrier()
    pltpu.sync_copy(acc.at[slab], out_hbm.at[c, slab])


def _sc_deg(dst3, zeros, ones):
    return pl.kernel(
        _deg_body,
        out_type=jax.ShapeDtypeStruct((_NC, _NPAD, _W), jnp.float32),
        mesh=_mesh,
        scratch_types=[
            pltpu.VMEM((_STEPS, _C), jnp.int32),
            pltpu.VMEM((_C, _W), jnp.float32),
            pltpu.VMEM_SHARED((_NPAD, _W), jnp.float32),
            pltpu.SemaphoreType.DMA,
        ],
    )(dst3, zeros, ones)


def _sc_prop(g, src3, dst3, zeros, d):
    return pl.kernel(
        _prop_body,
        out_type=jax.ShapeDtypeStruct((_NC, _NPAD, _W), jnp.float32),
        mesh=_mesh,
        scratch_types=[
            pltpu.VMEM((_NBUF, _C), jnp.int32),
            pltpu.VMEM((_NBUF, _C), jnp.int32),
        ] + [pltpu.VMEM((_C, _W), jnp.float32)] * _NBUF + [
            pltpu.VMEM_SHARED((_NPAD, _W), jnp.float32),
        ] + [pltpu.SemaphoreType.DMA] * (4 * _NBUF),
    )(g, src3, dst3, zeros)



_BLK = 1024


def _mm1_body(x_ref, w_ref, h_ref):
    h_ref[...] = jnp.dot(x_ref[...], w_ref[...],
                         preferred_element_type=jnp.float32)


def _g1_body(deg_ref, h_ref, g_ref):
    deg = 1.0 + deg_ref[0, :, 0] + deg_ref[1, :, 0]
    dinv = lax.rsqrt(deg)
    g = h_ref[...] * dinv[:, None]
    g_ref[...] = jnp.concatenate(
        [g, jnp.zeros((_BLK, _W - _DHID), jnp.float32)], axis=1)


def _mid_body(s_ref, deg_ref, h1_ref, b1_ref, w2_ref, h2_ref, g2_ref):
    deg = 1.0 + deg_ref[0, :, 0] + deg_ref[1, :, 0]
    dinv = lax.rsqrt(deg)
    dinv2 = 1.0 / deg
    a1 = dinv[:, None] * (s_ref[0, :, :_DHID] + s_ref[1, :, :_DHID]) \
        + dinv2[:, None] * h1_ref[...] + b1_ref[0, :]
    a1 = jnp.maximum(a1, 0.0)
    h2 = jnp.dot(a1, w2_ref[...], preferred_element_type=jnp.float32)
    h2_ref[...] = h2
    row = pl.program_id(0) * _BLK + lax.broadcasted_iota(
        jnp.int32, (_BLK, 1), 0)
    g2 = jnp.where(row < _N, h2 * dinv[:, None], 0.0)
    g2_ref[...] = jnp.concatenate(
        [g2, jnp.zeros((_BLK, _W - _DOUT), jnp.float32)], axis=1)


def _fin_body(s_ref, deg_ref, h2_ref, b2_ref, o_ref):
    deg = 1.0 + deg_ref[0, :, 0] + deg_ref[1, :, 0]
    dinv = lax.rsqrt(deg)
    dinv2 = 1.0 / deg
    o_ref[...] = dinv[:, None] * (s_ref[0, :, :_DOUT] + s_ref[1, :, :_DOUT]) \
        + dinv2[:, None] * h2_ref[...] + b2_ref[0, :]


def _row_spec(d, blk=_BLK):
    return pl.BlockSpec((blk, d), lambda i: (i, 0))


def _pair_spec(d, blk=_BLK):
    return pl.BlockSpec((_NC, blk, d), lambda i: (0, i, 0))


def _full_spec(a, b):
    return pl.BlockSpec((a, b), lambda i: (0, 0))


def kernel(x, edge_index, W1, b1, W2, b2):
    pad_idx = jnp.broadcast_to(
        _N + (jnp.arange(_PADE, dtype=jnp.int32) % (_NPAD - _N)),
        (_NW, _PADE))
    src3 = jnp.concatenate(
        [edge_index[0].reshape(_NW, _EPW), pad_idx], axis=1
    ).reshape(_NW, _STEPS, _C)
    dst3 = jnp.concatenate(
        [edge_index[1].reshape(_NW, _EPW), pad_idx], axis=1
    ).reshape(_NW, _STEPS, _C)
    xp = jnp.pad(x, ((0, _NPAD - _N), (0, 0)))
    zeros = jnp.zeros((_NPAD, _W), jnp.float32)
    ones = jnp.ones((_C, _W), jnp.float32)
    b1r = b1.reshape(1, _DHID)
    b2r = b2.reshape(1, _DOUT)

    grid = _NPAD // _BLK

    deg2 = _sc_deg(dst3, zeros, ones)

    h1 = pl.pallas_call(
        _mm1_body,
        grid=(grid,),
        in_specs=[_row_spec(_DIN), _full_spec(_DIN, _DHID)],
        out_specs=_row_spec(_DHID),
        out_shape=jax.ShapeDtypeStruct((_NPAD, _DHID), jnp.float32),
    )(xp, W1)

    g1 = pl.pallas_call(
        _g1_body,
        grid=(grid,),
        in_specs=[_pair_spec(_W), _row_spec(_DHID)],
        out_specs=_row_spec(_W),
        out_shape=jax.ShapeDtypeStruct((_NPAD, _W), jnp.float32),
    )(deg2, h1)

    s1 = _sc_prop(g1, src3, dst3, zeros, _DHID)

    h2, g2 = pl.pallas_call(
        _mid_body,
        grid=(grid,),
        in_specs=[_pair_spec(_W), _pair_spec(_W), _row_spec(_DHID),
                  _full_spec(1, _DHID), _full_spec(_DHID, _DOUT)],
        out_specs=[_row_spec(_DOUT), _row_spec(_W)],
        out_shape=[jax.ShapeDtypeStruct((_NPAD, _DOUT), jnp.float32),
                   jax.ShapeDtypeStruct((_NPAD, _W), jnp.float32)],
    )(s1, deg2, h1, b1r, W2)

    s2 = _sc_prop(g2, src3, dst3, zeros, _DOUT)

    out = pl.pallas_call(
        _fin_body,
        grid=(10,),
        in_specs=[_pair_spec(_W, 1000), _pair_spec(_W, 1000),
                  _row_spec(_DOUT, 1000), _full_spec(1, _DOUT)],
        out_specs=_row_spec(_DOUT, 1000),
        out_shape=jax.ShapeDtypeStruct((_N, _DOUT), jnp.float32),
    )(s2, deg2, h2, b2r)

    return out

# --- scband reference (transcript-rebuilt; emitter-appended) ---
"""Pipeline reference for scband-gcn-57964878626980 (READ-ONLY COPY).

The authoritative reference and input builder live on the scoring server;
editing this copy changes nothing except your own understanding.
"""

import jax, jax.numpy as jnp
import numpy as np

N = 10000
E = 320000
D_IN = 128
D_HID = 64
D_OUT = 16


def setup_inputs(seed: int = 0) -> dict:
    key = jax.random.key(seed)
    k1, k2, k3, k4, k5, k6 = jax.random.split(key, 6)
    x = jax.random.normal(k1, (N, D_IN), dtype=jnp.float32)
    edge_index = jax.random.randint(k2, (2, E), 0, N, dtype=jnp.int32)
    # Glorot-style init for GCNConv weights
    W1 = jax.random.uniform(k3, (D_IN, D_HID), dtype=jnp.float32,
                            minval=-1.0, maxval=1.0) * np.sqrt(6.0 / (D_IN + D_HID))
    b1 = jnp.zeros((D_HID,), dtype=jnp.float32)
    W2 = jax.random.uniform(k4, (D_HID, D_OUT), dtype=jnp.float32,
                            minval=-1.0, maxval=1.0) * np.sqrt(6.0 / (D_HID + D_OUT))
    b2 = jnp.zeros((D_OUT,), dtype=jnp.float32)
    return {"x": x, "edge_index": edge_index, "W1": W1, "b1": b1, "W2": W2, "b2": b2}


def _gcn_conv(x, edge_index, W, b):
    # GCNConv (Kipf & Welling): add self-loops, symmetric normalization,
    # out = D~^{-1/2} A~ D~^{-1/2} X W + b
    src = edge_index[0]
    dst = edge_index[1]
    loop = jnp.arange(N, dtype=src.dtype)
    src = jnp.concatenate([src, loop])
    dst = jnp.concatenate([dst, loop])
    deg = jnp.zeros((N,), dtype=x.dtype).at[dst].add(1.0)
    dinv = jnp.where(deg > 0, 1.0 / jnp.sqrt(deg), 0.0)
    norm = dinv[src] * dinv[dst]
    h = x @ W                      # dense transform first (fewer flops on gather path)
    msg = jnp.take(h, src, axis=0) * norm[:, None]   # gather
    out = jnp.zeros((N, W.shape[1]), dtype=x.dtype).at[dst].add(msg)  # scatter-add
    return out + b


def reference(x, edge_index, W1, b1, W2, b2):
    # layer 1 -> relu -> (dropout is identity in eval mode) -> layer 2
    h = jax.nn.relu(_gcn_conv(x, edge_index, W1, b1))
    out = _gcn_conv(h, edge_index, W2, b2)
    return out

if __name__ == "__main__":
    import jax
    _d = setup_inputs()
    print(jax.jit(kernel)(*tuple(_d.values())))

</pallas_src>

<mosaic_0001>
#map = affine_map<(d0, d1) -> (0, 0, 0)>
#map1 = affine_map<(d0, d1) -> (0, 0)>
module attributes {stable_mosaic.version = 14 : i64} {
  func.func @_deg_body(%arg0: i32, %arg1: i32, %arg2: memref<32x160x64xi32, #tpu.memory_space<hbm>>, %arg3: memref<10240x128xf32, #tpu.memory_space<hbm>>, %arg4: memref<64x128xf32, #tpu.memory_space<hbm>>, %arg5: memref<2x10240x128xf32, #tpu.memory_space<hbm>>, %arg6: memref<160x64xi32, #tpu.memory_space<vmem>>, %arg7: memref<64x128xf32, #tpu.memory_space<vmem>>, %arg8: memref<10240x128xf32, #tpu.memory_space<vmem_shared>>, %arg9: memref<!tpu.dma_semaphore, #tpu.memory_space<semaphore_mem>>) attributes {dimension_semantics = [#tpu.dimension_semantics<core_parallel>, #tpu.dimension_semantics<subcore_parallel>], iteration_bounds = array<i64: 2, 16>, scalar_prefetch = 0 : i64, scratch_operands = 4 : i64, tpu.core_type = #tpu.core_type<sc_vector_subcore>, window_params = [{transform_indices = #map}, {transform_indices = #map1}, {transform_indices = #map1}, {transform_indices = #map}]} {
    %mul3A = arith.constant 16 : i32
    %mul3A_0 = arith.muli %arg0, %mul3A : i32
    %add3A = arith.addi %mul3A_0, %arg1 : i32
    %mul3A_1 = arith.constant 640 : i32
    %mul3A_2 = arith.muli %arg1, %mul3A_1 : i32
    "tpu.region"() ({
      %run_scoped3A = tpu.sem_alloc : memref<!tpu.dma_semaphore, #tpu.memory_space<semaphore_mem>>
      %dma_start3A = arith.constant 0 : i32
      %dma_start3A_13 = tpu.memref_slice %arg8[%mul3A_2, %dma_start3A] : memref<10240x128xf32, #tpu.memory_space<vmem_shared>> -> memref<640x128xf32, #tpu.memory_space<vmem_shared>>
      %dma_start3A_14 = arith.constant 0 : i32
      %dma_start3A_15 = tpu.memref_slice %arg3[%mul3A_2, %dma_start3A_14] : memref<10240x128xf32, #tpu.memory_space<hbm>> -> memref<640x128xf32, #tpu.memory_space<hbm>>
      tpu.enqueue_dma source(%dma_start3A_15 : memref<640x128xf32, #tpu.memory_space<hbm>>) target(%dma_start3A_13 : memref<640x128xf32, #tpu.memory_space<vmem_shared>>) target_semaphore(%run_scoped3A : memref<!tpu.dma_semaphore, #tpu.memory_space<semaphore_mem>>)
      %dma_wait3A = arith.constant 0 : i32
      %dma_wait3A_16 = tpu.memref_slice %arg8[%mul3A_2, %dma_wait3A] : memref<10240x128xf32, #tpu.memory_space<vmem_shared>> -> memref<640x128xf32, #tpu.memory_space<vmem_shared>>
      %dma_wait3A_17 = arith.constant 0 : i32
      %dma_wait3A_18 = tpu.memref_slice %arg3[%mul3A_2, %dma_wait3A_17] : memref<10240x128xf32, #tpu.memory_space<hbm>> -> memref<640x128xf32, #tpu.memory_space<hbm>>
      tpu.wait_dma2 semaphore(%run_scoped3A : memref<!tpu.dma_semaphore, #tpu.memory_space<semaphore_mem>>) src(%dma_wait3A_18 : memref<640x128xf32, #tpu.memory_space<hbm>>) dst(%dma_wait3A_16 : memref<640x128xf32, #tpu.memory_space<vmem_shared>>)
      tpu.yield
    }) : () -> ()
    "tpu.region"() ({
      %run_scoped3A = tpu.sem_alloc : memref<!tpu.dma_semaphore, #tpu.memory_space<semaphore_mem>>
      tpu.enqueue_dma source(%arg4 : memref<64x128xf32, #tpu.memory_space<hbm>>) target(%arg7 : memref<64x128xf32, #tpu.memory_space<vmem>>) target_semaphore(%run_scoped3A : memref<!tpu.dma_semaphore, #tpu.memory_space<semaphore_mem>>)
      tpu.wait_dma2 semaphore(%run_scoped3A : memref<!tpu.dma_semaphore, #tpu.memory_space<semaphore_mem>>) src(%arg4 : memref<64x128xf32, #tpu.memory_space<hbm>>) dst(%arg7 : memref<64x128xf32, #tpu.memory_space<vmem>>)
      tpu.yield
    }) : () -> ()
    "tpu.region"() ({
      %run_scoped3A = tpu.sem_alloc : memref<!tpu.dma_semaphore, #tpu.memory_space<semaphore_mem>>
      %dma_start3A = arith.constant 0 : i32
      %dma_start3A_13 = arith.constant 0 : i32
      %dma_start3A_14 = tpu.memref_slice %arg2[%add3A, %dma_start3A, %dma_start3A_13] : memref<32x160x64xi32, #tpu.memory_space<hbm>> -> memref<1x160x64xi32, #tpu.memory_space<hbm>>
      %dma_start3A_15 = tpu.memref_squeeze %dma_start3A_14 : memref<1x160x64xi32, #tpu.memory_space<hbm>> -> memref<160x64xi32, #tpu.memory_space<hbm>>
      %dma_start3A_16 = arith.constant 0 : i32
      %dma_start3A_17 = arith.constant 0 : i32
      %dma_start3A_18 = tpu.memref_slice %arg2[%add3A, %dma_start3A_16, %dma_start3A_17] : memref<32x160x64xi32, #tpu.memory_space<hbm>> -> memref<1x160x64xi32, #tpu.memory_space<hbm>>
      %dma_start3A_19 = tpu.memref_squeeze %dma_start3A_18 : memref<1x160x64xi32, #tpu.memory_space<hbm>> -> memref<160x64xi32, #tpu.memory_space<hbm>>
      tpu.enqueue_dma source(%dma_start3A_19 : memref<160x64xi32, #tpu.memory_space<hbm>>) target(%arg6 : memref<160x64xi32, #tpu.memory_space<vmem>>) target_semaphore(%run_scoped3A : memref<!tpu.dma_semaphore, #tpu.memory_space<semaphore_mem>>)
      %dma_wait3A = arith.constant 0 : i32
      %dma_wait3A_20 = arith.constant 0 : i32
      %dma_wait3A_21 = tpu.memref_slice %arg2[%add3A, %dma_wait3A, %dma_wait3A_20] : memref<32x160x64xi32, #tpu.memory_space<hbm>> -> memref<1x160x64xi32, #tpu.memory_space<hbm>>
      %dma_wait3A_22 = tpu.memref_squeeze %dma_wait3A_21 : memref<1x160x64xi32, #tpu.memory_space<hbm>> -> memref<160x64xi32, #tpu.memory_space<hbm>>
      %dma_wait3A_23 = arith.constant 0 : i32
      %dma_wait3A_24 = arith.constant 0 : i32
      %dma_wait3A_25 = tpu.memref_slice %arg2[%add3A, %dma_wait3A_23, %dma_wait3A_24] : memref<32x160x64xi32, #tpu.memory_space<hbm>> -> memref<1x160x64xi32, #tpu.memory_space<hbm>>
      %dma_wait3A_26 = tpu.memref_squeeze %dma_wait3A_25 : memref<1x160x64xi32, #tpu.memory_space<hbm>> -> memref<160x64xi32, #tpu.memory_space<hbm>>
      tpu.wait_dma2 semaphore(%run_scoped3A : memref<!tpu.dma_semaphore, #tpu.memory_space<semaphore_mem>>) src(%dma_wait3A_26 : memref<160x64xi32, #tpu.memory_space<hbm>>) dst(%arg6 : memref<160x64xi32, #tpu.memory_space<vmem>>)
      tpu.yield
    }) : () -> ()
    %barrier3A = arith.constant 0 : index
    tpu.barrier barrier_id(%barrier3A)
    %scan3A = arith.constant 0 : i32
    %scan3A_3 = arith.constant 160 : i32
    %scan3A_4 = arith.addi %scan3A, %scan3A_3 : i32
    %scan3A_5 = arith.constant 1 : i32
    scf.for %scan3A_13 = %scan3A to %scan3A_4 step %scan3A_5  : i32 {
      %mul3A_14 = arith.constant 1 : i32
      %mul3A_15 = arith.muli %scan3A_13, %mul3A_14 : i32
      %add3A_16 = arith.constant 0 : i32
      %add3A_17 = arith.addi %add3A_16, %mul3A_15 : i32
      %dma_start3A = arith.constant 0 : i32
      %dma_start3A_18 = tpu.memref_slice %arg6[%add3A_17, %dma_start3A] : memref<160x64xi32, #tpu.memory_space<vmem>> -> memref<1x64xi32, #tpu.memory_space<vmem>>
      %dma_start3A_19 = tpu.memref_squeeze %dma_start3A_18 : memref<1x64xi32, #tpu.memory_space<vmem>> -> memref<64xi32, #tpu.memory_space<vmem>>
      %dma_start3A_20 = arith.constant 0 : i32
      %dma_start3A_21 = arith.constant 0 : i32
      %dma_start3A_22 = tpu.memref_slice %arg8[%dma_start3A_20, %dma_start3A_21] : memref<10240x128xf32, #tpu.memory_space<vmem_shared>> -> memref<10240x128xf32, #tpu.memory_space<vmem_shared>>
      tpu.enqueue_indirect_dma source(%arg7 : memref<64x128xf32, #tpu.memory_space<vmem>>) target(%dma_start3A_22 : memref<10240x128xf32, #tpu.memory_space<vmem_shared>>) offsets(%dma_start3A_19 : memref<64xi32, #tpu.memory_space<vmem>>) semaphore(%arg9 : memref<!tpu.dma_semaphore, #tpu.memory_space<semaphore_mem>>) {add = true}
    }
    %scan3A_6 = arith.constant 160 : i32
    %scan3A_7 = arith.constant 0 : i32
    %scan3A_8 = arith.constant 160 : i32
    %scan3A_9 = arith.addi %scan3A_7, %scan3A_8 : i32
    %scan3A_10 = arith.constant 1 : i32
    scf.for %scan3A_13 = %scan3A_7 to %scan3A_9 step %scan3A_10  : i32 {
      %mul3A_14 = arith.constant 1 : i32
      %mul3A_15 = arith.muli %scan3A_13, %mul3A_14 : i32
      %add3A_16 = arith.constant 0 : i32
      %add3A_17 = arith.addi %add3A_16, %mul3A_15 : i32
      %dma_wait3A = arith.constant 0 : i32
      %dma_wait3A_18 = tpu.memref_slice %arg6[%add3A_17, %dma_wait3A] : memref<160x64xi32, #tpu.memory_space<vmem>> -> memref<1x64xi32, #tpu.memory_space<vmem>>
      %dma_wait3A_19 = tpu.memref_squeeze %dma_wait3A_18 : memref<1x64xi32, #tpu.memory_space<vmem>> -> memref<64xi32, #tpu.memory_space<vmem>>
      %dma_wait3A_20 = arith.constant 0 : i32
      %dma_wait3A_21 = arith.constant 0 : i32
      %dma_wait3A_22 = tpu.memref_slice %arg8[%dma_wait3A_20, %dma_wait3A_21] : memref<10240x128xf32, #tpu.memory_space<vmem_shared>> -> memref<10240x128xf32, #tpu.memory_space<vmem_shared>>
      tpu.wait_indirect_dma semaphore(%arg9 : memref<!tpu.dma_semaphore, #tpu.memory_space<semaphore_mem>>) src(%arg7 : memref<64x128xf32, #tpu.memory_space<vmem>>) dst(%dma_wait3A_22 : memref<10240x128xf32, #tpu.memory_space<vmem_shared>>)
    }
    %scan3A_11 = arith.constant 160 : i32
    %barrier3A_12 = arith.constant 0 : index
    tpu.barrier barrier_id(%barrier3A_12)
    "tpu.region"() ({
      %run_scoped3A = tpu.sem_alloc : memref<!tpu.dma_semaphore, #tpu.memory_space<semaphore_mem>>
      %dma_start3A = arith.constant 0 : i32
      %dma_start3A_13 = tpu.memref_slice %arg5[%arg0, %mul3A_2, %dma_start3A] : memref<2x10240x128xf32, #tpu.memory_space<hbm>> -> memref<1x640x128xf32, #tpu.memory_space<hbm>>
      %dma_start3A_14 = tpu.memref_squeeze %dma_start3A_13 : memref<1x640x128xf32, #tpu.memory_space<hbm>> -> memref<640x128xf32, #tpu.memory_space<hbm>>
      %dma_start3A_15 = arith.constant 0 : i32
      %dma_start3A_16 = tpu.memref_slice %arg8[%mul3A_2, %dma_start3A_15] : memref<10240x128xf32, #tpu.memory_space<vmem_shared>> -> memref<640x128xf32, #tpu.memory_space<vmem_shared>>
      tpu.enqueue_dma source(%dma_start3A_16 : memref<640x128xf32, #tpu.memory_space<vmem_shared>>) target(%dma_start3A_14 : memref<640x128xf32, #tpu.memory_space<hbm>>) target_semaphore(%run_scoped3A : memref<!tpu.dma_semaphore, #tpu.memory_space<semaphore_mem>>)
      %dma_wait3A = arith.constant 0 : i32
      %dma_wait3A_17 = tpu.memref_slice %arg5[%arg0, %mul3A_2, %dma_wait3A] : memref<2x10240x128xf32, #tpu.memory_space<hbm>> -> memref<1x640x128xf32, #tpu.memory_space<hbm>>
      %dma_wait3A_18 = tpu.memref_squeeze %dma_wait3A_17 : memref<1x640x128xf32, #tpu.memory_space<hbm>> -> memref<640x128xf32, #tpu.memory_space<hbm>>
      %dma_wait3A_19 = arith.constant 0 : i32
      %dma_wait3A_20 = tpu.memref_slice %arg8[%mul3A_2, %dma_wait3A_19] : memref<10240x128xf32, #tpu.memory_space<vmem_shared>> -> memref<640x128xf32, #tpu.memory_space<vmem_shared>>
      tpu.wait_dma2 semaphore(%run_scoped3A : memref<!tpu.dma_semaphore, #tpu.memory_space<semaphore_mem>>) src(%dma_wait3A_20 : memref<640x128xf32, #tpu.memory_space<vmem_shared>>) dst(%dma_wait3A_18 : memref<640x128xf32, #tpu.memory_space<hbm>>)
      tpu.yield
    }) : () -> ()
    return
  }
}

#map = affine_map<(d0, d1) -> (0, 0)>
#map1 = affine_map<(d0, d1) -> (0, 0, 0)>
module attributes {stable_mosaic.version = 14 : i64} {
  func.func @_prop_body(%arg0: i32, %arg1: i32, %arg2: memref<10240x128xf32, #tpu.memory_space<hbm>>, %arg3: memref<32x160x64xi32, #tpu.memory_space<hbm>>, %arg4: memref<32x160x64xi32, #tpu.memory_space<hbm>>, %arg5: memref<10240x128xf32, #tpu.memory_space<hbm>>, %arg6: memref<2x10240x128xf32, #tpu.memory_space<hbm>>, %arg7: memref<5x64xi32, #tpu.memory_space<vmem>>, %arg8: memref<5x64xi32, #tpu.memory_space<vmem>>, %arg9: memref<64x128xf32, #tpu.memory_space<vmem>>, %arg10: memref<64x128xf32, #tpu.memory_space<vmem>>, %arg11: memref<64x128xf32, #tpu.memory_space<vmem>>, %arg12: memref<64x128xf32, #tpu.memory_space<vmem>>, %arg13: memref<64x128xf32, #tpu.memory_space<vmem>>, %arg14: memref<10240x128xf32, #tpu.memory_space<vmem_shared>>, %arg15: memref<!tpu.dma_semaphore, #tpu.memory_space<semaphore_mem>>, %arg16: memref<!tpu.dma_semaphore, #tpu.memory_space<semaphore_mem>>, %arg17: memref<!tpu.dma_semaphore, #tpu.memory_space<semaphore_mem>>, %arg18: memref<!tpu.dma_semaphore, #tpu.memory_space<semaphore_mem>>, %arg19: memref<!tpu.dma_semaphore, #tpu.memory_space<semaphore_mem>>, %arg20: memref<!tpu.dma_semaphore, #tpu.memory_space<semaphore_mem>>, %arg21: memref<!tpu.dma_semaphore, #tpu.memory_space<semaphore_mem>>, %arg22: memref<!tpu.dma_semaphore, #tpu.memory_space<semaphore_mem>>, %arg23: memref<!tpu.dma_semaphore, #tpu.memory_space<semaphore_mem>>, %arg24: memref<!tpu.dma_semaphore, #tpu.memory_space<semaphore_mem>>, %arg25: memref<!tpu.dma_semaphore, #tpu.memory_space<semaphore_mem>>, %arg26: memref<!tpu.dma_semaphore, #tpu.memory_space<semaphore_mem>>, %arg27: memref<!tpu.dma_semaphore, #tpu.memory_space<semaphore_mem>>, %arg28: memref<!tpu.dma_semaphore, #tpu.memory_space<semaphore_mem>>, %arg29: memref<!tpu.dma_semaphore, #tpu.memory_space<semaphore_mem>>, %arg30: memref<!tpu.dma_semaphore, #tpu.memory_space<semaphore_mem>>, %arg31: memref<!tpu.dma_semaphore, #tpu.memory_space<semaphore_mem>>, %arg32: memref<!tpu.dma_semaphore, #tpu.memory_space<semaphore_mem>>, %arg33: memref<!tpu.dma_semaphore, #tpu.memory_space<semaphore_mem>>, %arg34: memref<!tpu.dma_semaphore, #tpu.memory_space<semaphore_mem>>) attributes {dimension_semantics = [#tpu.dimension_semantics<core_parallel>, #tpu.dimension_semantics<subcore_parallel>], iteration_bounds = array<i64: 2, 16>, scalar_prefetch = 0 : i64, scratch_operands = 28 : i64, tpu.core_type = #tpu.core_type<sc_vector_subcore>, window_params = [{transform_indices = #map}, {transform_indices = #map1}, {transform_indices = #map1}, {transform_indices = #map}, {transform_indices = #map1}]} {
    %mul3A = arith.constant 16 : i32
    %mul3A_0 = arith.muli %arg0, %mul3A : i32
    %add3A = arith.addi %mul3A_0, %arg1 : i32
    %mul3A_1 = arith.constant 640 : i32
    %mul3A_2 = arith.muli %arg1, %mul3A_1 : i32
    "tpu.region"() ({
      %run_scoped3A = tpu.sem_alloc : memref<!tpu.dma_semaphore, #tpu.memory_space<semaphore_mem>>
      %dma_start3A_251 = arith.constant 0 : i32
      %dma_start3A_252 = tpu.memref_slice %arg14[%mul3A_2, %dma_start3A_251] : memref<10240x128xf32, #tpu.memory_space<vmem_shared>> -> memref<640x128xf32, #tpu.memory_space<vmem_shared>>
      %dma_start3A_253 = arith.constant 0 : i32
      %dma_start3A_254 = tpu.memref_slice %arg5[%mul3A_2, %dma_start3A_253] : memref<10240x128xf32, #tpu.memory_space<hbm>> -> memref<640x128xf32, #tpu.memory_space<hbm>>
      tpu.enqueue_dma source(%dma_start3A_254 : memref<640x128xf32, #tpu.memory_space<hbm>>) target(%dma_start3A_252 : memref<640x128xf32, #tpu.memory_space<vmem_shared>>) target_semaphore(%run_scoped3A : memref<!tpu.dma_semaphore, #tpu.memory_space<semaphore_mem>>)
      %dma_wait3A_255 = arith.constant 0 : i32
      %dma_wait3A_256 = tpu.memref_slice %arg14[%mul3A_2, %dma_wait3A_255] : memref<10240x128xf32, #tpu.memory_space<vmem_shared>> -> memref<640x128xf32, #tpu.memory_space<vmem_shared>>
      %dma_wait3A_257 = arith.constant 0 : i32
      %dma_wait3A_258 = tpu.memref_slice %arg5[%mul3A_2, %dma_wait3A_257] : memref<10240x128xf32, #tpu.memory_space<hbm>> -> memref<640x128xf32, #tpu.memory_space<hbm>>
      tpu.wait_dma2 semaphore(%run_scoped3A : memref<!tpu.dma_semaphore, #tpu.memory_space<semaphore_mem>>) src(%dma_wait3A_258 : memref<640x128xf32, #tpu.memory_space<hbm>>) dst(%dma_wait3A_256 : memref<640x128xf32, #tpu.memory_space<vmem_shared>>)
      tpu.yield
    }) : () -> ()
    %barrier3A = arith.constant 0 : index
    tpu.barrier barrier_id(%barrier3A)
    %dma_start3A = arith.constant 0 : i32
    %dma_start3A_3 = arith.constant 0 : i32
    %dma_start3A_4 = arith.constant 0 : i32
    %dma_start3A_5 = tpu.memref_slice %arg7[%dma_start3A_3, %dma_start3A_4] : memref<5x64xi32, #tpu.memory_space<vmem>> -> memref<1x64xi32, #tpu.memory_space<vmem>>
    %dma_start3A_6 = tpu.memref_squeeze %dma_start3A_5 : memref<1x64xi32, #tpu.memory_space<vmem>> -> memref<64xi32, #tpu.memory_space<vmem>>
    %dma_start3A_7 = arith.constant 0 : i32
    %dma_start3A_8 = tpu.memref_slice %arg3[%add3A, %dma_start3A, %dma_start3A_7] : memref<32x160x64xi32, #tpu.memory_space<hbm>> -> memref<1x1x64xi32, #tpu.memory_space<hbm>>
    %dma_start3A_9 = tpu.memref_squeeze %dma_start3A_8 : memref<1x1x64xi32, #tpu.memory_space<hbm>> -> memref<64xi32, #tpu.memory_space<hbm>>
    %dma_start3A_10 = arith.constant 0 : i32
    %dma_start3A_11 = tpu.memref_slice %arg7[%dma_start3A_3, %dma_start3A_10] : memref<5x64xi32, #tpu.memory_space<vmem>> -> memref<1x64xi32, #tpu.memory_space<vmem>>
    %dma_start3A_12 = tpu.memref_squeeze %dma_start3A_11 : memref<1x64xi32, #tpu.memory_space<vmem>> -> memref<64xi32, #tpu.memory_space<vmem>>
    %dma_start3A_13 = arith.constant 0 : i32
    %dma_start3A_14 = tpu.memref_slice %arg3[%add3A, %dma_start3A, %dma_start3A_13] : memref<32x160x64xi32, #tpu.memory_space<hbm>> -> memref<1x1x64xi32, #tpu.memory_space<hbm>>
    %dma_start3A_15 = tpu.memref_squeeze %dma_start3A_14 : memref<1x1x64xi32, #tpu.memory_space<hbm>> -> memref<64xi32, #tpu.memory_space<hbm>>
    tpu.enqueue_dma source(%dma_start3A_15 : memref<64xi32, #tpu.memory_space<hbm>>) target(%dma_start3A_12 : memref<64xi32, #tpu.memory_space<vmem>>) target_semaphore(%arg25 : memref<!tpu.dma_semaphore, #tpu.memory_space<semaphore_mem>>)
    %dma_start3A_16 = arith.constant 0 : i32
    %dma_start3A_17 = arith.constant 0 : i32
    %dma_start3A_18 = arith.constant 0 : i32
    %dma_start3A_19 = tpu.memref_slice %arg8[%dma_start3A_17, %dma_start3A_18] : memref<5x64xi32, #tpu.memory_space<vmem>> -> memref<1x64xi32, #tpu.memory_space<vmem>>
    %dma_start3A_20 = tpu.memref_squeeze %dma_start3A_19 : memref<1x64xi32, #tpu.memory_space<vmem>> -> memref<64xi32, #tpu.memory_space<vmem>>
    %dma_start3A_21 = arith.constant 0 : i32
    %dma_start3A_22 = tpu.memref_slice %arg4[%add3A, %dma_start3A_16, %dma_start3A_21] : memref<32x160x64xi32, #tpu.memory_space<hbm>> -> memref<1x1x64xi32, #tpu.memory_space<hbm>>
    %dma_start3A_23 = tpu.memref_squeeze %dma_start3A_22 : memref<1x1x64xi32, #tpu.memory_space<hbm>> -> memref<64xi32, #tpu.memory_space<hbm>>
    %dma_start3A_24 = arith.constant 0 : i32
    %dma_start3A_25 = tpu.memref_slice %arg8[%dma_start3A_17, %dma_start3A_24] : memref<5x64xi32, #tpu.memory_space<vmem>> -> memref<1x64xi32, #tpu.memory_space<vmem>>
    %dma_start3A_26 = tpu.memref_squeeze %dma_start3A_25 : memref<1x64xi32, #tpu.memory_space<vmem>> -> memref<64xi32, #tpu.memory_space<vmem>>
    %dma_start3A_27 = arith.constant 0 : i32
    %dma_start3A_28 = tpu.memref_slice %arg4[%add3A, %dma_start3A_16, %dma_start3A_27] : memref<32x160x64xi32, #tpu.memory_space<hbm>> -> memref<1x1x64xi32, #tpu.memory_space<hbm>>
    %dma_start3A_29 = tpu.memref_squeeze %dma_start3A_28 : memref<1x1x64xi32, #tpu.memory_space<hbm>> -> memref<64xi32, #tpu.memory_space<hbm>>
    tpu.enqueue_dma source(%dma_start3A_29 : memref<64xi32, #tpu.memory_space<hbm>>) target(%dma_start3A_26 : memref<64xi32, #tpu.memory_space<vmem>>) target_semaphore(%arg30 : memref<!tpu.dma_semaphore, #tpu.memory_space<semaphore_mem>>)
    %dma_start3A_30 = arith.constant 1 : i32
    %dma_start3A_31 = arith.constant 1 : i32
    %dma_start3A_32 = arith.constant 0 : i32
    %dma_start3A_33 = tpu.memref_slice %arg7[%dma_start3A_31, %dma_start3A_32] : memref<5x64xi32, #tpu.memory_space<vmem>> -> memref<1x64xi32, #tpu.memory_space<vmem>>
    %dma_start3A_34 = tpu.memref_squeeze %dma_start3A_33 : memref<1x64xi32, #tpu.memory_space<vmem>> -> memref<64xi32, #tpu.memory_space<vmem>>
    %dma_start3A_35 = arith.constant 0 : i32
    %dma_start3A_36 = tpu.memref_slice %arg3[%add3A, %dma_start3A_30, %dma_start3A_35] : memref<32x160x64xi32, #tpu.memory_space<hbm>> -> memref<1x1x64xi32, #tpu.memory_space<hbm>>
    %dma_start3A_37 = tpu.memref_squeeze %dma_start3A_36 : memref<1x1x64xi32, #tpu.memory_space<hbm>> -> memref<64xi32, #tpu.memory_space<hbm>>
    %dma_start3A_38 = arith.constant 0 : i32
    %dma_start3A_39 = tpu.memref_slice %arg7[%dma_start3A_31, %dma_start3A_38] : memref<5x64xi32, #tpu.memory_space<vmem>> -> memref<1x64xi32, #tpu.memory_space<vmem>>
    %dma_start3A_40 = tpu.memref_squeeze %dma_start3A_39 : memref<1x64xi32, #tpu.memory_space<vmem>> -> memref<64xi32, #tpu.memory_space<vmem>>
    %dma_start3A_41 = arith.constant 0 : i32
    %dma_start3A_42 = tpu.memref_slice %arg3[%add3A, %dma_start3A_30, %dma_start3A_41] : memref<32x160x64xi32, #tpu.memory_space<hbm>> -> memref<1x1x64xi32, #tpu.memory_space<hbm>>
    %dma_start3A_43 = tpu.memref_squeeze %dma_start3A_42 : memref<1x1x64xi32, #tpu.memory_space<hbm>> -> memref<64xi32, #tpu.memory_space<hbm>>
    tpu.enqueue_dma source(%dma_start3A_43 : memref<64xi32, #tpu.memory_space<hbm>>) target(%dma_start3A_40 : memref<64xi32, #tpu.memory_space<vmem>>) target_semaphore(%arg26 : memref<!tpu.dma_semaphore, #tpu.memory_space<semaphore_mem>>)
    %dma_start3A_44 = arith.constant 1 : i32
    %dma_start3A_45 = arith.constant 1 : i32
    %dma_start3A_46 = arith.constant 0 : i32
    %dma_start3A_47 = tpu.memref_slice %arg8[%dma_start3A_45, %dma_start3A_46] : memref<5x64xi32, #tpu.memory_space<vmem>> -> memref<1x64xi32, #tpu.memory_space<vmem>>
    %dma_start3A_48 = tpu.memref_squeeze %dma_start3A_47 : memref<1x64xi32, #tpu.memory_space<vmem>> -> memref<64xi32, #tpu.memory_space<vmem>>
    %dma_start3A_49 = arith.constant 0 : i32
    %dma_start3A_50 = tpu.memref_slice %arg4[%add3A, %dma_start3A_44, %dma_start3A_49] : memref<32x160x64xi32, #tpu.memory_space<hbm>> -> memref<1x1x64xi32, #tpu.memory_space<hbm>>
    %dma_start3A_51 = tpu.memref_squeeze %dma_start3A_50 : memref<1x1x64xi32, #tpu.memory_space<hbm>> -> memref<64xi32, #tpu.memory_space<hbm>>
    %dma_start3A_52 = arith.constant 0 : i32
    %dma_start3A_53 = tpu.memref_slice %arg8[%dma_start3A_45, %dma_start3A_52] : memref<5x64xi32, #tpu.memory_space<vmem>> -> memref<1x64xi32, #tpu.memory_space<vmem>>
    %dma_start3A_54 = tpu.memref_squeeze %dma_start3A_53 : memref<1x64xi32, #tpu.memory_space<vmem>> -> memref<64xi32, #tpu.memory_space<vmem>>
    %dma_start3A_55 = arith.constant 0 : i32
    %dma_start3A_56 = tpu.memref_slice %arg4[%add3A, %dma_start3A_44, %dma_start3A_55] : memref<32x160x64xi32, #tpu.memory_space<hbm>> -> memref<1x1x64xi32, #tpu.memory_space<hbm>>
    %dma_start3A_57 = tpu.memref_squeeze %dma_start3A_56 : memref<1x1x64xi32, #tpu.memory_space<hbm>> -> memref<64xi32, #tpu.memory_space<hbm>>
    tpu.enqueue_dma source(%dma_start3A_57 : memref<64xi32, #tpu.memory_space<hbm>>) target(%dma_start3A_54 : memref<64xi32, #tpu.memory_space<vmem>>) target_semaphore(%arg31 : memref<!tpu.dma_semaphore, #tpu.memory_space<semaphore_mem>>)
    %dma_start3A_58 = arith.constant 2 : i32
    %dma_start3A_59 = arith.constant 2 : i32
    %dma_start3A_60 = arith.constant 0 : i32
    %dma_start3A_61 = tpu.memref_slice %arg7[%dma_start3A_59, %dma_start3A_60] : memref<5x64xi32, #tpu.memory_space<vmem>> -> memref<1x64xi32, #tpu.memory_space<vmem>>
    %dma_start3A_62 = tpu.memref_squeeze %dma_start3A_61 : memref<1x64xi32, #tpu.memory_space<vmem>> -> memref<64xi32, #tpu.memory_space<vmem>>
    %dma_start3A_63 = arith.constant 0 : i32
    %dma_start3A_64 = tpu.memref_slice %arg3[%add3A, %dma_start3A_58, %dma_start3A_63] : memref<32x160x64xi32, #tpu.memory_space<hbm>> -> memref<1x1x64xi32, #tpu.memory_space<hbm>>
    %dma_start3A_65 = tpu.memref_squeeze %dma_start3A_64 : memref<1x1x64xi32, #tpu.memory_space<hbm>> -> memref<64xi32, #tpu.memory_space<hbm>>
    %dma_start3A_66 = arith.constant 0 : i32
    %dma_start3A_67 = tpu.memref_slice %arg7[%dma_start3A_59, %dma_start3A_66] : memref<5x64xi32, #tpu.memory_space<vmem>> -> memref<1x64xi32, #tpu.memory_space<vmem>>
    %dma_start3A_68 = tpu.memref_squeeze %dma_start3A_67 : memref<1x64xi32, #tpu.memory_space<vmem>> -> memref<64xi32, #tpu.memory_space<vmem>>
    %dma_start3A_69 = arith.constant 0 : i32
    %dma_start3A_70 = tpu.memref_slice %arg3[%add3A, %dma_start3A_58, %dma_start3A_69] : memref<32x160x64xi32, #tpu.memory_space<hbm>> -> memref<1x1x64xi32, #tpu.memory_space<hbm>>
    %dma_start3A_71 = tpu.memref_squeeze %dma_start3A_70 : memref<1x1x64xi32, #tpu.memory_space<hbm>> -> memref<64xi32, #tpu.memory_space<hbm>>
    tpu.enqueue_dma source(%dma_start3A_71 : memref<64xi32, #tpu.memory_space<hbm>>) target(%dma_start3A_68 : memref<64xi32, #tpu.memory_space<vmem>>) target_semaphore(%arg27 : memref<!tpu.dma_semaphore, #tpu.memory_space<semaphore_mem>>)
    %dma_start3A_72 = arith.constant 2 : i32
    %dma_start3A_73 = arith.constant 2 : i32
    %dma_start3A_74 = arith.constant 0 : i32
    %dma_start3A_75 = tpu.memref_slice %arg8[%dma_start3A_73, %dma_start3A_74] : memref<5x64xi32, #tpu.memory_space<vmem>> -> memref<1x64xi32, #tpu.memory_space<vmem>>
    %dma_start3A_76 = tpu.memref_squeeze %dma_start3A_75 : memref<1x64xi32, #tpu.memory_space<vmem>> -> memref<64xi32, #tpu.memory_space<vmem>>
    %dma_start3A_77 = arith.constant 0 : i32
    %dma_start3A_78 = tpu.memref_slice %arg4[%add3A, %dma_start3A_72, %dma_start3A_77] : memref<32x160x64xi32, #tpu.memory_space<hbm>> -> memref<1x1x64xi32, #tpu.memory_space<hbm>>
    %dma_start3A_79 = tpu.memref_squeeze %dma_start3A_78 : memref<1x1x64xi32, #tpu.memory_space<hbm>> -> memref<64xi32, #tpu.memory_space<hbm>>
    %dma_start3A_80 = arith.constant 0 : i32
    %dma_start3A_81 = tpu.memref_slice %arg8[%dma_start3A_73, %dma_start3A_80] : memref<5x64xi32, #tpu.memory_space<vmem>> -> memref<1x64xi32, #tpu.memory_space<vmem>>
    %dma_start3A_82 = tpu.memref_squeeze %dma_start3A_81 : memref<1x64xi32, #tpu.memory_space<vmem>> -> memref<64xi32, #tpu.memory_space<vmem>>
    %dma_start3A_83 = arith.constant 0 : i32
    %dma_start3A_84 = tpu.memref_slice %arg4[%add3A, %dma_start3A_72, %dma_start3A_83] : memref<32x160x64xi32, #tpu.memory_space<hbm>> -> memref<1x1x64xi32, #tpu.memory_space<hbm>>
    %dma_start3A_85 = tpu.memref_squeeze %dma_start3A_84 : memref<1x1x64xi32, #tpu.memory_space<hbm>> -> memref<64xi32, #tpu.memory_space<hbm>>
    tpu.enqueue_dma source(%dma_start3A_85 : memref<64xi32, #tpu.memory_space<hbm>>) target(%dma_start3A_82 : memref<64xi32, #tpu.memory_space<vmem>>) target_semaphore(%arg32 : memref<!tpu.dma_semaphore, #tpu.memory_space<semaphore_mem>>)
    %dma_start3A_86 = arith.constant 3 : i32
    %dma_start3A_87 = arith.constant 3 : i32
    %dma_start3A_88 = arith.constant 0 : i32
    %dma_start3A_89 = tpu.memref_slice %arg7[%dma_start3A_87, %dma_start3A_88] : memref<5x64xi32, #tpu.memory_space<vmem>> -> memref<1x64xi32, #tpu.memory_space<vmem>>
    %dma_start3A_90 = tpu.memref_squeeze %dma_start3A_89 : memref<1x64xi32, #tpu.memory_space<vmem>> -> memref<64xi32, #tpu.memory_space<vmem>>
    %dma_start3A_91 = arith.constant 0 : i32
    %dma_start3A_92 = tpu.memref_slice %arg3[%add3A, %dma_start3A_86, %dma_start3A_91] : memref<32x160x64xi32, #tpu.memory_space<hbm>> -> memref<1x1x64xi32, #tpu.memory_space<hbm>>
    %dma_start3A_93 = tpu.memref_squeeze %dma_start3A_92 : memref<1x1x64xi32, #tpu.memory_space<hbm>> -> memref<64xi32, #tpu.memory_space<hbm>>
    %dma_start3A_94 = arith.constant 0 : i32
    %dma_start3A_95 = tpu.memref_slice %arg7[%dma_start3A_87, %dma_start3A_94] : memref<5x64xi32, #tpu.memory_space<vmem>> -> memref<1x64xi32, #tpu.memory_space<vmem>>
    %dma_start3A_96 = tpu.memref_squeeze %dma_start3A_95 : memref<1x64xi32, #tpu.memory_space<vmem>> -> memref<64xi32, #tpu.memory_space<vmem>>
    %dma_start3A_97 = arith.constant 0 : i32
    %dma_start3A_98 = tpu.memref_slice %arg3[%add3A, %dma_start3A_86, %dma_start3A_97] : memref<32x160x64xi32, #tpu.memory_space<hbm>> -> memref<1x1x64xi32, #tpu.memory_space<hbm>>
    %dma_start3A_99 = tpu.memref_squeeze %dma_start3A_98 : memref<1x1x64xi32, #tpu.memory_space<hbm>> -> memref<64xi32, #tpu.memory_space<hbm>>
    tpu.enqueue_dma source(%dma_start3A_99 : memref<64xi32, #tpu.memory_space<hbm>>) target(%dma_start3A_96 : memref<64xi32, #tpu.memory_space<vmem>>) target_semaphore(%arg28 : memref<!tpu.dma_semaphore, #tpu.memory_space<semaphore_mem>>)
    %dma_start3A_100 = arith.constant 3 : i32
    %dma_start3A_101 = arith.constant 3 : i32
    %dma_start3A_102 = arith.constant 0 : i32
    %dma_start3A_103 = tpu.memref_slice %arg8[%dma_start3A_101, %dma_start3A_102] : memref<5x64xi32, #tpu.memory_space<vmem>> -> memref<1x64xi32, #tpu.memory_space<vmem>>
    %dma_start3A_104 = tpu.memref_squeeze %dma_start3A_103 : memref<1x64xi32, #tpu.memory_space<vmem>> -> memref<64xi32, #tpu.memory_space<vmem>>
    %dma_start3A_105 = arith.constant 0 : i32
    %dma_start3A_106 = tpu.memref_slice %arg4[%add3A, %dma_start3A_100, %dma_start3A_105] : memref<32x160x64xi32, #tpu.memory_space<hbm>> -> memref<1x1x64xi32, #tpu.memory_space<hbm>>
    %dma_start3A_107 = tpu.memref_squeeze %dma_start3A_106 : memref<1x1x64xi32, #tpu.memory_space<hbm>> -> memref<64xi32, #tpu.memory_space<hbm>>
    %dma_start3A_108 = arith.constant 0 : i32
    %dma_start3A_109 = tpu.memref_slice %arg8[%dma_start3A_101, %dma_start3A_108] : memref<5x64xi32, #tpu.memory_space<vmem>> -> memref<1x64xi32, #tpu.memory_space<vmem>>
    %dma_start3A_110 = tpu.memref_squeeze %dma_start3A_109 : memref<1x64xi32, #tpu.memory_space<vmem>> -> memref<64xi32, #tpu.memory_space<vmem>>
    %dma_start3A_111 = arith.constant 0 : i32
    %dma_start3A_112 = tpu.memref_slice %arg4[%add3A, %dma_start3A_100, %dma_start3A_111] : memref<32x160x64xi32, #tpu.memory_space<hbm>> -> memref<1x1x64xi32, #tpu.memory_space<hbm>>
    %dma_start3A_113 = tpu.memref_squeeze %dma_start3A_112 : memref<1x1x64xi32, #tpu.memory_space<hbm>> -> memref<64xi32, #tpu.memory_space<hbm>>
    tpu.enqueue_dma source(%dma_start3A_113 : memref<64xi32, #tpu.memory_space<hbm>>) target(%dma_start3A_110 : memref<64xi32, #tpu.memory_space<vmem>>) target_semaphore(%arg33 : memref<!tpu.dma_semaphore, #tpu.memory_space<semaphore_mem>>)
    %dma_start3A_114 = arith.constant 4 : i32
    %dma_start3A_115 = arith.constant 4 : i32
    %dma_start3A_116 = arith.constant 0 : i32
    %dma_start3A_117 = tpu.memref_slice %arg7[%dma_start3A_115, %dma_start3A_116] : memref<5x64xi32, #tpu.memory_space<vmem>> -> memref<1x64xi32, #tpu.memory_space<vmem>>
    %dma_start3A_118 = tpu.memref_squeeze %dma_start3A_117 : memref<1x64xi32, #tpu.memory_space<vmem>> -> memref<64xi32, #tpu.memory_space<vmem>>
    %dma_start3A_119 = arith.constant 0 : i32
    %dma_start3A_120 = tpu.memref_slice %arg3[%add3A, %dma_start3A_114, %dma_start3A_119] : memref<32x160x64xi32, #tpu.memory_space<hbm>> -> memref<1x1x64xi32, #tpu.memory_space<hbm>>
    %dma_start3A_121 = tpu.memref_squeeze %dma_start3A_120 : memref<1x1x64xi32, #tpu.memory_space<hbm>> -> memref<64xi32, #tpu.memory_space<hbm>>
    %dma_start3A_122 = arith.constant 0 : i32
    %dma_start3A_123 = tpu.memref_slice %arg7[%dma_start3A_115, %dma_start3A_122] : memref<5x64xi32, #tpu.memory_space<vmem>> -> memref<1x64xi32, #tpu.memory_space<vmem>>
    %dma_start3A_124 = tpu.memref_squeeze %dma_start3A_123 : memref<1x64xi32, #tpu.memory_space<vmem>> -> memref<64xi32, #tpu.memory_space<vmem>>
    %dma_start3A_125 = arith.constant 0 : i32
    %dma_start3A_126 = tpu.memref_slice %arg3[%add3A, %dma_start3A_114, %dma_start3A_125] : memref<32x160x64xi32, #tpu.memory_space<hbm>> -> memref<1x1x64xi32, #tpu.memory_space<hbm>>
    %dma_start3A_127 = tpu.memref_squeeze %dma_start3A_126 : memref<1x1x64xi32, #tpu.memory_space<hbm>> -> memref<64xi32, #tpu.memory_space<hbm>>
    tpu.enqueue_dma source(%dma_start3A_127 : memref<64xi32, #tpu.memory_space<hbm>>) target(%dma_start3A_124 : memref<64xi32, #tpu.memory_space<vmem>>) target_semaphore(%arg29 : memref<!tpu.dma_semaphore, #tpu.memory_space<semaphore_mem>>)
    %dma_start3A_128 = arith.constant 4 : i32
    %dma_start3A_129 = arith.constant 4 : i32
    %dma_start3A_130 = arith.constant 0 : i32
    %dma_start3A_131 = tpu.memref_slice %arg8[%dma_start3A_129, %dma_start3A_130] : memref<5x64xi32, #tpu.memory_space<vmem>> -> memref<1x64xi32, #tpu.memory_space<vmem>>
    %dma_start3A_132 = tpu.memref_squeeze %dma_start3A_131 : memref<1x64xi32, #tpu.memory_space<vmem>> -> memref<64xi32, #tpu.memory_space<vmem>>
    %dma_start3A_133 = arith.constant 0 : i32
    %dma_start3A_134 = tpu.memref_slice %arg4[%add3A, %dma_start3A_128, %dma_start3A_133] : memref<32x160x64xi32, #tpu.memory_space<hbm>> -> memref<1x1x64xi32, #tpu.memory_space<hbm>>
    %dma_start3A_135 = tpu.memref_squeeze %dma_start3A_134 : memref<1x1x64xi32, #tpu.memory_space<hbm>> -> memref<64xi32, #tpu.memory_space<hbm>>
    %dma_start3A_136 = arith.constant 0 : i32
    %dma_start3A_137 = tpu.memref_slice %arg8[%dma_start3A_129, %dma_start3A_136] : memref<5x64xi32, #tpu.memory_space<vmem>> -> memref<1x64xi32, #tpu.memory_space<vmem>>
    %dma_start3A_138 = tpu.memref_squeeze %dma_start3A_137 : memref<1x64xi32, #tpu.memory_space<vmem>> -> memref<64xi32, #tpu.memory_space<vmem>>
    %dma_start3A_139 = arith.constant 0 : i32
    %dma_start3A_140 = tpu.memref_slice %arg4[%add3A, %dma_start3A_128, %dma_start3A_139] : memref<32x160x64xi32, #tpu.memory_space<hbm>> -> memref<1x1x64xi32, #tpu.memory_space<hbm>>
    %dma_start3A_141 = tpu.memref_squeeze %dma_start3A_140 : memref<1x1x64xi32, #tpu.memory_space<hbm>> -> memref<64xi32, #tpu.memory_space<hbm>>
    tpu.enqueue_dma source(%dma_start3A_141 : memref<64xi32, #tpu.memory_space<hbm>>) target(%dma_start3A_138 : memref<64xi32, #tpu.memory_space<vmem>>) target_semaphore(%arg34 : memref<!tpu.dma_semaphore, #tpu.memory_space<semaphore_mem>>)
    %dma_wait3A = arith.constant 0 : i32
    %dma_wait3A_142 = arith.constant 0 : i32
    %dma_wait3A_143 = arith.constant 0 : i32
    %dma_wait3A_144 = tpu.memref_slice %arg7[%dma_wait3A_142, %dma_wait3A_143] : memref<5x64xi32, #tpu.memory_space<vmem>> -> memref<1x64xi32, #tpu.memory_space<vmem>>
    %dma_wait3A_145 = tpu.memref_squeeze %dma_wait3A_144 : memref<1x64xi32, #tpu.memory_space<vmem>> -> memref<64xi32, #tpu.memory_space<vmem>>
    %dma_wait3A_146 = arith.constant 0 : i32
    %dma_wait3A_147 = tpu.memref_slice %arg3[%add3A, %dma_wait3A, %dma_wait3A_146] : memref<32x160x64xi32, #tpu.memory_space<hbm>> -> memref<1x1x64xi32, #tpu.memory_space<hbm>>
    %dma_wait3A_148 = tpu.memref_squeeze %dma_wait3A_147 : memref<1x1x64xi32, #tpu.memory_space<hbm>> -> memref<64xi32, #tpu.memory_space<hbm>>
    %dma_wait3A_149 = arith.constant 0 : i32
    %dma_wait3A_150 = tpu.memref_slice %arg7[%dma_wait3A_142, %dma_wait3A_149] : memref<5x64xi32, #tpu.memory_space<vmem>> -> memref<1x64xi32, #tpu.memory_space<vmem>>
    %dma_wait3A_151 = tpu.memref_squeeze %dma_wait3A_150 : memref<1x64xi32, #tpu.memory_space<vmem>> -> memref<64xi32, #tpu.memory_space<vmem>>
    %dma_wait3A_152 = arith.constant 0 : i32
    %dma_wait3A_153 = tpu.memref_slice %arg3[%add3A, %dma_wait3A, %dma_wait3A_152] : memref<32x160x64xi32, #tpu.memory_space<hbm>> -> memref<1x1x64xi32, #tpu.memory_space<hbm>>
    %dma_wait3A_154 = tpu.memref_squeeze %dma_wait3A_153 : memref<1x1x64xi32, #tpu.memory_space<hbm>> -> memref<64xi32, #tpu.memory_space<hbm>>
    tpu.wait_dma2 semaphore(%arg25 : memref<!tpu.dma_semaphore, #tpu.memory_space<semaphore_mem>>) src(%dma_wait3A_154 : memref<64xi32, #tpu.memory_space<hbm>>) dst(%dma_wait3A_151 : memref<64xi32, #tpu.memory_space<vmem>>)
    %dma_start3A_155 = arith.constant 0 : i32
    %dma_start3A_156 = arith.constant 0 : i32
    %dma_start3A_157 = tpu.memref_slice %arg7[%dma_start3A_155, %dma_start3A_156] : memref<5x64xi32, #tpu.memory_space<vmem>> -> memref<1x64xi32, #tpu.memory_space<vmem>>
    %dma_start3A_158 = tpu.memref_squeeze %dma_start3A_157 : memref<1x64xi32, #tpu.memory_space<vmem>> -> memref<64xi32, #tpu.memory_space<vmem>>
    %dma_start3A_159 = arith.constant 0 : i32
    %dma_start3A_160 = arith.constant 0 : i32
    %dma_start3A_161 = tpu.memref_slice %arg2[%dma_start3A_159, %dma_start3A_160] : memref<10240x128xf32, #tpu.memory_space<hbm>> -> memref<10240x128xf32, #tpu.memory_space<hbm>>
    tpu.enqueue_indirect_dma source(%dma_start3A_161 : memref<10240x128xf32, #tpu.memory_space<hbm>>) target(%arg9 : memref<64x128xf32, #tpu.memory_space<vmem>>) offsets(%dma_start3A_158 : memref<64xi32, #tpu.memory_space<vmem>>) semaphore(%arg15 : memref<!tpu.dma_semaphore, #tpu.memory_space<semaphore_mem>>)
    %dma_wait3A_162 = arith.constant 1 : i32
    %dma_wait3A_163 = arith.constant 1 : i32
    %dma_wait3A_164 = arith.constant 0 : i32
    %dma_wait3A_165 = tpu.memref_slice %arg7[%dma_wait3A_163, %dma_wait3A_164] : memref<5x64xi32, #tpu.memory_space<vmem>> -> memref<1x64xi32, #tpu.memory_space<vmem>>
    %dma_wait3A_166 = tpu.memref_squeeze %dma_wait3A_165 : memref<1x64xi32, #tpu.memory_space<vmem>> -> memref<64xi32, #tpu.memory_space<vmem>>
    %dma_wait3A_167 = arith.constant 0 : i32
    %dma_wait3A_168 = tpu.memref_slice %arg3[%add3A, %dma_wait3A_162, %dma_wait3A_167] : memref<32x160x64xi32, #tpu.memory_space<hbm>> -> memref<1x1x64xi32, #tpu.memory_space<hbm>>
    %dma_wait3A_169 = tpu.memref_squeeze %dma_wait3A_168 : memref<1x1x64xi32, #tpu.memory_space<hbm>> -> memref<64xi32, #tpu.memory_space<hbm>>
    %dma_wait3A_170 = arith.constant 0 : i32
    %dma_wait3A_171 = tpu.memref_slice %arg7[%dma_wait3A_163, %dma_wait3A_170] : memref<5x64xi32, #tpu.memory_space<vmem>> -> memref<1x64xi32, #tpu.memory_space<vmem>>
    %dma_wait3A_172 = tpu.memref_squeeze %dma_wait3A_171 : memref<1x64xi32, #tpu.memory_space<vmem>> -> memref<64xi32, #tpu.memory_space<vmem>>
    %dma_wait3A_173 = arith.constant 0 : i32
    %dma_wait3A_174 = tpu.memref_slice %arg3[%add3A, %dma_wait3A_162, %dma_wait3A_173] : memref<32x160x64xi32, #tpu.memory_space<hbm>> -> memref<1x1x64xi32, #tpu.memory_space<hbm>>
    %dma_wait3A_175 = tpu.memref_squeeze %dma_wait3A_174 : memref<1x1x64xi32, #tpu.memory_space<hbm>> -> memref<64xi32, #tpu.memory_space<hbm>>
    tpu.wait_dma2 semaphore(%arg26 : memref<!tpu.dma_semaphore, #tpu.memory_space<semaphore_mem>>) src(%dma_wait3A_175 : memref<64xi32, #tpu.memory_space<hbm>>) dst(%dma_wait3A_172 : memref<64xi32, #tpu.memory_space<vmem>>)
    %dma_start3A_176 = arith.constant 1 : i32
    %dma_start3A_177 = arith.constant 0 : i32
    %dma_start3A_178 = tpu.memref_slice %arg7[%dma_start3A_176, %dma_start3A_177] : memref<5x64xi32, #tpu.memory_space<vmem>> -> memref<1x64xi32, #tpu.memory_space<vmem>>
    %dma_start3A_179 = tpu.memref_squeeze %dma_start3A_178 : memref<1x64xi32, #tpu.memory_space<vmem>> -> memref<64xi32, #tpu.memory_space<vmem>>
    %dma_start3A_180 = arith.constant 0 : i32
    %dma_start3A_181 = arith.constant 0 : i32
    %dma_start3A_182 = tpu.memref_slice %arg2[%dma_start3A_180, %dma_start3A_181] : memref<10240x128xf32, #tpu.memory_space<hbm>> -> memref<10240x128xf32, #tpu.memory_space<hbm>>
    tpu.enqueue_indirect_dma source(%dma_start3A_182 : memref<10240x128xf32, #tpu.memory_space<hbm>>) target(%arg10 : memref<64x128xf32, #tpu.memory_space<vmem>>) offsets(%dma_start3A_179 : memref<64xi32, #tpu.memory_space<vmem>>) semaphore(%arg16 : memref<!tpu.dma_semaphore, #tpu.memory_space<semaphore_mem>>)
    %dma_wait3A_183 = arith.constant 2 : i32
    %dma_wait3A_184 = arith.constant 2 : i32
    %dma_wait3A_185 = arith.constant 0 : i32
    %dma_wait3A_186 = tpu.memref_slice %arg7[%dma_wait3A_184, %dma_wait3A_185] : memref<5x64xi32, #tpu.memory_space<vmem>> -> memref<1x64xi32, #tpu.memory_space<vmem>>
    %dma_wait3A_187 = tpu.memref_squeeze %dma_wait3A_186 : memref<1x64xi32, #tpu.memory_space<vmem>> -> memref<64xi32, #tpu.memory_space<vmem>>
    %dma_wait3A_188 = arith.constant 0 : i32
    %dma_wait3A_189 = tpu.memref_slice %arg3[%add3A, %dma_wait3A_183, %dma_wait3A_188] : memref<32x160x64xi32, #tpu.memory_space<hbm>> -> memref<1x1x64xi32, #tpu.memory_space<hbm>>
    %dma_wait3A_190 = tpu.memref_squeeze %dma_wait3A_189 : memref<1x1x64xi32, #tpu.memory_space<hbm>> -> memref<64xi32, #tpu.memory_space<hbm>>
    %dma_wait3A_191 = arith.constant 0 : i32
    %dma_wait3A_192 = tpu.memref_slice %arg7[%dma_wait3A_184, %dma_wait3A_191] : memref<5x64xi32, #tpu.memory_space<vmem>> -> memref<1x64xi32, #tpu.memory_space<vmem>>
    %dma_wait3A_193 = tpu.memref_squeeze %dma_wait3A_192 : memref<1x64xi32, #tpu.memory_space<vmem>> -> memref<64xi32, #tpu.memory_space<vmem>>
    %dma_wait3A_194 = arith.constant 0 : i32
    %dma_wait3A_195 = tpu.memref_slice %arg3[%add3A, %dma_wait3A_183, %dma_wait3A_194] : memref<32x160x64xi32, #tpu.memory_space<hbm>> -> memref<1x1x64xi32, #tpu.memory_space<hbm>>
    %dma_wait3A_196 = tpu.memref_squeeze %dma_wait3A_195 : memref<1x1x64xi32, #tpu.memory_space<hbm>> -> memref<64xi32, #tpu.memory_space<hbm>>
    tpu.wait_dma2 semaphore(%arg27 : memref<!tpu.dma_semaphore, #tpu.memory_space<semaphore_mem>>) src(%dma_wait3A_196 : memref<64xi32, #tpu.memory_space<hbm>>) dst(%dma_wait3A_193 : memref<64xi32, #tpu.memory_space<vmem>>)
    %dma_start3A_197 = arith.constant 2 : i32
    %dma_start3A_198 = arith.constant 0 : i32
    %dma_start3A_199 = tpu.memref_slice %arg7[%dma_start3A_197, %dma_start3A_198] : memref<5x64xi32, #tpu.memory_space<vmem>> -> memref<1x64xi32, #tpu.memory_space<vmem>>
    %dma_start3A_200 = tpu.memref_squeeze %dma_start3A_199 : memref<1x64xi32, #tpu.memory_space<vmem>> -> memref<64xi32, #tpu.memory_space<vmem>>
    %dma_start3A_201 = arith.constant 0 : i32
    %dma_start3A_202 = arith.constant 0 : i32
    %dma_start3A_203 = tpu.memref_slice %arg2[%dma_start3A_201, %dma_start3A_202] : memref<10240x128xf32, #tpu.memory_space<hbm>> -> memref<10240x128xf32, #tpu.memory_space<hbm>>
    tpu.enqueue_indirect_dma source(%dma_start3A_203 : memref<10240x128xf32, #tpu.memory_space<hbm>>) target(%arg11 : memref<64x128xf32, #tpu.memory_space<vmem>>) offsets(%dma_start3A_200 : memref<64xi32, #tpu.memory_space<vmem>>) semaphore(%arg17 : memref<!tpu.dma_semaphore, #tpu.memory_space<semaphore_mem>>)
    %dma_wait3A_204 = arith.constant 3 : i32
    %dma_wait3A_205 = arith.constant 3 : i32
    %dma_wait3A_206 = arith.constant 0 : i32
    %dma_wait3A_207 = tpu.memref_slice %arg7[%dma_wait3A_205, %dma_wait3A_206] : memref<5x64xi32, #tpu.memory_space<vmem>> -> memref<1x64xi32, #tpu.memory_space<vmem>>
    %dma_wait3A_208 = tpu.memref_squeeze %dma_wait3A_207 : memref<1x64xi32, #tpu.memory_space<vmem>> -> memref<64xi32, #tpu.memory_space<vmem>>
    %dma_wait3A_209 = arith.constant 0 : i32
    %dma_wait3A_210 = tpu.memref_slice %arg3[%add3A, %dma_wait3A_204, %dma_wait3A_209] : memref<32x160x64xi32, #tpu.memory_space<hbm>> -> memref<1x1x64xi32, #tpu.memory_space<hbm>>
    %dma_wait3A_211 = tpu.memref_squeeze %dma_wait3A_210 : memref<1x1x64xi32, #tpu.memory_space<hbm>> -> memref<64xi32, #tpu.memory_space<hbm>>
    %dma_wait3A_212 = arith.constant 0 : i32
    %dma_wait3A_213 = tpu.memref_slice %arg7[%dma_wait3A_205, %dma_wait3A_212] : memref<5x64xi32, #tpu.memory_space<vmem>> -> memref<1x64xi32, #tpu.memory_space<vmem>>
    %dma_wait3A_214 = tpu.memref_squeeze %dma_wait3A_213 : memref<1x64xi32, #tpu.memory_space<vmem>> -> memref<64xi32, #tpu.memory_space<vmem>>
    %dma_wait3A_215 = arith.constant 0 : i32
    %dma_wait3A_216 = tpu.memref_slice %arg3[%add3A, %dma_wait3A_204, %dma_wait3A_215] : memref<32x160x64xi32, #tpu.memory_space<hbm>> -> memref<1x1x64xi32, #tpu.memory_space<hbm>>
    %dma_wait3A_217 = tpu.memref_squeeze %dma_wait3A_216 : memref<1x1x64xi32, #tpu.memory_space<hbm>> -> memref<64xi32, #tpu.memory_space<hbm>>
    tpu.wait_dma2 semaphore(%arg28 : memref<!tpu.dma_semaphore, #tpu.memory_space<semaphore_mem>>) src(%dma_wait3A_217 : memref<64xi32, #tpu.memory_space<hbm>>) dst(%dma_wait3A_214 : memref<64xi32, #tpu.memory_space<vmem>>)
    %dma_start3A_218 = arith.constant 3 : i32
    %dma_start3A_219 = arith.constant 0 : i32
    %dma_start3A_220 = tpu.memref_slice %arg7[%dma_start3A_218, %dma_start3A_219] : memref<5x64xi32, #tpu.memory_space<vmem>> -> memref<1x64xi32, #tpu.memory_space<vmem>>
    %dma_start3A_221 = tpu.memref_squeeze %dma_start3A_220 : memref<1x64xi32, #tpu.memory_space<vmem>> -> memref<64xi32, #tpu.memory_space<vmem>>
    %dma_start3A_222 = arith.constant 0 : i32
    %dma_start3A_223 = arith.constant 0 : i32
    %dma_start3A_224 = tpu.memref_slice %arg2[%dma_start3A_222, %dma_start3A_223] : memref<10240x128xf32, #tpu.memory_space<hbm>> -> memref<10240x128xf32, #tpu.memory_space<hbm>>
    tpu.enqueue_indirect_dma source(%dma_start3A_224 : memref<10240x128xf32, #tpu.memory_space<hbm>>) target(%arg12 : memref<64x128xf32, #tpu.memory_space<vmem>>) offsets(%dma_start3A_221 : memref<64xi32, #tpu.memory_space<vmem>>) semaphore(%arg18 : memref<!tpu.dma_semaphore, #tpu.memory_space<semaphore_mem>>)
    %dma_wait3A_225 = arith.constant 4 : i32
    %dma_wait3A_226 = arith.constant 4 : i32
    %dma_wait3A_227 = arith.constant 0 : i32
    %dma_wait3A_228 = tpu.memref_slice %arg7[%dma_wait3A_226, %dma_wait3A_227] : memref<5x64xi32, #tpu.memory_space<vmem>> -> memref<1x64xi32, #tpu.memory_space<vmem>>
    %dma_wait3A_229 = tpu.memref_squeeze %dma_wait3A_228 : memref<1x64xi32, #tpu.memory_space<vmem>> -> memref<64xi32, #tpu.memory_space<vmem>>
    %dma_wait3A_230 = arith.constant 0 : i32
    %dma_wait3A_231 = tpu.memref_slice %arg3[%add3A, %dma_wait3A_225, %dma_wait3A_230] : memref<32x160x64xi32, #tpu.memory_space<hbm>> -> memref<1x1x64xi32, #tpu.memory_space<hbm>>
    %dma_wait3A_232 = tpu.memref_squeeze %dma_wait3A_231 : memref<1x1x64xi32, #tpu.memory_space<hbm>> -> memref<64xi32, #tpu.memory_space<hbm>>
    %dma_wait3A_233 = arith.constant 0 : i32
    %dma_wait3A_234 = tpu.memref_slice %arg7[%dma_wait3A_226, %dma_wait3A_233] : memref<5x64xi32, #tpu.memory_space<vmem>> -> memref<1x64xi32, #tpu.memory_space<vmem>>
    %dma_wait3A_235 = tpu.memref_squeeze %dma_wait3A_234 : memref<1x64xi32, #tpu.memory_space<vmem>> -> memref<64xi32, #tpu.memory_space<vmem>>
    %dma_wait3A_236 = arith.constant 0 : i32
    %dma_wait3A_237 = tpu.memref_slice %arg3[%add3A, %dma_wait3A_225, %dma_wait3A_236] : memref<32x160x64xi32, #tpu.memory_space<hbm>> -> memref<1x1x64xi32, #tpu.memory_space<hbm>>
    %dma_wait3A_238 = tpu.memref_squeeze %dma_wait3A_237 : memref<1x1x64xi32, #tpu.memory_space<hbm>> -> memref<64xi32, #tpu.memory_space<hbm>>
    tpu.wait_dma2 semaphore(%arg29 : memref<!tpu.dma_semaphore, #tpu.memory_space<semaphore_mem>>) src(%dma_wait3A_238 : memref<64xi32, #tpu.memory_space<hbm>>) dst(%dma_wait3A_235 : memref<64xi32, #tpu.memory_space<vmem>>)
    %dma_start3A_239 = arith.constant 4 : i32
    %dma_start3A_240 = arith.constant 0 : i32
    %dma_start3A_241 = tpu.memref_slice %arg7[%dma_start3A_239, %dma_start3A_240] : memref<5x64xi32, #tpu.memory_space<vmem>> -> memref<1x64xi32, #tpu.memory_space<vmem>>
    %dma_start3A_242 = tpu.memref_squeeze %dma_start3A_241 : memref<1x64xi32, #tpu.memory_space<vmem>> -> memref<64xi32, #tpu.memory_space<vmem>>
    %dma_start3A_243 = arith.constant 0 : i32
    %dma_start3A_244 = arith.constant 0 : i32
    %dma_start3A_245 = tpu.memref_slice %arg2[%dma_start3A_243, %dma_start3A_244] : memref<10240x128xf32, #tpu.memory_space<hbm>> -> memref<10240x128xf32, #tpu.memory_space<hbm>>
    tpu.enqueue_indirect_dma source(%dma_start3A_245 : memref<10240x128xf32, #tpu.memory_space<hbm>>) target(%arg13 : memref<64x128xf32, #tpu.memory_space<vmem>>) offsets(%dma_start3A_242 : memref<64xi32, #tpu.memory_space<vmem>>) semaphore(%arg19 : memref<!tpu.dma_semaphore, #tpu.memory_space<semaphore_mem>>)
    %scan3A = arith.constant 0 : i32
    %scan3A_246 = arith.constant 32 : i32
    %scan3A_247 = arith.addi %scan3A, %scan3A_246 : i32
    %scan3A_248 = arith.constant 1 : i32
    scf.for %scan3A_251 = %scan3A to %scan3A_247 step %scan3A_248  : i32 {
      %mul3A_252 = arith.constant 5 : i32
      %mul3A_253 = arith.muli %scan3A_251, %mul3A_252 : i32
      %add3A_254 = arith.constant 0 : i32
      %add3A_255 = arith.addi %add3A_254, %mul3A_253 : i32
      %add3A_256 = arith.constant 0 : i32
      %add3A_257 = arith.addi %add3A_255, %add3A_256 : i32
      %dma_wait3A_258 = arith.constant 0 : i32
      %dma_wait3A_259 = arith.constant 0 : i32
      %dma_wait3A_260 = arith.constant 0 : i32
      %dma_wait3A_261 = tpu.memref_slice %arg8[%dma_wait3A_259, %dma_wait3A_260] : memref<5x64xi32, #tpu.memory_space<vmem>> -> memref<1x64xi32, #tpu.memory_space<vmem>>
      %dma_wait3A_262 = tpu.memref_squeeze %dma_wait3A_261 : memref<1x64xi32, #tpu.memory_space<vmem>> -> memref<64xi32, #tpu.memory_space<vmem>>
      %dma_wait3A_263 = arith.constant 0 : i32
      %dma_wait3A_264 = tpu.memref_slice %arg4[%add3A, %dma_wait3A_258, %dma_wait3A_263] : memref<32x160x64xi32, #tpu.memory_space<hbm>> -> memref<1x1x64xi32, #tpu.memory_space<hbm>>
      %dma_wait3A_265 = tpu.memref_squeeze %dma_wait3A_264 : memref<1x1x64xi32, #tpu.memory_space<hbm>> -> memref<64xi32, #tpu.memory_space<hbm>>
      %dma_wait3A_266 = arith.constant 0 : i32
      %dma_wait3A_267 = tpu.memref_slice %arg8[%dma_wait3A_259, %dma_wait3A_266] : memref<5x64xi32, #tpu.memory_space<vmem>> -> memref<1x64xi32, #tpu.memory_space<vmem>>
      %dma_wait3A_268 = tpu.memref_squeeze %dma_wait3A_267 : memref<1x64xi32, #tpu.memory_space<vmem>> -> memref<64xi32, #tpu.memory_space<vmem>>
      %dma_wait3A_269 = arith.constant 0 : i32
      %dma_wait3A_270 = tpu.memref_slice %arg4[%add3A, %dma_wait3A_258, %dma_wait3A_269] : memref<32x160x64xi32, #tpu.memory_space<hbm>> -> memref<1x1x64xi32, #tpu.memory_space<hbm>>
      %dma_wait3A_271 = tpu.memref_squeeze %dma_wait3A_270 : memref<1x1x64xi32, #tpu.memory_space<hbm>> -> memref<64xi32, #tpu.memory_space<hbm>>
      tpu.wait_dma2 semaphore(%arg30 : memref<!tpu.dma_semaphore, #tpu.memory_space<semaphore_mem>>) src(%dma_wait3A_271 : memref<64xi32, #tpu.memory_space<hbm>>) dst(%dma_wait3A_268 : memref<64xi32, #tpu.memory_space<vmem>>)
      %dma_wait3A_272 = arith.constant 0 : i32
      %dma_wait3A_273 = arith.constant 0 : i32
      %dma_wait3A_274 = tpu.memref_slice %arg7[%dma_wait3A_272, %dma_wait3A_273] : memref<5x64xi32, #tpu.memory_space<vmem>> -> memref<1x64xi32, #tpu.memory_space<vmem>>
      %dma_wait3A_275 = tpu.memref_squeeze %dma_wait3A_274 : memref<1x64xi32, #tpu.memory_space<vmem>> -> memref<64xi32, #tpu.memory_space<vmem>>
      %dma_wait3A_276 = arith.constant 0 : i32
      %dma_wait3A_277 = arith.constant 0 : i32
      %dma_wait3A_278 = tpu.memref_slice %arg2[%dma_wait3A_276, %dma_wait3A_277] : memref<10240x128xf32, #tpu.memory_space<hbm>> -> memref<10240x128xf32, #tpu.memory_space<hbm>>
      tpu.wait_indirect_dma semaphore(%arg15 : memref<!tpu.dma_semaphore, #tpu.memory_space<semaphore_mem>>) src(%dma_wait3A_278 : memref<10240x128xf32, #tpu.memory_space<hbm>>) dst(%arg9 : memref<64x128xf32, #tpu.memory_space<vmem>>)
      %dma_start3A_279 = arith.constant 0 : i32
      %dma_start3A_280 = arith.constant 0 : i32
      %dma_start3A_281 = tpu.memref_slice %arg8[%dma_start3A_279, %dma_start3A_280] : memref<5x64xi32, #tpu.memory_space<vmem>> -> memref<1x64xi32, #tpu.memory_space<vmem>>
      %dma_start3A_282 = tpu.memref_squeeze %dma_start3A_281 : memref<1x64xi32, #tpu.memory_space<vmem>> -> memref<64xi32, #tpu.memory_space<vmem>>
      %dma_start3A_283 = arith.constant 0 : i32
      %dma_start3A_284 = arith.constant 0 : i32
      %dma_start3A_285 = tpu.memref_slice %arg14[%dma_start3A_283, %dma_start3A_284] : memref<10240x128xf32, #tpu.memory_space<vmem_shared>> -> memref<10240x128xf32, #tpu.memory_space<vmem_shared>>
      tpu.enqueue_indirect_dma source(%arg9 : memref<64x128xf32, #tpu.memory_space<vmem>>) target(%dma_start3A_285 : memref<10240x128xf32, #tpu.memory_space<vmem_shared>>) offsets(%dma_start3A_282 : memref<64xi32, #tpu.memory_space<vmem>>) semaphore(%arg20 : memref<!tpu.dma_semaphore, #tpu.memory_space<semaphore_mem>>) {add = true}
      %add3A_286 = arith.constant 5 : i32
      %add3A_287 = arith.addi %add3A_257, %add3A_286 : i32
      %lt3A = arith.constant 160 : i32
      %lt3A_288 = arith.cmpi slt, %add3A_287, %lt3A : i32
      %convert_element_type3A = arith.extui %lt3A_288 : i1 to i32
      %cond3A = arith.constant 0 : i32
      %cond3A_289 = arith.cmpi ne, %convert_element_type3A, %cond3A : i32
      scf.if %cond3A_289 {
        %add3A_518 = arith.constant 5 : i32
        %add3A_519 = arith.addi %add3A_257, %add3A_518 : i32
        %dma_start3A_520 = arith.constant 0 : i32
        %dma_start3A_521 = arith.constant 0 : i32
        %dma_start3A_522 = tpu.memref_slice %arg7[%dma_start3A_520, %dma_start3A_521] : memref<5x64xi32, #tpu.memory_space<vmem>> -> memref<1x64xi32, #tpu.memory_space<vmem>>
        %dma_start3A_523 = tpu.memref_squeeze %dma_start3A_522 : memref<1x64xi32, #tpu.memory_space<vmem>> -> memref<64xi32, #tpu.memory_space<vmem>>
        %dma_start3A_524 = arith.constant 0 : i32
        %dma_start3A_525 = tpu.memref_slice %arg3[%add3A, %add3A_519, %dma_start3A_524] : memref<32x160x64xi32, #tpu.memory_space<hbm>> -> memref<1x1x64xi32, #tpu.memory_space<hbm>>
        %dma_start3A_526 = tpu.memref_squeeze %dma_start3A_525 : memref<1x1x64xi32, #tpu.memory_space<hbm>> -> memref<64xi32, #tpu.memory_space<hbm>>
        %dma_start3A_527 = arith.constant 0 : i32
        %dma_start3A_528 = tpu.memref_slice %arg7[%dma_start3A_520, %dma_start3A_527] : memref<5x64xi32, #tpu.memory_space<vmem>> -> memref<1x64xi32, #tpu.memory_space<vmem>>
        %dma_start3A_529 = tpu.memref_squeeze %dma_start3A_528 : memref<1x64xi32, #tpu.memory_space<vmem>> -> memref<64xi32, #tpu.memory_space<vmem>>
        %dma_start3A_530 = arith.constant 0 : i32
        %dma_start3A_531 = tpu.memref_slice %arg3[%add3A, %add3A_519, %dma_start3A_530] : memref<32x160x64xi32, #tpu.memory_space<hbm>> -> memref<1x1x64xi32, #tpu.memory_space<hbm>>
        %dma_start3A_532 = tpu.memref_squeeze %dma_start3A_531 : memref<1x1x64xi32, #tpu.memory_space<hbm>> -> memref<64xi32, #tpu.memory_space<hbm>>
        tpu.enqueue_dma source(%dma_start3A_532 : memref<64xi32, #tpu.memory_space<hbm>>) target(%dma_start3A_529 : memref<64xi32, #tpu.memory_space<vmem>>) target_semaphore(%arg25 : memref<!tpu.dma_semaphore, #tpu.memory_space<semaphore_mem>>)
      } else {
      }
      %add3A_290 = arith.constant 1 : i32
      %add3A_291 = arith.addi %add3A_255, %add3A_290 : i32
      %dma_wait3A_292 = arith.constant 1 : i32
      %dma_wait3A_293 = arith.constant 1 : i32
      %dma_wait3A_294 = arith.constant 0 : i32
      %dma_wait3A_295 = tpu.memref_slice %arg8[%dma_wait3A_293, %dma_wait3A_294] : memref<5x64xi32, #tpu.memory_space<vmem>> -> memref<1x64xi32, #tpu.memory_space<vmem>>
      %dma_wait3A_296 = tpu.memref_squeeze %dma_wait3A_295 : memref<1x64xi32, #tpu.memory_space<vmem>> -> memref<64xi32, #tpu.memory_space<vmem>>
      %dma_wait3A_297 = arith.constant 0 : i32
      %dma_wait3A_298 = tpu.memref_slice %arg4[%add3A, %dma_wait3A_292, %dma_wait3A_297] : memref<32x160x64xi32, #tpu.memory_space<hbm>> -> memref<1x1x64xi32, #tpu.memory_space<hbm>>
      %dma_wait3A_299 = tpu.memref_squeeze %dma_wait3A_298 : memref<1x1x64xi32, #tpu.memory_space<hbm>> -> memref<64xi32, #tpu.memory_space<hbm>>
      %dma_wait3A_300 = arith.constant 0 : i32
      %dma_wait3A_301 = tpu.memref_slice %arg8[%dma_wait3A_293, %dma_wait3A_300] : memref<5x64xi32, #tpu.memory_space<vmem>> -> memref<1x64xi32, #tpu.memory_space<vmem>>
      %dma_wait3A_302 = tpu.memref_squeeze %dma_wait3A_301 : memref<1x64xi32, #tpu.memory_space<vmem>> -> memref<64xi32, #tpu.memory_space<vmem>>
      %dma_wait3A_303 = arith.constant 0 : i32
      %dma_wait3A_304 = tpu.memref_slice %arg4[%add3A, %dma_wait3A_292, %dma_wait3A_303] : memref<32x160x64xi32, #tpu.memory_space<hbm>> -> memref<1x1x64xi32, #tpu.memory_space<hbm>>
      %dma_wait3A_305 = tpu.memref_squeeze %dma_wait3A_304 : memref<1x1x64xi32, #tpu.memory_space<hbm>> -> memref<64xi32, #tpu.memory_space<hbm>>
      tpu.wait_dma2 semaphore(%arg31 : memref<!tpu.dma_semaphore, #tpu.memory_space<semaphore_mem>>) src(%dma_wait3A_305 : memref<64xi32, #tpu.memory_space<hbm>>) dst(%dma_wait3A_302 : memref<64xi32, #tpu.memory_space<vmem>>)
      %dma_wait3A_306 = arith.constant 1 : i32
      %dma_wait3A_307 = arith.constant 0 : i32
      %dma_wait3A_308 = tpu.memref_slice %arg7[%dma_wait3A_306, %dma_wait3A_307] : memref<5x64xi32, #tpu.memory_space<vmem>> -> memref<1x64xi32, #tpu.memory_space<vmem>>
      %dma_wait3A_309 = tpu.memref_squeeze %dma_wait3A_308 : memref<1x64xi32, #tpu.memory_space<vmem>> -> memref<64xi32, #tpu.memory_space<vmem>>
      %dma_wait3A_310 = arith.constant 0 : i32
      %dma_wait3A_311 = arith.constant 0 : i32
      %dma_wait3A_312 = tpu.memref_slice %arg2[%dma_wait3A_310, %dma_wait3A_311] : memref<10240x128xf32, #tpu.memory_space<hbm>> -> memref<10240x128xf32, #tpu.memory_space<hbm>>
      tpu.wait_indirect_dma semaphore(%arg16 : memref<!tpu.dma_semaphore, #tpu.memory_space<semaphore_mem>>) src(%dma_wait3A_312 : memref<10240x128xf32, #tpu.memory_space<hbm>>) dst(%arg10 : memref<64x128xf32, #tpu.memory_space<vmem>>)
      %dma_start3A_313 = arith.constant 1 : i32
      %dma_start3A_314 = arith.constant 0 : i32
      %dma_start3A_315 = tpu.memref_slice %arg8[%dma_start3A_313, %dma_start3A_314] : memref<5x64xi32, #tpu.memory_space<vmem>> -> memref<1x64xi32, #tpu.memory_space<vmem>>
      %dma_start3A_316 = tpu.memref_squeeze %dma_start3A_315 : memref<1x64xi32, #tpu.memory_space<vmem>> -> memref<64xi32, #tpu.memory_space<vmem>>
      %dma_start3A_317 = arith.constant 0 : i32
      %dma_start3A_318 = arith.constant 0 : i32
      %dma_start3A_319 = tpu.memref_slice %arg14[%dma_start3A_317, %dma_start3A_318] : memref<10240x128xf32, #tpu.memory_space<vmem_shared>> -> memref<10240x128xf32, #tpu.memory_space<vmem_shared>>
      tpu.enqueue_indirect_dma source(%arg10 : memref<64x128xf32, #tpu.memory_space<vmem>>) target(%dma_start3A_319 : memref<10240x128xf32, #tpu.memory_space<vmem_shared>>) offsets(%dma_start3A_316 : memref<64xi32, #tpu.memory_space<vmem>>) semaphore(%arg21 : memref<!tpu.dma_semaphore, #tpu.memory_space<semaphore_mem>>) {add = true}
      %add3A_320 = arith.constant 5 : i32
      %add3A_321 = arith.addi %add3A_291, %add3A_320 : i32
      %lt3A_322 = arith.constant 160 : i32
      %lt3A_323 = arith.cmpi slt, %add3A_321, %lt3A_322 : i32
      %convert_element_type3A_324 = arith.extui %lt3A_323 : i1 to i32
      %cond3A_325 = arith.constant 0 : i32
      %cond3A_326 = arith.cmpi ne, %convert_element_type3A_324, %cond3A_325 : i32
      scf.if %cond3A_326 {
        %add3A_518 = arith.constant 5 : i32
        %add3A_519 = arith.addi %add3A_291, %add3A_518 : i32
        %dma_start3A_520 = arith.constant 1 : i32
        %dma_start3A_521 = arith.constant 0 : i32
        %dma_start3A_522 = tpu.memref_slice %arg7[%dma_start3A_520, %dma_start3A_521] : memref<5x64xi32, #tpu.memory_space<vmem>> -> memref<1x64xi32, #tpu.memory_space<vmem>>
        %dma_start3A_523 = tpu.memref_squeeze %dma_start3A_522 : memref<1x64xi32, #tpu.memory_space<vmem>> -> memref<64xi32, #tpu.memory_space<vmem>>
        %dma_start3A_524 = arith.constant 0 : i32
        %dma_start3A_525 = tpu.memref_slice %arg3[%add3A, %add3A_519, %dma_start3A_524] : memref<32x160x64xi32, #tpu.memory_space<hbm>> -> memref<1x1x64xi32, #tpu.memory_space<hbm>>
        %dma_start3A_526 = tpu.memref_squeeze %dma_start3A_525 : memref<1x1x64xi32, #tpu.memory_space<hbm>> -> memref<64xi32, #tpu.memory_space<hbm>>
        %dma_start3A_527 = arith.constant 0 : i32
        %dma_start3A_528 = tpu.memref_slice %arg7[%dma_start3A_520, %dma_start3A_527] : memref<5x64xi32, #tpu.memory_space<vmem>> -> memref<1x64xi32, #tpu.memory_space<vmem>>
        %dma_start3A_529 = tpu.memref_squeeze %dma_start3A_528 : memref<1x64xi32, #tpu.memory_space<vmem>> -> memref<64xi32, #tpu.memory_space<vmem>>
        %dma_start3A_530 = arith.constant 0 : i32
        %dma_start3A_531 = tpu.memref_slice %arg3[%add3A, %add3A_519, %dma_start3A_530] : memref<32x160x64xi32, #tpu.memory_space<hbm>> -> memref<1x1x64xi32, #tpu.memory_space<hbm>>
        %dma_start3A_532 = tpu.memref_squeeze %dma_start3A_531 : memref<1x1x64xi32, #tpu.memory_space<hbm>> -> memref<64xi32, #tpu.memory_space<hbm>>
        tpu.enqueue_dma source(%dma_start3A_532 : memref<64xi32, #tpu.memory_space<hbm>>) target(%dma_start3A_529 : memref<64xi32, #tpu.memory_space<vmem>>) target_semaphore(%arg26 : memref<!tpu.dma_semaphore, #tpu.memory_space<semaphore_mem>>)
      } else {
      }
      %add3A_327 = arith.constant 2 : i32
      %add3A_328 = arith.addi %add3A_255, %add3A_327 : i32
      %dma_wait3A_329 = arith.constant 2 : i32
      %dma_wait3A_330 = arith.constant 2 : i32
      %dma_wait3A_331 = arith.constant 0 : i32
      %dma_wait3A_332 = tpu.memref_slice %arg8[%dma_wait3A_330, %dma_wait3A_331] : memref<5x64xi32, #tpu.memory_space<vmem>> -> memref<1x64xi32, #tpu.memory_space<vmem>>
      %dma_wait3A_333 = tpu.memref_squeeze %dma_wait3A_332 : memref<1x64xi32, #tpu.memory_space<vmem>> -> memref<64xi32, #tpu.memory_space<vmem>>
      %dma_wait3A_334 = arith.constant 0 : i32
      %dma_wait3A_335 = tpu.memref_slice %arg4[%add3A, %dma_wait3A_329, %dma_wait3A_334] : memref<32x160x64xi32, #tpu.memory_space<hbm>> -> memref<1x1x64xi32, #tpu.memory_space<hbm>>
      %dma_wait3A_336 = tpu.memref_squeeze %dma_wait3A_335 : memref<1x1x64xi32, #tpu.memory_space<hbm>> -> memref<64xi32, #tpu.memory_space<hbm>>
      %dma_wait3A_337 = arith.constant 0 : i32
      %dma_wait3A_338 = tpu.memref_slice %arg8[%dma_wait3A_330, %dma_wait3A_337] : memref<5x64xi32, #tpu.memory_space<vmem>> -> memref<1x64xi32, #tpu.memory_space<vmem>>
      %dma_wait3A_339 = tpu.memref_squeeze %dma_wait3A_338 : memref<1x64xi32, #tpu.memory_space<vmem>> -> memref<64xi32, #tpu.memory_space<vmem>>
      %dma_wait3A_340 = arith.constant 0 : i32
      %dma_wait3A_341 = tpu.memref_slice %arg4[%add3A, %dma_wait3A_329, %dma_wait3A_340] : memref<32x160x64xi32, #tpu.memory_space<hbm>> -> memref<1x1x64xi32, #tpu.memory_space<hbm>>
      %dma_wait3A_342 = tpu.memref_squeeze %dma_wait3A_341 : memref<1x1x64xi32, #tpu.memory_space<hbm>> -> memref<64xi32, #tpu.memory_space<hbm>>
      tpu.wait_dma2 semaphore(%arg32 : memref<!tpu.dma_semaphore, #tpu.memory_space<semaphore_mem>>) src(%dma_wait3A_342 : memref<64xi32, #tpu.memory_space<hbm>>) dst(%dma_wait3A_339 : memref<64xi32, #tpu.memory_space<vmem>>)
      %dma_wait3A_343 = arith.constant 2 : i32
      %dma_wait3A_344 = arith.constant 0 : i32
      %dma_wait3A_345 = tpu.memref_slice %arg7[%dma_wait3A_343, %dma_wait3A_344] : memref<5x64xi32, #tpu.memory_space<vmem>> -> memref<1x64xi32, #tpu.memory_space<vmem>>
      %dma_wait3A_346 = tpu.memref_squeeze %dma_wait3A_345 : memref<1x64xi32, #tpu.memory_space<vmem>> -> memref<64xi32, #tpu.memory_space<vmem>>
      %dma_wait3A_347 = arith.constant 0 : i32
      %dma_wait3A_348 = arith.constant 0 : i32
      %dma_wait3A_349 = tpu.memref_slice %arg2[%dma_wait3A_347, %dma_wait3A_348] : memref<10240x128xf32, #tpu.memory_space<hbm>> -> memref<10240x128xf32, #tpu.memory_space<hbm>>
      tpu.wait_indirect_dma semaphore(%arg17 : memref<!tpu.dma_semaphore, #tpu.memory_space<semaphore_mem>>) src(%dma_wait3A_349 : memref<10240x128xf32, #tpu.memory_space<hbm>>) dst(%arg11 : memref<64x128xf32, #tpu.memory_space<vmem>>)
      %dma_start3A_350 = arith.constant 2 : i32
      %dma_start3A_351 = arith.constant 0 : i32
      %dma_start3A_352 = tpu.memref_slice %arg8[%dma_start3A_350, %dma_start3A_351] : memref<5x64xi32, #tpu.memory_space<vmem>> -> memref<1x64xi32, #tpu.memory_space<vmem>>
      %dma_start3A_353 = tpu.memref_squeeze %dma_start3A_352 : memref<1x64xi32, #tpu.memory_space<vmem>> -> memref<64xi32, #tpu.memory_space<vmem>>
      %dma_start3A_354 = arith.constant 0 : i32
      %dma_start3A_355 = arith.constant 0 : i32
      %dma_start3A_356 = tpu.memref_slice %arg14[%dma_start3A_354, %dma_start3A_355] : memref<10240x128xf32, #tpu.memory_space<vmem_shared>> -> memref<10240x128xf32, #tpu.memory_space<vmem_shared>>
      tpu.enqueue_indirect_dma source(%arg11 : memref<64x128xf32, #tpu.memory_space<vmem>>) target(%dma_start3A_356 : memref<10240x128xf32, #tpu.memory_space<vmem_shared>>) offsets(%dma_start3A_353 : memref<64xi32, #tpu.memory_space<vmem>>) semaphore(%arg22 : memref<!tpu.dma_semaphore, #tpu.memory_space<semaphore_mem>>) {add = true}
      %add3A_357 = arith.constant 5 : i32
      %add3A_358 = arith.addi %add3A_328, %add3A_357 : i32
      %lt3A_359 = arith.constant 160 : i32
      %lt3A_360 = arith.cmpi slt, %add3A_358, %lt3A_359 : i32
      %convert_element_type3A_361 = arith.extui %lt3A_360 : i1 to i32
      %cond3A_362 = arith.constant 0 : i32
      %cond3A_363 = arith.cmpi ne, %convert_element_type3A_361, %cond3A_362 : i32
      scf.if %cond3A_363 {
        %add3A_518 = arith.constant 5 : i32
        %add3A_519 = arith.addi %add3A_328, %add3A_518 : i32
        %dma_start3A_520 = arith.constant 2 : i32
        %dma_start3A_521 = arith.constant 0 : i32
        %dma_start3A_522 = tpu.memref_slice %arg7[%dma_start3A_520, %dma_start3A_521] : memref<5x64xi32, #tpu.memory_space<vmem>> -> memref<1x64xi32, #tpu.memory_space<vmem>>
        %dma_start3A_523 = tpu.memref_squeeze %dma_start3A_522 : memref<1x64xi32, #tpu.memory_space<vmem>> -> memref<64xi32, #tpu.memory_space<vmem>>
        %dma_start3A_524 = arith.constant 0 : i32
        %dma_start3A_525 = tpu.memref_slice %arg3[%add3A, %add3A_519, %dma_start3A_524] : memref<32x160x64xi32, #tpu.memory_space<hbm>> -> memref<1x1x64xi32, #tpu.memory_space<hbm>>
        %dma_start3A_526 = tpu.memref_squeeze %dma_start3A_525 : memref<1x1x64xi32, #tpu.memory_space<hbm>> -> memref<64xi32, #tpu.memory_space<hbm>>
        %dma_start3A_527 = arith.constant 0 : i32
        %dma_start3A_528 = tpu.memref_slice %arg7[%dma_start3A_520, %dma_start3A_527] : memref<5x64xi32, #tpu.memory_space<vmem>> -> memref<1x64xi32, #tpu.memory_space<vmem>>
        %dma_start3A_529 = tpu.memref_squeeze %dma_start3A_528 : memref<1x64xi32, #tpu.memory_space<vmem>> -> memref<64xi32, #tpu.memory_space<vmem>>
        %dma_start3A_530 = arith.constant 0 : i32
        %dma_start3A_531 = tpu.memref_slice %arg3[%add3A, %add3A_519, %dma_start3A_530] : memref<32x160x64xi32, #tpu.memory_space<hbm>> -> memref<1x1x64xi32, #tpu.memory_space<hbm>>
        %dma_start3A_532 = tpu.memref_squeeze %dma_start3A_531 : memref<1x1x64xi32, #tpu.memory_space<hbm>> -> memref<64xi32, #tpu.memory_space<hbm>>
        tpu.enqueue_dma source(%dma_start3A_532 : memref<64xi32, #tpu.memory_space<hbm>>) target(%dma_start3A_529 : memref<64xi32, #tpu.memory_space<vmem>>) target_semaphore(%arg27 : memref<!tpu.dma_semaphore, #tpu.memory_space<semaphore_mem>>)
      } else {
      }
      %add3A_364 = arith.constant 3 : i32
      %add3A_365 = arith.addi %add3A_255, %add3A_364 : i32
      %dma_wait3A_366 = arith.constant 3 : i32
      %dma_wait3A_367 = arith.constant 3 : i32
      %dma_wait3A_368 = arith.constant 0 : i32
      %dma_wait3A_369 = tpu.memref_slice %arg8[%dma_wait3A_367, %dma_wait3A_368] : memref<5x64xi32, #tpu.memory_space<vmem>> -> memref<1x64xi32, #tpu.memory_space<vmem>>
      %dma_wait3A_370 = tpu.memref_squeeze %dma_wait3A_369 : memref<1x64xi32, #tpu.memory_space<vmem>> -> memref<64xi32, #tpu.memory_space<vmem>>
      %dma_wait3A_371 = arith.constant 0 : i32
      %dma_wait3A_372 = tpu.memref_slice %arg4[%add3A, %dma_wait3A_366, %dma_wait3A_371] : memref<32x160x64xi32, #tpu.memory_space<hbm>> -> memref<1x1x64xi32, #tpu.memory_space<hbm>>
      %dma_wait3A_373 = tpu.memref_squeeze %dma_wait3A_372 : memref<1x1x64xi32, #tpu.memory_space<hbm>> -> memref<64xi32, #tpu.memory_space<hbm>>
      %dma_wait3A_374 = arith.constant 0 : i32
      %dma_wait3A_375 = tpu.memref_slice %arg8[%dma_wait3A_367, %dma_wait3A_374] : memref<5x64xi32, #tpu.memory_space<vmem>> -> memref<1x64xi32, #tpu.memory_space<vmem>>
      %dma_wait3A_376 = tpu.memref_squeeze %dma_wait3A_375 : memref<1x64xi32, #tpu.memory_space<vmem>> -> memref<64xi32, #tpu.memory_space<vmem>>
      %dma_wait3A_377 = arith.constant 0 : i32
      %dma_wait3A_378 = tpu.memref_slice %arg4[%add3A, %dma_wait3A_366, %dma_wait3A_377] : memref<32x160x64xi32, #tpu.memory_space<hbm>> -> memref<1x1x64xi32, #tpu.memory_space<hbm>>
      %dma_wait3A_379 = tpu.memref_squeeze %dma_wait3A_378 : memref<1x1x64xi32, #tpu.memory_space<hbm>> -> memref<64xi32, #tpu.memory_space<hbm>>
      tpu.wait_dma2 semaphore(%arg33 : memref<!tpu.dma_semaphore, #tpu.memory_space<semaphore_mem>>) src(%dma_wait3A_379 : memref<64xi32, #tpu.memory_space<hbm>>) dst(%dma_wait3A_376 : memref<64xi32, #tpu.memory_space<vmem>>)
      %dma_wait3A_380 = arith.constant 3 : i32
      %dma_wait3A_381 = arith.constant 0 : i32
      %dma_wait3A_382 = tpu.memref_slice %arg7[%dma_wait3A_380, %dma_wait3A_381] : memref<5x64xi32, #tpu.memory_space<vmem>> -> memref<1x64xi32, #tpu.memory_space<vmem>>
      %dma_wait3A_383 = tpu.memref_squeeze %dma_wait3A_382 : memref<1x64xi32, #tpu.memory_space<vmem>> -> memref<64xi32, #tpu.memory_space<vmem>>
      %dma_wait3A_384 = arith.constant 0 : i32
      %dma_wait3A_385 = arith.constant 0 : i32
      %dma_wait3A_386 = tpu.memref_slice %arg2[%dma_wait3A_384, %dma_wait3A_385] : memref<10240x128xf32, #tpu.memory_space<hbm>> -> memref<10240x128xf32, #tpu.memory_space<hbm>>
      tpu.wait_indirect_dma semaphore(%arg18 : memref<!tpu.dma_semaphore, #tpu.memory_space<semaphore_mem>>) src(%dma_wait3A_386 : memref<10240x128xf32, #tpu.memory_space<hbm>>) dst(%arg12 : memref<64x128xf32, #tpu.memory_space<vmem>>)
      %dma_start3A_387 = arith.constant 3 : i32
      %dma_start3A_388 = arith.constant 0 : i32
      %dma_start3A_389 = tpu.memref_slice %arg8[%dma_start3A_387, %dma_start3A_388] : memref<5x64xi32, #tpu.memory_space<vmem>> -> memref<1x64xi32, #tpu.memory_space<vmem>>
      %dma_start3A_390 = tpu.memref_squeeze %dma_start3A_389 : memref<1x64xi32, #tpu.memory_space<vmem>> -> memref<64xi32, #tpu.memory_space<vmem>>
      %dma_start3A_391 = arith.constant 0 : i32
      %dma_start3A_392 = arith.constant 0 : i32
      %dma_start3A_393 = tpu.memref_slice %arg14[%dma_start3A_391, %dma_start3A_392] : memref<10240x128xf32, #tpu.memory_space<vmem_shared>> -> memref<10240x128xf32, #tpu.memory_space<vmem_shared>>
      tpu.enqueue_indirect_dma source(%arg12 : memref<64x128xf32, #tpu.memory_space<vmem>>) target(%dma_start3A_393 : memref<10240x128xf32, #tpu.memory_space<vmem_shared>>) offsets(%dma_start3A_390 : memref<64xi32, #tpu.memory_space<vmem>>) semaphore(%arg23 : memref<!tpu.dma_semaphore, #tpu.memory_space<semaphore_mem>>) {add = true}
      %add3A_394 = arith.constant 5 : i32
      %add3A_395 = arith.addi %add3A_365, %add3A_394 : i32
      %lt3A_396 = arith.constant 160 : i32
      %lt3A_397 = arith.cmpi slt, %add3A_395, %lt3A_396 : i32
      %convert_element_type3A_398 = arith.extui %lt3A_397 : i1 to i32
      %cond3A_399 = arith.constant 0 : i32
      %cond3A_400 = arith.cmpi ne, %convert_element_type3A_398, %cond3A_399 : i32
      scf.if %cond3A_400 {
        %add3A_518 = arith.constant 5 : i32
        %add3A_519 = arith.addi %add3A_365, %add3A_518 : i32
        %dma_start3A_520 = arith.constant 3 : i32
        %dma_start3A_521 = arith.constant 0 : i32
        %dma_start3A_522 = tpu.memref_slice %arg7[%dma_start3A_520, %dma_start3A_521] : memref<5x64xi32, #tpu.memory_space<vmem>> -> memref<1x64xi32, #tpu.memory_space<vmem>>
        %dma_start3A_523 = tpu.memref_squeeze %dma_start3A_522 : memref<1x64xi32, #tpu.memory_space<vmem>> -> memref<64xi32, #tpu.memory_space<vmem>>
        %dma_start3A_524 = arith.constant 0 : i32
        %dma_start3A_525 = tpu.memref_slice %arg3[%add3A, %add3A_519, %dma_start3A_524] : memref<32x160x64xi32, #tpu.memory_space<hbm>> -> memref<1x1x64xi32, #tpu.memory_space<hbm>>
        %dma_start3A_526 = tpu.memref_squeeze %dma_start3A_525 : memref<1x1x64xi32, #tpu.memory_space<hbm>> -> memref<64xi32, #tpu.memory_space<hbm>>
        %dma_start3A_527 = arith.constant 0 : i32
        %dma_start3A_528 = tpu.memref_slice %arg7[%dma_start3A_520, %dma_start3A_527] : memref<5x64xi32, #tpu.memory_space<vmem>> -> memref<1x64xi32, #tpu.memory_space<vmem>>
        %dma_start3A_529 = tpu.memref_squeeze %dma_start3A_528 : memref<1x64xi32, #tpu.memory_space<vmem>> -> memref<64xi32, #tpu.memory_space<vmem>>
        %dma_start3A_530 = arith.constant 0 : i32
        %dma_start3A_531 = tpu.memref_slice %arg3[%add3A, %add3A_519, %dma_start3A_530] : memref<32x160x64xi32, #tpu.memory_space<hbm>> -> memref<1x1x64xi32, #tpu.memory_space<hbm>>
        %dma_start3A_532 = tpu.memref_squeeze %dma_start3A_531 : memref<1x1x64xi32, #tpu.memory_space<hbm>> -> memref<64xi32, #tpu.memory_space<hbm>>
        tpu.enqueue_dma source(%dma_start3A_532 : memref<64xi32, #tpu.memory_space<hbm>>) target(%dma_start3A_529 : memref<64xi32, #tpu.memory_space<vmem>>) target_semaphore(%arg28 : memref<!tpu.dma_semaphore, #tpu.memory_space<semaphore_mem>>)
      } else {
      }
      %add3A_401 = arith.constant 4 : i32
      %add3A_402 = arith.addi %add3A_255, %add3A_401 : i32
      %dma_wait3A_403 = arith.constant 4 : i32
      %dma_wait3A_404 = arith.constant 4 : i32
      %dma_wait3A_405 = arith.constant 0 : i32
      %dma_wait3A_406 = tpu.memref_slice %arg8[%dma_wait3A_404, %dma_wait3A_405] : memref<5x64xi32, #tpu.memory_space<vmem>> -> memref<1x64xi32, #tpu.memory_space<vmem>>
      %dma_wait3A_407 = tpu.memref_squeeze %dma_wait3A_406 : memref<1x64xi32, #tpu.memory_space<vmem>> -> memref<64xi32, #tpu.memory_space<vmem>>
      %dma_wait3A_408 = arith.constant 0 : i32
      %dma_wait3A_409 = tpu.memref_slice %arg4[%add3A, %dma_wait3A_403, %dma_wait3A_408] : memref<32x160x64xi32, #tpu.memory_space<hbm>> -> memref<1x1x64xi32, #tpu.memory_space<hbm>>
      %dma_wait3A_410 = tpu.memref_squeeze %dma_wait3A_409 : memref<1x1x64xi32, #tpu.memory_space<hbm>> -> memref<64xi32, #tpu.memory_space<hbm>>
      %dma_wait3A_411 = arith.constant 0 : i32
      %dma_wait3A_412 = tpu.memref_slice %arg8[%dma_wait3A_404, %dma_wait3A_411] : memref<5x64xi32, #tpu.memory_space<vmem>> -> memref<1x64xi32, #tpu.memory_space<vmem>>
      %dma_wait3A_413 = tpu.memref_squeeze %dma_wait3A_412 : memref<1x64xi32, #tpu.memory_space<vmem>> -> memref<64xi32, #tpu.memory_space<vmem>>
      %dma_wait3A_414 = arith.constant 0 : i32
      %dma_wait3A_415 = tpu.memref_slice %arg4[%add3A, %dma_wait3A_403, %dma_wait3A_414] : memref<32x160x64xi32, #tpu.memory_space<hbm>> -> memref<1x1x64xi32, #tpu.memory_space<hbm>>
      %dma_wait3A_416 = tpu.memref_squeeze %dma_wait3A_415 : memref<1x1x64xi32, #tpu.memory_space<hbm>> -> memref<64xi32, #tpu.memory_space<hbm>>
      tpu.wait_dma2 semaphore(%arg34 : memref<!tpu.dma_semaphore, #tpu.memory_space<semaphore_mem>>) src(%dma_wait3A_416 : memref<64xi32, #tpu.memory_space<hbm>>) dst(%dma_wait3A_413 : memref<64xi32, #tpu.memory_space<vmem>>)
      %dma_wait3A_417 = arith.constant 4 : i32
      %dma_wait3A_418 = arith.constant 0 : i32
      %dma_wait3A_419 = tpu.memref_slice %arg7[%dma_wait3A_417, %dma_wait3A_418] : memref<5x64xi32, #tpu.memory_space<vmem>> -> memref<1x64xi32, #tpu.memory_space<vmem>>
      %dma_wait3A_420 = tpu.memref_squeeze %dma_wait3A_419 : memref<1x64xi32, #tpu.memory_space<vmem>> -> memref<64xi32, #tpu.memory_space<vmem>>
      %dma_wait3A_421 = arith.constant 0 : i32
      %dma_wait3A_422 = arith.constant 0 : i32
      %dma_wait3A_423 = tpu.memref_slice %arg2[%dma_wait3A_421, %dma_wait3A_422] : memref<10240x128xf32, #tpu.memory_space<hbm>> -> memref<10240x128xf32, #tpu.memory_space<hbm>>
      tpu.wait_indirect_dma semaphore(%arg19 : memref<!tpu.dma_semaphore, #tpu.memory_space<semaphore_mem>>) src(%dma_wait3A_423 : memref<10240x128xf32, #tpu.memory_space<hbm>>) dst(%arg13 : memref<64x128xf32, #tpu.memory_space<vmem>>)
      %dma_start3A_424 = arith.constant 4 : i32
      %dma_start3A_425 = arith.constant 0 : i32
      %dma_start3A_426 = tpu.memref_slice %arg8[%dma_start3A_424, %dma_start3A_425] : memref<5x64xi32, #tpu.memory_space<vmem>> -> memref<1x64xi32, #tpu.memory_space<vmem>>
      %dma_start3A_427 = tpu.memref_squeeze %dma_start3A_426 : memref<1x64xi32, #tpu.memory_space<vmem>> -> memref<64xi32, #tpu.memory_space<vmem>>
      %dma_start3A_428 = arith.constant 0 : i32
      %dma_start3A_429 = arith.constant 0 : i32
      %dma_start3A_430 = tpu.memref_slice %arg14[%dma_start3A_428, %dma_start3A_429] : memref<10240x128xf32, #tpu.memory_space<vmem_shared>> -> memref<10240x128xf32, #tpu.memory_space<vmem_shared>>
      tpu.enqueue_indirect_dma source(%arg13 : memref<64x128xf32, #tpu.memory_space<vmem>>) target(%dma_start3A_430 : memref<10240x128xf32, #tpu.memory_space<vmem_shared>>) offsets(%dma_start3A_427 : memref<64xi32, #tpu.memory_space<vmem>>) semaphore(%arg24 : memref<!tpu.dma_semaphore, #tpu.memory_space<semaphore_mem>>) {add = true}
      %add3A_431 = arith.constant 5 : i32
      %add3A_432 = arith.addi %add3A_402, %add3A_431 : i32
      %lt3A_433 = arith.constant 160 : i32
      %lt3A_434 = arith.cmpi slt, %add3A_432, %lt3A_433 : i32
      %convert_element_type3A_435 = arith.extui %lt3A_434 : i1 to i32
      %cond3A_436 = arith.constant 0 : i32
      %cond3A_437 = arith.cmpi ne, %convert_element_type3A_435, %cond3A_436 : i32
      scf.if %cond3A_437 {
        %add3A_518 = arith.constant 5 : i32
        %add3A_519 = arith.addi %add3A_402, %add3A_518 : i32
        %dma_start3A_520 = arith.constant 4 : i32
        %dma_start3A_521 = arith.constant 0 : i32
        %dma_start3A_522 = tpu.memref_slice %arg7[%dma_start3A_520, %dma_start3A_521] : memref<5x64xi32, #tpu.memory_space<vmem>> -> memref<1x64xi32, #tpu.memory_space<vmem>>
        %dma_start3A_523 = tpu.memref_squeeze %dma_start3A_522 : memref<1x64xi32, #tpu.memory_space<vmem>> -> memref<64xi32, #tpu.memory_space<vmem>>
        %dma_start3A_524 = arith.constant 0 : i32
        %dma_start3A_525 = tpu.memref_slice %arg3[%add3A, %add3A_519, %dma_start3A_524] : memref<32x160x64xi32, #tpu.memory_space<hbm>> -> memref<1x1x64xi32, #tpu.memory_space<hbm>>
        %dma_start3A_526 = tpu.memref_squeeze %dma_start3A_525 : memref<1x1x64xi32, #tpu.memory_space<hbm>> -> memref<64xi32, #tpu.memory_space<hbm>>
        %dma_start3A_527 = arith.constant 0 : i32
        %dma_start3A_528 = tpu.memref_slice %arg7[%dma_start3A_520, %dma_start3A_527] : memref<5x64xi32, #tpu.memory_space<vmem>> -> memref<1x64xi32, #tpu.memory_space<vmem>>
        %dma_start3A_529 = tpu.memref_squeeze %dma_start3A_528 : memref<1x64xi32, #tpu.memory_space<vmem>> -> memref<64xi32, #tpu.memory_space<vmem>>
        %dma_start3A_530 = arith.constant 0 : i32
        %dma_start3A_531 = tpu.memref_slice %arg3[%add3A, %add3A_519, %dma_start3A_530] : memref<32x160x64xi32, #tpu.memory_space<hbm>> -> memref<1x1x64xi32, #tpu.memory_space<hbm>>
        %dma_start3A_532 = tpu.memref_squeeze %dma_start3A_531 : memref<1x1x64xi32, #tpu.memory_space<hbm>> -> memref<64xi32, #tpu.memory_space<hbm>>
        tpu.enqueue_dma source(%dma_start3A_532 : memref<64xi32, #tpu.memory_space<hbm>>) target(%dma_start3A_529 : memref<64xi32, #tpu.memory_space<vmem>>) target_semaphore(%arg29 : memref<!tpu.dma_semaphore, #tpu.memory_space<semaphore_mem>>)
      } else {
      }
      %add3A_438 = arith.constant 0 : i32
      %add3A_439 = arith.addi %add3A_255, %add3A_438 : i32
      %dma_wait3A_440 = arith.constant 0 : i32
      %dma_wait3A_441 = arith.constant 0 : i32
      %dma_wait3A_442 = tpu.memref_slice %arg8[%dma_wait3A_440, %dma_wait3A_441] : memref<5x64xi32, #tpu.memory_space<vmem>> -> memref<1x64xi32, #tpu.memory_space<vmem>>
      %dma_wait3A_443 = tpu.memref_squeeze %dma_wait3A_442 : memref<1x64xi32, #tpu.memory_space<vmem>> -> memref<64xi32, #tpu.memory_space<vmem>>
      %dma_wait3A_444 = arith.constant 0 : i32
      %dma_wait3A_445 = arith.constant 0 : i32
      %dma_wait3A_446 = tpu.memref_slice %arg14[%dma_wait3A_444, %dma_wait3A_445] : memref<10240x128xf32, #tpu.memory_space<vmem_shared>> -> memref<10240x128xf32, #tpu.memory_space<vmem_shared>>
      tpu.wait_indirect_dma semaphore(%arg20 : memref<!tpu.dma_semaphore, #tpu.memory_space<semaphore_mem>>) src(%arg9 : memref<64x128xf32, #tpu.memory_space<vmem>>) dst(%dma_wait3A_446 : memref<10240x128xf32, #tpu.memory_space<vmem_shared>>)
      %add3A_447 = arith.constant 5 : i32
      %add3A_448 = arith.addi %add3A_439, %add3A_447 : i32
      %lt3A_449 = arith.constant 160 : i32
      %lt3A_450 = arith.cmpi slt, %add3A_448, %lt3A_449 : i32
      %convert_element_type3A_451 = arith.extui %lt3A_450 : i1 to i32
      %cond3A_452 = arith.constant 0 : i32
      %cond3A_453 = arith.cmpi ne, %convert_element_type3A_451, %cond3A_452 : i32
      scf.if %cond3A_453 {
        %add3A_518 = arith.constant 5 : i32
        %add3A_519 = arith.addi %add3A_439, %add3A_518 : i32
        %dma_start3A_520 = arith.constant 0 : i32
        %dma_start3A_521 = arith.constant 0 : i32
        %dma_start3A_522 = tpu.memref_slice %arg8[%dma_start3A_520, %dma_start3A_521] : memref<5x64xi32, #tpu.memory_space<vmem>> -> memref<1x64xi32, #tpu.memory_space<vmem>>
        %dma_start3A_523 = tpu.memref_squeeze %dma_start3A_522 : memref<1x64xi32, #tpu.memory_space<vmem>> -> memref<64xi32, #tpu.memory_space<vmem>>
        %dma_start3A_524 = arith.constant 0 : i32
        %dma_start3A_525 = tpu.memref_slice %arg4[%add3A, %add3A_519, %dma_start3A_524] : memref<32x160x64xi32, #tpu.memory_space<hbm>> -> memref<1x1x64xi32, #tpu.memory_space<hbm>>
        %dma_start3A_526 = tpu.memref_squeeze %dma_start3A_525 : memref<1x1x64xi32, #tpu.memory_space<hbm>> -> memref<64xi32, #tpu.memory_space<hbm>>
        %dma_start3A_527 = arith.constant 0 : i32
        %dma_start3A_528 = tpu.memref_slice %arg8[%dma_start3A_520, %dma_start3A_527] : memref<5x64xi32, #tpu.memory_space<vmem>> -> memref<1x64xi32, #tpu.memory_space<vmem>>
        %dma_start3A_529 = tpu.memref_squeeze %dma_start3A_528 : memref<1x64xi32, #tpu.memory_space<vmem>> -> memref<64xi32, #tpu.memory_space<vmem>>
        %dma_start3A_530 = arith.constant 0 : i32
        %dma_start3A_531 = tpu.memref_slice %arg4[%add3A, %add3A_519, %dma_start3A_530] : memref<32x160x64xi32, #tpu.memory_space<hbm>> -> memref<1x1x64xi32, #tpu.memory_space<hbm>>
        %dma_start3A_532 = tpu.memref_squeeze %dma_start3A_531 : memref<1x1x64xi32, #tpu.memory_space<hbm>> -> memref<64xi32, #tpu.memory_space<hbm>>
        tpu.enqueue_dma source(%dma_start3A_532 : memref<64xi32, #tpu.memory_space<hbm>>) target(%dma_start3A_529 : memref<64xi32, #tpu.memory_space<vmem>>) target_semaphore(%arg30 : memref<!tpu.dma_semaphore, #tpu.memory_space<semaphore_mem>>)
        %add3A_533 = arith.constant 5 : i32
        %add3A_534 = arith.addi %add3A_439, %add3A_533 : i32
        %dma_wait3A_535 = arith.constant 0 : i32
        %dma_wait3A_536 = arith.constant 0 : i32
        %dma_wait3A_537 = tpu.memref_slice %arg7[%dma_wait3A_535, %dma_wait3A_536] : memref<5x64xi32, #tpu.memory_space<vmem>> -> memref<1x64xi32, #tpu.memory_space<vmem>>
        %dma_wait3A_538 = tpu.memref_squeeze %dma_wait3A_537 : memref<1x64xi32, #tpu.memory_space<vmem>> -> memref<64xi32, #tpu.memory_space<vmem>>
        %dma_wait3A_539 = arith.constant 0 : i32
        %dma_wait3A_540 = tpu.memref_slice %arg3[%add3A, %add3A_534, %dma_wait3A_539] : memref<32x160x64xi32, #tpu.memory_space<hbm>> -> memref<1x1x64xi32, #tpu.memory_space<hbm>>
        %dma_wait3A_541 = tpu.memref_squeeze %dma_wait3A_540 : memref<1x1x64xi32, #tpu.memory_space<hbm>> -> memref<64xi32, #tpu.memory_space<hbm>>
        %dma_wait3A_542 = arith.constant 0 : i32
        %dma_wait3A_543 = tpu.memref_slice %arg7[%dma_wait3A_535, %dma_wait3A_542] : memref<5x64xi32, #tpu.memory_space<vmem>> -> memref<1x64xi32, #tpu.memory_space<vmem>>
        %dma_wait3A_544 = tpu.memref_squeeze %dma_wait3A_543 : memref<1x64xi32, #tpu.memory_space<vmem>> -> memref<64xi32, #tpu.memory_space<vmem>>
        %dma_wait3A_545 = arith.constant 0 : i32
        %dma_wait3A_546 = tpu.memref_slice %arg3[%add3A, %add3A_534, %dma_wait3A_545] : memref<32x160x64xi32, #tpu.memory_space<hbm>> -> memref<1x1x64xi32, #tpu.memory_space<hbm>>
        %dma_wait3A_547 = tpu.memref_squeeze %dma_wait3A_546 : memref<1x1x64xi32, #tpu.memory_space<hbm>> -> memref<64xi32, #tpu.memory_space<hbm>>
        tpu.wait_dma2 semaphore(%arg25 : memref<!tpu.dma_semaphore, #tpu.memory_space<semaphore_mem>>) src(%dma_wait3A_547 : memref<64xi32, #tpu.memory_space<hbm>>) dst(%dma_wait3A_544 : memref<64xi32, #tpu.memory_space<vmem>>)
        %dma_start3A_548 = arith.constant 0 : i32
        %dma_start3A_549 = arith.constant 0 : i32
        %dma_start3A_550 = tpu.memref_slice %arg7[%dma_start3A_548, %dma_start3A_549] : memref<5x64xi32, #tpu.memory_space<vmem>> -> memref<1x64xi32, #tpu.memory_space<vmem>>
        %dma_start3A_551 = tpu.memref_squeeze %dma_start3A_550 : memref<1x64xi32, #tpu.memory_space<vmem>> -> memref<64xi32, #tpu.memory_space<vmem>>
        %dma_start3A_552 = arith.constant 0 : i32
        %dma_start3A_553 = arith.constant 0 : i32
        %dma_start3A_554 = tpu.memref_slice %arg2[%dma_start3A_552, %dma_start3A_553] : memref<10240x128xf32, #tpu.memory_space<hbm>> -> memref<10240x128xf32, #tpu.memory_space<hbm>>
        tpu.enqueue_indirect_dma source(%dma_start3A_554 : memref<10240x128xf32, #tpu.memory_space<hbm>>) target(%arg9 : memref<64x128xf32, #tpu.memory_space<vmem>>) offsets(%dma_start3A_551 : memref<64xi32, #tpu.memory_space<vmem>>) semaphore(%arg15 : memref<!tpu.dma_semaphore, #tpu.memory_space<semaphore_mem>>)
      } else {
      }
      %add3A_454 = arith.constant 1 : i32
      %add3A_455 = arith.addi %add3A_255, %add3A_454 : i32
      %dma_wait3A_456 = arith.constant 1 : i32
      %dma_wait3A_457 = arith.constant 0 : i32
      %dma_wait3A_458 = tpu.memref_slice %arg8[%dma_wait3A_456, %dma_wait3A_457] : memref<5x64xi32, #tpu.memory_space<vmem>> -> memref<1x64xi32, #tpu.memory_space<vmem>>
      %dma_wait3A_459 = tpu.memref_squeeze %dma_wait3A_458 : memref<1x64xi32, #tpu.memory_space<vmem>> -> memref<64xi32, #tpu.memory_space<vmem>>
      %dma_wait3A_460 = arith.constant 0 : i32
      %dma_wait3A_461 = arith.constant 0 : i32
      %dma_wait3A_462 = tpu.memref_slice %arg14[%dma_wait3A_460, %dma_wait3A_461] : memref<10240x128xf32, #tpu.memory_space<vmem_shared>> -> memref<10240x128xf32, #tpu.memory_space<vmem_shared>>
      tpu.wait_indirect_dma semaphore(%arg21 : memref<!tpu.dma_semaphore, #tpu.memory_space<semaphore_mem>>) src(%arg10 : memref<64x128xf32, #tpu.memory_space<vmem>>) dst(%dma_wait3A_462 : memref<10240x128xf32, #tpu.memory_space<vmem_shared>>)
      %add3A_463 = arith.constant 5 : i32
      %add3A_464 = arith.addi %add3A_455, %add3A_463 : i32
      %lt3A_465 = arith.constant 160 : i32
      %lt3A_466 = arith.cmpi slt, %add3A_464, %lt3A_465 : i32
      %convert_element_type3A_467 = arith.extui %lt3A_466 : i1 to i32
      %cond3A_468 = arith.constant 0 : i32
      %cond3A_469 = arith.cmpi ne, %convert_element_type3A_467, %cond3A_468 : i32
      scf.if %cond3A_469 {
        %add3A_518 = arith.constant 5 : i32
        %add3A_519 = arith.addi %add3A_455, %add3A_518 : i32
        %dma_start3A_520 = arith.constant 1 : i32
        %dma_start3A_521 = arith.constant 0 : i32
        %dma_start3A_522 = tpu.memref_slice %arg8[%dma_start3A_520, %dma_start3A_521] : memref<5x64xi32, #tpu.memory_space<vmem>> -> memref<1x64xi32, #tpu.memory_space<vmem>>
        %dma_start3A_523 = tpu.memref_squeeze %dma_start3A_522 : memref<1x64xi32, #tpu.memory_space<vmem>> -> memref<64xi32, #tpu.memory_space<vmem>>
        %dma_start3A_524 = arith.constant 0 : i32
        %dma_start3A_525 = tpu.memref_slice %arg4[%add3A, %add3A_519, %dma_start3A_524] : memref<32x160x64xi32, #tpu.memory_space<hbm>> -> memref<1x1x64xi32, #tpu.memory_space<hbm>>
        %dma_start3A_526 = tpu.memref_squeeze %dma_start3A_525 : memref<1x1x64xi32, #tpu.memory_space<hbm>> -> memref<64xi32, #tpu.memory_space<hbm>>
        %dma_start3A_527 = arith.constant 0 : i32
        %dma_start3A_528 = tpu.memref_slice %arg8[%dma_start3A_520, %dma_start3A_527] : memref<5x64xi32, #tpu.memory_space<vmem>> -> memref<1x64xi32, #tpu.memory_space<vmem>>
        %dma_start3A_529 = tpu.memref_squeeze %dma_start3A_528 : memref<1x64xi32, #tpu.memory_space<vmem>> -> memref<64xi32, #tpu.memory_space<vmem>>
        %dma_start3A_530 = arith.constant 0 : i32
        %dma_start3A_531 = tpu.memref_slice %arg4[%add3A, %add3A_519, %dma_start3A_530] : memref<32x160x64xi32, #tpu.memory_space<hbm>> -> memref<1x1x64xi32, #tpu.memory_space<hbm>>
        %dma_start3A_532 = tpu.memref_squeeze %dma_start3A_531 : memref<1x1x64xi32, #tpu.memory_space<hbm>> -> memref<64xi32, #tpu.memory_space<hbm>>
        tpu.enqueue_dma source(%dma_start3A_532 : memref<64xi32, #tpu.memory_space<hbm>>) target(%dma_start3A_529 : memref<64xi32, #tpu.memory_space<vmem>>) target_semaphore(%arg31 : memref<!tpu.dma_semaphore, #tpu.memory_space<semaphore_mem>>)
        %add3A_533 = arith.constant 5 : i32
        %add3A_534 = arith.addi %add3A_455, %add3A_533 : i32
        %dma_wait3A_535 = arith.constant 1 : i32
        %dma_wait3A_536 = arith.constant 0 : i32
        %dma_wait3A_537 = tpu.memref_slice %arg7[%dma_wait3A_535, %dma_wait3A_536] : memref<5x64xi32, #tpu.memory_space<vmem>> -> memref<1x64xi32, #tpu.memory_space<vmem>>
        %dma_wait3A_538 = tpu.memref_squeeze %dma_wait3A_537 : memref<1x64xi32, #tpu.memory_space<vmem>> -> memref<64xi32, #tpu.memory_space<vmem>>
        %dma_wait3A_539 = arith.constant 0 : i32
        %dma_wait3A_540 = tpu.memref_slice %arg3[%add3A, %add3A_534, %dma_wait3A_539] : memref<32x160x64xi32, #tpu.memory_space<hbm>> -> memref<1x1x64xi32, #tpu.memory_space<hbm>>
        %dma_wait3A_541 = tpu.memref_squeeze %dma_wait3A_540 : memref<1x1x64xi32, #tpu.memory_space<hbm>> -> memref<64xi32, #tpu.memory_space<hbm>>
        %dma_wait3A_542 = arith.constant 0 : i32
        %dma_wait3A_543 = tpu.memref_slice %arg7[%dma_wait3A_535, %dma_wait3A_542] : memref<5x64xi32, #tpu.memory_space<vmem>> -> memref<1x64xi32, #tpu.memory_space<vmem>>
        %dma_wait3A_544 = tpu.memref_squeeze %dma_wait3A_543 : memref<1x64xi32, #tpu.memory_space<vmem>> -> memref<64xi32, #tpu.memory_space<vmem>>
        %dma_wait3A_545 = arith.constant 0 : i32
        %dma_wait3A_546 = tpu.memref_slice %arg3[%add3A, %add3A_534, %dma_wait3A_545] : memref<32x160x64xi32, #tpu.memory_space<hbm>> -> memref<1x1x64xi32, #tpu.memory_space<hbm>>
        %dma_wait3A_547 = tpu.memref_squeeze %dma_wait3A_546 : memref<1x1x64xi32, #tpu.memory_space<hbm>> -> memref<64xi32, #tpu.memory_space<hbm>>
        tpu.wait_dma2 semaphore(%arg26 : memref<!tpu.dma_semaphore, #tpu.memory_space<semaphore_mem>>) src(%dma_wait3A_547 : memref<64xi32, #tpu.memory_space<hbm>>) dst(%dma_wait3A_544 : memref<64xi32, #tpu.memory_space<vmem>>)
        %dma_start3A_548 = arith.constant 1 : i32
        %dma_start3A_549 = arith.constant 0 : i32
        %dma_start3A_550 = tpu.memref_slice %arg7[%dma_start3A_548, %dma_start3A_549] : memref<5x64xi32, #tpu.memory_space<vmem>> -> memref<1x64xi32, #tpu.memory_space<vmem>>
        %dma_start3A_551 = tpu.memref_squeeze %dma_start3A_550 : memref<1x64xi32, #tpu.memory_space<vmem>> -> memref<64xi32, #tpu.memory_space<vmem>>
        %dma_start3A_552 = arith.constant 0 : i32
        %dma_start3A_553 = arith.constant 0 : i32
        %dma_start3A_554 = tpu.memref_slice %arg2[%dma_start3A_552, %dma_start3A_553] : memref<10240x128xf32, #tpu.memory_space<hbm>> -> memref<10240x128xf32, #tpu.memory_space<hbm>>
        tpu.enqueue_indirect_dma source(%dma_start3A_554 : memref<10240x128xf32, #tpu.memory_space<hbm>>) target(%arg10 : memref<64x128xf32, #tpu.memory_space<vmem>>) offsets(%dma_start3A_551 : memref<64xi32, #tpu.memory_space<vmem>>) semaphore(%arg16 : memref<!tpu.dma_semaphore, #tpu.memory_space<semaphore_mem>>)
      } else {
      }
      %add3A_470 = arith.constant 2 : i32
      %add3A_471 = arith.addi %add3A_255, %add3A_470 : i32
      %dma_wait3A_472 = arith.constant 2 : i32
      %dma_wait3A_473 = arith.constant 0 : i32
      %dma_wait3A_474 = tpu.memref_slice %arg8[%dma_wait3A_472, %dma_wait3A_473] : memref<5x64xi32, #tpu.memory_space<vmem>> -> memref<1x64xi32, #tpu.memory_space<vmem>>
      %dma_wait3A_475 = tpu.memref_squeeze %dma_wait3A_474 : memref<1x64xi32, #tpu.memory_space<vmem>> -> memref<64xi32, #tpu.memory_space<vmem>>
      %dma_wait3A_476 = arith.constant 0 : i32
      %dma_wait3A_477 = arith.constant 0 : i32
      %dma_wait3A_478 = tpu.memref_slice %arg14[%dma_wait3A_476, %dma_wait3A_477] : memref<10240x128xf32, #tpu.memory_space<vmem_shared>> -> memref<10240x128xf32, #tpu.memory_space<vmem_shared>>
      tpu.wait_indirect_dma semaphore(%arg22 : memref<!tpu.dma_semaphore, #tpu.memory_space<semaphore_mem>>) src(%arg11 : memref<64x128xf32, #tpu.memory_space<vmem>>) dst(%dma_wait3A_478 : memref<10240x128xf32, #tpu.memory_space<vmem_shared>>)
      %add3A_479 = arith.constant 5 : i32
      %add3A_480 = arith.addi %add3A_471, %add3A_479 : i32
      %lt3A_481 = arith.constant 160 : i32
      %lt3A_482 = arith.cmpi slt, %add3A_480, %lt3A_481 : i32
      %convert_element_type3A_483 = arith.extui %lt3A_482 : i1 to i32
      %cond3A_484 = arith.constant 0 : i32
      %cond3A_485 = arith.cmpi ne, %convert_element_type3A_483, %cond3A_484 : i32
      scf.if %cond3A_485 {
        %add3A_518 = arith.constant 5 : i32
        %add3A_519 = arith.addi %add3A_471, %add3A_518 : i32
        %dma_start3A_520 = arith.constant 2 : i32
        %dma_start3A_521 = arith.constant 0 : i32
        %dma_start3A_522 = tpu.memref_slice %arg8[%dma_start3A_520, %dma_start3A_521] : memref<5x64xi32, #tpu.memory_space<vmem>> -> memref<1x64xi32, #tpu.memory_space<vmem>>
        %dma_start3A_523 = tpu.memref_squeeze %dma_start3A_522 : memref<1x64xi32, #tpu.memory_space<vmem>> -> memref<64xi32, #tpu.memory_space<vmem>>
        %dma_start3A_524 = arith.constant 0 : i32
        %dma_start3A_525 = tpu.memref_slice %arg4[%add3A, %add3A_519, %dma_start3A_524] : memref<32x160x64xi32, #tpu.memory_space<hbm>> -> memref<1x1x64xi32, #tpu.memory_space<hbm>>
        %dma_start3A_526 = tpu.memref_squeeze %dma_start3A_525 : memref<1x1x64xi32, #tpu.memory_space<hbm>> -> memref<64xi32, #tpu.memory_space<hbm>>
        %dma_start3A_527 = arith.constant 0 : i32
        %dma_start3A_528 = tpu.memref_slice %arg8[%dma_start3A_520, %dma_start3A_527] : memref<5x64xi32, #tpu.memory_space<vmem>> -> memref<1x64xi32, #tpu.memory_space<vmem>>
        %dma_start3A_529 = tpu.memref_squeeze %dma_start3A_528 : memref<1x64xi32, #tpu.memory_space<vmem>> -> memref<64xi32, #tpu.memory_space<vmem>>
        %dma_start3A_530 = arith.constant 0 : i32
        %dma_start3A_531 = tpu.memref_slice %arg4[%add3A, %add3A_519, %dma_start3A_530] : memref<32x160x64xi32, #tpu.memory_space<hbm>> -> memref<1x1x64xi32, #tpu.memory_space<hbm>>
        %dma_start3A_532 = tpu.memref_squeeze %dma_start3A_531 : memref<1x1x64xi32, #tpu.memory_space<hbm>> -> memref<64xi32, #tpu.memory_space<hbm>>
        tpu.enqueue_dma source(%dma_start3A_532 : memref<64xi32, #tpu.memory_space<hbm>>) target(%dma_start3A_529 : memref<64xi32, #tpu.memory_space<vmem>>) target_semaphore(%arg32 : memref<!tpu.dma_semaphore, #tpu.memory_space<semaphore_mem>>)
        %add3A_533 = arith.constant 5 : i32
        %add3A_534 = arith.addi %add3A_471, %add3A_533 : i32
        %dma_wait3A_535 = arith.constant 2 : i32
        %dma_wait3A_536 = arith.constant 0 : i32
        %dma_wait3A_537 = tpu.memref_slice %arg7[%dma_wait3A_535, %dma_wait3A_536] : memref<5x64xi32, #tpu.memory_space<vmem>> -> memref<1x64xi32, #tpu.memory_space<vmem>>
        %dma_wait3A_538 = tpu.memref_squeeze %dma_wait3A_537 : memref<1x64xi32, #tpu.memory_space<vmem>> -> memref<64xi32, #tpu.memory_space<vmem>>
        %dma_wait3A_539 = arith.constant 0 : i32
        %dma_wait3A_540 = tpu.memref_slice %arg3[%add3A, %add3A_534, %dma_wait3A_539] : memref<32x160x64xi32, #tpu.memory_space<hbm>> -> memref<1x1x64xi32, #tpu.memory_space<hbm>>
        %dma_wait3A_541 = tpu.memref_squeeze %dma_wait3A_540 : memref<1x1x64xi32, #tpu.memory_space<hbm>> -> memref<64xi32, #tpu.memory_space<hbm>>
        %dma_wait3A_542 = arith.constant 0 : i32
        %dma_wait3A_543 = tpu.memref_slice %arg7[%dma_wait3A_535, %dma_wait3A_542] : memref<5x64xi32, #tpu.memory_space<vmem>> -> memref<1x64xi32, #tpu.memory_space<vmem>>
        %dma_wait3A_544 = tpu.memref_squeeze %dma_wait3A_543 : memref<1x64xi32, #tpu.memory_space<vmem>> -> memref<64xi32, #tpu.memory_space<vmem>>
        %dma_wait3A_545 = arith.constant 0 : i32
        %dma_wait3A_546 = tpu.memref_slice %arg3[%add3A, %add3A_534, %dma_wait3A_545] : memref<32x160x64xi32, #tpu.memory_space<hbm>> -> memref<1x1x64xi32, #tpu.memory_space<hbm>>
        %dma_wait3A_547 = tpu.memref_squeeze %dma_wait3A_546 : memref<1x1x64xi32, #tpu.memory_space<hbm>> -> memref<64xi32, #tpu.memory_space<hbm>>
        tpu.wait_dma2 semaphore(%arg27 : memref<!tpu.dma_semaphore, #tpu.memory_space<semaphore_mem>>) src(%dma_wait3A_547 : memref<64xi32, #tpu.memory_space<hbm>>) dst(%dma_wait3A_544 : memref<64xi32, #tpu.memory_space<vmem>>)
        %dma_start3A_548 = arith.constant 2 : i32
        %dma_start3A_549 = arith.constant 0 : i32
        %dma_start3A_550 = tpu.memref_slice %arg7[%dma_start3A_548, %dma_start3A_549] : memref<5x64xi32, #tpu.memory_space<vmem>> -> memref<1x64xi32, #tpu.memory_space<vmem>>
        %dma_start3A_551 = tpu.memref_squeeze %dma_start3A_550 : memref<1x64xi32, #tpu.memory_space<vmem>> -> memref<64xi32, #tpu.memory_space<vmem>>
        %dma_start3A_552 = arith.constant 0 : i32
        %dma_start3A_553 = arith.constant 0 : i32
        %dma_start3A_554 = tpu.memref_slice %arg2[%dma_start3A_552, %dma_start3A_553] : memref<10240x128xf32, #tpu.memory_space<hbm>> -> memref<10240x128xf32, #tpu.memory_space<hbm>>
        tpu.enqueue_indirect_dma source(%dma_start3A_554 : memref<10240x128xf32, #tpu.memory_space<hbm>>) target(%arg11 : memref<64x128xf32, #tpu.memory_space<vmem>>) offsets(%dma_start3A_551 : memref<64xi32, #tpu.memory_space<vmem>>) semaphore(%arg17 : memref<!tpu.dma_semaphore, #tpu.memory_space<semaphore_mem>>)
      } else {
      }
      %add3A_486 = arith.constant 3 : i32
      %add3A_487 = arith.addi %add3A_255, %add3A_486 : i32
      %dma_wait3A_488 = arith.constant 3 : i32
      %dma_wait3A_489 = arith.constant 0 : i32
      %dma_wait3A_490 = tpu.memref_slice %arg8[%dma_wait3A_488, %dma_wait3A_489] : memref<5x64xi32, #tpu.memory_space<vmem>> -> memref<1x64xi32, #tpu.memory_space<vmem>>
      %dma_wait3A_491 = tpu.memref_squeeze %dma_wait3A_490 : memref<1x64xi32, #tpu.memory_space<vmem>> -> memref<64xi32, #tpu.memory_space<vmem>>
      %dma_wait3A_492 = arith.constant 0 : i32
      %dma_wait3A_493 = arith.constant 0 : i32
      %dma_wait3A_494 = tpu.memref_slice %arg14[%dma_wait3A_492, %dma_wait3A_493] : memref<10240x128xf32, #tpu.memory_space<vmem_shared>> -> memref<10240x128xf32, #tpu.memory_space<vmem_shared>>
      tpu.wait_indirect_dma semaphore(%arg23 : memref<!tpu.dma_semaphore, #tpu.memory_space<semaphore_mem>>) src(%arg12 : memref<64x128xf32, #tpu.memory_space<vmem>>) dst(%dma_wait3A_494 : memref<10240x128xf32, #tpu.memory_space<vmem_shared>>)
      %add3A_495 = arith.constant 5 : i32
      %add3A_496 = arith.addi %add3A_487, %add3A_495 : i32
      %lt3A_497 = arith.constant 160 : i32
      %lt3A_498 = arith.cmpi slt, %add3A_496, %lt3A_497 : i32
      %convert_element_type3A_499 = arith.extui %lt3A_498 : i1 to i32
      %cond3A_500 = arith.constant 0 : i32
      %cond3A_501 = arith.cmpi ne, %convert_element_type3A_499, %cond3A_500 : i32
      scf.if %cond3A_501 {
        %add3A_518 = arith.constant 5 : i32
        %add3A_519 = arith.addi %add3A_487, %add3A_518 : i32
        %dma_start3A_520 = arith.constant 3 : i32
        %dma_start3A_521 = arith.constant 0 : i32
        %dma_start3A_522 = tpu.memref_slice %arg8[%dma_start3A_520, %dma_start3A_521] : memref<5x64xi32, #tpu.memory_space<vmem>> -> memref<1x64xi32, #tpu.memory_space<vmem>>
        %dma_start3A_523 = tpu.memref_squeeze %dma_start3A_522 : memref<1x64xi32, #tpu.memory_space<vmem>> -> memref<64xi32, #tpu.memory_space<vmem>>
        %dma_start3A_524 = arith.constant 0 : i32
        %dma_start3A_525 = tpu.memref_slice %arg4[%add3A, %add3A_519, %dma_start3A_524] : memref<32x160x64xi32, #tpu.memory_space<hbm>> -> memref<1x1x64xi32, #tpu.memory_space<hbm>>
        %dma_start3A_526 = tpu.memref_squeeze %dma_start3A_525 : memref<1x1x64xi32, #tpu.memory_space<hbm>> -> memref<64xi32, #tpu.memory_space<hbm>>
        %dma_start3A_527 = arith.constant 0 : i32
        %dma_start3A_528 = tpu.memref_slice %arg8[%dma_start3A_520, %dma_start3A_527] : memref<5x64xi32, #tpu.memory_space<vmem>> -> memref<1x64xi32, #tpu.memory_space<vmem>>
        %dma_start3A_529 = tpu.memref_squeeze %dma_start3A_528 : memref<1x64xi32, #tpu.memory_space<vmem>> -> memref<64xi32, #tpu.memory_space<vmem>>
        %dma_start3A_530 = arith.constant 0 : i32
        %dma_start3A_531 = tpu.memref_slice %arg4[%add3A, %add3A_519, %dma_start3A_530] : memref<32x160x64xi32, #tpu.memory_space<hbm>> -> memref<1x1x64xi32, #tpu.memory_space<hbm>>
        %dma_start3A_532 = tpu.memref_squeeze %dma_start3A_531 : memref<1x1x64xi32, #tpu.memory_space<hbm>> -> memref<64xi32, #tpu.memory_space<hbm>>
        tpu.enqueue_dma source(%dma_start3A_532 : memref<64xi32, #tpu.memory_space<hbm>>) target(%dma_start3A_529 : memref<64xi32, #tpu.memory_space<vmem>>) target_semaphore(%arg33 : memref<!tpu.dma_semaphore, #tpu.memory_space<semaphore_mem>>)
        %add3A_533 = arith.constant 5 : i32
        %add3A_534 = arith.addi %add3A_487, %add3A_533 : i32
        %dma_wait3A_535 = arith.constant 3 : i32
        %dma_wait3A_536 = arith.constant 0 : i32
        %dma_wait3A_537 = tpu.memref_slice %arg7[%dma_wait3A_535, %dma_wait3A_536] : memref<5x64xi32, #tpu.memory_space<vmem>> -> memref<1x64xi32, #tpu.memory_space<vmem>>
        %dma_wait3A_538 = tpu.memref_squeeze %dma_wait3A_537 : memref<1x64xi32, #tpu.memory_space<vmem>> -> memref<64xi32, #tpu.memory_space<vmem>>
        %dma_wait3A_539 = arith.constant 0 : i32
        %dma_wait3A_540 = tpu.memref_slice %arg3[%add3A, %add3A_534, %dma_wait3A_539] : memref<32x160x64xi32, #tpu.memory_space<hbm>> -> memref<1x1x64xi32, #tpu.memory_space<hbm>>
        %dma_wait3A_541 = tpu.memref_squeeze %dma_wait3A_540 : memref<1x1x64xi32, #tpu.memory_space<hbm>> -> memref<64xi32, #tpu.memory_space<hbm>>
        %dma_wait3A_542 = arith.constant 0 : i32
        %dma_wait3A_543 = tpu.memref_slice %arg7[%dma_wait3A_535, %dma_wait3A_542] : memref<5x64xi32, #tpu.memory_space<vmem>> -> memref<1x64xi32, #tpu.memory_space<vmem>>
        %dma_wait3A_544 = tpu.memref_squeeze %dma_wait3A_543 : memref<1x64xi32, #tpu.memory_space<vmem>> -> memref<64xi32, #tpu.memory_space<vmem>>
        %dma_wait3A_545 = arith.constant 0 : i32
        %dma_wait3A_546 = tpu.memref_slice %arg3[%add3A, %add3A_534, %dma_wait3A_545] : memref<32x160x64xi32, #tpu.memory_space<hbm>> -> memref<1x1x64xi32, #tpu.memory_space<hbm>>
        %dma_wait3A_547 = tpu.memref_squeeze %dma_wait3A_546 : memref<1x1x64xi32, #tpu.memory_space<hbm>> -> memref<64xi32, #tpu.memory_space<hbm>>
        tpu.wait_dma2 semaphore(%arg28 : memref<!tpu.dma_semaphore, #tpu.memory_space<semaphore_mem>>) src(%dma_wait3A_547 : memref<64xi32, #tpu.memory_space<hbm>>) dst(%dma_wait3A_544 : memref<64xi32, #tpu.memory_space<vmem>>)
        %dma_start3A_548 = arith.constant 3 : i32
        %dma_start3A_549 = arith.constant 0 : i32
        %dma_start3A_550 = tpu.memref_slice %arg7[%dma_start3A_548, %dma_start3A_549] : memref<5x64xi32, #tpu.memory_space<vmem>> -> memref<1x64xi32, #tpu.memory_space<vmem>>
        %dma_start3A_551 = tpu.memref_squeeze %dma_start3A_550 : memref<1x64xi32, #tpu.memory_space<vmem>> -> memref<64xi32, #tpu.memory_space<vmem>>
        %dma_start3A_552 = arith.constant 0 : i32
        %dma_start3A_553 = arith.constant 0 : i32
        %dma_start3A_554 = tpu.memref_slice %arg2[%dma_start3A_552, %dma_start3A_553] : memref<10240x128xf32, #tpu.memory_space<hbm>> -> memref<10240x128xf32, #tpu.memory_space<hbm>>
        tpu.enqueue_indirect_dma source(%dma_start3A_554 : memref<10240x128xf32, #tpu.memory_space<hbm>>) target(%arg12 : memref<64x128xf32, #tpu.memory_space<vmem>>) offsets(%dma_start3A_551 : memref<64xi32, #tpu.memory_space<vmem>>) semaphore(%arg18 : memref<!tpu.dma_semaphore, #tpu.memory_space<semaphore_mem>>)
      } else {
      }
      %add3A_502 = arith.constant 4 : i32
      %add3A_503 = arith.addi %add3A_255, %add3A_502 : i32
      %dma_wait3A_504 = arith.constant 4 : i32
      %dma_wait3A_505 = arith.constant 0 : i32
      %dma_wait3A_506 = tpu.memref_slice %arg8[%dma_wait3A_504, %dma_wait3A_505] : memref<5x64xi32, #tpu.memory_space<vmem>> -> memref<1x64xi32, #tpu.memory_space<vmem>>
      %dma_wait3A_507 = tpu.memref_squeeze %dma_wait3A_506 : memref<1x64xi32, #tpu.memory_space<vmem>> -> memref<64xi32, #tpu.memory_space<vmem>>
      %dma_wait3A_508 = arith.constant 0 : i32
      %dma_wait3A_509 = arith.constant 0 : i32
      %dma_wait3A_510 = tpu.memref_slice %arg14[%dma_wait3A_508, %dma_wait3A_509] : memref<10240x128xf32, #tpu.memory_space<vmem_shared>> -> memref<10240x128xf32, #tpu.memory_space<vmem_shared>>
      tpu.wait_indirect_dma semaphore(%arg24 : memref<!tpu.dma_semaphore, #tpu.memory_space<semaphore_mem>>) src(%arg13 : memref<64x128xf32, #tpu.memory_space<vmem>>) dst(%dma_wait3A_510 : memref<10240x128xf32, #tpu.memory_space<vmem_shared>>)
      %add3A_511 = arith.constant 5 : i32
      %add3A_512 = arith.addi %add3A_503, %add3A_511 : i32
      %lt3A_513 = arith.constant 160 : i32
      %lt3A_514 = arith.cmpi slt, %add3A_512, %lt3A_513 : i32
      %convert_element_type3A_515 = arith.extui %lt3A_514 : i1 to i32
      %cond3A_516 = arith.constant 0 : i32
      %cond3A_517 = arith.cmpi ne, %convert_element_type3A_515, %cond3A_516 : i32
      scf.if %cond3A_517 {
        %add3A_518 = arith.constant 5 : i32
        %add3A_519 = arith.addi %add3A_503, %add3A_518 : i32
        %dma_start3A_520 = arith.constant 4 : i32
        %dma_start3A_521 = arith.constant 0 : i32
        %dma_start3A_522 = tpu.memref_slice %arg8[%dma_start3A_520, %dma_start3A_521] : memref<5x64xi32, #tpu.memory_space<vmem>> -> memref<1x64xi32, #tpu.memory_space<vmem>>
        %dma_start3A_523 = tpu.memref_squeeze %dma_start3A_522 : memref<1x64xi32, #tpu.memory_space<vmem>> -> memref<64xi32, #tpu.memory_space<vmem>>
        %dma_start3A_524 = arith.constant 0 : i32
        %dma_start3A_525 = tpu.memref_slice %arg4[%add3A, %add3A_519, %dma_start3A_524] : memref<32x160x64xi32, #tpu.memory_space<hbm>> -> memref<1x1x64xi32, #tpu.memory_space<hbm>>
        %dma_start3A_526 = tpu.memref_squeeze %dma_start3A_525 : memref<1x1x64xi32, #tpu.memory_space<hbm>> -> memref<64xi32, #tpu.memory_space<hbm>>
        %dma_start3A_527 = arith.constant 0 : i32
        %dma_start3A_528 = tpu.memref_slice %arg8[%dma_start3A_520, %dma_start3A_527] : memref<5x64xi32, #tpu.memory_space<vmem>> -> memref<1x64xi32, #tpu.memory_space<vmem>>
        %dma_start3A_529 = tpu.memref_squeeze %dma_start3A_528 : memref<1x64xi32, #tpu.memory_space<vmem>> -> memref<64xi32, #tpu.memory_space<vmem>>
        %dma_start3A_530 = arith.constant 0 : i32
        %dma_start3A_531 = tpu.memref_slice %arg4[%add3A, %add3A_519, %dma_start3A_530] : memref<32x160x64xi32, #tpu.memory_space<hbm>> -> memref<1x1x64xi32, #tpu.memory_space<hbm>>
        %dma_start3A_532 = tpu.memref_squeeze %dma_start3A_531 : memref<1x1x64xi32, #tpu.memory_space<hbm>> -> memref<64xi32, #tpu.memory_space<hbm>>
        tpu.enqueue_dma source(%dma_start3A_532 : memref<64xi32, #tpu.memory_space<hbm>>) target(%dma_start3A_529 : memref<64xi32, #tpu.memory_space<vmem>>) target_semaphore(%arg34 : memref<!tpu.dma_semaphore, #tpu.memory_space<semaphore_mem>>)
        %add3A_533 = arith.constant 5 : i32
        %add3A_534 = arith.addi %add3A_503, %add3A_533 : i32
        %dma_wait3A_535 = arith.constant 4 : i32
        %dma_wait3A_536 = arith.constant 0 : i32
        %dma_wait3A_537 = tpu.memref_slice %arg7[%dma_wait3A_535, %dma_wait3A_536] : memref<5x64xi32, #tpu.memory_space<vmem>> -> memref<1x64xi32, #tpu.memory_space<vmem>>
        %dma_wait3A_538 = tpu.memref_squeeze %dma_wait3A_537 : memref<1x64xi32, #tpu.memory_space<vmem>> -> memref<64xi32, #tpu.memory_space<vmem>>
        %dma_wait3A_539 = arith.constant 0 : i32
        %dma_wait3A_540 = tpu.memref_slice %arg3[%add3A, %add3A_534, %dma_wait3A_539] : memref<32x160x64xi32, #tpu.memory_space<hbm>> -> memref<1x1x64xi32, #tpu.memory_space<hbm>>
        %dma_wait3A_541 = tpu.memref_squeeze %dma_wait3A_540 : memref<1x1x64xi32, #tpu.memory_space<hbm>> -> memref<64xi32, #tpu.memory_space<hbm>>
        %dma_wait3A_542 = arith.constant 0 : i32
        %dma_wait3A_543 = tpu.memref_slice %arg7[%dma_wait3A_535, %dma_wait3A_542] : memref<5x64xi32, #tpu.memory_space<vmem>> -> memref<1x64xi32, #tpu.memory_space<vmem>>
        %dma_wait3A_544 = tpu.memref_squeeze %dma_wait3A_543 : memref<1x64xi32, #tpu.memory_space<vmem>> -> memref<64xi32, #tpu.memory_space<vmem>>
        %dma_wait3A_545 = arith.constant 0 : i32
        %dma_wait3A_546 = tpu.memref_slice %arg3[%add3A, %add3A_534, %dma_wait3A_545] : memref<32x160x64xi32, #tpu.memory_space<hbm>> -> memref<1x1x64xi32, #tpu.memory_space<hbm>>
        %dma_wait3A_547 = tpu.memref_squeeze %dma_wait3A_546 : memref<1x1x64xi32, #tpu.memory_space<hbm>> -> memref<64xi32, #tpu.memory_space<hbm>>
        tpu.wait_dma2 semaphore(%arg29 : memref<!tpu.dma_semaphore, #tpu.memory_space<semaphore_mem>>) src(%dma_wait3A_547 : memref<64xi32, #tpu.memory_space<hbm>>) dst(%dma_wait3A_544 : memref<64xi32, #tpu.memory_space<vmem>>)
        %dma_start3A_548 = arith.constant 4 : i32
        %dma_start3A_549 = arith.constant 0 : i32
        %dma_start3A_550 = tpu.memref_slice %arg7[%dma_start3A_548, %dma_start3A_549] : memref<5x64xi32, #tpu.memory_space<vmem>> -> memref<1x64xi32, #tpu.memory_space<vmem>>
        %dma_start3A_551 = tpu.memref_squeeze %dma_start3A_550 : memref<1x64xi32, #tpu.memory_space<vmem>> -> memref<64xi32, #tpu.memory_space<vmem>>
        %dma_start3A_552 = arith.constant 0 : i32
        %dma_start3A_553 = arith.constant 0 : i32
        %dma_start3A_554 = tpu.memref_slice %arg2[%dma_start3A_552, %dma_start3A_553] : memref<10240x128xf32, #tpu.memory_space<hbm>> -> memref<10240x128xf32, #tpu.memory_space<hbm>>
        tpu.enqueue_indirect_dma source(%dma_start3A_554 : memref<10240x128xf32, #tpu.memory_space<hbm>>) target(%arg13 : memref<64x128xf32, #tpu.memory_space<vmem>>) offsets(%dma_start3A_551 : memref<64xi32, #tpu.memory_space<vmem>>) semaphore(%arg19 : memref<!tpu.dma_semaphore, #tpu.memory_space<semaphore_mem>>)
      } else {
      }
    }
    %scan3A_249 = arith.constant 32 : i32
    %barrier3A_250 = arith.constant 0 : index
    tpu.barrier barrier_id(%barrier3A_250)
    "tpu.region"() ({
      %run_scoped3A = tpu.sem_alloc : memref<!tpu.dma_semaphore, #tpu.memory_space<semaphore_mem>>
      %dma_start3A_251 = arith.constant 0 : i32
      %dma_start3A_252 = tpu.memref_slice %arg6[%arg0, %mul3A_2, %dma_start3A_251] : memref<2x10240x128xf32, #tpu.memory_space<hbm>> -> memref<1x640x128xf32, #tpu.memory_space<hbm>>
      %dma_start3A_253 = tpu.memref_squeeze %dma_start3A_252 : memref<1x640x128xf32, #tpu.memory_space<hbm>> -> memref<640x128xf32, #tpu.memory_space<hbm>>
      %dma_start3A_254 = arith.constant 0 : i32
      %dma_start3A_255 = tpu.memref_slice %arg14[%mul3A_2, %dma_start3A_254] : memref<10240x128xf32, #tpu.memory_space<vmem_shared>> -> memref<640x128xf32, #tpu.memory_space<vmem_shared>>
      tpu.enqueue_dma source(%dma_start3A_255 : memref<640x128xf32, #tpu.memory_space<vmem_shared>>) target(%dma_start3A_253 : memref<640x128xf32, #tpu.memory_space<hbm>>) target_semaphore(%run_scoped3A : memref<!tpu.dma_semaphore, #tpu.memory_space<semaphore_mem>>)
      %dma_wait3A_256 = arith.constant 0 : i32
      %dma_wait3A_257 = tpu.memref_slice %arg6[%arg0, %mul3A_2, %dma_wait3A_256] : memref<2x10240x128xf32, #tpu.memory_space<hbm>> -> memref<1x640x128xf32, #tpu.memory_space<hbm>>
      %dma_wait3A_258 = tpu.memref_squeeze %dma_wait3A_257 : memref<1x640x128xf32, #tpu.memory_space<hbm>> -> memref<640x128xf32, #tpu.memory_space<hbm>>
      %dma_wait3A_259 = arith.constant 0 : i32
      %dma_wait3A_260 = tpu.memref_slice %arg14[%mul3A_2, %dma_wait3A_259] : memref<10240x128xf32, #tpu.memory_space<vmem_shared>> -> memref<640x128xf32, #tpu.memory_space<vmem_shared>>
      tpu.wait_dma2 semaphore(%run_scoped3A : memref<!tpu.dma_semaphore, #tpu.memory_space<semaphore_mem>>) src(%dma_wait3A_260 : memref<640x128xf32, #tpu.memory_space<vmem_shared>>) dst(%dma_wait3A_258 : memref<640x128xf32, #tpu.memory_space<hbm>>)
      tpu.yield
    }) : () -> ()
    return
  }
}

#map = affine_map<(d0, d1) -> (0, 0)>
#map1 = affine_map<(d0, d1) -> (0, 0, 0)>
module attributes {stable_mosaic.version = 14 : i64} {
  func.func @_prop_body(%arg0: i32, %arg1: i32, %arg2: memref<10240x128xf32, #tpu.memory_space<hbm>>, %arg3: memref<32x160x64xi32, #tpu.memory_space<hbm>>, %arg4: memref<32x160x64xi32, #tpu.memory_space<hbm>>, %arg5: memref<10240x128xf32, #tpu.memory_space<hbm>>, %arg6: memref<2x10240x128xf32, #tpu.memory_space<hbm>>, %arg7: memref<5x64xi32, #tpu.memory_space<vmem>>, %arg8: memref<5x64xi32, #tpu.memory_space<vmem>>, %arg9: memref<64x128xf32, #tpu.memory_space<vmem>>, %arg10: memref<64x128xf32, #tpu.memory_space<vmem>>, %arg11: memref<64x128xf32, #tpu.memory_space<vmem>>, %arg12: memref<64x128xf32, #tpu.memory_space<vmem>>, %arg13: memref<64x128xf32, #tpu.memory_space<vmem>>, %arg14: memref<10240x128xf32, #tpu.memory_space<vmem_shared>>, %arg15: memref<!tpu.dma_semaphore, #tpu.memory_space<semaphore_mem>>, %arg16: memref<!tpu.dma_semaphore, #tpu.memory_space<semaphore_mem>>, %arg17: memref<!tpu.dma_semaphore, #tpu.memory_space<semaphore_mem>>, %arg18: memref<!tpu.dma_semaphore, #tpu.memory_space<semaphore_mem>>, %arg19: memref<!tpu.dma_semaphore, #tpu.memory_space<semaphore_mem>>, %arg20: memref<!tpu.dma_semaphore, #tpu.memory_space<semaphore_mem>>, %arg21: memref<!tpu.dma_semaphore, #tpu.memory_space<semaphore_mem>>, %arg22: memref<!tpu.dma_semaphore, #tpu.memory_space<semaphore_mem>>, %arg23: memref<!tpu.dma_semaphore, #tpu.memory_space<semaphore_mem>>, %arg24: memref<!tpu.dma_semaphore, #tpu.memory_space<semaphore_mem>>, %arg25: memref<!tpu.dma_semaphore, #tpu.memory_space<semaphore_mem>>, %arg26: memref<!tpu.dma_semaphore, #tpu.memory_space<semaphore_mem>>, %arg27: memref<!tpu.dma_semaphore, #tpu.memory_space<semaphore_mem>>, %arg28: memref<!tpu.dma_semaphore, #tpu.memory_space<semaphore_mem>>, %arg29: memref<!tpu.dma_semaphore, #tpu.memory_space<semaphore_mem>>, %arg30: memref<!tpu.dma_semaphore, #tpu.memory_space<semaphore_mem>>, %arg31: memref<!tpu.dma_semaphore, #tpu.memory_space<semaphore_mem>>, %arg32: memref<!tpu.dma_semaphore, #tpu.memory_space<semaphore_mem>>, %arg33: memref<!tpu.dma_semaphore, #tpu.memory_space<semaphore_mem>>, %arg34: memref<!tpu.dma_semaphore, #tpu.memory_space<semaphore_mem>>) attributes {dimension_semantics = [#tpu.dimension_semantics<core_parallel>, #tpu.dimension_semantics<subcore_parallel>], iteration_bounds = array<i64: 2, 16>, scalar_prefetch = 0 : i64, scratch_operands = 28 : i64, tpu.core_type = #tpu.core_type<sc_vector_subcore>, window_params = [{transform_indices = #map}, {transform_indices = #map1}, {transform_indices = #map1}, {transform_indices = #map}, {transform_indices = #map1}]} {
    %mul3A = arith.constant 16 : i32
    %mul3A_0 = arith.muli %arg0, %mul3A : i32
    %add3A = arith.addi %mul3A_0, %arg1 : i32
    %mul3A_1 = arith.constant 640 : i32
    %mul3A_2 = arith.muli %arg1, %mul3A_1 : i32
    "tpu.region"() ({
      %run_scoped3A = tpu.sem_alloc : memref<!tpu.dma_semaphore, #tpu.memory_space<semaphore_mem>>
      %dma_start3A_251 = arith.constant 0 : i32
      %dma_start3A_252 = tpu.memref_slice %arg14[%mul3A_2, %dma_start3A_251] : memref<10240x128xf32, #tpu.memory_space<vmem_shared>> -> memref<640x128xf32, #tpu.memory_space<vmem_shared>>
      %dma_start3A_253 = arith.constant 0 : i32
      %dma_start3A_254 = tpu.memref_slice %arg5[%mul3A_2, %dma_start3A_253] : memref<10240x128xf32, #tpu.memory_space<hbm>> -> memref<640x128xf32, #tpu.memory_space<hbm>>
      tpu.enqueue_dma source(%dma_start3A_254 : memref<640x128xf32, #tpu.memory_space<hbm>>) target(%dma_start3A_252 : memref<640x128xf32, #tpu.memory_space<vmem_shared>>) target_semaphore(%run_scoped3A : memref<!tpu.dma_semaphore, #tpu.memory_space<semaphore_mem>>)
      %dma_wait3A_255 = arith.constant 0 : i32
      %dma_wait3A_256 = tpu.memref_slice %arg14[%mul3A_2, %dma_wait3A_255] : memref<10240x128xf32, #tpu.memory_space<vmem_shared>> -> memref<640x128xf32, #tpu.memory_space<vmem_shared>>
      %dma_wait3A_257 = arith.constant 0 : i32
      %dma_wait3A_258 = tpu.memref_slice %arg5[%mul3A_2, %dma_wait3A_257] : memref<10240x128xf32, #tpu.memory_space<hbm>> -> memref<640x128xf32, #tpu.memory_space<hbm>>
      tpu.wait_dma2 semaphore(%run_scoped3A : memref<!tpu.dma_semaphore, #tpu.memory_space<semaphore_mem>>) src(%dma_wait3A_258 : memref<640x128xf32, #tpu.memory_space<hbm>>) dst(%dma_wait3A_256 : memref<640x128xf32, #tpu.memory_space<vmem_shared>>)
      tpu.yield
    }) : () -> ()
    %barrier3A = arith.constant 0 : index
    tpu.barrier barrier_id(%barrier3A)
    %dma_start3A = arith.constant 0 : i32
    %dma_start3A_3 = arith.constant 0 : i32
    %dma_start3A_4 = arith.constant 0 : i32
    %dma_start3A_5 = tpu.memref_slice %arg7[%dma_start3A_3, %dma_start3A_4] : memref<5x64xi32, #tpu.memory_space<vmem>> -> memref<1x64xi32, #tpu.memory_space<vmem>>
    %dma_start3A_6 = tpu.memref_squeeze %dma_start3A_5 : memref<1x64xi32, #tpu.memory_space<vmem>> -> memref<64xi32, #tpu.memory_space<vmem>>
    %dma_start3A_7 = arith.constant 0 : i32
    %dma_start3A_8 = tpu.memref_slice %arg3[%add3A, %dma_start3A, %dma_start3A_7] : memref<32x160x64xi32, #tpu.memory_space<hbm>> -> memref<1x1x64xi32, #tpu.memory_space<hbm>>
    %dma_start3A_9 = tpu.memref_squeeze %dma_start3A_8 : memref<1x1x64xi32, #tpu.memory_space<hbm>> -> memref<64xi32, #tpu.memory_space<hbm>>
    %dma_start3A_10 = arith.constant 0 : i32
    %dma_start3A_11 = tpu.memref_slice %arg7[%dma_start3A_3, %dma_start3A_10] : memref<5x64xi32, #tpu.memory_space<vmem>> -> memref<1x64xi32, #tpu.memory_space<vmem>>
    %dma_start3A_12 = tpu.memref_squeeze %dma_start3A_11 : memref<1x64xi32, #tpu.memory_space<vmem>> -> memref<64xi32, #tpu.memory_space<vmem>>
    %dma_start3A_13 = arith.constant 0 : i32
    %dma_start3A_14 = tpu.memref_slice %arg3[%add3A, %dma_start3A, %dma_start3A_13] : memref<32x160x64xi32, #tpu.memory_space<hbm>> -> memref<1x1x64xi32, #tpu.memory_space<hbm>>
    %dma_start3A_15 = tpu.memref_squeeze %dma_start3A_14 : memref<1x1x64xi32, #tpu.memory_space<hbm>> -> memref<64xi32, #tpu.memory_space<hbm>>
    tpu.enqueue_dma source(%dma_start3A_15 : memref<64xi32, #tpu.memory_space<hbm>>) target(%dma_start3A_12 : memref<64xi32, #tpu.memory_space<vmem>>) target_semaphore(%arg25 : memref<!tpu.dma_semaphore, #tpu.memory_space<semaphore_mem>>)
    %dma_start3A_16 = arith.constant 0 : i32
    %dma_start3A_17 = arith.constant 0 : i32
    %dma_start3A_18 = arith.constant 0 : i32
    %dma_start3A_19 = tpu.memref_slice %arg8[%dma_start3A_17, %dma_start3A_18] : memref<5x64xi32, #tpu.memory_space<vmem>> -> memref<1x64xi32, #tpu.memory_space<vmem>>
    %dma_start3A_20 = tpu.memref_squeeze %dma_start3A_19 : memref<1x64xi32, #tpu.memory_space<vmem>> -> memref<64xi32, #tpu.memory_space<vmem>>
    %dma_start3A_21 = arith.constant 0 : i32
    %dma_start3A_22 = tpu.memref_slice %arg4[%add3A, %dma_start3A_16, %dma_start3A_21] : memref<32x160x64xi32, #tpu.memory_space<hbm>> -> memref<1x1x64xi32, #tpu.memory_space<hbm>>
    %dma_start3A_23 = tpu.memref_squeeze %dma_start3A_22 : memref<1x1x64xi32, #tpu.memory_space<hbm>> -> memref<64xi32, #tpu.memory_space<hbm>>
    %dma_start3A_24 = arith.constant 0 : i32
    %dma_start3A_25 = tpu.memref_slice %arg8[%dma_start3A_17, %dma_start3A_24] : memref<5x64xi32, #tpu.memory_space<vmem>> -> memref<1x64xi32, #tpu.memory_space<vmem>>
    %dma_start3A_26 = tpu.memref_squeeze %dma_start3A_25 : memref<1x64xi32, #tpu.memory_space<vmem>> -> memref<64xi32, #tpu.memory_space<vmem>>
    %dma_start3A_27 = arith.constant 0 : i32
    %dma_start3A_28 = tpu.memref_slice %arg4[%add3A, %dma_start3A_16, %dma_start3A_27] : memref<32x160x64xi32, #tpu.memory_space<hbm>> -> memref<1x1x64xi32, #tpu.memory_space<hbm>>
    %dma_start3A_29 = tpu.memref_squeeze %dma_start3A_28 : memref<1x1x64xi32, #tpu.memory_space<hbm>> -> memref<64xi32, #tpu.memory_space<hbm>>
    tpu.enqueue_dma source(%dma_start3A_29 : memref<64xi32, #tpu.memory_space<hbm>>) target(%dma_start3A_26 : memref<64xi32, #tpu.memory_space<vmem>>) target_semaphore(%arg30 : memref<!tpu.dma_semaphore, #tpu.memory_space<semaphore_mem>>)
    %dma_start3A_30 = arith.constant 1 : i32
    %dma_start3A_31 = arith.constant 1 : i32
    %dma_start3A_32 = arith.constant 0 : i32
    %dma_start3A_33 = tpu.memref_slice %arg7[%dma_start3A_31, %dma_start3A_32] : memref<5x64xi32, #tpu.memory_space<vmem>> -> memref<1x64xi32, #tpu.memory_space<vmem>>
    %dma_start3A_34 = tpu.memref_squeeze %dma_start3A_33 : memref<1x64xi32, #tpu.memory_space<vmem>> -> memref<64xi32, #tpu.memory_space<vmem>>
    %dma_start3A_35 = arith.constant 0 : i32
    %dma_start3A_36 = tpu.memref_slice %arg3[%add3A, %dma_start3A_30, %dma_start3A_35] : memref<32x160x64xi32, #tpu.memory_space<hbm>> -> memref<1x1x64xi32, #tpu.memory_space<hbm>>
    %dma_start3A_37 = tpu.memref_squeeze %dma_start3A_36 : memref<1x1x64xi32, #tpu.memory_space<hbm>> -> memref<64xi32, #tpu.memory_space<hbm>>
    %dma_start3A_38 = arith.constant 0 : i32
    %dma_start3A_39 = tpu.memref_slice %arg7[%dma_start3A_31, %dma_start3A_38] : memref<5x64xi32, #tpu.memory_space<vmem>> -> memref<1x64xi32, #tpu.memory_space<vmem>>
    %dma_start3A_40 = tpu.memref_squeeze %dma_start3A_39 : memref<1x64xi32, #tpu.memory_space<vmem>> -> memref<64xi32, #tpu.memory_space<vmem>>
    %dma_start3A_41 = arith.constant 0 : i32
    %dma_start3A_42 = tpu.memref_slice %arg3[%add3A, %dma_start3A_30, %dma_start3A_41] : memref<32x160x64xi32, #tpu.memory_space<hbm>> -> memref<1x1x64xi32, #tpu.memory_space<hbm>>
    %dma_start3A_43 = tpu.memref_squeeze %dma_start3A_42 : memref<1x1x64xi32, #tpu.memory_space<hbm>> -> memref<64xi32, #tpu.memory_space<hbm>>
    tpu.enqueue_dma source(%dma_start3A_43 : memref<64xi32, #tpu.memory_space<hbm>>) target(%dma_start3A_40 : memref<64xi32, #tpu.memory_space<vmem>>) target_semaphore(%arg26 : memref<!tpu.dma_semaphore, #tpu.memory_space<semaphore_mem>>)
    %dma_start3A_44 = arith.constant 1 : i32
    %dma_start3A_45 = arith.constant 1 : i32
    %dma_start3A_46 = arith.constant 0 : i32
    %dma_start3A_47 = tpu.memref_slice %arg8[%dma_start3A_45, %dma_start3A_46] : memref<5x64xi32, #tpu.memory_space<vmem>> -> memref<1x64xi32, #tpu.memory_space<vmem>>
    %dma_start3A_48 = tpu.memref_squeeze %dma_start3A_47 : memref<1x64xi32, #tpu.memory_space<vmem>> -> memref<64xi32, #tpu.memory_space<vmem>>
    %dma_start3A_49 = arith.constant 0 : i32
    %dma_start3A_50 = tpu.memref_slice %arg4[%add3A, %dma_start3A_44, %dma_start3A_49] : memref<32x160x64xi32, #tpu.memory_space<hbm>> -> memref<1x1x64xi32, #tpu.memory_space<hbm>>
    %dma_start3A_51 = tpu.memref_squeeze %dma_start3A_50 : memref<1x1x64xi32, #tpu.memory_space<hbm>> -> memref<64xi32, #tpu.memory_space<hbm>>
    %dma_start3A_52 = arith.constant 0 : i32
    %dma_start3A_53 = tpu.memref_slice %arg8[%dma_start3A_45, %dma_start3A_52] : memref<5x64xi32, #tpu.memory_space<vmem>> -> memref<1x64xi32, #tpu.memory_space<vmem>>
    %dma_start3A_54 = tpu.memref_squeeze %dma_start3A_53 : memref<1x64xi32, #tpu.memory_space<vmem>> -> memref<64xi32, #tpu.memory_space<vmem>>
    %dma_start3A_55 = arith.constant 0 : i32
    %dma_start3A_56 = tpu.memref_slice %arg4[%add3A, %dma_start3A_44, %dma_start3A_55] : memref<32x160x64xi32, #tpu.memory_space<hbm>> -> memref<1x1x64xi32, #tpu.memory_space<hbm>>
    %dma_start3A_57 = tpu.memref_squeeze %dma_start3A_56 : memref<1x1x64xi32, #tpu.memory_space<hbm>> -> memref<64xi32, #tpu.memory_space<hbm>>
    tpu.enqueue_dma source(%dma_start3A_57 : memref<64xi32, #tpu.memory_space<hbm>>) target(%dma_start3A_54 : memref<64xi32, #tpu.memory_space<vmem>>) target_semaphore(%arg31 : memref<!tpu.dma_semaphore, #tpu.memory_space<semaphore_mem>>)
    %dma_start3A_58 = arith.constant 2 : i32
    %dma_start3A_59 = arith.constant 2 : i32
    %dma_start3A_60 = arith.constant 0 : i32
    %dma_start3A_61 = tpu.memref_slice %arg7[%dma_start3A_59, %dma_start3A_60] : memref<5x64xi32, #tpu.memory_space<vmem>> -> memref<1x64xi32, #tpu.memory_space<vmem>>
    %dma_start3A_62 = tpu.memref_squeeze %dma_start3A_61 : memref<1x64xi32, #tpu.memory_space<vmem>> -> memref<64xi32, #tpu.memory_space<vmem>>
    %dma_start3A_63 = arith.constant 0 : i32
    %dma_start3A_64 = tpu.memref_slice %arg3[%add3A, %dma_start3A_58, %dma_start3A_63] : memref<32x160x64xi32, #tpu.memory_space<hbm>> -> memref<1x1x64xi32, #tpu.memory_space<hbm>>
    %dma_start3A_65 = tpu.memref_squeeze %dma_start3A_64 : memref<1x1x64xi32, #tpu.memory_space<hbm>> -> memref<64xi32, #tpu.memory_space<hbm>>
    %dma_start3A_66 = arith.constant 0 : i32
    %dma_start3A_67 = tpu.memref_slice %arg7[%dma_start3A_59, %dma_start3A_66] : memref<5x64xi32, #tpu.memory_space<vmem>> -> memref<1x64xi32, #tpu.memory_space<vmem>>
    %dma_start3A_68 = tpu.memref_squeeze %dma_start3A_67 : memref<1x64xi32, #tpu.memory_space<vmem>> -> memref<64xi32, #tpu.memory_space<vmem>>
    %dma_start3A_69 = arith.constant 0 : i32
    %dma_start3A_70 = tpu.memref_slice %arg3[%add3A, %dma_start3A_58, %dma_start3A_69] : memref<32x160x64xi32, #tpu.memory_space<hbm>> -> memref<1x1x64xi32, #tpu.memory_space<hbm>>
    %dma_start3A_71 = tpu.memref_squeeze %dma_start3A_70 : memref<1x1x64xi32, #tpu.memory_space<hbm>> -> memref<64xi32, #tpu.memory_space<hbm>>
    tpu.enqueue_dma source(%dma_start3A_71 : memref<64xi32, #tpu.memory_space<hbm>>) target(%dma_start3A_68 : memref<64xi32, #tpu.memory_space<vmem>>) target_semaphore(%arg27 : memref<!tpu.dma_semaphore, #tpu.memory_space<semaphore_mem>>)
    %dma_start3A_72 = arith.constant 2 : i32
    %dma_start3A_73 = arith.constant 2 : i32
    %dma_start3A_74 = arith.constant 0 : i32
    %dma_start3A_75 = tpu.memref_slice %arg8[%dma_start3A_73, %dma_start3A_74] : memref<5x64xi32, #tpu.memory_space<vmem>> -> memref<1x64xi32, #tpu.memory_space<vmem>>
    %dma_start3A_76 = tpu.memref_squeeze %dma_start3A_75 : memref<1x64xi32, #tpu.memory_space<vmem>> -> memref<64xi32, #tpu.memory_space<vmem>>
    %dma_start3A_77 = arith.constant 0 : i32
    %dma_start3A_78 = tpu.memref_slice %arg4[%add3A, %dma_start3A_72, %dma_start3A_77] : memref<32x160x64xi32, #tpu.memory_space<hbm>> -> memref<1x1x64xi32, #tpu.memory_space<hbm>>
    %dma_start3A_79 = tpu.memref_squeeze %dma_start3A_78 : memref<1x1x64xi32, #tpu.memory_space<hbm>> -> memref<64xi32, #tpu.memory_space<hbm>>
    %dma_start3A_80 = arith.constant 0 : i32
    %dma_start3A_81 = tpu.memref_slice %arg8[%dma_start3A_73, %dma_start3A_80] : memref<5x64xi32, #tpu.memory_space<vmem>> -> memref<1x64xi32, #tpu.memory_space<vmem>>
    %dma_start3A_82 = tpu.memref_squeeze %dma_start3A_81 : memref<1x64xi32, #tpu.memory_space<vmem>> -> memref<64xi32, #tpu.memory_space<vmem>>
    %dma_start3A_83 = arith.constant 0 : i32
    %dma_start3A_84 = tpu.memref_slice %arg4[%add3A, %dma_start3A_72, %dma_start3A_83] : memref<32x160x64xi32, #tpu.memory_space<hbm>> -> memref<1x1x64xi32, #tpu.memory_space<hbm>>
    %dma_start3A_85 = tpu.memref_squeeze %dma_start3A_84 : memref<1x1x64xi32, #tpu.memory_space<hbm>> -> memref<64xi32, #tpu.memory_space<hbm>>
    tpu.enqueue_dma source(%dma_start3A_85 : memref<64xi32, #tpu.memory_space<hbm>>) target(%dma_start3A_82 : memref<64xi32, #tpu.memory_space<vmem>>) target_semaphore(%arg32 : memref<!tpu.dma_semaphore, #tpu.memory_space<semaphore_mem>>)
    %dma_start3A_86 = arith.constant 3 : i32
    %dma_start3A_87 = arith.constant 3 : i32
    %dma_start3A_88 = arith.constant 0 : i32
    %dma_start3A_89 = tpu.memref_slice %arg7[%dma_start3A_87, %dma_start3A_88] : memref<5x64xi32, #tpu.memory_space<vmem>> -> memref<1x64xi32, #tpu.memory_space<vmem>>
    %dma_start3A_90 = tpu.memref_squeeze %dma_start3A_89 : memref<1x64xi32, #tpu.memory_space<vmem>> -> memref<64xi32, #tpu.memory_space<vmem>>
    %dma_start3A_91 = arith.constant 0 : i32
    %dma_start3A_92 = tpu.memref_slice %arg3[%add3A, %dma_start3A_86, %dma_start3A_91] : memref<32x160x64xi32, #tpu.memory_space<hbm>> -> memref<1x1x64xi32, #tpu.memory_space<hbm>>
    %dma_start3A_93 = tpu.memref_squeeze %dma_start3A_92 : memref<1x1x64xi32, #tpu.memory_space<hbm>> -> memref<64xi32, #tpu.memory_space<hbm>>
    %dma_start3A_94 = arith.constant 0 : i32
    %dma_start3A_95 = tpu.memref_slice %arg7[%dma_start3A_87, %dma_start3A_94] : memref<5x64xi32, #tpu.memory_space<vmem>> -> memref<1x64xi32, #tpu.memory_space<vmem>>
    %dma_start3A_96 = tpu.memref_squeeze %dma_start3A_95 : memref<1x64xi32, #tpu.memory_space<vmem>> -> memref<64xi32, #tpu.memory_space<vmem>>
    %dma_start3A_97 = arith.constant 0 : i32
    %dma_start3A_98 = tpu.memref_slice %arg3[%add3A, %dma_start3A_86, %dma_start3A_97] : memref<32x160x64xi32, #tpu.memory_space<hbm>> -> memref<1x1x64xi32, #tpu.memory_space<hbm>>
    %dma_start3A_99 = tpu.memref_squeeze %dma_start3A_98 : memref<1x1x64xi32, #tpu.memory_space<hbm>> -> memref<64xi32, #tpu.memory_space<hbm>>
    tpu.enqueue_dma source(%dma_start3A_99 : memref<64xi32, #tpu.memory_space<hbm>>) target(%dma_start3A_96 : memref<64xi32, #tpu.memory_space<vmem>>) target_semaphore(%arg28 : memref<!tpu.dma_semaphore, #tpu.memory_space<semaphore_mem>>)
    %dma_start3A_100 = arith.constant 3 : i32
    %dma_start3A_101 = arith.constant 3 : i32
    %dma_start3A_102 = arith.constant 0 : i32
    %dma_start3A_103 = tpu.memref_slice %arg8[%dma_start3A_101, %dma_start3A_102] : memref<5x64xi32, #tpu.memory_space<vmem>> -> memref<1x64xi32, #tpu.memory_space<vmem>>
    %dma_start3A_104 = tpu.memref_squeeze %dma_start3A_103 : memref<1x64xi32, #tpu.memory_space<vmem>> -> memref<64xi32, #tpu.memory_space<vmem>>
    %dma_start3A_105 = arith.constant 0 : i32
    %dma_start3A_106 = tpu.memref_slice %arg4[%add3A, %dma_start3A_100, %dma_start3A_105] : memref<32x160x64xi32, #tpu.memory_space<hbm>> -> memref<1x1x64xi32, #tpu.memory_space<hbm>>
    %dma_start3A_107 = tpu.memref_squeeze %dma_start3A_106 : memref<1x1x64xi32, #tpu.memory_space<hbm>> -> memref<64xi32, #tpu.memory_space<hbm>>
    %dma_start3A_108 = arith.constant 0 : i32
    %dma_start3A_109 = tpu.memref_slice %arg8[%dma_start3A_101, %dma_start3A_108] : memref<5x64xi32, #tpu.memory_space<vmem>> -> memref<1x64xi32, #tpu.memory_space<vmem>>
    %dma_start3A_110 = tpu.memref_squeeze %dma_start3A_109 : memref<1x64xi32, #tpu.memory_space<vmem>> -> memref<64xi32, #tpu.memory_space<vmem>>
    %dma_start3A_111 = arith.constant 0 : i32
    %dma_start3A_112 = tpu.memref_slice %arg4[%add3A, %dma_start3A_100, %dma_start3A_111] : memref<32x160x64xi32, #tpu.memory_space<hbm>> -> memref<1x1x64xi32, #tpu.memory_space<hbm>>
    %dma_start3A_113 = tpu.memref_squeeze %dma_start3A_112 : memref<1x1x64xi32, #tpu.memory_space<hbm>> -> memref<64xi32, #tpu.memory_space<hbm>>
    tpu.enqueue_dma source(%dma_start3A_113 : memref<64xi32, #tpu.memory_space<hbm>>) target(%dma_start3A_110 : memref<64xi32, #tpu.memory_space<vmem>>) target_semaphore(%arg33 : memref<!tpu.dma_semaphore, #tpu.memory_space<semaphore_mem>>)
    %dma_start3A_114 = arith.constant 4 : i32
    %dma_start3A_115 = arith.constant 4 : i32
    %dma_start3A_116 = arith.constant 0 : i32
    %dma_start3A_117 = tpu.memref_slice %arg7[%dma_start3A_115, %dma_start3A_116] : memref<5x64xi32, #tpu.memory_space<vmem>> -> memref<1x64xi32, #tpu.memory_space<vmem>>
    %dma_start3A_118 = tpu.memref_squeeze %dma_start3A_117 : memref<1x64xi32, #tpu.memory_space<vmem>> -> memref<64xi32, #tpu.memory_space<vmem>>
    %dma_start3A_119 = arith.constant 0 : i32
    %dma_start3A_120 = tpu.memref_slice %arg3[%add3A, %dma_start3A_114, %dma_start3A_119] : memref<32x160x64xi32, #tpu.memory_space<hbm>> -> memref<1x1x64xi32, #tpu.memory_space<hbm>>
    %dma_start3A_121 = tpu.memref_squeeze %dma_start3A_120 : memref<1x1x64xi32, #tpu.memory_space<hbm>> -> memref<64xi32, #tpu.memory_space<hbm>>
    %dma_start3A_122 = arith.constant 0 : i32
    %dma_start3A_123 = tpu.memref_slice %arg7[%dma_start3A_115, %dma_start3A_122] : memref<5x64xi32, #tpu.memory_space<vmem>> -> memref<1x64xi32, #tpu.memory_space<vmem>>
    %dma_start3A_124 = tpu.memref_squeeze %dma_start3A_123 : memref<1x64xi32, #tpu.memory_space<vmem>> -> memref<64xi32, #tpu.memory_space<vmem>>
    %dma_start3A_125 = arith.constant 0 : i32
    %dma_start3A_126 = tpu.memref_slice %arg3[%add3A, %dma_start3A_114, %dma_start3A_125] : memref<32x160x64xi32, #tpu.memory_space<hbm>> -> memref<1x1x64xi32, #tpu.memory_space<hbm>>
    %dma_start3A_127 = tpu.memref_squeeze %dma_start3A_126 : memref<1x1x64xi32, #tpu.memory_space<hbm>> -> memref<64xi32, #tpu.memory_space<hbm>>
    tpu.enqueue_dma source(%dma_start3A_127 : memref<64xi32, #tpu.memory_space<hbm>>) target(%dma_start3A_124 : memref<64xi32, #tpu.memory_space<vmem>>) target_semaphore(%arg29 : memref<!tpu.dma_semaphore, #tpu.memory_space<semaphore_mem>>)
    %dma_start3A_128 = arith.constant 4 : i32
    %dma_start3A_129 = arith.constant 4 : i32
    %dma_start3A_130 = arith.constant 0 : i32
    %dma_start3A_131 = tpu.memref_slice %arg8[%dma_start3A_129, %dma_start3A_130] : memref<5x64xi32, #tpu.memory_space<vmem>> -> memref<1x64xi32, #tpu.memory_space<vmem>>
    %dma_start3A_132 = tpu.memref_squeeze %dma_start3A_131 : memref<1x64xi32, #tpu.memory_space<vmem>> -> memref<64xi32, #tpu.memory_space<vmem>>
    %dma_start3A_133 = arith.constant 0 : i32
    %dma_start3A_134 = tpu.memref_slice %arg4[%add3A, %dma_start3A_128, %dma_start3A_133] : memref<32x160x64xi32, #tpu.memory_space<hbm>> -> memref<1x1x64xi32, #tpu.memory_space<hbm>>
    %dma_start3A_135 = tpu.memref_squeeze %dma_start3A_134 : memref<1x1x64xi32, #tpu.memory_space<hbm>> -> memref<64xi32, #tpu.memory_space<hbm>>
    %dma_start3A_136 = arith.constant 0 : i32
    %dma_start3A_137 = tpu.memref_slice %arg8[%dma_start3A_129, %dma_start3A_136] : memref<5x64xi32, #tpu.memory_space<vmem>> -> memref<1x64xi32, #tpu.memory_space<vmem>>
    %dma_start3A_138 = tpu.memref_squeeze %dma_start3A_137 : memref<1x64xi32, #tpu.memory_space<vmem>> -> memref<64xi32, #tpu.memory_space<vmem>>
    %dma_start3A_139 = arith.constant 0 : i32
    %dma_start3A_140 = tpu.memref_slice %arg4[%add3A, %dma_start3A_128, %dma_start3A_139] : memref<32x160x64xi32, #tpu.memory_space<hbm>> -> memref<1x1x64xi32, #tpu.memory_space<hbm>>
    %dma_start3A_141 = tpu.memref_squeeze %dma_start3A_140 : memref<1x1x64xi32, #tpu.memory_space<hbm>> -> memref<64xi32, #tpu.memory_space<hbm>>
    tpu.enqueue_dma source(%dma_start3A_141 : memref<64xi32, #tpu.memory_space<hbm>>) target(%dma_start3A_138 : memref<64xi32, #tpu.memory_space<vmem>>) target_semaphore(%arg34 : memref<!tpu.dma_semaphore, #tpu.memory_space<semaphore_mem>>)
    %dma_wait3A = arith.constant 0 : i32
    %dma_wait3A_142 = arith.constant 0 : i32
    %dma_wait3A_143 = arith.constant 0 : i32
    %dma_wait3A_144 = tpu.memref_slice %arg7[%dma_wait3A_142, %dma_wait3A_143] : memref<5x64xi32, #tpu.memory_space<vmem>> -> memref<1x64xi32, #tpu.memory_space<vmem>>
    %dma_wait3A_145 = tpu.memref_squeeze %dma_wait3A_144 : memref<1x64xi32, #tpu.memory_space<vmem>> -> memref<64xi32, #tpu.memory_space<vmem>>
    %dma_wait3A_146 = arith.constant 0 : i32
    %dma_wait3A_147 = tpu.memref_slice %arg3[%add3A, %dma_wait3A, %dma_wait3A_146] : memref<32x160x64xi32, #tpu.memory_space<hbm>> -> memref<1x1x64xi32, #tpu.memory_space<hbm>>
    %dma_wait3A_148 = tpu.memref_squeeze %dma_wait3A_147 : memref<1x1x64xi32, #tpu.memory_space<hbm>> -> memref<64xi32, #tpu.memory_space<hbm>>
    %dma_wait3A_149 = arith.constant 0 : i32
    %dma_wait3A_150 = tpu.memref_slice %arg7[%dma_wait3A_142, %dma_wait3A_149] : memref<5x64xi32, #tpu.memory_space<vmem>> -> memref<1x64xi32, #tpu.memory_space<vmem>>
    %dma_wait3A_151 = tpu.memref_squeeze %dma_wait3A_150 : memref<1x64xi32, #tpu.memory_space<vmem>> -> memref<64xi32, #tpu.memory_space<vmem>>
    %dma_wait3A_152 = arith.constant 0 : i32
    %dma_wait3A_153 = tpu.memref_slice %arg3[%add3A, %dma_wait3A, %dma_wait3A_152] : memref<32x160x64xi32, #tpu.memory_space<hbm>> -> memref<1x1x64xi32, #tpu.memory_space<hbm>>
    %dma_wait3A_154 = tpu.memref_squeeze %dma_wait3A_153 : memref<1x1x64xi32, #tpu.memory_space<hbm>> -> memref<64xi32, #tpu.memory_space<hbm>>
    tpu.wait_dma2 semaphore(%arg25 : memref<!tpu.dma_semaphore, #tpu.memory_space<semaphore_mem>>) src(%dma_wait3A_154 : memref<64xi32, #tpu.memory_space<hbm>>) dst(%dma_wait3A_151 : memref<64xi32, #tpu.memory_space<vmem>>)
    %dma_start3A_155 = arith.constant 0 : i32
    %dma_start3A_156 = arith.constant 0 : i32
    %dma_start3A_157 = tpu.memref_slice %arg7[%dma_start3A_155, %dma_start3A_156] : memref<5x64xi32, #tpu.memory_space<vmem>> -> memref<1x64xi32, #tpu.memory_space<vmem>>
    %dma_start3A_158 = tpu.memref_squeeze %dma_start3A_157 : memref<1x64xi32, #tpu.memory_space<vmem>> -> memref<64xi32, #tpu.memory_space<vmem>>
    %dma_start3A_159 = arith.constant 0 : i32
    %dma_start3A_160 = arith.constant 0 : i32
    %dma_start3A_161 = tpu.memref_slice %arg2[%dma_start3A_159, %dma_start3A_160] : memref<10240x128xf32, #tpu.memory_space<hbm>> -> memref<10240x128xf32, #tpu.memory_space<hbm>>
    tpu.enqueue_indirect_dma source(%dma_start3A_161 : memref<10240x128xf32, #tpu.memory_space<hbm>>) target(%arg9 : memref<64x128xf32, #tpu.memory_space<vmem>>) offsets(%dma_start3A_158 : memref<64xi32, #tpu.memory_space<vmem>>) semaphore(%arg15 : memref<!tpu.dma_semaphore, #tpu.memory_space<semaphore_mem>>)
    %dma_wait3A_162 = arith.constant 1 : i32
    %dma_wait3A_163 = arith.constant 1 : i32
    %dma_wait3A_164 = arith.constant 0 : i32
    %dma_wait3A_165 = tpu.memref_slice %arg7[%dma_wait3A_163, %dma_wait3A_164] : memref<5x64xi32, #tpu.memory_space<vmem>> -> memref<1x64xi32, #tpu.memory_space<vmem>>
    %dma_wait3A_166 = tpu.memref_squeeze %dma_wait3A_165 : memref<1x64xi32, #tpu.memory_space<vmem>> -> memref<64xi32, #tpu.memory_space<vmem>>
    %dma_wait3A_167 = arith.constant 0 : i32
    %dma_wait3A_168 = tpu.memref_slice %arg3[%add3A, %dma_wait3A_162, %dma_wait3A_167] : memref<32x160x64xi32, #tpu.memory_space<hbm>> -> memref<1x1x64xi32, #tpu.memory_space<hbm>>
    %dma_wait3A_169 = tpu.memref_squeeze %dma_wait3A_168 : memref<1x1x64xi32, #tpu.memory_space<hbm>> -> memref<64xi32, #tpu.memory_space<hbm>>
    %dma_wait3A_170 = arith.constant 0 : i32
    %dma_wait3A_171 = tpu.memref_slice %arg7[%dma_wait3A_163, %dma_wait3A_170] : memref<5x64xi32, #tpu.memory_space<vmem>> -> memref<1x64xi32, #tpu.memory_space<vmem>>
    %dma_wait3A_172 = tpu.memref_squeeze %dma_wait3A_171 : memref<1x64xi32, #tpu.memory_space<vmem>> -> memref<64xi32, #tpu.memory_space<vmem>>
    %dma_wait3A_173 = arith.constant 0 : i32
    %dma_wait3A_174 = tpu.memref_slice %arg3[%add3A, %dma_wait3A_162, %dma_wait3A_173] : memref<32x160x64xi32, #tpu.memory_space<hbm>> -> memref<1x1x64xi32, #tpu.memory_space<hbm>>
    %dma_wait3A_175 = tpu.memref_squeeze %dma_wait3A_174 : memref<1x1x64xi32, #tpu.memory_space<hbm>> -> memref<64xi32, #tpu.memory_space<hbm>>
    tpu.wait_dma2 semaphore(%arg26 : memref<!tpu.dma_semaphore, #tpu.memory_space<semaphore_mem>>) src(%dma_wait3A_175 : memref<64xi32, #tpu.memory_space<hbm>>) dst(%dma_wait3A_172 : memref<64xi32, #tpu.memory_space<vmem>>)
    %dma_start3A_176 = arith.constant 1 : i32
    %dma_start3A_177 = arith.constant 0 : i32
    %dma_start3A_178 = tpu.memref_slice %arg7[%dma_start3A_176, %dma_start3A_177] : memref<5x64xi32, #tpu.memory_space<vmem>> -> memref<1x64xi32, #tpu.memory_space<vmem>>
    %dma_start3A_179 = tpu.memref_squeeze %dma_start3A_178 : memref<1x64xi32, #tpu.memory_space<vmem>> -> memref<64xi32, #tpu.memory_space<vmem>>
    %dma_start3A_180 = arith.constant 0 : i32
    %dma_start3A_181 = arith.constant 0 : i32
    %dma_start3A_182 = tpu.memref_slice %arg2[%dma_start3A_180, %dma_start3A_181] : memref<10240x128xf32, #tpu.memory_space<hbm>> -> memref<10240x128xf32, #tpu.memory_space<hbm>>
    tpu.enqueue_indirect_dma source(%dma_start3A_182 : memref<10240x128xf32, #tpu.memory_space<hbm>>) target(%arg10 : memref<64x128xf32, #tpu.memory_space<vmem>>) offsets(%dma_start3A_179 : memref<64xi32, #tpu.memory_space<vmem>>) semaphore(%arg16 : memref<!tpu.dma_semaphore, #tpu.memory_space<semaphore_mem>>)
    %dma_wait3A_183 = arith.constant 2 : i32
    %dma_wait3A_184 = arith.constant 2 : i32
    %dma_wait3A_185 = arith.constant 0 : i32
    %dma_wait3A_186 = tpu.memref_slice %arg7[%dma_wait3A_184, %dma_wait3A_185] : memref<5x64xi32, #tpu.memory_space<vmem>> -> memref<1x64xi32, #tpu.memory_space<vmem>>
    %dma_wait3A_187 = tpu.memref_squeeze %dma_wait3A_186 : memref<1x64xi32, #tpu.memory_space<vmem>> -> memref<64xi32, #tpu.memory_space<vmem>>
    %dma_wait3A_188 = arith.constant 0 : i32
    %dma_wait3A_189 = tpu.memref_slice %arg3[%add3A, %dma_wait3A_183, %dma_wait3A_188] : memref<32x160x64xi32, #tpu.memory_space<hbm>> -> memref<1x1x64xi32, #tpu.memory_space<hbm>>
    %dma_wait3A_190 = tpu.memref_squeeze %dma_wait3A_189 : memref<1x1x64xi32, #tpu.memory_space<hbm>> -> memref<64xi32, #tpu.memory_space<hbm>>
    %dma_wait3A_191 = arith.constant 0 : i32
    %dma_wait3A_192 = tpu.memref_slice %arg7[%dma_wait3A_184, %dma_wait3A_191] : memref<5x64xi32, #tpu.memory_space<vmem>> -> memref<1x64xi32, #tpu.memory_space<vmem>>
    %dma_wait3A_193 = tpu.memref_squeeze %dma_wait3A_192 : memref<1x64xi32, #tpu.memory_space<vmem>> -> memref<64xi32, #tpu.memory_space<vmem>>
    %dma_wait3A_194 = arith.constant 0 : i32
    %dma_wait3A_195 = tpu.memref_slice %arg3[%add3A, %dma_wait3A_183, %dma_wait3A_194] : memref<32x160x64xi32, #tpu.memory_space<hbm>> -> memref<1x1x64xi32, #tpu.memory_space<hbm>>
    %dma_wait3A_196 = tpu.memref_squeeze %dma_wait3A_195 : memref<1x1x64xi32, #tpu.memory_space<hbm>> -> memref<64xi32, #tpu.memory_space<hbm>>
    tpu.wait_dma2 semaphore(%arg27 : memref<!tpu.dma_semaphore, #tpu.memory_space<semaphore_mem>>) src(%dma_wait3A_196 : memref<64xi32, #tpu.memory_space<hbm>>) dst(%dma_wait3A_193 : memref<64xi32, #tpu.memory_space<vmem>>)
    %dma_start3A_197 = arith.constant 2 : i32
    %dma_start3A_198 = arith.constant 0 : i32
    %dma_start3A_199 = tpu.memref_slice %arg7[%dma_start3A_197, %dma_start3A_198] : memref<5x64xi32, #tpu.memory_space<vmem>> -> memref<1x64xi32, #tpu.memory_space<vmem>>
    %dma_start3A_200 = tpu.memref_squeeze %dma_start3A_199 : memref<1x64xi32, #tpu.memory_space<vmem>> -> memref<64xi32, #tpu.memory_space<vmem>>
    %dma_start3A_201 = arith.constant 0 : i32
    %dma_start3A_202 = arith.constant 0 : i32
    %dma_start3A_203 = tpu.memref_slice %arg2[%dma_start3A_201, %dma_start3A_202] : memref<10240x128xf32, #tpu.memory_space<hbm>> -> memref<10240x128xf32, #tpu.memory_space<hbm>>
    tpu.enqueue_indirect_dma source(%dma_start3A_203 : memref<10240x128xf32, #tpu.memory_space<hbm>>) target(%arg11 : memref<64x128xf32, #tpu.memory_space<vmem>>) offsets(%dma_start3A_200 : memref<64xi32, #tpu.memory_space<vmem>>) semaphore(%arg17 : memref<!tpu.dma_semaphore, #tpu.memory_space<semaphore_mem>>)
    %dma_wait3A_204 = arith.constant 3 : i32
    %dma_wait3A_205 = arith.constant 3 : i32
    %dma_wait3A_206 = arith.constant 0 : i32
    %dma_wait3A_207 = tpu.memref_slice %arg7[%dma_wait3A_205, %dma_wait3A_206] : memref<5x64xi32, #tpu.memory_space<vmem>> -> memref<1x64xi32, #tpu.memory_space<vmem>>
    %dma_wait3A_208 = tpu.memref_squeeze %dma_wait3A_207 : memref<1x64xi32, #tpu.memory_space<vmem>> -> memref<64xi32, #tpu.memory_space<vmem>>
    %dma_wait3A_209 = arith.constant 0 : i32
    %dma_wait3A_210 = tpu.memref_slice %arg3[%add3A, %dma_wait3A_204, %dma_wait3A_209] : memref<32x160x64xi32, #tpu.memory_space<hbm>> -> memref<1x1x64xi32, #tpu.memory_space<hbm>>
    %dma_wait3A_211 = tpu.memref_squeeze %dma_wait3A_210 : memref<1x1x64xi32, #tpu.memory_space<hbm>> -> memref<64xi32, #tpu.memory_space<hbm>>
    %dma_wait3A_212 = arith.constant 0 : i32
    %dma_wait3A_213 = tpu.memref_slice %arg7[%dma_wait3A_205, %dma_wait3A_212] : memref<5x64xi32, #tpu.memory_space<vmem>> -> memref<1x64xi32, #tpu.memory_space<vmem>>
    %dma_wait3A_214 = tpu.memref_squeeze %dma_wait3A_213 : memref<1x64xi32, #tpu.memory_space<vmem>> -> memref<64xi32, #tpu.memory_space<vmem>>
    %dma_wait3A_215 = arith.constant 0 : i32
    %dma_wait3A_216 = tpu.memref_slice %arg3[%add3A, %dma_wait3A_204, %dma_wait3A_215] : memref<32x160x64xi32, #tpu.memory_space<hbm>> -> memref<1x1x64xi32, #tpu.memory_space<hbm>>
    %dma_wait3A_217 = tpu.memref_squeeze %dma_wait3A_216 : memref<1x1x64xi32, #tpu.memory_space<hbm>> -> memref<64xi32, #tpu.memory_space<hbm>>
    tpu.wait_dma2 semaphore(%arg28 : memref<!tpu.dma_semaphore, #tpu.memory_space<semaphore_mem>>) src(%dma_wait3A_217 : memref<64xi32, #tpu.memory_space<hbm>>) dst(%dma_wait3A_214 : memref<64xi32, #tpu.memory_space<vmem>>)
    %dma_start3A_218 = arith.constant 3 : i32
    %dma_start3A_219 = arith.constant 0 : i32
    %dma_start3A_220 = tpu.memref_slice %arg7[%dma_start3A_218, %dma_start3A_219] : memref<5x64xi32, #tpu.memory_space<vmem>> -> memref<1x64xi32, #tpu.memory_space<vmem>>
    %dma_start3A_221 = tpu.memref_squeeze %dma_start3A_220 : memref<1x64xi32, #tpu.memory_space<vmem>> -> memref<64xi32, #tpu.memory_space<vmem>>
    %dma_start3A_222 = arith.constant 0 : i32
    %dma_start3A_223 = arith.constant 0 : i32
    %dma_start3A_224 = tpu.memref_slice %arg2[%dma_start3A_222, %dma_start3A_223] : memref<10240x128xf32, #tpu.memory_space<hbm>> -> memref<10240x128xf32, #tpu.memory_space<hbm>>
    tpu.enqueue_indirect_dma source(%dma_start3A_224 : memref<10240x128xf32, #tpu.memory_space<hbm>>) target(%arg12 : memref<64x128xf32, #tpu.memory_space<vmem>>) offsets(%dma_start3A_221 : memref<64xi32, #tpu.memory_space<vmem>>) semaphore(%arg18 : memref<!tpu.dma_semaphore, #tpu.memory_space<semaphore_mem>>)
    %dma_wait3A_225 = arith.constant 4 : i32
    %dma_wait3A_226 = arith.constant 4 : i32
    %dma_wait3A_227 = arith.constant 0 : i32
    %dma_wait3A_228 = tpu.memref_slice %arg7[%dma_wait3A_226, %dma_wait3A_227] : memref<5x64xi32, #tpu.memory_space<vmem>> -> memref<1x64xi32, #tpu.memory_space<vmem>>
    %dma_wait3A_229 = tpu.memref_squeeze %dma_wait3A_228 : memref<1x64xi32, #tpu.memory_space<vmem>> -> memref<64xi32, #tpu.memory_space<vmem>>
    %dma_wait3A_230 = arith.constant 0 : i32
    %dma_wait3A_231 = tpu.memref_slice %arg3[%add3A, %dma_wait3A_225, %dma_wait3A_230] : memref<32x160x64xi32, #tpu.memory_space<hbm>> -> memref<1x1x64xi32, #tpu.memory_space<hbm>>
    %dma_wait3A_232 = tpu.memref_squeeze %dma_wait3A_231 : memref<1x1x64xi32, #tpu.memory_space<hbm>> -> memref<64xi32, #tpu.memory_space<hbm>>
    %dma_wait3A_233 = arith.constant 0 : i32
    %dma_wait3A_234 = tpu.memref_slice %arg7[%dma_wait3A_226, %dma_wait3A_233] : memref<5x64xi32, #tpu.memory_space<vmem>> -> memref<1x64xi32, #tpu.memory_space<vmem>>
    %dma_wait3A_235 = tpu.memref_squeeze %dma_wait3A_234 : memref<1x64xi32, #tpu.memory_space<vmem>> -> memref<64xi32, #tpu.memory_space<vmem>>
    %dma_wait3A_236 = arith.constant 0 : i32
    %dma_wait3A_237 = tpu.memref_slice %arg3[%add3A, %dma_wait3A_225, %dma_wait3A_236] : memref<32x160x64xi32, #tpu.memory_space<hbm>> -> memref<1x1x64xi32, #tpu.memory_space<hbm>>
    %dma_wait3A_238 = tpu.memref_squeeze %dma_wait3A_237 : memref<1x1x64xi32, #tpu.memory_space<hbm>> -> memref<64xi32, #tpu.memory_space<hbm>>
    tpu.wait_dma2 semaphore(%arg29 : memref<!tpu.dma_semaphore, #tpu.memory_space<semaphore_mem>>) src(%dma_wait3A_238 : memref<64xi32, #tpu.memory_space<hbm>>) dst(%dma_wait3A_235 : memref<64xi32, #tpu.memory_space<vmem>>)
    %dma_start3A_239 = arith.constant 4 : i32
    %dma_start3A_240 = arith.constant 0 : i32
    %dma_start3A_241 = tpu.memref_slice %arg7[%dma_start3A_239, %dma_start3A_240] : memref<5x64xi32, #tpu.memory_space<vmem>> -> memref<1x64xi32, #tpu.memory_space<vmem>>
    %dma_start3A_242 = tpu.memref_squeeze %dma_start3A_241 : memref<1x64xi32, #tpu.memory_space<vmem>> -> memref<64xi32, #tpu.memory_space<vmem>>
    %dma_start3A_243 = arith.constant 0 : i32
    %dma_start3A_244 = arith.constant 0 : i32
    %dma_start3A_245 = tpu.memref_slice %arg2[%dma_start3A_243, %dma_start3A_244] : memref<10240x128xf32, #tpu.memory_space<hbm>> -> memref<10240x128xf32, #tpu.memory_space<hbm>>
    tpu.enqueue_indirect_dma source(%dma_start3A_245 : memref<10240x128xf32, #tpu.memory_space<hbm>>) target(%arg13 : memref<64x128xf32, #tpu.memory_space<vmem>>) offsets(%dma_start3A_242 : memref<64xi32, #tpu.memory_space<vmem>>) semaphore(%arg19 : memref<!tpu.dma_semaphore, #tpu.memory_space<semaphore_mem>>)
    %scan3A = arith.constant 0 : i32
    %scan3A_246 = arith.constant 32 : i32
    %scan3A_247 = arith.addi %scan3A, %scan3A_246 : i32
    %scan3A_248 = arith.constant 1 : i32
    scf.for %scan3A_251 = %scan3A to %scan3A_247 step %scan3A_248  : i32 {
      %mul3A_252 = arith.constant 5 : i32
      %mul3A_253 = arith.muli %scan3A_251, %mul3A_252 : i32
      %add3A_254 = arith.constant 0 : i32
      %add3A_255 = arith.addi %add3A_254, %mul3A_253 : i32
      %add3A_256 = arith.constant 0 : i32
      %add3A_257 = arith.addi %add3A_255, %add3A_256 : i32
      %dma_wait3A_258 = arith.constant 0 : i32
      %dma_wait3A_259 = arith.constant 0 : i32
      %dma_wait3A_260 = arith.constant 0 : i32
      %dma_wait3A_261 = tpu.memref_slice %arg8[%dma_wait3A_259, %dma_wait3A_260] : memref<5x64xi32, #tpu.memory_space<vmem>> -> memref<1x64xi32, #tpu.memory_space<vmem>>
      %dma_wait3A_262 = tpu.memref_squeeze %dma_wait3A_261 : memref<1x64xi32, #tpu.memory_space<vmem>> -> memref<64xi32, #tpu.memory_space<vmem>>
      %dma_wait3A_263 = arith.constant 0 : i32
      %dma_wait3A_264 = tpu.memref_slice %arg4[%add3A, %dma_wait3A_258, %dma_wait3A_263] : memref<32x160x64xi32, #tpu.memory_space<hbm>> -> memref<1x1x64xi32, #tpu.memory_space<hbm>>
      %dma_wait3A_265 = tpu.memref_squeeze %dma_wait3A_264 : memref<1x1x64xi32, #tpu.memory_space<hbm>> -> memref<64xi32, #tpu.memory_space<hbm>>
      %dma_wait3A_266 = arith.constant 0 : i32
      %dma_wait3A_267 = tpu.memref_slice %arg8[%dma_wait3A_259, %dma_wait3A_266] : memref<5x64xi32, #tpu.memory_space<vmem>> -> memref<1x64xi32, #tpu.memory_space<vmem>>
      %dma_wait3A_268 = tpu.memref_squeeze %dma_wait3A_267 : memref<1x64xi32, #tpu.memory_space<vmem>> -> memref<64xi32, #tpu.memory_space<vmem>>
      %dma_wait3A_269 = arith.constant 0 : i32
      %dma_wait3A_270 = tpu.memref_slice %arg4[%add3A, %dma_wait3A_258, %dma_wait3A_269] : memref<32x160x64xi32, #tpu.memory_space<hbm>> -> memref<1x1x64xi32, #tpu.memory_space<hbm>>
      %dma_wait3A_271 = tpu.memref_squeeze %dma_wait3A_270 : memref<1x1x64xi32, #tpu.memory_space<hbm>> -> memref<64xi32, #tpu.memory_space<hbm>>
      tpu.wait_dma2 semaphore(%arg30 : memref<!tpu.dma_semaphore, #tpu.memory_space<semaphore_mem>>) src(%dma_wait3A_271 : memref<64xi32, #tpu.memory_space<hbm>>) dst(%dma_wait3A_268 : memref<64xi32, #tpu.memory_space<vmem>>)
      %dma_wait3A_272 = arith.constant 0 : i32
      %dma_wait3A_273 = arith.constant 0 : i32
      %dma_wait3A_274 = tpu.memref_slice %arg7[%dma_wait3A_272, %dma_wait3A_273] : memref<5x64xi32, #tpu.memory_space<vmem>> -> memref<1x64xi32, #tpu.memory_space<vmem>>
      %dma_wait3A_275 = tpu.memref_squeeze %dma_wait3A_274 : memref<1x64xi32, #tpu.memory_space<vmem>> -> memref<64xi32, #tpu.memory_space<vmem>>
      %dma_wait3A_276 = arith.constant 0 : i32
      %dma_wait3A_277 = arith.constant 0 : i32
      %dma_wait3A_278 = tpu.memref_slice %arg2[%dma_wait3A_276, %dma_wait3A_277] : memref<10240x128xf32, #tpu.memory_space<hbm>> -> memref<10240x128xf32, #tpu.memory_space<hbm>>
      tpu.wait_indirect_dma semaphore(%arg15 : memref<!tpu.dma_semaphore, #tpu.memory_space<semaphore_mem>>) src(%dma_wait3A_278 : memref<10240x128xf32, #tpu.memory_space<hbm>>) dst(%arg9 : memref<64x128xf32, #tpu.memory_space<vmem>>)
      %dma_start3A_279 = arith.constant 0 : i32
      %dma_start3A_280 = arith.constant 0 : i32
      %dma_start3A_281 = tpu.memref_slice %arg8[%dma_start3A_279, %dma_start3A_280] : memref<5x64xi32, #tpu.memory_space<vmem>> -> memref<1x64xi32, #tpu.memory_space<vmem>>
      %dma_start3A_282 = tpu.memref_squeeze %dma_start3A_281 : memref<1x64xi32, #tpu.memory_space<vmem>> -> memref<64xi32, #tpu.memory_space<vmem>>
      %dma_start3A_283 = arith.constant 0 : i32
      %dma_start3A_284 = arith.constant 0 : i32
      %dma_start3A_285 = tpu.memref_slice %arg14[%dma_start3A_283, %dma_start3A_284] : memref<10240x128xf32, #tpu.memory_space<vmem_shared>> -> memref<10240x128xf32, #tpu.memory_space<vmem_shared>>
      tpu.enqueue_indirect_dma source(%arg9 : memref<64x128xf32, #tpu.memory_space<vmem>>) target(%dma_start3A_285 : memref<10240x128xf32, #tpu.memory_space<vmem_shared>>) offsets(%dma_start3A_282 : memref<64xi32, #tpu.memory_space<vmem>>) semaphore(%arg20 : memref<!tpu.dma_semaphore, #tpu.memory_space<semaphore_mem>>) {add = true}
      %add3A_286 = arith.constant 5 : i32
      %add3A_287 = arith.addi %add3A_257, %add3A_286 : i32
      %lt3A = arith.constant 160 : i32
      %lt3A_288 = arith.cmpi slt, %add3A_287, %lt3A : i32
      %convert_element_type3A = arith.extui %lt3A_288 : i1 to i32
      %cond3A = arith.constant 0 : i32
      %cond3A_289 = arith.cmpi ne, %convert_element_type3A, %cond3A : i32
      scf.if %cond3A_289 {
        %add3A_518 = arith.constant 5 : i32
        %add3A_519 = arith.addi %add3A_257, %add3A_518 : i32
        %dma_start3A_520 = arith.constant 0 : i32
        %dma_start3A_521 = arith.constant 0 : i32
        %dma_start3A_522 = tpu.memref_slice %arg7[%dma_start3A_520, %dma_start3A_521] : memref<5x64xi32, #tpu.memory_space<vmem>> -> memref<1x64xi32, #tpu.memory_space<vmem>>
        %dma_start3A_523 = tpu.memref_squeeze %dma_start3A_522 : memref<1x64xi32, #tpu.memory_space<vmem>> -> memref<64xi32, #tpu.memory_space<vmem>>
        %dma_start3A_524 = arith.constant 0 : i32
        %dma_start3A_525 = tpu.memref_slice %arg3[%add3A, %add3A_519, %dma_start3A_524] : memref<32x160x64xi32, #tpu.memory_space<hbm>> -> memref<1x1x64xi32, #tpu.memory_space<hbm>>
        %dma_start3A_526 = tpu.memref_squeeze %dma_start3A_525 : memref<1x1x64xi32, #tpu.memory_space<hbm>> -> memref<64xi32, #tpu.memory_space<hbm>>
        %dma_start3A_527 = arith.constant 0 : i32
        %dma_start3A_528 = tpu.memref_slice %arg7[%dma_start3A_520, %dma_start3A_527] : memref<5x64xi32, #tpu.memory_space<vmem>> -> memref<1x64xi32, #tpu.memory_space<vmem>>
        %dma_start3A_529 = tpu.memref_squeeze %dma_start3A_528 : memref<1x64xi32, #tpu.memory_space<vmem>> -> memref<64xi32, #tpu.memory_space<vmem>>
        %dma_start3A_530 = arith.constant 0 : i32
        %dma_start3A_531 = tpu.memref_slice %arg3[%add3A, %add3A_519, %dma_start3A_530] : memref<32x160x64xi32, #tpu.memory_space<hbm>> -> memref<1x1x64xi32, #tpu.memory_space<hbm>>
        %dma_start3A_532 = tpu.memref_squeeze %dma_start3A_531 : memref<1x1x64xi32, #tpu.memory_space<hbm>> -> memref<64xi32, #tpu.memory_space<hbm>>
        tpu.enqueue_dma source(%dma_start3A_532 : memref<64xi32, #tpu.memory_space<hbm>>) target(%dma_start3A_529 : memref<64xi32, #tpu.memory_space<vmem>>) target_semaphore(%arg25 : memref<!tpu.dma_semaphore, #tpu.memory_space<semaphore_mem>>)
      } else {
      }
      %add3A_290 = arith.constant 1 : i32
      %add3A_291 = arith.addi %add3A_255, %add3A_290 : i32
      %dma_wait3A_292 = arith.constant 1 : i32
      %dma_wait3A_293 = arith.constant 1 : i32
      %dma_wait3A_294 = arith.constant 0 : i32
      %dma_wait3A_295 = tpu.memref_slice %arg8[%dma_wait3A_293, %dma_wait3A_294] : memref<5x64xi32, #tpu.memory_space<vmem>> -> memref<1x64xi32, #tpu.memory_space<vmem>>
      %dma_wait3A_296 = tpu.memref_squeeze %dma_wait3A_295 : memref<1x64xi32, #tpu.memory_space<vmem>> -> memref<64xi32, #tpu.memory_space<vmem>>
      %dma_wait3A_297 = arith.constant 0 : i32
      %dma_wait3A_298 = tpu.memref_slice %arg4[%add3A, %dma_wait3A_292, %dma_wait3A_297] : memref<32x160x64xi32, #tpu.memory_space<hbm>> -> memref<1x1x64xi32, #tpu.memory_space<hbm>>
      %dma_wait3A_299 = tpu.memref_squeeze %dma_wait3A_298 : memref<1x1x64xi32, #tpu.memory_space<hbm>> -> memref<64xi32, #tpu.memory_space<hbm>>
      %dma_wait3A_300 = arith.constant 0 : i32
      %dma_wait3A_301 = tpu.memref_slice %arg8[%dma_wait3A_293, %dma_wait3A_300] : memref<5x64xi32, #tpu.memory_space<vmem>> -> memref<1x64xi32, #tpu.memory_space<vmem>>
      %dma_wait3A_302 = tpu.memref_squeeze %dma_wait3A_301 : memref<1x64xi32, #tpu.memory_space<vmem>> -> memref<64xi32, #tpu.memory_space<vmem>>
      %dma_wait3A_303 = arith.constant 0 : i32
      %dma_wait3A_304 = tpu.memref_slice %arg4[%add3A, %dma_wait3A_292, %dma_wait3A_303] : memref<32x160x64xi32, #tpu.memory_space<hbm>> -> memref<1x1x64xi32, #tpu.memory_space<hbm>>
      %dma_wait3A_305 = tpu.memref_squeeze %dma_wait3A_304 : memref<1x1x64xi32, #tpu.memory_space<hbm>> -> memref<64xi32, #tpu.memory_space<hbm>>
      tpu.wait_dma2 semaphore(%arg31 : memref<!tpu.dma_semaphore, #tpu.memory_space<semaphore_mem>>) src(%dma_wait3A_305 : memref<64xi32, #tpu.memory_space<hbm>>) dst(%dma_wait3A_302 : memref<64xi32, #tpu.memory_space<vmem>>)
      %dma_wait3A_306 = arith.constant 1 : i32
      %dma_wait3A_307 = arith.constant 0 : i32
      %dma_wait3A_308 = tpu.memref_slice %arg7[%dma_wait3A_306, %dma_wait3A_307] : memref<5x64xi32, #tpu.memory_space<vmem>> -> memref<1x64xi32, #tpu.memory_space<vmem>>
      %dma_wait3A_309 = tpu.memref_squeeze %dma_wait3A_308 : memref<1x64xi32, #tpu.memory_space<vmem>> -> memref<64xi32, #tpu.memory_space<vmem>>
      %dma_wait3A_310 = arith.constant 0 : i32
      %dma_wait3A_311 = arith.constant 0 : i32
      %dma_wait3A_312 = tpu.memref_slice %arg2[%dma_wait3A_310, %dma_wait3A_311] : memref<10240x128xf32, #tpu.memory_space<hbm>> -> memref<10240x128xf32, #tpu.memory_space<hbm>>
      tpu.wait_indirect_dma semaphore(%arg16 : memref<!tpu.dma_semaphore, #tpu.memory_space<semaphore_mem>>) src(%dma_wait3A_312 : memref<10240x128xf32, #tpu.memory_space<hbm>>) dst(%arg10 : memref<64x128xf32, #tpu.memory_space<vmem>>)
      %dma_start3A_313 = arith.constant 1 : i32
      %dma_start3A_314 = arith.constant 0 : i32
      %dma_start3A_315 = tpu.memref_slice %arg8[%dma_start3A_313, %dma_start3A_314] : memref<5x64xi32, #tpu.memory_space<vmem>> -> memref<1x64xi32, #tpu.memory_space<vmem>>
      %dma_start3A_316 = tpu.memref_squeeze %dma_start3A_315 : memref<1x64xi32, #tpu.memory_space<vmem>> -> memref<64xi32, #tpu.memory_space<vmem>>
      %dma_start3A_317 = arith.constant 0 : i32
      %dma_start3A_318 = arith.constant 0 : i32
      %dma_start3A_319 = tpu.memref_slice %arg14[%dma_start3A_317, %dma_start3A_318] : memref<10240x128xf32, #tpu.memory_space<vmem_shared>> -> memref<10240x128xf32, #tpu.memory_space<vmem_shared>>
      tpu.enqueue_indirect_dma source(%arg10 : memref<64x128xf32, #tpu.memory_space<vmem>>) target(%dma_start3A_319 : memref<10240x128xf32, #tpu.memory_space<vmem_shared>>) offsets(%dma_start3A_316 : memref<64xi32, #tpu.memory_space<vmem>>) semaphore(%arg21 : memref<!tpu.dma_semaphore, #tpu.memory_space<semaphore_mem>>) {add = true}
      %add3A_320 = arith.constant 5 : i32
      %add3A_321 = arith.addi %add3A_291, %add3A_320 : i32
      %lt3A_322 = arith.constant 160 : i32
      %lt3A_323 = arith.cmpi slt, %add3A_321, %lt3A_322 : i32
      %convert_element_type3A_324 = arith.extui %lt3A_323 : i1 to i32
      %cond3A_325 = arith.constant 0 : i32
      %cond3A_326 = arith.cmpi ne, %convert_element_type3A_324, %cond3A_325 : i32
      scf.if %cond3A_326 {
        %add3A_518 = arith.constant 5 : i32
        %add3A_519 = arith.addi %add3A_291, %add3A_518 : i32
        %dma_start3A_520 = arith.constant 1 : i32
        %dma_start3A_521 = arith.constant 0 : i32
        %dma_start3A_522 = tpu.memref_slice %arg7[%dma_start3A_520, %dma_start3A_521] : memref<5x64xi32, #tpu.memory_space<vmem>> -> memref<1x64xi32, #tpu.memory_space<vmem>>
        %dma_start3A_523 = tpu.memref_squeeze %dma_start3A_522 : memref<1x64xi32, #tpu.memory_space<vmem>> -> memref<64xi32, #tpu.memory_space<vmem>>
        %dma_start3A_524 = arith.constant 0 : i32
        %dma_start3A_525 = tpu.memref_slice %arg3[%add3A, %add3A_519, %dma_start3A_524] : memref<32x160x64xi32, #tpu.memory_space<hbm>> -> memref<1x1x64xi32, #tpu.memory_space<hbm>>
        %dma_start3A_526 = tpu.memref_squeeze %dma_start3A_525 : memref<1x1x64xi32, #tpu.memory_space<hbm>> -> memref<64xi32, #tpu.memory_space<hbm>>
        %dma_start3A_527 = arith.constant 0 : i32
        %dma_start3A_528 = tpu.memref_slice %arg7[%dma_start3A_520, %dma_start3A_527] : memref<5x64xi32, #tpu.memory_space<vmem>> -> memref<1x64xi32, #tpu.memory_space<vmem>>
        %dma_start3A_529 = tpu.memref_squeeze %dma_start3A_528 : memref<1x64xi32, #tpu.memory_space<vmem>> -> memref<64xi32, #tpu.memory_space<vmem>>
        %dma_start3A_530 = arith.constant 0 : i32
        %dma_start3A_531 = tpu.memref_slice %arg3[%add3A, %add3A_519, %dma_start3A_530] : memref<32x160x64xi32, #tpu.memory_space<hbm>> -> memref<1x1x64xi32, #tpu.memory_space<hbm>>
        %dma_start3A_532 = tpu.memref_squeeze %dma_start3A_531 : memref<1x1x64xi32, #tpu.memory_space<hbm>> -> memref<64xi32, #tpu.memory_space<hbm>>
        tpu.enqueue_dma source(%dma_start3A_532 : memref<64xi32, #tpu.memory_space<hbm>>) target(%dma_start3A_529 : memref<64xi32, #tpu.memory_space<vmem>>) target_semaphore(%arg26 : memref<!tpu.dma_semaphore, #tpu.memory_space<semaphore_mem>>)
      } else {
      }
      %add3A_327 = arith.constant 2 : i32
      %add3A_328 = arith.addi %add3A_255, %add3A_327 : i32
      %dma_wait3A_329 = arith.constant 2 : i32
      %dma_wait3A_330 = arith.constant 2 : i32
      %dma_wait3A_331 = arith.constant 0 : i32
      %dma_wait3A_332 = tpu.memref_slice %arg8[%dma_wait3A_330, %dma_wait3A_331] : memref<5x64xi32, #tpu.memory_space<vmem>> -> memref<1x64xi32, #tpu.memory_space<vmem>>
      %dma_wait3A_333 = tpu.memref_squeeze %dma_wait3A_332 : memref<1x64xi32, #tpu.memory_space<vmem>> -> memref<64xi32, #tpu.memory_space<vmem>>
      %dma_wait3A_334 = arith.constant 0 : i32
      %dma_wait3A_335 = tpu.memref_slice %arg4[%add3A, %dma_wait3A_329, %dma_wait3A_334] : memref<32x160x64xi32, #tpu.memory_space<hbm>> -> memref<1x1x64xi32, #tpu.memory_space<hbm>>
      %dma_wait3A_336 = tpu.memref_squeeze %dma_wait3A_335 : memref<1x1x64xi32, #tpu.memory_space<hbm>> -> memref<64xi32, #tpu.memory_space<hbm>>
      %dma_wait3A_337 = arith.constant 0 : i32
      %dma_wait3A_338 = tpu.memref_slice %arg8[%dma_wait3A_330, %dma_wait3A_337] : memref<5x64xi32, #tpu.memory_space<vmem>> -> memref<1x64xi32, #tpu.memory_space<vmem>>
      %dma_wait3A_339 = tpu.memref_squeeze %dma_wait3A_338 : memref<1x64xi32, #tpu.memory_space<vmem>> -> memref<64xi32, #tpu.memory_space<vmem>>
      %dma_wait3A_340 = arith.constant 0 : i32
      %dma_wait3A_341 = tpu.memref_slice %arg4[%add3A, %dma_wait3A_329, %dma_wait3A_340] : memref<32x160x64xi32, #tpu.memory_space<hbm>> -> memref<1x1x64xi32, #tpu.memory_space<hbm>>
      %dma_wait3A_342 = tpu.memref_squeeze %dma_wait3A_341 : memref<1x1x64xi32, #tpu.memory_space<hbm>> -> memref<64xi32, #tpu.memory_space<hbm>>
      tpu.wait_dma2 semaphore(%arg32 : memref<!tpu.dma_semaphore, #tpu.memory_space<semaphore_mem>>) src(%dma_wait3A_342 : memref<64xi32, #tpu.memory_space<hbm>>) dst(%dma_wait3A_339 : memref<64xi32, #tpu.memory_space<vmem>>)
      %dma_wait3A_343 = arith.constant 2 : i32
      %dma_wait3A_344 = arith.constant 0 : i32
      %dma_wait3A_345 = tpu.memref_slice %arg7[%dma_wait3A_343, %dma_wait3A_344] : memref<5x64xi32, #tpu.memory_space<vmem>> -> memref<1x64xi32, #tpu.memory_space<vmem>>
      %dma_wait3A_346 = tpu.memref_squeeze %dma_wait3A_345 : memref<1x64xi32, #tpu.memory_space<vmem>> -> memref<64xi32, #tpu.memory_space<vmem>>
      %dma_wait3A_347 = arith.constant 0 : i32
      %dma_wait3A_348 = arith.constant 0 : i32
      %dma_wait3A_349 = tpu.memref_slice %arg2[%dma_wait3A_347, %dma_wait3A_348] : memref<10240x128xf32, #tpu.memory_space<hbm>> -> memref<10240x128xf32, #tpu.memory_space<hbm>>
      tpu.wait_indirect_dma semaphore(%arg17 : memref<!tpu.dma_semaphore, #tpu.memory_space<semaphore_mem>>) src(%dma_wait3A_349 : memref<10240x128xf32, #tpu.memory_space<hbm>>) dst(%arg11 : memref<64x128xf32, #tpu.memory_space<vmem>>)
      %dma_start3A_350 = arith.constant 2 : i32
      %dma_start3A_351 = arith.constant 0 : i32
      %dma_start3A_352 = tpu.memref_slice %arg8[%dma_start3A_350, %dma_start3A_351] : memref<5x64xi32, #tpu.memory_space<vmem>> -> memref<1x64xi32, #tpu.memory_space<vmem>>
      %dma_start3A_353 = tpu.memref_squeeze %dma_start3A_352 : memref<1x64xi32, #tpu.memory_space<vmem>> -> memref<64xi32, #tpu.memory_space<vmem>>
      %dma_start3A_354 = arith.constant 0 : i32
      %dma_start3A_355 = arith.constant 0 : i32
      %dma_start3A_356 = tpu.memref_slice %arg14[%dma_start3A_354, %dma_start3A_355] : memref<10240x128xf32, #tpu.memory_space<vmem_shared>> -> memref<10240x128xf32, #tpu.memory_space<vmem_shared>>
      tpu.enqueue_indirect_dma source(%arg11 : memref<64x128xf32, #tpu.memory_space<vmem>>) target(%dma_start3A_356 : memref<10240x128xf32, #tpu.memory_space<vmem_shared>>) offsets(%dma_start3A_353 : memref<64xi32, #tpu.memory_space<vmem>>) semaphore(%arg22 : memref<!tpu.dma_semaphore, #tpu.memory_space<semaphore_mem>>) {add = true}
      %add3A_357 = arith.constant 5 : i32
      %add3A_358 = arith.addi %add3A_328, %add3A_357 : i32
      %lt3A_359 = arith.constant 160 : i32
      %lt3A_360 = arith.cmpi slt, %add3A_358, %lt3A_359 : i32
      %convert_element_type3A_361 = arith.extui %lt3A_360 : i1 to i32
      %cond3A_362 = arith.constant 0 : i32
      %cond3A_363 = arith.cmpi ne, %convert_element_type3A_361, %cond3A_362 : i32
      scf.if %cond3A_363 {
        %add3A_518 = arith.constant 5 : i32
        %add3A_519 = arith.addi %add3A_328, %add3A_518 : i32
        %dma_start3A_520 = arith.constant 2 : i32
        %dma_start3A_521 = arith.constant 0 : i32
        %dma_start3A_522 = tpu.memref_slice %arg7[%dma_start3A_520, %dma_start3A_521] : memref<5x64xi32, #tpu.memory_space<vmem>> -> memref<1x64xi32, #tpu.memory_space<vmem>>
        %dma_start3A_523 = tpu.memref_squeeze %dma_start3A_522 : memref<1x64xi32, #tpu.memory_space<vmem>> -> memref<64xi32, #tpu.memory_space<vmem>>
        %dma_start3A_524 = arith.constant 0 : i32
        %dma_start3A_525 = tpu.memref_slice %arg3[%add3A, %add3A_519, %dma_start3A_524] : memref<32x160x64xi32, #tpu.memory_space<hbm>> -> memref<1x1x64xi32, #tpu.memory_space<hbm>>
        %dma_start3A_526 = tpu.memref_squeeze %dma_start3A_525 : memref<1x1x64xi32, #tpu.memory_space<hbm>> -> memref<64xi32, #tpu.memory_space<hbm>>
        %dma_start3A_527 = arith.constant 0 : i32
        %dma_start3A_528 = tpu.memref_slice %arg7[%dma_start3A_520, %dma_start3A_527] : memref<5x64xi32, #tpu.memory_space<vmem>> -> memref<1x64xi32, #tpu.memory_space<vmem>>
        %dma_start3A_529 = tpu.memref_squeeze %dma_start3A_528 : memref<1x64xi32, #tpu.memory_space<vmem>> -> memref<64xi32, #tpu.memory_space<vmem>>
        %dma_start3A_530 = arith.constant 0 : i32
        %dma_start3A_531 = tpu.memref_slice %arg3[%add3A, %add3A_519, %dma_start3A_530] : memref<32x160x64xi32, #tpu.memory_space<hbm>> -> memref<1x1x64xi32, #tpu.memory_space<hbm>>
        %dma_start3A_532 = tpu.memref_squeeze %dma_start3A_531 : memref<1x1x64xi32, #tpu.memory_space<hbm>> -> memref<64xi32, #tpu.memory_space<hbm>>
        tpu.enqueue_dma source(%dma_start3A_532 : memref<64xi32, #tpu.memory_space<hbm>>) target(%dma_start3A_529 : memref<64xi32, #tpu.memory_space<vmem>>) target_semaphore(%arg27 : memref<!tpu.dma_semaphore, #tpu.memory_space<semaphore_mem>>)
      } else {
      }
      %add3A_364 = arith.constant 3 : i32
      %add3A_365 = arith.addi %add3A_255, %add3A_364 : i32
      %dma_wait3A_366 = arith.constant 3 : i32
      %dma_wait3A_367 = arith.constant 3 : i32
      %dma_wait3A_368 = arith.constant 0 : i32
      %dma_wait3A_369 = tpu.memref_slice %arg8[%dma_wait3A_367, %dma_wait3A_368] : memref<5x64xi32, #tpu.memory_space<vmem>> -> memref<1x64xi32, #tpu.memory_space<vmem>>
      %dma_wait3A_370 = tpu.memref_squeeze %dma_wait3A_369 : memref<1x64xi32, #tpu.memory_space<vmem>> -> memref<64xi32, #tpu.memory_space<vmem>>
      %dma_wait3A_371 = arith.constant 0 : i32
      %dma_wait3A_372 = tpu.memref_slice %arg4[%add3A, %dma_wait3A_366, %dma_wait3A_371] : memref<32x160x64xi32, #tpu.memory_space<hbm>> -> memref<1x1x64xi32, #tpu.memory_space<hbm>>
      %dma_wait3A_373 = tpu.memref_squeeze %dma_wait3A_372 : memref<1x1x64xi32, #tpu.memory_space<hbm>> -> memref<64xi32, #tpu.memory_space<hbm>>
      %dma_wait3A_374 = arith.constant 0 : i32
      %dma_wait3A_375 = tpu.memref_slice %arg8[%dma_wait3A_367, %dma_wait3A_374] : memref<5x64xi32, #tpu.memory_space<vmem>> -> memref<1x64xi32, #tpu.memory_space<vmem>>
      %dma_wait3A_376 = tpu.memref_squeeze %dma_wait3A_375 : memref<1x64xi32, #tpu.memory_space<vmem>> -> memref<64xi32, #tpu.memory_space<vmem>>
      %dma_wait3A_377 = arith.constant 0 : i32
      %dma_wait3A_378 = tpu.memref_slice %arg4[%add3A, %dma_wait3A_366, %dma_wait3A_377] : memref<32x160x64xi32, #tpu.memory_space<hbm>> -> memref<1x1x64xi32, #tpu.memory_space<hbm>>
      %dma_wait3A_379 = tpu.memref_squeeze %dma_wait3A_378 : memref<1x1x64xi32, #tpu.memory_space<hbm>> -> memref<64xi32, #tpu.memory_space<hbm>>
      tpu.wait_dma2 semaphore(%arg33 : memref<!tpu.dma_semaphore, #tpu.memory_space<semaphore_mem>>) src(%dma_wait3A_379 : memref<64xi32, #tpu.memory_space<hbm>>) dst(%dma_wait3A_376 : memref<64xi32, #tpu.memory_space<vmem>>)
      %dma_wait3A_380 = arith.constant 3 : i32
      %dma_wait3A_381 = arith.constant 0 : i32
      %dma_wait3A_382 = tpu.memref_slice %arg7[%dma_wait3A_380, %dma_wait3A_381] : memref<5x64xi32, #tpu.memory_space<vmem>> -> memref<1x64xi32, #tpu.memory_space<vmem>>
      %dma_wait3A_383 = tpu.memref_squeeze %dma_wait3A_382 : memref<1x64xi32, #tpu.memory_space<vmem>> -> memref<64xi32, #tpu.memory_space<vmem>>
      %dma_wait3A_384 = arith.constant 0 : i32
      %dma_wait3A_385 = arith.constant 0 : i32
      %dma_wait3A_386 = tpu.memref_slice %arg2[%dma_wait3A_384, %dma_wait3A_385] : memref<10240x128xf32, #tpu.memory_space<hbm>> -> memref<10240x128xf32, #tpu.memory_space<hbm>>
      tpu.wait_indirect_dma semaphore(%arg18 : memref<!tpu.dma_semaphore, #tpu.memory_space<semaphore_mem>>) src(%dma_wait3A_386 : memref<10240x128xf32, #tpu.memory_space<hbm>>) dst(%arg12 : memref<64x128xf32, #tpu.memory_space<vmem>>)
      %dma_start3A_387 = arith.constant 3 : i32
      %dma_start3A_388 = arith.constant 0 : i32
      %dma_start3A_389 = tpu.memref_slice %arg8[%dma_start3A_387, %dma_start3A_388] : memref<5x64xi32, #tpu.memory_space<vmem>> -> memref<1x64xi32, #tpu.memory_space<vmem>>
      %dma_start3A_390 = tpu.memref_squeeze %dma_start3A_389 : memref<1x64xi32, #tpu.memory_space<vmem>> -> memref<64xi32, #tpu.memory_space<vmem>>
      %dma_start3A_391 = arith.constant 0 : i32
      %dma_start3A_392 = arith.constant 0 : i32
      %dma_start3A_393 = tpu.memref_slice %arg14[%dma_start3A_391, %dma_start3A_392] : memref<10240x128xf32, #tpu.memory_space<vmem_shared>> -> memref<10240x128xf32, #tpu.memory_space<vmem_shared>>
      tpu.enqueue_indirect_dma source(%arg12 : memref<64x128xf32, #tpu.memory_space<vmem>>) target(%dma_start3A_393 : memref<10240x128xf32, #tpu.memory_space<vmem_shared>>) offsets(%dma_start3A_390 : memref<64xi32, #tpu.memory_space<vmem>>) semaphore(%arg23 : memref<!tpu.dma_semaphore, #tpu.memory_space<semaphore_mem>>) {add = true}
      %add3A_394 = arith.constant 5 : i32
      %add3A_395 = arith.addi %add3A_365, %add3A_394 : i32
      %lt3A_396 = arith.constant 160 : i32
      %lt3A_397 = arith.cmpi slt, %add3A_395, %lt3A_396 : i32
      %convert_element_type3A_398 = arith.extui %lt3A_397 : i1 to i32
      %cond3A_399 = arith.constant 0 : i32
      %cond3A_400 = arith.cmpi ne, %convert_element_type3A_398, %cond3A_399 : i32
      scf.if %cond3A_400 {
        %add3A_518 = arith.constant 5 : i32
        %add3A_519 = arith.addi %add3A_365, %add3A_518 : i32
        %dma_start3A_520 = arith.constant 3 : i32
        %dma_start3A_521 = arith.constant 0 : i32
        %dma_start3A_522 = tpu.memref_slice %arg7[%dma_start3A_520, %dma_start3A_521] : memref<5x64xi32, #tpu.memory_space<vmem>> -> memref<1x64xi32, #tpu.memory_space<vmem>>
        %dma_start3A_523 = tpu.memref_squeeze %dma_start3A_522 : memref<1x64xi32, #tpu.memory_space<vmem>> -> memref<64xi32, #tpu.memory_space<vmem>>
        %dma_start3A_524 = arith.constant 0 : i32
        %dma_start3A_525 = tpu.memref_slice %arg3[%add3A, %add3A_519, %dma_start3A_524] : memref<32x160x64xi32, #tpu.memory_space<hbm>> -> memref<1x1x64xi32, #tpu.memory_space<hbm>>
        %dma_start3A_526 = tpu.memref_squeeze %dma_start3A_525 : memref<1x1x64xi32, #tpu.memory_space<hbm>> -> memref<64xi32, #tpu.memory_space<hbm>>
        %dma_start3A_527 = arith.constant 0 : i32
        %dma_start3A_528 = tpu.memref_slice %arg7[%dma_start3A_520, %dma_start3A_527] : memref<5x64xi32, #tpu.memory_space<vmem>> -> memref<1x64xi32, #tpu.memory_space<vmem>>
        %dma_start3A_529 = tpu.memref_squeeze %dma_start3A_528 : memref<1x64xi32, #tpu.memory_space<vmem>> -> memref<64xi32, #tpu.memory_space<vmem>>
        %dma_start3A_530 = arith.constant 0 : i32
        %dma_start3A_531 = tpu.memref_slice %arg3[%add3A, %add3A_519, %dma_start3A_530] : memref<32x160x64xi32, #tpu.memory_space<hbm>> -> memref<1x1x64xi32, #tpu.memory_space<hbm>>
        %dma_start3A_532 = tpu.memref_squeeze %dma_start3A_531 : memref<1x1x64xi32, #tpu.memory_space<hbm>> -> memref<64xi32, #tpu.memory_space<hbm>>
        tpu.enqueue_dma source(%dma_start3A_532 : memref<64xi32, #tpu.memory_space<hbm>>) target(%dma_start3A_529 : memref<64xi32, #tpu.memory_space<vmem>>) target_semaphore(%arg28 : memref<!tpu.dma_semaphore, #tpu.memory_space<semaphore_mem>>)
      } else {
      }
      %add3A_401 = arith.constant 4 : i32
      %add3A_402 = arith.addi %add3A_255, %add3A_401 : i32
      %dma_wait3A_403 = arith.constant 4 : i32
      %dma_wait3A_404 = arith.constant 4 : i32
      %dma_wait3A_405 = arith.constant 0 : i32
      %dma_wait3A_406 = tpu.memref_slice %arg8[%dma_wait3A_404, %dma_wait3A_405] : memref<5x64xi32, #tpu.memory_space<vmem>> -> memref<1x64xi32, #tpu.memory_space<vmem>>
      %dma_wait3A_407 = tpu.memref_squeeze %dma_wait3A_406 : memref<1x64xi32, #tpu.memory_space<vmem>> -> memref<64xi32, #tpu.memory_space<vmem>>
      %dma_wait3A_408 = arith.constant 0 : i32
      %dma_wait3A_409 = tpu.memref_slice %arg4[%add3A, %dma_wait3A_403, %dma_wait3A_408] : memref<32x160x64xi32, #tpu.memory_space<hbm>> -> memref<1x1x64xi32, #tpu.memory_space<hbm>>
      %dma_wait3A_410 = tpu.memref_squeeze %dma_wait3A_409 : memref<1x1x64xi32, #tpu.memory_space<hbm>> -> memref<64xi32, #tpu.memory_space<hbm>>
      %dma_wait3A_411 = arith.constant 0 : i32
      %dma_wait3A_412 = tpu.memref_slice %arg8[%dma_wait3A_404, %dma_wait3A_411] : memref<5x64xi32, #tpu.memory_space<vmem>> -> memref<1x64xi32, #tpu.memory_space<vmem>>
      %dma_wait3A_413 = tpu.memref_squeeze %dma_wait3A_412 : memref<1x64xi32, #tpu.memory_space<vmem>> -> memref<64xi32, #tpu.memory_space<vmem>>
      %dma_wait3A_414 = arith.constant 0 : i32
      %dma_wait3A_415 = tpu.memref_slice %arg4[%add3A, %dma_wait3A_403, %dma_wait3A_414] : memref<32x160x64xi32, #tpu.memory_space<hbm>> -> memref<1x1x64xi32, #tpu.memory_space<hbm>>
      %dma_wait3A_416 = tpu.memref_squeeze %dma_wait3A_415 : memref<1x1x64xi32, #tpu.memory_space<hbm>> -> memref<64xi32, #tpu.memory_space<hbm>>
      tpu.wait_dma2 semaphore(%arg34 : memref<!tpu.dma_semaphore, #tpu.memory_space<semaphore_mem>>) src(%dma_wait3A_416 : memref<64xi32, #tpu.memory_space<hbm>>) dst(%dma_wait3A_413 : memref<64xi32, #tpu.memory_space<vmem>>)
      %dma_wait3A_417 = arith.constant 4 : i32
      %dma_wait3A_418 = arith.constant 0 : i32
      %dma_wait3A_419 = tpu.memref_slice %arg7[%dma_wait3A_417, %dma_wait3A_418] : memref<5x64xi32, #tpu.memory_space<vmem>> -> memref<1x64xi32, #tpu.memory_space<vmem>>
      %dma_wait3A_420 = tpu.memref_squeeze %dma_wait3A_419 : memref<1x64xi32, #tpu.memory_space<vmem>> -> memref<64xi32, #tpu.memory_space<vmem>>
      %dma_wait3A_421 = arith.constant 0 : i32
      %dma_wait3A_422 = arith.constant 0 : i32
      %dma_wait3A_423 = tpu.memref_slice %arg2[%dma_wait3A_421, %dma_wait3A_422] : memref<10240x128xf32, #tpu.memory_space<hbm>> -> memref<10240x128xf32, #tpu.memory_space<hbm>>
      tpu.wait_indirect_dma semaphore(%arg19 : memref<!tpu.dma_semaphore, #tpu.memory_space<semaphore_mem>>) src(%dma_wait3A_423 : memref<10240x128xf32, #tpu.memory_space<hbm>>) dst(%arg13 : memref<64x128xf32, #tpu.memory_space<vmem>>)
      %dma_start3A_424 = arith.constant 4 : i32
      %dma_start3A_425 = arith.constant 0 : i32
      %dma_start3A_426 = tpu.memref_slice %arg8[%dma_start3A_424, %dma_start3A_425] : memref<5x64xi32, #tpu.memory_space<vmem>> -> memref<1x64xi32, #tpu.memory_space<vmem>>
      %dma_start3A_427 = tpu.memref_squeeze %dma_start3A_426 : memref<1x64xi32, #tpu.memory_space<vmem>> -> memref<64xi32, #tpu.memory_space<vmem>>
      %dma_start3A_428 = arith.constant 0 : i32
      %dma_start3A_429 = arith.constant 0 : i32
      %dma_start3A_430 = tpu.memref_slice %arg14[%dma_start3A_428, %dma_start3A_429] : memref<10240x128xf32, #tpu.memory_space<vmem_shared>> -> memref<10240x128xf32, #tpu.memory_space<vmem_shared>>
      tpu.enqueue_indirect_dma source(%arg13 : memref<64x128xf32, #tpu.memory_space<vmem>>) target(%dma_start3A_430 : memref<10240x128xf32, #tpu.memory_space<vmem_shared>>) offsets(%dma_start3A_427 : memref<64xi32, #tpu.memory_space<vmem>>) semaphore(%arg24 : memref<!tpu.dma_semaphore, #tpu.memory_space<semaphore_mem>>) {add = true}
      %add3A_431 = arith.constant 5 : i32
      %add3A_432 = arith.addi %add3A_402, %add3A_431 : i32
      %lt3A_433 = arith.constant 160 : i32
      %lt3A_434 = arith.cmpi slt, %add3A_432, %lt3A_433 : i32
      %convert_element_type3A_435 = arith.extui %lt3A_434 : i1 to i32
      %cond3A_436 = arith.constant 0 : i32
      %cond3A_437 = arith.cmpi ne, %convert_element_type3A_435, %cond3A_436 : i32
      scf.if %cond3A_437 {
        %add3A_518 = arith.constant 5 : i32
        %add3A_519 = arith.addi %add3A_402, %add3A_518 : i32
        %dma_start3A_520 = arith.constant 4 : i32
        %dma_start3A_521 = arith.constant 0 : i32
        %dma_start3A_522 = tpu.memref_slice %arg7[%dma_start3A_520, %dma_start3A_521] : memref<5x64xi32, #tpu.memory_space<vmem>> -> memref<1x64xi32, #tpu.memory_space<vmem>>
        %dma_start3A_523 = tpu.memref_squeeze %dma_start3A_522 : memref<1x64xi32, #tpu.memory_space<vmem>> -> memref<64xi32, #tpu.memory_space<vmem>>
        %dma_start3A_524 = arith.constant 0 : i32
        %dma_start3A_525 = tpu.memref_slice %arg3[%add3A, %add3A_519, %dma_start3A_524] : memref<32x160x64xi32, #tpu.memory_space<hbm>> -> memref<1x1x64xi32, #tpu.memory_space<hbm>>
        %dma_start3A_526 = tpu.memref_squeeze %dma_start3A_525 : memref<1x1x64xi32, #tpu.memory_space<hbm>> -> memref<64xi32, #tpu.memory_space<hbm>>
        %dma_start3A_527 = arith.constant 0 : i32
        %dma_start3A_528 = tpu.memref_slice %arg7[%dma_start3A_520, %dma_start3A_527] : memref<5x64xi32, #tpu.memory_space<vmem>> -> memref<1x64xi32, #tpu.memory_space<vmem>>
        %dma_start3A_529 = tpu.memref_squeeze %dma_start3A_528 : memref<1x64xi32, #tpu.memory_space<vmem>> -> memref<64xi32, #tpu.memory_space<vmem>>
        %dma_start3A_530 = arith.constant 0 : i32
        %dma_start3A_531 = tpu.memref_slice %arg3[%add3A, %add3A_519, %dma_start3A_530] : memref<32x160x64xi32, #tpu.memory_space<hbm>> -> memref<1x1x64xi32, #tpu.memory_space<hbm>>
        %dma_start3A_532 = tpu.memref_squeeze %dma_start3A_531 : memref<1x1x64xi32, #tpu.memory_space<hbm>> -> memref<64xi32, #tpu.memory_space<hbm>>
        tpu.enqueue_dma source(%dma_start3A_532 : memref<64xi32, #tpu.memory_space<hbm>>) target(%dma_start3A_529 : memref<64xi32, #tpu.memory_space<vmem>>) target_semaphore(%arg29 : memref<!tpu.dma_semaphore, #tpu.memory_space<semaphore_mem>>)
      } else {
      }
      %add3A_438 = arith.constant 0 : i32
      %add3A_439 = arith.addi %add3A_255, %add3A_438 : i32
      %dma_wait3A_440 = arith.constant 0 : i32
      %dma_wait3A_441 = arith.constant 0 : i32
      %dma_wait3A_442 = tpu.memref_slice %arg8[%dma_wait3A_440, %dma_wait3A_441] : memref<5x64xi32, #tpu.memory_space<vmem>> -> memref<1x64xi32, #tpu.memory_space<vmem>>
      %dma_wait3A_443 = tpu.memref_squeeze %dma_wait3A_442 : memref<1x64xi32, #tpu.memory_space<vmem>> -> memref<64xi32, #tpu.memory_space<vmem>>
      %dma_wait3A_444 = arith.constant 0 : i32
      %dma_wait3A_445 = arith.constant 0 : i32
      %dma_wait3A_446 = tpu.memref_slice %arg14[%dma_wait3A_444, %dma_wait3A_445] : memref<10240x128xf32, #tpu.memory_space<vmem_shared>> -> memref<10240x128xf32, #tpu.memory_space<vmem_shared>>
      tpu.wait_indirect_dma semaphore(%arg20 : memref<!tpu.dma_semaphore, #tpu.memory_space<semaphore_mem>>) src(%arg9 : memref<64x128xf32, #tpu.memory_space<vmem>>) dst(%dma_wait3A_446 : memref<10240x128xf32, #tpu.memory_space<vmem_shared>>)
      %add3A_447 = arith.constant 5 : i32
      %add3A_448 = arith.addi %add3A_439, %add3A_447 : i32
      %lt3A_449 = arith.constant 160 : i32
      %lt3A_450 = arith.cmpi slt, %add3A_448, %lt3A_449 : i32
      %convert_element_type3A_451 = arith.extui %lt3A_450 : i1 to i32
      %cond3A_452 = arith.constant 0 : i32
      %cond3A_453 = arith.cmpi ne, %convert_element_type3A_451, %cond3A_452 : i32
      scf.if %cond3A_453 {
        %add3A_518 = arith.constant 5 : i32
        %add3A_519 = arith.addi %add3A_439, %add3A_518 : i32
        %dma_start3A_520 = arith.constant 0 : i32
        %dma_start3A_521 = arith.constant 0 : i32
        %dma_start3A_522 = tpu.memref_slice %arg8[%dma_start3A_520, %dma_start3A_521] : memref<5x64xi32, #tpu.memory_space<vmem>> -> memref<1x64xi32, #tpu.memory_space<vmem>>
        %dma_start3A_523 = tpu.memref_squeeze %dma_start3A_522 : memref<1x64xi32, #tpu.memory_space<vmem>> -> memref<64xi32, #tpu.memory_space<vmem>>
        %dma_start3A_524 = arith.constant 0 : i32
        %dma_start3A_525 = tpu.memref_slice %arg4[%add3A, %add3A_519, %dma_start3A_524] : memref<32x160x64xi32, #tpu.memory_space<hbm>> -> memref<1x1x64xi32, #tpu.memory_space<hbm>>
        %dma_start3A_526 = tpu.memref_squeeze %dma_start3A_525 : memref<1x1x64xi32, #tpu.memory_space<hbm>> -> memref<64xi32, #tpu.memory_space<hbm>>
        %dma_start3A_527 = arith.constant 0 : i32
        %dma_start3A_528 = tpu.memref_slice %arg8[%dma_start3A_520, %dma_start3A_527] : memref<5x64xi32, #tpu.memory_space<vmem>> -> memref<1x64xi32, #tpu.memory_space<vmem>>
        %dma_start3A_529 = tpu.memref_squeeze %dma_start3A_528 : memref<1x64xi32, #tpu.memory_space<vmem>> -> memref<64xi32, #tpu.memory_space<vmem>>
        %dma_start3A_530 = arith.constant 0 : i32
        %dma_start3A_531 = tpu.memref_slice %arg4[%add3A, %add3A_519, %dma_start3A_530] : memref<32x160x64xi32, #tpu.memory_space<hbm>> -> memref<1x1x64xi32, #tpu.memory_space<hbm>>
        %dma_start3A_532 = tpu.memref_squeeze %dma_start3A_531 : memref<1x1x64xi32, #tpu.memory_space<hbm>> -> memref<64xi32, #tpu.memory_space<hbm>>
        tpu.enqueue_dma source(%dma_start3A_532 : memref<64xi32, #tpu.memory_space<hbm>>) target(%dma_start3A_529 : memref<64xi32, #tpu.memory_space<vmem>>) target_semaphore(%arg30 : memref<!tpu.dma_semaphore, #tpu.memory_space<semaphore_mem>>)
        %add3A_533 = arith.constant 5 : i32
        %add3A_534 = arith.addi %add3A_439, %add3A_533 : i32
        %dma_wait3A_535 = arith.constant 0 : i32
        %dma_wait3A_536 = arith.constant 0 : i32
        %dma_wait3A_537 = tpu.memref_slice %arg7[%dma_wait3A_535, %dma_wait3A_536] : memref<5x64xi32, #tpu.memory_space<vmem>> -> memref<1x64xi32, #tpu.memory_space<vmem>>
        %dma_wait3A_538 = tpu.memref_squeeze %dma_wait3A_537 : memref<1x64xi32, #tpu.memory_space<vmem>> -> memref<64xi32, #tpu.memory_space<vmem>>
        %dma_wait3A_539 = arith.constant 0 : i32
        %dma_wait3A_540 = tpu.memref_slice %arg3[%add3A, %add3A_534, %dma_wait3A_539] : memref<32x160x64xi32, #tpu.memory_space<hbm>> -> memref<1x1x64xi32, #tpu.memory_space<hbm>>
        %dma_wait3A_541 = tpu.memref_squeeze %dma_wait3A_540 : memref<1x1x64xi32, #tpu.memory_space<hbm>> -> memref<64xi32, #tpu.memory_space<hbm>>
        %dma_wait3A_542 = arith.constant 0 : i32
        %dma_wait3A_543 = tpu.memref_slice %arg7[%dma_wait3A_535, %dma_wait3A_542] : memref<5x64xi32, #tpu.memory_space<vmem>> -> memref<1x64xi32, #tpu.memory_space<vmem>>
        %dma_wait3A_544 = tpu.memref_squeeze %dma_wait3A_543 : memref<1x64xi32, #tpu.memory_space<vmem>> -> memref<64xi32, #tpu.memory_space<vmem>>
        %dma_wait3A_545 = arith.constant 0 : i32
        %dma_wait3A_546 = tpu.memref_slice %arg3[%add3A, %add3A_534, %dma_wait3A_545] : memref<32x160x64xi32, #tpu.memory_space<hbm>> -> memref<1x1x64xi32, #tpu.memory_space<hbm>>
        %dma_wait3A_547 = tpu.memref_squeeze %dma_wait3A_546 : memref<1x1x64xi32, #tpu.memory_space<hbm>> -> memref<64xi32, #tpu.memory_space<hbm>>
        tpu.wait_dma2 semaphore(%arg25 : memref<!tpu.dma_semaphore, #tpu.memory_space<semaphore_mem>>) src(%dma_wait3A_547 : memref<64xi32, #tpu.memory_space<hbm>>) dst(%dma_wait3A_544 : memref<64xi32, #tpu.memory_space<vmem>>)
        %dma_start3A_548 = arith.constant 0 : i32
        %dma_start3A_549 = arith.constant 0 : i32
        %dma_start3A_550 = tpu.memref_slice %arg7[%dma_start3A_548, %dma_start3A_549] : memref<5x64xi32, #tpu.memory_space<vmem>> -> memref<1x64xi32, #tpu.memory_space<vmem>>
        %dma_start3A_551 = tpu.memref_squeeze %dma_start3A_550 : memref<1x64xi32, #tpu.memory_space<vmem>> -> memref<64xi32, #tpu.memory_space<vmem>>
        %dma_start3A_552 = arith.constant 0 : i32
        %dma_start3A_553 = arith.constant 0 : i32
        %dma_start3A_554 = tpu.memref_slice %arg2[%dma_start3A_552, %dma_start3A_553] : memref<10240x128xf32, #tpu.memory_space<hbm>> -> memref<10240x128xf32, #tpu.memory_space<hbm>>
        tpu.enqueue_indirect_dma source(%dma_start3A_554 : memref<10240x128xf32, #tpu.memory_space<hbm>>) target(%arg9 : memref<64x128xf32, #tpu.memory_space<vmem>>) offsets(%dma_start3A_551 : memref<64xi32, #tpu.memory_space<vmem>>) semaphore(%arg15 : memref<!tpu.dma_semaphore, #tpu.memory_space<semaphore_mem>>)
      } else {
      }
      %add3A_454 = arith.constant 1 : i32
      %add3A_455 = arith.addi %add3A_255, %add3A_454 : i32
      %dma_wait3A_456 = arith.constant 1 : i32
      %dma_wait3A_457 = arith.constant 0 : i32
      %dma_wait3A_458 = tpu.memref_slice %arg8[%dma_wait3A_456, %dma_wait3A_457] : memref<5x64xi32, #tpu.memory_space<vmem>> -> memref<1x64xi32, #tpu.memory_space<vmem>>
      %dma_wait3A_459 = tpu.memref_squeeze %dma_wait3A_458 : memref<1x64xi32, #tpu.memory_space<vmem>> -> memref<64xi32, #tpu.memory_space<vmem>>
      %dma_wait3A_460 = arith.constant 0 : i32
      %dma_wait3A_461 = arith.constant 0 : i32
      %dma_wait3A_462 = tpu.memref_slice %arg14[%dma_wait3A_460, %dma_wait3A_461] : memref<10240x128xf32, #tpu.memory_space<vmem_shared>> -> memref<10240x128xf32, #tpu.memory_space<vmem_shared>>
      tpu.wait_indirect_dma semaphore(%arg21 : memref<!tpu.dma_semaphore, #tpu.memory_space<semaphore_mem>>) src(%arg10 : memref<64x128xf32, #tpu.memory_space<vmem>>) dst(%dma_wait3A_462 : memref<10240x128xf32, #tpu.memory_space<vmem_shared>>)
      %add3A_463 = arith.constant 5 : i32
      %add3A_464 = arith.addi %add3A_455, %add3A_463 : i32
      %lt3A_465 = arith.constant 160 : i32
      %lt3A_466 = arith.cmpi slt, %add3A_464, %lt3A_465 : i32
      %convert_element_type3A_467 = arith.extui %lt3A_466 : i1 to i32
      %cond3A_468 = arith.constant 0 : i32
      %cond3A_469 = arith.cmpi ne, %convert_element_type3A_467, %cond3A_468 : i32
      scf.if %cond3A_469 {
        %add3A_518 = arith.constant 5 : i32
        %add3A_519 = arith.addi %add3A_455, %add3A_518 : i32
        %dma_start3A_520 = arith.constant 1 : i32
        %dma_start3A_521 = arith.constant 0 : i32
        %dma_start3A_522 = tpu.memref_slice %arg8[%dma_start3A_520, %dma_start3A_521] : memref<5x64xi32, #tpu.memory_space<vmem>> -> memref<1x64xi32, #tpu.memory_space<vmem>>
        %dma_start3A_523 = tpu.memref_squeeze %dma_start3A_522 : memref<1x64xi32, #tpu.memory_space<vmem>> -> memref<64xi32, #tpu.memory_space<vmem>>
        %dma_start3A_524 = arith.constant 0 : i32
        %dma_start3A_525 = tpu.memref_slice %arg4[%add3A, %add3A_519, %dma_start3A_524] : memref<32x160x64xi32, #tpu.memory_space<hbm>> -> memref<1x1x64xi32, #tpu.memory_space<hbm>>
        %dma_start3A_526 = tpu.memref_squeeze %dma_start3A_525 : memref<1x1x64xi32, #tpu.memory_space<hbm>> -> memref<64xi32, #tpu.memory_space<hbm>>
        %dma_start3A_527 = arith.constant 0 : i32
        %dma_start3A_528 = tpu.memref_slice %arg8[%dma_start3A_520, %dma_start3A_527] : memref<5x64xi32, #tpu.memory_space<vmem>> -> memref<1x64xi32, #tpu.memory_space<vmem>>
        %dma_start3A_529 = tpu.memref_squeeze %dma_start3A_528 : memref<1x64xi32, #tpu.memory_space<vmem>> -> memref<64xi32, #tpu.memory_space<vmem>>
        %dma_start3A_530 = arith.constant 0 : i32
        %dma_start3A_531 = tpu.memref_slice %arg4[%add3A, %add3A_519, %dma_start3A_530] : memref<32x160x64xi32, #tpu.memory_space<hbm>> -> memref<1x1x64xi32, #tpu.memory_space<hbm>>
        %dma_start3A_532 = tpu.memref_squeeze %dma_start3A_531 : memref<1x1x64xi32, #tpu.memory_space<hbm>> -> memref<64xi32, #tpu.memory_space<hbm>>
        tpu.enqueue_dma source(%dma_start3A_532 : memref<64xi32, #tpu.memory_space<hbm>>) target(%dma_start3A_529 : memref<64xi32, #tpu.memory_space<vmem>>) target_semaphore(%arg31 : memref<!tpu.dma_semaphore, #tpu.memory_space<semaphore_mem>>)
        %add3A_533 = arith.constant 5 : i32
        %add3A_534 = arith.addi %add3A_455, %add3A_533 : i32
        %dma_wait3A_535 = arith.constant 1 : i32
        %dma_wait3A_536 = arith.constant 0 : i32
        %dma_wait3A_537 = tpu.memref_slice %arg7[%dma_wait3A_535, %dma_wait3A_536] : memref<5x64xi32, #tpu.memory_space<vmem>> -> memref<1x64xi32, #tpu.memory_space<vmem>>
        %dma_wait3A_538 = tpu.memref_squeeze %dma_wait3A_537 : memref<1x64xi32, #tpu.memory_space<vmem>> -> memref<64xi32, #tpu.memory_space<vmem>>
        %dma_wait3A_539 = arith.constant 0 : i32
        %dma_wait3A_540 = tpu.memref_slice %arg3[%add3A, %add3A_534, %dma_wait3A_539] : memref<32x160x64xi32, #tpu.memory_space<hbm>> -> memref<1x1x64xi32, #tpu.memory_space<hbm>>
        %dma_wait3A_541 = tpu.memref_squeeze %dma_wait3A_540 : memref<1x1x64xi32, #tpu.memory_space<hbm>> -> memref<64xi32, #tpu.memory_space<hbm>>
        %dma_wait3A_542 = arith.constant 0 : i32
        %dma_wait3A_543 = tpu.memref_slice %arg7[%dma_wait3A_535, %dma_wait3A_542] : memref<5x64xi32, #tpu.memory_space<vmem>> -> memref<1x64xi32, #tpu.memory_space<vmem>>
        %dma_wait3A_544 = tpu.memref_squeeze %dma_wait3A_543 : memref<1x64xi32, #tpu.memory_space<vmem>> -> memref<64xi32, #tpu.memory_space<vmem>>
        %dma_wait3A_545 = arith.constant 0 : i32
        %dma_wait3A_546 = tpu.memref_slice %arg3[%add3A, %add3A_534, %dma_wait3A_545] : memref<32x160x64xi32, #tpu.memory_space<hbm>> -> memref<1x1x64xi32, #tpu.memory_space<hbm>>
        %dma_wait3A_547 = tpu.memref_squeeze %dma_wait3A_546 : memref<1x1x64xi32, #tpu.memory_space<hbm>> -> memref<64xi32, #tpu.memory_space<hbm>>
        tpu.wait_dma2 semaphore(%arg26 : memref<!tpu.dma_semaphore, #tpu.memory_space<semaphore_mem>>) src(%dma_wait3A_547 : memref<64xi32, #tpu.memory_space<hbm>>) dst(%dma_wait3A_544 : memref<64xi32, #tpu.memory_space<vmem>>)
        %dma_start3A_548 = arith.constant 1 : i32
        %dma_start3A_549 = arith.constant 0 : i32
        %dma_start3A_550 = tpu.memref_slice %arg7[%dma_start3A_548, %dma_start3A_549] : memref<5x64xi32, #tpu.memory_space<vmem>> -> memref<1x64xi32, #tpu.memory_space<vmem>>
        %dma_start3A_551 = tpu.memref_squeeze %dma_start3A_550 : memref<1x64xi32, #tpu.memory_space<vmem>> -> memref<64xi32, #tpu.memory_space<vmem>>
        %dma_start3A_552 = arith.constant 0 : i32
        %dma_start3A_553 = arith.constant 0 : i32
        %dma_start3A_554 = tpu.memref_slice %arg2[%dma_start3A_552, %dma_start3A_553] : memref<10240x128xf32, #tpu.memory_space<hbm>> -> memref<10240x128xf32, #tpu.memory_space<hbm>>
        tpu.enqueue_indirect_dma source(%dma_start3A_554 : memref<10240x128xf32, #tpu.memory_space<hbm>>) target(%arg10 : memref<64x128xf32, #tpu.memory_space<vmem>>) offsets(%dma_start3A_551 : memref<64xi32, #tpu.memory_space<vmem>>) semaphore(%arg16 : memref<!tpu.dma_semaphore, #tpu.memory_space<semaphore_mem>>)
      } else {
      }
      %add3A_470 = arith.constant 2 : i32
      %add3A_471 = arith.addi %add3A_255, %add3A_470 : i32
      %dma_wait3A_472 = arith.constant 2 : i32
      %dma_wait3A_473 = arith.constant 0 : i32
      %dma_wait3A_474 = tpu.memref_slice %arg8[%dma_wait3A_472, %dma_wait3A_473] : memref<5x64xi32, #tpu.memory_space<vmem>> -> memref<1x64xi32, #tpu.memory_space<vmem>>
      %dma_wait3A_475 = tpu.memref_squeeze %dma_wait3A_474 : memref<1x64xi32, #tpu.memory_space<vmem>> -> memref<64xi32, #tpu.memory_space<vmem>>
      %dma_wait3A_476 = arith.constant 0 : i32
      %dma_wait3A_477 = arith.constant 0 : i32
      %dma_wait3A_478 = tpu.memref_slice %arg14[%dma_wait3A_476, %dma_wait3A_477] : memref<10240x128xf32, #tpu.memory_space<vmem_shared>> -> memref<10240x128xf32, #tpu.memory_space<vmem_shared>>
      tpu.wait_indirect_dma semaphore(%arg22 : memref<!tpu.dma_semaphore, #tpu.memory_space<semaphore_mem>>) src(%arg11 : memref<64x128xf32, #tpu.memory_space<vmem>>) dst(%dma_wait3A_478 : memref<10240x128xf32, #tpu.memory_space<vmem_shared>>)
      %add3A_479 = arith.constant 5 : i32
      %add3A_480 = arith.addi %add3A_471, %add3A_479 : i32
      %lt3A_481 = arith.constant 160 : i32
      %lt3A_482 = arith.cmpi slt, %add3A_480, %lt3A_481 : i32
      %convert_element_type3A_483 = arith.extui %lt3A_482 : i1 to i32
      %cond3A_484 = arith.constant 0 : i32
      %cond3A_485 = arith.cmpi ne, %convert_element_type3A_483, %cond3A_484 : i32
      scf.if %cond3A_485 {
        %add3A_518 = arith.constant 5 : i32
        %add3A_519 = arith.addi %add3A_471, %add3A_518 : i32
        %dma_start3A_520 = arith.constant 2 : i32
        %dma_start3A_521 = arith.constant 0 : i32
        %dma_start3A_522 = tpu.memref_slice %arg8[%dma_start3A_520, %dma_start3A_521] : memref<5x64xi32, #tpu.memory_space<vmem>> -> memref<1x64xi32, #tpu.memory_space<vmem>>
        %dma_start3A_523 = tpu.memref_squeeze %dma_start3A_522 : memref<1x64xi32, #tpu.memory_space<vmem>> -> memref<64xi32, #tpu.memory_space<vmem>>
        %dma_start3A_524 = arith.constant 0 : i32
        %dma_start3A_525 = tpu.memref_slice %arg4[%add3A, %add3A_519, %dma_start3A_524] : memref<32x160x64xi32, #tpu.memory_space<hbm>> -> memref<1x1x64xi32, #tpu.memory_space<hbm>>
        %dma_start3A_526 = tpu.memref_squeeze %dma_start3A_525 : memref<1x1x64xi32, #tpu.memory_space<hbm>> -> memref<64xi32, #tpu.memory_space<hbm>>
        %dma_start3A_527 = arith.constant 0 : i32
        %dma_start3A_528 = tpu.memref_slice %arg8[%dma_start3A_520, %dma_start3A_527] : memref<5x64xi32, #tpu.memory_space<vmem>> -> memref<1x64xi32, #tpu.memory_space<vmem>>
        %dma_start3A_529 = tpu.memref_squeeze %dma_start3A_528 : memref<1x64xi32, #tpu.memory_space<vmem>> -> memref<64xi32, #tpu.memory_space<vmem>>
        %dma_start3A_530 = arith.constant 0 : i32
        %dma_start3A_531 = tpu.memref_slice %arg4[%add3A, %add3A_519, %dma_start3A_530] : memref<32x160x64xi32, #tpu.memory_space<hbm>> -> memref<1x1x64xi32, #tpu.memory_space<hbm>>
        %dma_start3A_532 = tpu.memref_squeeze %dma_start3A_531 : memref<1x1x64xi32, #tpu.memory_space<hbm>> -> memref<64xi32, #tpu.memory_space<hbm>>
        tpu.enqueue_dma source(%dma_start3A_532 : memref<64xi32, #tpu.memory_space<hbm>>) target(%dma_start3A_529 : memref<64xi32, #tpu.memory_space<vmem>>) target_semaphore(%arg32 : memref<!tpu.dma_semaphore, #tpu.memory_space<semaphore_mem>>)
        %add3A_533 = arith.constant 5 : i32
        %add3A_534 = arith.addi %add3A_471, %add3A_533 : i32
        %dma_wait3A_535 = arith.constant 2 : i32
        %dma_wait3A_536 = arith.constant 0 : i32
        %dma_wait3A_537 = tpu.memref_slice %arg7[%dma_wait3A_535, %dma_wait3A_536] : memref<5x64xi32, #tpu.memory_space<vmem>> -> memref<1x64xi32, #tpu.memory_space<vmem>>
        %dma_wait3A_538 = tpu.memref_squeeze %dma_wait3A_537 : memref<1x64xi32, #tpu.memory_space<vmem>> -> memref<64xi32, #tpu.memory_space<vmem>>
        %dma_wait3A_539 = arith.constant 0 : i32
        %dma_wait3A_540 = tpu.memref_slice %arg3[%add3A, %add3A_534, %dma_wait3A_539] : memref<32x160x64xi32, #tpu.memory_space<hbm>> -> memref<1x1x64xi32, #tpu.memory_space<hbm>>
        %dma_wait3A_541 = tpu.memref_squeeze %dma_wait3A_540 : memref<1x1x64xi32, #tpu.memory_space<hbm>> -> memref<64xi32, #tpu.memory_space<hbm>>
        %dma_wait3A_542 = arith.constant 0 : i32
        %dma_wait3A_543 = tpu.memref_slice %arg7[%dma_wait3A_535, %dma_wait3A_542] : memref<5x64xi32, #tpu.memory_space<vmem>> -> memref<1x64xi32, #tpu.memory_space<vmem>>
        %dma_wait3A_544 = tpu.memref_squeeze %dma_wait3A_543 : memref<1x64xi32, #tpu.memory_space<vmem>> -> memref<64xi32, #tpu.memory_space<vmem>>
        %dma_wait3A_545 = arith.constant 0 : i32
        %dma_wait3A_546 = tpu.memref_slice %arg3[%add3A, %add3A_534, %dma_wait3A_545] : memref<32x160x64xi32, #tpu.memory_space<hbm>> -> memref<1x1x64xi32, #tpu.memory_space<hbm>>
        %dma_wait3A_547 = tpu.memref_squeeze %dma_wait3A_546 : memref<1x1x64xi32, #tpu.memory_space<hbm>> -> memref<64xi32, #tpu.memory_space<hbm>>
        tpu.wait_dma2 semaphore(%arg27 : memref<!tpu.dma_semaphore, #tpu.memory_space<semaphore_mem>>) src(%dma_wait3A_547 : memref<64xi32, #tpu.memory_space<hbm>>) dst(%dma_wait3A_544 : memref<64xi32, #tpu.memory_space<vmem>>)
        %dma_start3A_548 = arith.constant 2 : i32
        %dma_start3A_549 = arith.constant 0 : i32
        %dma_start3A_550 = tpu.memref_slice %arg7[%dma_start3A_548, %dma_start3A_549] : memref<5x64xi32, #tpu.memory_space<vmem>> -> memref<1x64xi32, #tpu.memory_space<vmem>>
        %dma_start3A_551 = tpu.memref_squeeze %dma_start3A_550 : memref<1x64xi32, #tpu.memory_space<vmem>> -> memref<64xi32, #tpu.memory_space<vmem>>
        %dma_start3A_552 = arith.constant 0 : i32
        %dma_start3A_553 = arith.constant 0 : i32
        %dma_start3A_554 = tpu.memref_slice %arg2[%dma_start3A_552, %dma_start3A_553] : memref<10240x128xf32, #tpu.memory_space<hbm>> -> memref<10240x128xf32, #tpu.memory_space<hbm>>
        tpu.enqueue_indirect_dma source(%dma_start3A_554 : memref<10240x128xf32, #tpu.memory_space<hbm>>) target(%arg11 : memref<64x128xf32, #tpu.memory_space<vmem>>) offsets(%dma_start3A_551 : memref<64xi32, #tpu.memory_space<vmem>>) semaphore(%arg17 : memref<!tpu.dma_semaphore, #tpu.memory_space<semaphore_mem>>)
      } else {
      }
      %add3A_486 = arith.constant 3 : i32
      %add3A_487 = arith.addi %add3A_255, %add3A_486 : i32
      %dma_wait3A_488 = arith.constant 3 : i32
      %dma_wait3A_489 = arith.constant 0 : i32
      %dma_wait3A_490 = tpu.memref_slice %arg8[%dma_wait3A_488, %dma_wait3A_489] : memref<5x64xi32, #tpu.memory_space<vmem>> -> memref<1x64xi32, #tpu.memory_space<vmem>>
      %dma_wait3A_491 = tpu.memref_squeeze %dma_wait3A_490 : memref<1x64xi32, #tpu.memory_space<vmem>> -> memref<64xi32, #tpu.memory_space<vmem>>
      %dma_wait3A_492 = arith.constant 0 : i32
      %dma_wait3A_493 = arith.constant 0 : i32
      %dma_wait3A_494 = tpu.memref_slice %arg14[%dma_wait3A_492, %dma_wait3A_493] : memref<10240x128xf32, #tpu.memory_space<vmem_shared>> -> memref<10240x128xf32, #tpu.memory_space<vmem_shared>>
      tpu.wait_indirect_dma semaphore(%arg23 : memref<!tpu.dma_semaphore, #tpu.memory_space<semaphore_mem>>) src(%arg12 : memref<64x128xf32, #tpu.memory_space<vmem>>) dst(%dma_wait3A_494 : memref<10240x128xf32, #tpu.memory_space<vmem_shared>>)
      %add3A_495 = arith.constant 5 : i32
      %add3A_496 = arith.addi %add3A_487, %add3A_495 : i32
      %lt3A_497 = arith.constant 160 : i32
      %lt3A_498 = arith.cmpi slt, %add3A_496, %lt3A_497 : i32
      %convert_element_type3A_499 = arith.extui %lt3A_498 : i1 to i32
      %cond3A_500 = arith.constant 0 : i32
      %cond3A_501 = arith.cmpi ne, %convert_element_type3A_499, %cond3A_500 : i32
      scf.if %cond3A_501 {
        %add3A_518 = arith.constant 5 : i32
        %add3A_519 = arith.addi %add3A_487, %add3A_518 : i32
        %dma_start3A_520 = arith.constant 3 : i32
        %dma_start3A_521 = arith.constant 0 : i32
        %dma_start3A_522 = tpu.memref_slice %arg8[%dma_start3A_520, %dma_start3A_521] : memref<5x64xi32, #tpu.memory_space<vmem>> -> memref<1x64xi32, #tpu.memory_space<vmem>>
        %dma_start3A_523 = tpu.memref_squeeze %dma_start3A_522 : memref<1x64xi32, #tpu.memory_space<vmem>> -> memref<64xi32, #tpu.memory_space<vmem>>
        %dma_start3A_524 = arith.constant 0 : i32
        %dma_start3A_525 = tpu.memref_slice %arg4[%add3A, %add3A_519, %dma_start3A_524] : memref<32x160x64xi32, #tpu.memory_space<hbm>> -> memref<1x1x64xi32, #tpu.memory_space<hbm>>
        %dma_start3A_526 = tpu.memref_squeeze %dma_start3A_525 : memref<1x1x64xi32, #tpu.memory_space<hbm>> -> memref<64xi32, #tpu.memory_space<hbm>>
        %dma_start3A_527 = arith.constant 0 : i32
        %dma_start3A_528 = tpu.memref_slice %arg8[%dma_start3A_520, %dma_start3A_527] : memref<5x64xi32, #tpu.memory_space<vmem>> -> memref<1x64xi32, #tpu.memory_space<vmem>>
        %dma_start3A_529 = tpu.memref_squeeze %dma_start3A_528 : memref<1x64xi32, #tpu.memory_space<vmem>> -> memref<64xi32, #tpu.memory_space<vmem>>
        %dma_start3A_530 = arith.constant 0 : i32
        %dma_start3A_531 = tpu.memref_slice %arg4[%add3A, %add3A_519, %dma_start3A_530] : memref<32x160x64xi32, #tpu.memory_space<hbm>> -> memref<1x1x64xi32, #tpu.memory_space<hbm>>
        %dma_start3A_532 = tpu.memref_squeeze %dma_start3A_531 : memref<1x1x64xi32, #tpu.memory_space<hbm>> -> memref<64xi32, #tpu.memory_space<hbm>>
        tpu.enqueue_dma source(%dma_start3A_532 : memref<64xi32, #tpu.memory_space<hbm>>) target(%dma_start3A_529 : memref<64xi32, #tpu.memory_space<vmem>>) target_semaphore(%arg33 : memref<!tpu.dma_semaphore, #tpu.memory_space<semaphore_mem>>)
        %add3A_533 = arith.constant 5 : i32
        %add3A_534 = arith.addi %add3A_487, %add3A_533 : i32
        %dma_wait3A_535 = arith.constant 3 : i32
        %dma_wait3A_536 = arith.constant 0 : i32
        %dma_wait3A_537 = tpu.memref_slice %arg7[%dma_wait3A_535, %dma_wait3A_536] : memref<5x64xi32, #tpu.memory_space<vmem>> -> memref<1x64xi32, #tpu.memory_space<vmem>>
        %dma_wait3A_538 = tpu.memref_squeeze %dma_wait3A_537 : memref<1x64xi32, #tpu.memory_space<vmem>> -> memref<64xi32, #tpu.memory_space<vmem>>
        %dma_wait3A_539 = arith.constant 0 : i32
        %dma_wait3A_540 = tpu.memref_slice %arg3[%add3A, %add3A_534, %dma_wait3A_539] : memref<32x160x64xi32, #tpu.memory_space<hbm>> -> memref<1x1x64xi32, #tpu.memory_space<hbm>>
        %dma_wait3A_541 = tpu.memref_squeeze %dma_wait3A_540 : memref<1x1x64xi32, #tpu.memory_space<hbm>> -> memref<64xi32, #tpu.memory_space<hbm>>
        %dma_wait3A_542 = arith.constant 0 : i32
        %dma_wait3A_543 = tpu.memref_slice %arg7[%dma_wait3A_535, %dma_wait3A_542] : memref<5x64xi32, #tpu.memory_space<vmem>> -> memref<1x64xi32, #tpu.memory_space<vmem>>
        %dma_wait3A_544 = tpu.memref_squeeze %dma_wait3A_543 : memref<1x64xi32, #tpu.memory_space<vmem>> -> memref<64xi32, #tpu.memory_space<vmem>>
        %dma_wait3A_545 = arith.constant 0 : i32
        %dma_wait3A_546 = tpu.memref_slice %arg3[%add3A, %add3A_534, %dma_wait3A_545] : memref<32x160x64xi32, #tpu.memory_space<hbm>> -> memref<1x1x64xi32, #tpu.memory_space<hbm>>
        %dma_wait3A_547 = tpu.memref_squeeze %dma_wait3A_546 : memref<1x1x64xi32, #tpu.memory_space<hbm>> -> memref<64xi32, #tpu.memory_space<hbm>>
        tpu.wait_dma2 semaphore(%arg28 : memref<!tpu.dma_semaphore, #tpu.memory_space<semaphore_mem>>) src(%dma_wait3A_547 : memref<64xi32, #tpu.memory_space<hbm>>) dst(%dma_wait3A_544 : memref<64xi32, #tpu.memory_space<vmem>>)
        %dma_start3A_548 = arith.constant 3 : i32
        %dma_start3A_549 = arith.constant 0 : i32
        %dma_start3A_550 = tpu.memref_slice %arg7[%dma_start3A_548, %dma_start3A_549] : memref<5x64xi32, #tpu.memory_space<vmem>> -> memref<1x64xi32, #tpu.memory_space<vmem>>
        %dma_start3A_551 = tpu.memref_squeeze %dma_start3A_550 : memref<1x64xi32, #tpu.memory_space<vmem>> -> memref<64xi32, #tpu.memory_space<vmem>>
        %dma_start3A_552 = arith.constant 0 : i32
        %dma_start3A_553 = arith.constant 0 : i32
        %dma_start3A_554 = tpu.memref_slice %arg2[%dma_start3A_552, %dma_start3A_553] : memref<10240x128xf32, #tpu.memory_space<hbm>> -> memref<10240x128xf32, #tpu.memory_space<hbm>>
        tpu.enqueue_indirect_dma source(%dma_start3A_554 : memref<10240x128xf32, #tpu.memory_space<hbm>>) target(%arg12 : memref<64x128xf32, #tpu.memory_space<vmem>>) offsets(%dma_start3A_551 : memref<64xi32, #tpu.memory_space<vmem>>) semaphore(%arg18 : memref<!tpu.dma_semaphore, #tpu.memory_space<semaphore_mem>>)
      } else {
      }
      %add3A_502 = arith.constant 4 : i32
      %add3A_503 = arith.addi %add3A_255, %add3A_502 : i32
      %dma_wait3A_504 = arith.constant 4 : i32
      %dma_wait3A_505 = arith.constant 0 : i32
      %dma_wait3A_506 = tpu.memref_slice %arg8[%dma_wait3A_504, %dma_wait3A_505] : memref<5x64xi32, #tpu.memory_space<vmem>> -> memref<1x64xi32, #tpu.memory_space<vmem>>
      %dma_wait3A_507 = tpu.memref_squeeze %dma_wait3A_506 : memref<1x64xi32, #tpu.memory_space<vmem>> -> memref<64xi32, #tpu.memory_space<vmem>>
      %dma_wait3A_508 = arith.constant 0 : i32
      %dma_wait3A_509 = arith.constant 0 : i32
      %dma_wait3A_510 = tpu.memref_slice %arg14[%dma_wait3A_508, %dma_wait3A_509] : memref<10240x128xf32, #tpu.memory_space<vmem_shared>> -> memref<10240x128xf32, #tpu.memory_space<vmem_shared>>
      tpu.wait_indirect_dma semaphore(%arg24 : memref<!tpu.dma_semaphore, #tpu.memory_space<semaphore_mem>>) src(%arg13 : memref<64x128xf32, #tpu.memory_space<vmem>>) dst(%dma_wait3A_510 : memref<10240x128xf32, #tpu.memory_space<vmem_shared>>)
      %add3A_511 = arith.constant 5 : i32
      %add3A_512 = arith.addi %add3A_503, %add3A_511 : i32
      %lt3A_513 = arith.constant 160 : i32
      %lt3A_514 = arith.cmpi slt, %add3A_512, %lt3A_513 : i32
      %convert_element_type3A_515 = arith.extui %lt3A_514 : i1 to i32
      %cond3A_516 = arith.constant 0 : i32
      %cond3A_517 = arith.cmpi ne, %convert_element_type3A_515, %cond3A_516 : i32
      scf.if %cond3A_517 {
        %add3A_518 = arith.constant 5 : i32
        %add3A_519 = arith.addi %add3A_503, %add3A_518 : i32
        %dma_start3A_520 = arith.constant 4 : i32
        %dma_start3A_521 = arith.constant 0 : i32
        %dma_start3A_522 = tpu.memref_slice %arg8[%dma_start3A_520, %dma_start3A_521] : memref<5x64xi32, #tpu.memory_space<vmem>> -> memref<1x64xi32, #tpu.memory_space<vmem>>
        %dma_start3A_523 = tpu.memref_squeeze %dma_start3A_522 : memref<1x64xi32, #tpu.memory_space<vmem>> -> memref<64xi32, #tpu.memory_space<vmem>>
        %dma_start3A_524 = arith.constant 0 : i32
        %dma_start3A_525 = tpu.memref_slice %arg4[%add3A, %add3A_519, %dma_start3A_524] : memref<32x160x64xi32, #tpu.memory_space<hbm>> -> memref<1x1x64xi32, #tpu.memory_space<hbm>>
        %dma_start3A_526 = tpu.memref_squeeze %dma_start3A_525 : memref<1x1x64xi32, #tpu.memory_space<hbm>> -> memref<64xi32, #tpu.memory_space<hbm>>
        %dma_start3A_527 = arith.constant 0 : i32
        %dma_start3A_528 = tpu.memref_slice %arg8[%dma_start3A_520, %dma_start3A_527] : memref<5x64xi32, #tpu.memory_space<vmem>> -> memref<1x64xi32, #tpu.memory_space<vmem>>
        %dma_start3A_529 = tpu.memref_squeeze %dma_start3A_528 : memref<1x64xi32, #tpu.memory_space<vmem>> -> memref<64xi32, #tpu.memory_space<vmem>>
        %dma_start3A_530 = arith.constant 0 : i32
        %dma_start3A_531 = tpu.memref_slice %arg4[%add3A, %add3A_519, %dma_start3A_530] : memref<32x160x64xi32, #tpu.memory_space<hbm>> -> memref<1x1x64xi32, #tpu.memory_space<hbm>>
        %dma_start3A_532 = tpu.memref_squeeze %dma_start3A_531 : memref<1x1x64xi32, #tpu.memory_space<hbm>> -> memref<64xi32, #tpu.memory_space<hbm>>
        tpu.enqueue_dma source(%dma_start3A_532 : memref<64xi32, #tpu.memory_space<hbm>>) target(%dma_start3A_529 : memref<64xi32, #tpu.memory_space<vmem>>) target_semaphore(%arg34 : memref<!tpu.dma_semaphore, #tpu.memory_space<semaphore_mem>>)
        %add3A_533 = arith.constant 5 : i32
        %add3A_534 = arith.addi %add3A_503, %add3A_533 : i32
        %dma_wait3A_535 = arith.constant 4 : i32
        %dma_wait3A_536 = arith.constant 0 : i32
        %dma_wait3A_537 = tpu.memref_slice %arg7[%dma_wait3A_535, %dma_wait3A_536] : memref<5x64xi32, #tpu.memory_space<vmem>> -> memref<1x64xi32, #tpu.memory_space<vmem>>
        %dma_wait3A_538 = tpu.memref_squeeze %dma_wait3A_537 : memref<1x64xi32, #tpu.memory_space<vmem>> -> memref<64xi32, #tpu.memory_space<vmem>>
        %dma_wait3A_539 = arith.constant 0 : i32
        %dma_wait3A_540 = tpu.memref_slice %arg3[%add3A, %add3A_534, %dma_wait3A_539] : memref<32x160x64xi32, #tpu.memory_space<hbm>> -> memref<1x1x64xi32, #tpu.memory_space<hbm>>
        %dma_wait3A_541 = tpu.memref_squeeze %dma_wait3A_540 : memref<1x1x64xi32, #tpu.memory_space<hbm>> -> memref<64xi32, #tpu.memory_space<hbm>>
        %dma_wait3A_542 = arith.constant 0 : i32
        %dma_wait3A_543 = tpu.memref_slice %arg7[%dma_wait3A_535, %dma_wait3A_542] : memref<5x64xi32, #tpu.memory_space<vmem>> -> memref<1x64xi32, #tpu.memory_space<vmem>>
        %dma_wait3A_544 = tpu.memref_squeeze %dma_wait3A_543 : memref<1x64xi32, #tpu.memory_space<vmem>> -> memref<64xi32, #tpu.memory_space<vmem>>
        %dma_wait3A_545 = arith.constant 0 : i32
        %dma_wait3A_546 = tpu.memref_slice %arg3[%add3A, %add3A_534, %dma_wait3A_545] : memref<32x160x64xi32, #tpu.memory_space<hbm>> -> memref<1x1x64xi32, #tpu.memory_space<hbm>>
        %dma_wait3A_547 = tpu.memref_squeeze %dma_wait3A_546 : memref<1x1x64xi32, #tpu.memory_space<hbm>> -> memref<64xi32, #tpu.memory_space<hbm>>
        tpu.wait_dma2 semaphore(%arg29 : memref<!tpu.dma_semaphore, #tpu.memory_space<semaphore_mem>>) src(%dma_wait3A_547 : memref<64xi32, #tpu.memory_space<hbm>>) dst(%dma_wait3A_544 : memref<64xi32, #tpu.memory_space<vmem>>)
        %dma_start3A_548 = arith.constant 4 : i32
        %dma_start3A_549 = arith.constant 0 : i32
        %dma_start3A_550 = tpu.memref_slice %arg7[%dma_start3A_548, %dma_start3A_549] : memref<5x64xi32, #tpu.memory_space<vmem>> -> memref<1x64xi32, #tpu.memory_space<vmem>>
        %dma_start3A_551 = tpu.memref_squeeze %dma_start3A_550 : memref<1x64xi32, #tpu.memory_space<vmem>> -> memref<64xi32, #tpu.memory_space<vmem>>
        %dma_start3A_552 = arith.constant 0 : i32
        %dma_start3A_553 = arith.constant 0 : i32
        %dma_start3A_554 = tpu.memref_slice %arg2[%dma_start3A_552, %dma_start3A_553] : memref<10240x128xf32, #tpu.memory_space<hbm>> -> memref<10240x128xf32, #tpu.memory_space<hbm>>
        tpu.enqueue_indirect_dma source(%dma_start3A_554 : memref<10240x128xf32, #tpu.memory_space<hbm>>) target(%arg13 : memref<64x128xf32, #tpu.memory_space<vmem>>) offsets(%dma_start3A_551 : memref<64xi32, #tpu.memory_space<vmem>>) semaphore(%arg19 : memref<!tpu.dma_semaphore, #tpu.memory_space<semaphore_mem>>)
      } else {
      }
    }
    %scan3A_249 = arith.constant 32 : i32
    %barrier3A_250 = arith.constant 0 : index
    tpu.barrier barrier_id(%barrier3A_250)
    "tpu.region"() ({
      %run_scoped3A = tpu.sem_alloc : memref<!tpu.dma_semaphore, #tpu.memory_space<semaphore_mem>>
      %dma_start3A_251 = arith.constant 0 : i32
      %dma_start3A_252 = tpu.memref_slice %arg6[%arg0, %mul3A_2, %dma_start3A_251] : memref<2x10240x128xf32, #tpu.memory_space<hbm>> -> memref<1x640x128xf32, #tpu.memory_space<hbm>>
      %dma_start3A_253 = tpu.memref_squeeze %dma_start3A_252 : memref<1x640x128xf32, #tpu.memory_space<hbm>> -> memref<640x128xf32, #tpu.memory_space<hbm>>
      %dma_start3A_254 = arith.constant 0 : i32
      %dma_start3A_255 = tpu.memref_slice %arg14[%mul3A_2, %dma_start3A_254] : memref<10240x128xf32, #tpu.memory_space<vmem_shared>> -> memref<640x128xf32, #tpu.memory_space<vmem_shared>>
      tpu.enqueue_dma source(%dma_start3A_255 : memref<640x128xf32, #tpu.memory_space<vmem_shared>>) target(%dma_start3A_253 : memref<640x128xf32, #tpu.memory_space<hbm>>) target_semaphore(%run_scoped3A : memref<!tpu.dma_semaphore, #tpu.memory_space<semaphore_mem>>)
      %dma_wait3A_256 = arith.constant 0 : i32
      %dma_wait3A_257 = tpu.memref_slice %arg6[%arg0, %mul3A_2, %dma_wait3A_256] : memref<2x10240x128xf32, #tpu.memory_space<hbm>> -> memref<1x640x128xf32, #tpu.memory_space<hbm>>
      %dma_wait3A_258 = tpu.memref_squeeze %dma_wait3A_257 : memref<1x640x128xf32, #tpu.memory_space<hbm>> -> memref<640x128xf32, #tpu.memory_space<hbm>>
      %dma_wait3A_259 = arith.constant 0 : i32
      %dma_wait3A_260 = tpu.memref_slice %arg14[%mul3A_2, %dma_wait3A_259] : memref<10240x128xf32, #tpu.memory_space<vmem_shared>> -> memref<640x128xf32, #tpu.memory_space<vmem_shared>>
      tpu.wait_dma2 semaphore(%run_scoped3A : memref<!tpu.dma_semaphore, #tpu.memory_space<semaphore_mem>>) src(%dma_wait3A_260 : memref<640x128xf32, #tpu.memory_space<vmem_shared>>) dst(%dma_wait3A_258 : memref<640x128xf32, #tpu.memory_space<hbm>>)
      tpu.yield
    }) : () -> ()
    return
  }
}

module attributes {stable_mosaic.version = 14 : i64} {
  func.func @_mm1_body(%arg0: i32, %arg1: memref<1024x128xf32, #tpu.memory_space<vmem>>, %arg2: memref<128x64xf32, #tpu.memory_space<vmem>>, %arg3: memref<1024x64xf32, #tpu.memory_space<vmem>>) attributes {dimension_semantics = [#tpu.dimension_semantics<arbitrary>], iteration_bounds = array<i64: 10>, scalar_prefetch = 0 : i64, scratch_operands = 0 : i64, tpu.core_type = #tpu.core_type<tc>, window_params = [{transform_indices = @transform_0, window_bounds = array<i64: 1024, 128>}, {pipeline_mode = #tpu.pipeline_mode<synchronous>, transform_indices = @transform_1, window_bounds = array<i64: 128, 64>}, {transform_indices = @transform_2, window_bounds = array<i64: 1024, 64>}]} {
    %get3A = arith.constant 0 : index
    %get3A_0 = arith.constant 0 : index
    %get3A_1 = vector.load %arg1[%get3A, %get3A_0] : memref<1024x128xf32, #tpu.memory_space<vmem>>, vector<1024x128xf32>
    %get3A_2 = arith.constant 0 : index
    %get3A_3 = arith.constant 0 : index
    %get3A_4 = vector.load %arg2[%get3A_2, %get3A_3] : memref<128x64xf32, #tpu.memory_space<vmem>>, vector<128x64xf32>
    %dot_general3A = arith.constant dense<0.000000e+00> : vector<1024x64xf32>
    %dot_general3A_5 = tpu.matmul %get3A_1, %get3A_4, %dot_general3A {dimension_numbers = #tpu.dot_dimension_numbers<[1], [0], [0], [1], [0, 0, 1, 1], [], []>, transpose_lhs_hint = false} : vector<1024x128xf32>, vector<128x64xf32>, vector<1024x64xf32> -> vector<1024x64xf32>
    %swap3A = arith.constant 0 : index
    %swap3A_6 = arith.constant 0 : index
    %swap3A_7 = vector.load %arg3[%swap3A, %swap3A_6] : memref<1024x64xf32, #tpu.memory_space<vmem>>, vector<1024x64xf32>
    tpu.vector_store %arg3[%swap3A, %swap3A_6], %dot_general3A_5 {strides = array<i32>} : memref<1024x64xf32, #tpu.memory_space<vmem>>, vector<1024x64xf32>,
    return
  }
  func.func @transform_0(%arg0: i32) -> (i32, i32) {
    %c0_i32 = arith.constant 0 : i32
    %c0_i32_0 = arith.constant 0 : i32
    return %arg0, %c0_i32 : i32, i32
  }
  func.func @transform_1(%arg0: i32) -> (i32, i32) {
    %c0_i32 = arith.constant 0 : i32
    %c0_i32_0 = arith.constant 0 : i32
    %c0_i32_1 = arith.constant 0 : i32
    return %c0_i32, %c0_i32_0 : i32, i32
  }
  func.func @transform_2(%arg0: i32) -> (i32, i32) {
    %c0_i32 = arith.constant 0 : i32
    %c0_i32_0 = arith.constant 0 : i32
    return %arg0, %c0_i32 : i32, i32
  }
}

module attributes {stable_mosaic.version = 14 : i64} {
  func.func @_g1_body(%arg0: i32, %arg1: memref<2x1024x128xf32, #tpu.memory_space<vmem>>, %arg2: memref<1024x64xf32, #tpu.memory_space<vmem>>, %arg3: memref<1024x128xf32, #tpu.memory_space<vmem>>) attributes {dimension_semantics = [#tpu.dimension_semantics<arbitrary>], iteration_bounds = array<i64: 10>, scalar_prefetch = 0 : i64, scratch_operands = 0 : i64, tpu.core_type = #tpu.core_type<tc>, window_params = [{transform_indices = @transform_0, window_bounds = array<i64: 2, 1024, 128>}, {transform_indices = @transform_1, window_bounds = array<i64: 1024, 64>}, {transform_indices = @transform_2, window_bounds = array<i64: 1024, 128>}]} {
    %get3A = arith.constant 0 : index
    %get3A_0 = arith.constant 0 : index
    %get3A_1 = arith.constant 0 : index
    %get3A_2 = vector.load %arg1[%get3A, %get3A_0, %get3A_1] : memref<2x1024x128xf32, #tpu.memory_space<vmem>>, vector<1x1024x1xf32>
    %get3A_3 = vector.shape_cast %get3A_2 : vector<1x1024x1xf32> to vector<1024xf32>
    %add3A = arith.constant 1.000000e+00 : f32
    %add3A_4 = vector.broadcast %add3A : f32 to vector<1024xf32>
    %add3A_5 = arith.addf %add3A_4, %get3A_3 : vector<1024xf32>
    %get3A_6 = arith.constant 1 : index
    %get3A_7 = arith.constant 0 : index
    %get3A_8 = arith.constant 0 : index
    %get3A_9 = vector.load %arg1[%get3A_6, %get3A_7, %get3A_8] : memref<2x1024x128xf32, #tpu.memory_space<vmem>>, vector<1x1024x1xf32>
    %get3A_10 = vector.shape_cast %get3A_9 : vector<1x1024x1xf32> to vector<1024xf32>
    %add3A_11 = arith.addf %add3A_5, %get3A_10 : vector<1024xf32>
    %rsqrt3A = math.rsqrt %add3A_11 : vector<1024xf32>
    %get3A_12 = arith.constant 0 : index
    %get3A_13 = arith.constant 0 : index
    %get3A_14 = vector.load %arg2[%get3A_12, %get3A_13] : memref<1024x64xf32, #tpu.memory_space<vmem>>, vector<1024x64xf32>
    %broadcast_in_dim3A = vector.shape_cast %rsqrt3A : vector<1024xf32> to vector<1024x1xf32>
    %mul3A = vector.broadcast %broadcast_in_dim3A : vector<1024x1xf32> to vector<1024x64xf32>
    %mul3A_15 = arith.mulf %get3A_14, %mul3A : vector<1024x64xf32>
    %broadcast_in_dim3A_16 = arith.constant 0.000000e+00 : f32
    %broadcast_in_dim3A_17 = vector.broadcast %broadcast_in_dim3A_16 : f32 to vector<1024x64xf32>
    %concatenate3A = tpu.concatenate %mul3A_15, %broadcast_in_dim3A_17 in 1 : vector<1024x64xf32>, vector<1024x64xf32> -> vector<1024x128xf32>
    %swap3A = arith.constant 0 : index
    %swap3A_18 = arith.constant 0 : index
    %swap3A_19 = vector.load %arg3[%swap3A, %swap3A_18] : memref<1024x128xf32, #tpu.memory_space<vmem>>, vector<1024x128xf32>
    tpu.vector_store %arg3[%swap3A, %swap3A_18], %concatenate3A {strides = array<i32>} : memref<1024x128xf32, #tpu.memory_space<vmem>>, vector<1024x128xf32>,
    return
  }
  func.func @transform_0(%arg0: i32) -> (i32, i32, i32) {
    %c0_i32 = arith.constant 0 : i32
    %c0_i32_0 = arith.constant 0 : i32
    %c0_i32_1 = arith.constant 0 : i32
    return %c0_i32, %arg0, %c0_i32_0 : i32, i32, i32
  }
  func.func @transform_1(%arg0: i32) -> (i32, i32) {
    %c0_i32 = arith.constant 0 : i32
    %c0_i32_0 = arith.constant 0 : i32
    return %arg0, %c0_i32 : i32, i32
  }
  func.func @transform_2(%arg0: i32) -> (i32, i32) {
    %c0_i32 = arith.constant 0 : i32
    %c0_i32_0 = arith.constant 0 : i32
    return %arg0, %c0_i32 : i32, i32
  }
}

module attributes {stable_mosaic.version = 14 : i64} {
  func.func @_mid_body(%arg0: i32, %arg1: memref<2x1024x128xf32, #tpu.memory_space<vmem>>, %arg2: memref<2x1024x128xf32, #tpu.memory_space<vmem>>, %arg3: memref<1024x64xf32, #tpu.memory_space<vmem>>, %arg4: memref<1x64xf32, #tpu.memory_space<vmem>>, %arg5: memref<64x16xf32, #tpu.memory_space<vmem>>, %arg6: memref<1024x16xf32, #tpu.memory_space<vmem>>, %arg7: memref<1024x128xf32, #tpu.memory_space<vmem>>) attributes {dimension_semantics = [#tpu.dimension_semantics<arbitrary>], iteration_bounds = array<i64: 10>, scalar_prefetch = 0 : i64, scratch_operands = 0 : i64, tpu.core_type = #tpu.core_type<tc>, window_params = [{transform_indices = @transform_0, window_bounds = array<i64: 2, 1024, 128>}, {transform_indices = @transform_1, window_bounds = array<i64: 2, 1024, 128>}, {transform_indices = @transform_2, window_bounds = array<i64: 1024, 64>}, {pipeline_mode = #tpu.pipeline_mode<synchronous>, transform_indices = @transform_3, window_bounds = array<i64: 1, 64>}, {pipeline_mode = #tpu.pipeline_mode<synchronous>, transform_indices = @transform_4, window_bounds = array<i64: 64, 16>}, {transform_indices = @transform_5, window_bounds = array<i64: 1024, 16>}, {transform_indices = @transform_6, window_bounds = array<i64: 1024, 128>}]} {
    %get3A = arith.constant 0 : index
    %get3A_0 = arith.constant 0 : index
    %get3A_1 = arith.constant 0 : index
    %get3A_2 = vector.load %arg2[%get3A, %get3A_0, %get3A_1] : memref<2x1024x128xf32, #tpu.memory_space<vmem>>, vector<1x1024x1xf32>
    %get3A_3 = vector.shape_cast %get3A_2 : vector<1x1024x1xf32> to vector<1024xf32>
    %add3A = arith.constant 1.000000e+00 : f32
    %add3A_4 = vector.broadcast %add3A : f32 to vector<1024xf32>
    %add3A_5 = arith.addf %add3A_4, %get3A_3 : vector<1024xf32>
    %get3A_6 = arith.constant 1 : index
    %get3A_7 = arith.constant 0 : index
    %get3A_8 = arith.constant 0 : index
    %get3A_9 = vector.load %arg2[%get3A_6, %get3A_7, %get3A_8] : memref<2x1024x128xf32, #tpu.memory_space<vmem>>, vector<1x1024x1xf32>
    %get3A_10 = vector.shape_cast %get3A_9 : vector<1x1024x1xf32> to vector<1024xf32>
    %add3A_11 = arith.addf %add3A_5, %get3A_10 : vector<1024xf32>
    %rsqrt3A = math.rsqrt %add3A_11 : vector<1024xf32>
    %div3A = arith.constant 1.000000e+00 : f32
    %div3A_12 = vector.broadcast %div3A : f32 to vector<1024xf32>
    %div3A_13 = arith.divf %div3A_12, %add3A_11 : vector<1024xf32>
    %broadcast_in_dim3A = vector.shape_cast %rsqrt3A : vector<1024xf32> to vector<1024x1xf32>
    %get3A_14 = arith.constant 0 : index
    %get3A_15 = arith.constant 0 : index
    %get3A_16 = arith.constant 0 : index
    %get3A_17 = vector.load %arg1[%get3A_14, %get3A_15, %get3A_16] : memref<2x1024x128xf32, #tpu.memory_space<vmem>>, vector<1x1024x64xf32>
    %get3A_18 = vector.shape_cast %get3A_17 : vector<1x1024x64xf32> to vector<1024x64xf32>
    %get3A_19 = arith.constant 1 : index
    %get3A_20 = arith.constant 0 : index
    %get3A_21 = arith.constant 0 : index
    %get3A_22 = vector.load %arg1[%get3A_19, %get3A_20, %get3A_21] : memref<2x1024x128xf32, #tpu.memory_space<vmem>>, vector<1x1024x64xf32>
    %get3A_23 = vector.shape_cast %get3A_22 : vector<1x1024x64xf32> to vector<1024x64xf32>
    %add3A_24 = arith.addf %get3A_18, %get3A_23 : vector<1024x64xf32>
    %mul3A = vector.broadcast %broadcast_in_dim3A : vector<1024x1xf32> to vector<1024x64xf32>
    %mul3A_25 = arith.mulf %mul3A, %add3A_24 : vector<1024x64xf32>
    %broadcast_in_dim3A_26 = vector.shape_cast %div3A_13 : vector<1024xf32> to vector<1024x1xf32>
    %get3A_27 = arith.constant 0 : index
    %get3A_28 = arith.constant 0 : index
    %get3A_29 = vector.load %arg3[%get3A_27, %get3A_28] : memref<1024x64xf32, #tpu.memory_space<vmem>>, vector<1024x64xf32>
    %mul3A_30 = vector.broadcast %broadcast_in_dim3A_26 : vector<1024x1xf32> to vector<1024x64xf32>
    %mul3A_31 = arith.mulf %mul3A_30, %get3A_29 : vector<1024x64xf32>
    %add3A_32 = arith.addf %mul3A_25, %mul3A_31 : vector<1024x64xf32>
    %get3A_33 = arith.constant 0 : index
    %get3A_34 = arith.constant 0 : index
    %get3A_35 = vector.load %arg4[%get3A_33, %get3A_34] : memref<1x64xf32, #tpu.memory_space<vmem>>, vector<1x64xf32>
    %get3A_36 = vector.shape_cast %get3A_35 : vector<1x64xf32> to vector<64xf32>
    %broadcast_in_dim3A_37 = vector.shape_cast %get3A_36 : vector<64xf32> to vector<1x64xf32>
    %add3A_38 = vector.broadcast %broadcast_in_dim3A_37 : vector<1x64xf32> to vector<1024x64xf32>
    %add3A_39 = arith.addf %add3A_32, %add3A_38 : vector<1024x64xf32>
    %max3A = arith.constant 0.000000e+00 : f32
    %max3A_40 = vector.broadcast %max3A : f32 to vector<1024x64xf32>
    %max3A_41 = arith.maximumf %add3A_39, %max3A_40 : vector<1024x64xf32>
    %get3A_42 = arith.constant 0 : index
    %get3A_43 = arith.constant 0 : index
    %get3A_44 = vector.load %arg5[%get3A_42, %get3A_43] : memref<64x16xf32, #tpu.memory_space<vmem>>, vector<64x16xf32>
    %dot_general3A = arith.constant dense<0.000000e+00> : vector<1024x16xf32>
    %dot_general3A_45 = tpu.matmul %max3A_41, %get3A_44, %dot_general3A {dimension_numbers = #tpu.dot_dimension_numbers<[1], [0], [0], [1], [0, 0, 1, 1], [], []>, transpose_lhs_hint = false} : vector<1024x64xf32>, vector<64x16xf32>, vector<1024x16xf32> -> vector<1024x16xf32>
    %swap3A = arith.constant 0 : index
    %swap3A_46 = arith.constant 0 : index
    %swap3A_47 = vector.load %arg6[%swap3A, %swap3A_46] : memref<1024x16xf32, #tpu.memory_space<vmem>>, vector<1024x16xf32>
    tpu.vector_store %arg6[%swap3A, %swap3A_46], %dot_general3A_45 {strides = array<i32>} : memref<1024x16xf32, #tpu.memory_space<vmem>>, vector<1024x16xf32>,
    %mul3A_48 = arith.constant 1024 : i32
    %mul3A_49 = arith.muli %arg0, %mul3A_48 : i32
    %iota3A = tpu.iota {dimensions = array<i32: 0>} : vector<1024x1xi32>
    %add3A_50 = vector.broadcast %mul3A_49 : i32 to vector<1024x1xi32>
    %add3A_51 = arith.addi %add3A_50, %iota3A : vector<1024x1xi32>
    %lt3A = arith.constant 10000 : i32
    %lt3A_52 = vector.broadcast %lt3A : i32 to vector<1024x1xi32>
    %lt3A_53 = arith.cmpi slt, %add3A_51, %lt3A_52 : vector<1024x1xi32>
    %broadcast_in_dim3A_54 = vector.shape_cast %rsqrt3A : vector<1024xf32> to vector<1024x1xf32>
    %mul3A_55 = vector.broadcast %broadcast_in_dim3A_54 : vector<1024x1xf32> to vector<1024x16xf32>
    %mul3A_56 = arith.mulf %dot_general3A_45, %mul3A_55 : vector<1024x16xf32>
    %jit3A = arith.constant 0.000000e+00 : f32
    %broadcast_in_dim3A_57 = vector.shape_cast %lt3A_53 : vector<1024x1xi1> to vector<1024x1xi1>
    %broadcast_in_dim3A_58 = vector.broadcast %broadcast_in_dim3A_57 : vector<1024x1xi1> to vector<1024x16xi1>
    %broadcast_in_dim3A_59 = vector.broadcast %jit3A : f32 to vector<1024x16xf32>
    %select_n3A = arith.select %broadcast_in_dim3A_58, %mul3A_56, %broadcast_in_dim3A_59 : vector<1024x16xi1>, vector<1024x16xf32>
    %broadcast_in_dim3A_60 = arith.constant 0.000000e+00 : f32
    %broadcast_in_dim3A_61 = vector.broadcast %broadcast_in_dim3A_60 : f32 to vector<1024x112xf32>
    %concatenate3A = tpu.concatenate %select_n3A, %broadcast_in_dim3A_61 in 1 : vector<1024x16xf32>, vector<1024x112xf32> -> vector<1024x128xf32>
    %swap3A_62 = arith.constant 0 : index
    %swap3A_63 = arith.constant 0 : index
    %swap3A_64 = vector.load %arg7[%swap3A_62, %swap3A_63] : memref<1024x128xf32, #tpu.memory_space<vmem>>, vector<1024x128xf32>
    tpu.vector_store %arg7[%swap3A_62, %swap3A_63], %concatenate3A {strides = array<i32>} : memref<1024x128xf32, #tpu.memory_space<vmem>>, vector<1024x128xf32>,
    return
  }
  func.func @transform_0(%arg0: i32) -> (i32, i32, i32) {
    %c0_i32 = arith.constant 0 : i32
    %c0_i32_0 = arith.constant 0 : i32
    %c0_i32_1 = arith.constant 0 : i32
    return %c0_i32, %arg0, %c0_i32_0 : i32, i32, i32
  }
  func.func @transform_1(%arg0: i32) -> (i32, i32, i32) {
    %c0_i32 = arith.constant 0 : i32
    %c0_i32_0 = arith.constant 0 : i32
    %c0_i32_1 = arith.constant 0 : i32
    return %c0_i32, %arg0, %c0_i32_0 : i32, i32, i32
  }
  func.func @transform_2(%arg0: i32) -> (i32, i32) {
    %c0_i32 = arith.constant 0 : i32
    %c0_i32_0 = arith.constant 0 : i32
    return %arg0, %c0_i32 : i32, i32
  }
  func.func @transform_3(%arg0: i32) -> (i32, i32) {
    %c0_i32 = arith.constant 0 : i32
    %c0_i32_0 = arith.constant 0 : i32
    %c0_i32_1 = arith.constant 0 : i32
    return %c0_i32, %c0_i32_0 : i32, i32
  }
  func.func @transform_4(%arg0: i32) -> (i32, i32) {
    %c0_i32 = arith.constant 0 : i32
    %c0_i32_0 = arith.constant 0 : i32
    %c0_i32_1 = arith.constant 0 : i32
    return %c0_i32, %c0_i32_0 : i32, i32
  }
  func.func @transform_5(%arg0: i32) -> (i32, i32) {
    %c0_i32 = arith.constant 0 : i32
    %c0_i32_0 = arith.constant 0 : i32
    return %arg0, %c0_i32 : i32, i32
  }
  func.func @transform_6(%arg0: i32) -> (i32, i32) {
    %c0_i32 = arith.constant 0 : i32
    %c0_i32_0 = arith.constant 0 : i32
    return %arg0, %c0_i32 : i32, i32
  }
}

module attributes {stable_mosaic.version = 14 : i64} {
  func.func @_fin_body(%arg0: i32, %arg1: memref<2x1000x128xf32, #tpu.memory_space<vmem>>, %arg2: memref<2x1000x128xf32, #tpu.memory_space<vmem>>, %arg3: memref<1000x16xf32, #tpu.memory_space<vmem>>, %arg4: memref<1x16xf32, #tpu.memory_space<vmem>>, %arg5: memref<1000x16xf32, #tpu.memory_space<vmem>>) attributes {dimension_semantics = [#tpu.dimension_semantics<arbitrary>], iteration_bounds = array<i64: 10>, scalar_prefetch = 0 : i64, scratch_operands = 0 : i64, tpu.core_type = #tpu.core_type<tc>, window_params = [{transform_indices = @transform_0, window_bounds = array<i64: 2, 1000, 128>}, {transform_indices = @transform_1, window_bounds = array<i64: 2, 1000, 128>}, {transform_indices = @transform_2, window_bounds = array<i64: 1000, 16>}, {pipeline_mode = #tpu.pipeline_mode<synchronous>, transform_indices = @transform_3, window_bounds = array<i64: 1, 16>}, {transform_indices = @transform_4, window_bounds = array<i64: 1000, 16>}]} {
    %get3A = arith.constant 0 : index
    %get3A_0 = arith.constant 0 : index
    %get3A_1 = arith.constant 0 : index
    %get3A_2 = vector.load %arg2[%get3A, %get3A_0, %get3A_1] : memref<2x1000x128xf32, #tpu.memory_space<vmem>>, vector<1x1000x1xf32>
    %get3A_3 = vector.shape_cast %get3A_2 : vector<1x1000x1xf32> to vector<1000xf32>
    %add3A = arith.constant 1.000000e+00 : f32
    %add3A_4 = vector.broadcast %add3A : f32 to vector<1000xf32>
    %add3A_5 = arith.addf %add3A_4, %get3A_3 : vector<1000xf32>
    %get3A_6 = arith.constant 1 : index
    %get3A_7 = arith.constant 0 : index
    %get3A_8 = arith.constant 0 : index
    %get3A_9 = vector.load %arg2[%get3A_6, %get3A_7, %get3A_8] : memref<2x1000x128xf32, #tpu.memory_space<vmem>>, vector<1x1000x1xf32>
    %get3A_10 = vector.shape_cast %get3A_9 : vector<1x1000x1xf32> to vector<1000xf32>
    %add3A_11 = arith.addf %add3A_5, %get3A_10 : vector<1000xf32>
    %rsqrt3A = math.rsqrt %add3A_11 : vector<1000xf32>
    %div3A = arith.constant 1.000000e+00 : f32
    %div3A_12 = vector.broadcast %div3A : f32 to vector<1000xf32>
    %div3A_13 = arith.divf %div3A_12, %add3A_11 : vector<1000xf32>
    %broadcast_in_dim3A = vector.shape_cast %rsqrt3A : vector<1000xf32> to vector<1000x1xf32>
    %get3A_14 = arith.constant 0 : index
    %get3A_15 = arith.constant 0 : index
    %get3A_16 = arith.constant 0 : index
    %get3A_17 = vector.load %arg1[%get3A_14, %get3A_15, %get3A_16] : memref<2x1000x128xf32, #tpu.memory_space<vmem>>, vector<1x1000x16xf32>
    %get3A_18 = vector.shape_cast %get3A_17 : vector<1x1000x16xf32> to vector<1000x16xf32>
    %get3A_19 = arith.constant 1 : index
    %get3A_20 = arith.constant 0 : index
    %get3A_21 = arith.constant 0 : index
    %get3A_22 = vector.load %arg1[%get3A_19, %get3A_20, %get3A_21] : memref<2x1000x128xf32, #tpu.memory_space<vmem>>, vector<1x1000x16xf32>
    %get3A_23 = vector.shape_cast %get3A_22 : vector<1x1000x16xf32> to vector<1000x16xf32>
    %add3A_24 = arith.addf %get3A_18, %get3A_23 : vector<1000x16xf32>
    %mul3A = vector.broadcast %broadcast_in_dim3A : vector<1000x1xf32> to vector<1000x16xf32>
    %mul3A_25 = arith.mulf %mul3A, %add3A_24 : vector<1000x16xf32>
    %broadcast_in_dim3A_26 = vector.shape_cast %div3A_13 : vector<1000xf32> to vector<1000x1xf32>
    %get3A_27 = arith.constant 0 : index
    %get3A_28 = arith.constant 0 : index
    %get3A_29 = vector.load %arg3[%get3A_27, %get3A_28] : memref<1000x16xf32, #tpu.memory_space<vmem>>, vector<1000x16xf32>
    %mul3A_30 = vector.broadcast %broadcast_in_dim3A_26 : vector<1000x1xf32> to vector<1000x16xf32>
    %mul3A_31 = arith.mulf %mul3A_30, %get3A_29 : vector<1000x16xf32>
    %add3A_32 = arith.addf %mul3A_25, %mul3A_31 : vector<1000x16xf32>
    %get3A_33 = arith.constant 0 : index
    %get3A_34 = arith.constant 0 : index
    %get3A_35 = vector.load %arg4[%get3A_33, %get3A_34] : memref<1x16xf32, #tpu.memory_space<vmem>>, vector<1x16xf32>
    %get3A_36 = vector.shape_cast %get3A_35 : vector<1x16xf32> to vector<16xf32>
    %broadcast_in_dim3A_37 = vector.shape_cast %get3A_36 : vector<16xf32> to vector<1x16xf32>
    %add3A_38 = vector.broadcast %broadcast_in_dim3A_37 : vector<1x16xf32> to vector<1000x16xf32>
    %add3A_39 = arith.addf %add3A_32, %add3A_38 : vector<1000x16xf32>
    %swap3A = arith.constant 0 : index
    %swap3A_40 = arith.constant 0 : index
    %swap3A_41 = vector.load %arg5[%swap3A, %swap3A_40] : memref<1000x16xf32, #tpu.memory_space<vmem>>, vector<1000x16xf32>
    tpu.vector_store %arg5[%swap3A, %swap3A_40], %add3A_39 {strides = array<i32>} : memref<1000x16xf32, #tpu.memory_space<vmem>>, vector<1000x16xf32>,
    return
  }
  func.func @transform_0(%arg0: i32) -> (i32, i32, i32) {
    %c0_i32 = arith.constant 0 : i32
    %c0_i32_0 = arith.constant 0 : i32
    %c0_i32_1 = arith.constant 0 : i32
    return %c0_i32, %arg0, %c0_i32_0 : i32, i32, i32
  }
  func.func @transform_1(%arg0: i32) -> (i32, i32, i32) {
    %c0_i32 = arith.constant 0 : i32
    %c0_i32_0 = arith.constant 0 : i32
    %c0_i32_1 = arith.constant 0 : i32
    return %c0_i32, %arg0, %c0_i32_0 : i32, i32, i32
  }
  func.func @transform_2(%arg0: i32) -> (i32, i32) {
    %c0_i32 = arith.constant 0 : i32
    %c0_i32_0 = arith.constant 0 : i32
    return %arg0, %c0_i32 : i32, i32
  }
  func.func @transform_3(%arg0: i32) -> (i32, i32) {
    %c0_i32 = arith.constant 0 : i32
    %c0_i32_0 = arith.constant 0 : i32
    %c0_i32_1 = arith.constant 0 : i32
    return %c0_i32, %c0_i32_0 : i32, i32
  }
  func.func @transform_4(%arg0: i32) -> (i32, i32) {
    %c0_i32 = arith.constant 0 : i32
    %c0_i32_0 = arith.constant 0 : i32
    return %arg0, %c0_i32 : i32, i32
  }
}

</mosaic_0001>

<sc_bundles>
// kernel: kernel.12.cloned.1.call-start
scs
__scs_entry_jumppad:
0x0: {  	(pc) =	sbr.rel $0x88, $3  }
0x1: {  	(tag) =	ssettag $0x0;
	lr =	simm.s32 $0x1  }
0x2: {  	[smem:$0x3F9B] =	sst lr;
	_ =	strace $0xD0000000  }
0x3: {  	_ = 	snop  }
0x4: {  	_ = 	snop  }
0x5: {  	_ = 	snop  }
0x6: {  	_ = 	snop  }
0x7: {  	_ = 	snop  }
__scs_overlays_trampoline_lowered:
0x8: {  	[smem:$0x3FAA] =	sst s0  }
0x9: {  	[smem:$0x3FAB] =	sst s1  }
0xa: {  	[smem:$0x3FAC] =	sst s2  }
0xb: {  	[smem:$0x3FAD] =	sst s3  }
0xc: {  	[smem:$0x3FAE] =	sst s4  }
0xd: {  	[smem:$0x3FAF] =	sst s5  }
0xe: {  	[smem:$0x3FB0] =	sst s6  }
0xf: {  	[smem:$0x3FB1] =	sst s7  }
0x10: {  	[smem:$0x3FB2] =	sst s8  }
0x11: {  	[smem:$0x3FB3] =	sst s9;
	s0 =	simm.s32 @!p0 $0x0  }
0x12: {  	s1 =	sld [smem:$0x3F99];
	s0 =	simm.s32 @p0 $0x1  }
0x13: {  	[smem:$0x3FB4] =	sst s0;
	s0 =	simm.s32 @!p1 $0x0  }
0x14: {  	s2 =	sld [smem:$0x3F98];
	s0 =	simm.s32 @p1 $0x1  }
0x15: {  	[smem:$0x3FB5] =	sst s0;
	s0 =	simm.s32 @!p2 $0x0  }
0x16: {  	s3 =	sld [smem:$0x3FDB];
	s0 =	simm.s32 @p2 $0x1  }
0x17: {  	s4 =	simm.s32 $0x1BF5;
	[smem:$0x3FB7] =	sst s0  }
0x18: {  	s0 =	sld [smem:$0x3F9A];
	_ =	swait.ge [sflag:s4], $0x0  }
0x19: {  	s7 =	sld [smem:$0x3F9B]  }
0x1a: {  	s8 =	sadd.s32 $0xFFFFE003, lr  }
0x1b: {  	s9 =	sadd.s32 $0xFFFFFEF7, lr;
	s5 =	simm.s32 $0xFFFFFFFF;
	p2 =	slt.u32 s8, $0xFFFFF086  }
0x1c: {  	p1 =	slt.u32 s9, $0xF7A;
	s5 =	simm.s32 @!p2 $0x0  }
0x1d: {  	s5 =	simm.s32 @p1 $0x1;
	p0 =	seq.s32 s7, s2  }
0x1e: {  	s7 =	smul.u32 @!p0 $0xF7A, s2;
	p2 =	seq.s32 @!p0 s5, $0x0  }
0x1f: {  	s9 =	smul.u32 $0xF7A, s1;
	s8 =	simm.s32 @!p0 $0x1BF5;
	p2 =	por !p2, p0  }
0x20: {  	[sflag:s8] =	ssyncset.s32 @!p0 $0xFFFFF086;
	s6 =	sadd.s32 @!p0 s3, s7;
	s7 =	simm.s32 @!p0 $0x108  }
0x21: {  	s3 =	sadd.s32 s3, s9;
	s6 =	sadd.s32 @!p0 $0x88, s6;
	s7 =	simm.s32 @p2 $0x1082  }
0x22: {  	[simem:s7], [sflag:s8] =	dma.local @!p0 [hbm:s6], $0xF7A  }
0x23: {  	s9 =	sor.u32 $0xD0000000, s2;
	s6 =	simm.s32 $0x108;
	_ =	swait.ge @!p0 [sflag:s8], $0x0  }
0x24: {  	s3 =	sadd.s32 $0x88, s3;
	s6 =	simm.s32 @!p1 $0x1082;
	[sflag:s4] =	ssyncset.s32 $0xFFFFF086  }
0x25: {  	[simem:s6], [sflag:s4] =	dma.local [hbm:s3], $0xF7A  }
0x26: {  	[smem:$0x3F9B] =	sst s1;
	(tag) =	ssettag s2;
	_ =	strace s9  }
0x27: {  	s1 =	sld [smem:$0x3FAB]  }
0x28: {  	s2 =	sld [smem:$0x3FAC]  }
0x29: {  	s4 =	sld [smem:$0x3FAE]  }
0x2a: {  	p0 =	seq.s32 s5, $0x0;
	s5 =	sld [smem:$0x3FAF]  }
0x2b: {  	s6 =	sld [smem:$0x3FB0]  }
0x2c: {  	s7 =	sld [smem:$0x3FB1]  }
0x2d: {  	s3 =	simm.s32 $0x108;
	s8 =	sld [smem:$0x3FB2]  }
0x2e: {  	s3 =	simm.s32 @!p0 $0x1082;
	s9 =	sld [smem:$0x3FB3]  }
0x2f: {  	lr =	sadd.s32 s0, s3;
	s0 =	sld [smem:$0x3FAA]  }
0x30: {  	s3 =	sld [smem:$0x3FAD]  }
0x31: {  	[smem:$0x3FB6] =	sst s10  }
0x32: {  	s10 =	sld [smem:$0x3FB4];
	_ =	sdelay $0x3  }
0x33: {  	p0 =	seq.s32 s10, $0x1;
	s10 =	sld [smem:$0x3FB6];
	_ =	sdelay $0x3  }
0x34: {  	[smem:$0x3FB6] =	sst s10  }
0x35: {  	s10 =	sld [smem:$0x3FB5];
	_ =	sdelay $0x3  }
0x36: {  	p1 =	seq.s32 s10, $0x1;
	s10 =	sld [smem:$0x3FB6];
	_ =	sdelay $0x3  }
0x37: {  	[smem:$0x3FB6] =	sst s10  }
0x38: {  	s10 =	sld [smem:$0x3FB7]  }
0x39: {  	_ = 	snop;
	(pc) =	sbr.ind lr, $3  }
0x3a: {  	_ = 	snop  }
0x3b: {  	_ = 	snop  }
0x3c: {  	p2 =	seq.s32 s10, $0x1;
	s10 =	sld [smem:$0x3FB6]  }
0x3d: {  	_ =	shalt  }
0x3e: {  	_ =	shalt  }
0x3f: {  	_ =	shalt  }
0x40: {  	_ =	shalt  }
0x41: {  	_ =	shalt  }
0x42: {  	_ =	shalt  }
0x43: {  	_ =	shalt  }
0x44: {  	_ =	shalt  }
0x45: {  	_ =	shalt  }
0x46: {  	_ =	shalt  }
0x47: {  	_ =	shalt  }
0x48: {  	_ =	shalt  }
0x49: {  	_ =	shalt  }
0x4a: {  	_ =	shalt  }
0x4b: {  	_ =	shalt  }
0x4c: {  	_ =	shalt  }
0x4d: {  	_ =	shalt  }
0x4e: {  	_ =	shalt  }
0x4f: {  	_ =	shalt  }
0x50: {  	_ =	shalt  }
0x51: {  	_ =	shalt  }
0x52: {  	_ =	shalt  }
0x53: {  	_ =	shalt  }
0x54: {  	_ =	shalt  }
0x55: {  	_ =	shalt  }
0x56: {  	_ =	shalt  }
0x57: {  	_ =	shalt  }
0x58: {  	_ =	shalt  }
0x59: {  	_ =	shalt  }
0x5a: {  	_ =	shalt  }
0x5b: {  	_ =	shalt  }
0x5c: {  	_ =	shalt  }
0x5d: {  	_ =	shalt  }
0x5e: {  	_ =	shalt  }
0x5f: {  	_ =	shalt  }
0x60: {  	_ =	shalt  }
0x61: {  	_ =	shalt  }
0x62: {  	_ =	shalt  }
0x63: {  	_ =	shalt  }
0x64: {  	_ =	shalt  }
0x65: {  	_ =	shalt  }
0x66: {  	_ =	shalt  }
0x67: {  	_ =	shalt  }
0x68: {  	_ =	shalt  }
0x69: {  	_ =	shalt  }
0x6a: {  	_ =	shalt  }
0x6b: {  	_ =	shalt  }
0x6c: {  	_ =	shalt  }
0x6d: {  	_ =	shalt  }
0x6e: {  	_ =	shalt  }
0x6f: {  	_ =	shalt  }
0x70: {  	_ =	shalt  }
0x71: {  	_ =	shalt  }
0x72: {  	_ =	shalt  }
0x73: {  	_ =	shalt  }
0x74: {  	_ =	shalt  }
0x75: {  	_ =	shalt  }
0x76: {  	_ =	shalt  }
0x77: {  	_ =	shalt  }
0x78: {  	_ =	shalt  }
0x79: {  	_ =	shalt  }
0x7a: {  	_ =	shalt  }
0x7b: {  	_ =	shalt  }
0x7c: {  	_ =	shalt  }
0x7d: {  	_ =	shalt  }
0x7e: {  	_ =	shalt  }
0x7f: {  	_ =	shalt  }
0x80: {  	_ =	shalt  }
0x81: {  	_ =	shalt  }
0x82: {  	_ =	shalt  }
0x83: {  	_ =	shalt  }
0x84: {  	_ =	shalt  }
0x85: {  	_ =	shalt  }
0x86: {  	_ =	shalt  }
0x87: {  	_ =	shalt  }
.Lfunc_end0:
.L_simem_size_0:
called_computation.1_lowered:
.L_overlay_start_0:
0x88: {  	s2 =	sld [smem:$0x3FD9]  }
0x89: {  	s3 =	sld [smem:$0x3FFE];
	_ =	sdelay $0x1  }
0x8a: {  	s1 =	srdreg.scid  }
0x8b: {  	s0 =	sand.u32 $0x1, s1  }
0x8c: {  	s16 =	sshll.u32 s0, $0xA;
	s2 =	sadd.s32 s3, s2  }
0x8d: {  	s2 =	sadd.s32 s2, s16  }
0x8e: {  	[smem:$0x3FC2] =	sst s2  }
0x8f: {  	_ = 	snop  }
0x90: {  	(tm) =	ssettm $0x1  }
0x91: {  	s17 =	sld [smem:$0x3FFB];
	_ =	sdelay $0x3  }
0x92: {  	_ =	strace s17  }
0x93: {  	s2 =	sld [smem:$0x3FFC];
	_ =	sdelay $0x3  }
0x94: {  	_ =	strace s2  }
0x95: {  	s2 =	sld [smem:$0x3FFD];
	_ =	sdelay $0x3  }
0x96: {  	_ =	strace s2  }
0x97: {  	_ =	strace $0x8FFFFFFF  }
0x98: {  	s18 =	sld [smem:$0x3FDB];
	_ =	sdelay $0x1  }
0x99: {  	s19 =	simm.s32 $_scs_section_size  }
0x9a: {  	s4 =	simm.s32 $_size__tile_overlayer_lowered;
	s5 =	simm.s32 $_tile_overlayer_lowered  }
0x9b: {  	s22 =	simm.s32 $0x1BFF;
	s21 =	sshll.u32 s5, $0x1;
	s2 =	sadd.s32 s19, s18  }
0x9c: {  	s6 =	simm.s32 $0x0;
	s20 =	sshll.u32 s4, $0x1;
	s4 =	sadd.s32 s21, s2  }
0x9d: {  	[timem:s6], [sflag:s22] =	dma.local [hbm:s4], s20  }
0x9e: {  	_ =	swait.ge [sflag:s22], s20  }
0x9f: {  	s3 =	ssub.s32 $0x0, s20;
	[sflag:s22] =	ssyncset.done $0x0  }
0xa0: {  	[sflag:s22] =	ssyncadd.s32 s3;
	_ =	sdelay $0x1  }
0xa1: {  	s23 =	simm.s32 $0x1B8B  }
0xa2: {  	_ =	swait.ge [sflag:s23], $0x1  }
0xa3: {  	[sflag:s23] =	ssyncset.done $0x0  }
0xa4: {  	s25 =	simm.s32 $0x1B8E;
	s24 =	sld [smem:$0x3FFE];
	[sflag:s23] =	ssyncadd.s32 $0xFFFFFFFF  }
0xa5: {  	s26 =	simm.s32 $execute0_lowered;
	[smem:$0x3FD2] =	sst s25  }
0xa6: {  	s4 =	sshll.u32 s26, $0x1;
	_ =	strace $0x80000049;
	[dreg:$0x1] =	wrdreg $0xFFFFFFFF  }
0xa7: {  	s28 =	simm.s32 $_size_execute0_lowered;
	s2 =	sadd.s32 s2, s4;
	[dreg:$0x0] =	wrdreg $0x0  }
0xa8: {  	s4 =	sshll.u32 s28, $0x1;
	[dreg:$0x2] =	wrdreg s2  }
0xa9: {  	[dreg:$0x3] =	wrdreg s4  }
0xaa: {  	[dreg:$0x4] =	wrdreg $0xC0  }
0xab: {  	_ =	task [dreg:s6], $0x5FFFF  }
0xac: {  	[dreg:$0x1] =	wrdreg $0xFFFFFFFF  }
0xad: {  	[dreg:$0x0] =	wrdreg $0x60  }
0xae: {  	[dreg:$0x2] =	wrdreg s24  }
0xaf: {  	[dreg:$0x3] =	wrdreg $0xA8000  }
0xb0: {  	[dreg:$0x4] =	wrdreg $0x9  }
0xb1: {  	_ =	task.clear_ibuf [dreg:s6], $0x5FFFF;
	_ =	strace $0x90000049  }
0xb2: {  	s29 =	simm.s32 $0x9;
	_ =	strace $0x8000004B  }
0xb3: {  	_ =	swait.ge [sflag:s29], $0x1  }
0xb4: {  	[sflag:s29] =	ssyncadd.s32 $0xFFFFFFFF  }
0xb5: {  	_ =	strace $0x9000004B  }
0xb6: {  	_ =	sfence  }
0xb7: {  	s30 =	sld [smem:$0x0];
	_ =	sdelay $0x2  }
0xb8: {  	s31 =	sshll.u32 s1, $0xD;
	s1 =	sshrl.u32 s1, $0x2  }
0xb9: {  	s3 =	sand.u32 $0x4000, s31;
	s1 =	sadd.s32 s1, s30  }
0xba: {  	s0 =	sor.u32 s3, s0;
	s1 =	sshll.u32 s1, $0x11  }
0xbb: {  	s0 =	sor.u32 s1, s0  }
0xbc: {  	s0 =	sadd.s32 $0x8F2B, s0  }
0xbd: {  	[sflag:s0] =	ssyncadd.remote.s32 $0x1  }
0xbe: {  	_ =	sfence.sel $0xFFFF  }
0xbf: {  	[dreg:$0x0] =	wrdreg $0xFFFFFFFF;
	(pc) =	sbr.abs _section_cstart, $3  }
0xc0: {  	[dreg:$0x1] =	wrdreg $0xFFFFFFFF  }
0xc1: {  	_ =	task.clear_ibuf [dreg:s6], $0x2FFFF;
	_ =	strace $0x9FFFFFFF  }
0xc2: {  	(tm) =	ssettm $0x7FFFFFFF  }
0xc3: {  	_ =	shalt  }
tec
execute0_lowered:
.L_overlay_start_1:
0x0: {  	(tag) =	ssettag $0x1  }
0x1: {  	s0 =	rddreg [dreg:$0x0]  }
0x2: {  	s2 =	rddreg [dreg:$0x1];
	s3 =	simm.s32 $0x0;
	s12 =	stileid.u32  }
0x3: {  	s4 =	srdreg.scid;
	[smem:$0x7FF] =	sst s3  }
0x4: {  	s1 =	smul.u32 $0x14000, s12;
	s7 =	sand.u32 $0x1, s4;
	s4 =	sadd.s32 $0xA2000, s0  }
0x5: {  	s5 =	sadd.s32 $0x8E000, s0;
	s14 =	smul.u32 $0x50000, s12;
	s18 =	sshll.u32 s12, $0x6  }
0x6: {  	_ =	strace $0x8000004A;
	s9 =	smul.u32 $0x140000, s7;
	s10 =	sshll.u32 s7, $0x4  }
0x7: {  	s11 =	ssub.s32 $0x2, s7;
	s8 =	sshrl.u32 s1, $0x3;
	s15 =	sor.u32 s12, s10  }
0x8: {  	s16 =	sshrl.u32 s11, $0x1;
	s8 =	sadd.s32 s8, s0;
	s1 =	sadd.s32 s1, s9  }
0x9: {  	s9 =	sshrl.u32 s14, $0x2;
	s17 =	ssub.s32 s11, s16;
	s11 =	sor.u32 $0x1C15, s18  }
0xa: {  	s7 =	smul.u32 $0x5000, s15;
	s9 =	sadd.s32 s9, s2;
	[dreg:$0x5] =	wrdreg s11  }
0xb: {  	s6 =	sadd.s32 $0x2000, s0;
	s8 =	sadd.s32 $0x16000, s8;
	[dreg:$0x3] =	wrdreg s9  }
0xc: {  	s31 =	smax.u32 s17, $0x1;
	[dreg:$0x4] =	wrdreg s8;
	s19 =	sshrl.u32 s7, $0x3  }
0xd: {  	s1 =	sshrl.u32 s1, $0x3;
	[dreg:$0x11] =	wrdreg s31;
	s20 =	sadd.s32 s5, s19  }
0xe: {  	s0 =	sadd.s32 s1, s0;
	s22 =	sadd.s32 s6, s19;
	[dreg:$0x6] =	wrdreg s20  }
0xf: {  	s21 =	sor.u32 $0x10, s19;
	s0 =	sadd.s32 $0xCA000, s0;
	[dreg:$0x7] =	wrdreg s22  }
0x10: {  	s23 =	sadd.s32 s5, s21;
	[dreg:$0x10] =	wrdreg s0  }
0x11: {  	s24 =	sor.u32 $0x20, s19;
	s8 =	sadd.s32 s6, s21;
	[dreg:$0x8] =	wrdreg s23  }
0x12: {  	s25 =	sadd.s32 s5, s24;
	[dreg:$0x9] =	wrdreg s8  }
0x13: {  	s26 =	sor.u32 $0x30, s19;
	s10 =	sadd.s32 s6, s24;
	[dreg:$0xa] =	wrdreg s25  }
0x14: {  	s9 =	sor.u32 $0x40, s19;
	s28 =	sadd.s32 s5, s26;
	[dreg:$0xb] =	wrdreg s10  }
0x15: {  	s29 =	sadd.s32 s5, s9;
	[dreg:$0xc] =	wrdreg s28  }
0x16: {  	s12 =	simm.s32 $0xA;
	s30 =	sadd.s32 s6, s9;
	[dreg:$0xe] =	wrdreg s29  }
0x17: {  	s0 =	simm.s32 $0x0;
	s8 =	sadd.s32 s6, s26;
	[dreg:$0xf] =	wrdreg s30  }
0x18: {  	s10 =	simm.s32 $0x15;
	[dreg:$0xd] =	wrdreg s8;
	s8 =	simm.s32 $0x40  }
.LBB2_1:
0x19: {  	[dreg:$0x12] =	wrdreg s0  }
0x1a: {  	s1 =	rddreg [dreg:$0x3]  }
0x1b: {  	s16 =	rddreg [dreg:$0x4];
	s15 =	sshrl.u32 s1, $0x3  }
0x1c: {  	[dreg:$0x13] =	wrdreg s15  }
0x1d: {  	[spmem:s15], [sflag:s11] =	dma.local [hbm:s16], $0x2800  }
0x1e: {  	_ =	swait.ge [sflag:s10], $0x2800  }
0x1f: {  	[sflag:s10] =	ssyncset.done $0x0  }
0x20: {  	[sflag:s10] =	ssyncadd.s32 $0xFFFFD800  }
0x21: {  	[bflag:$0x0] =	sbarrier.arrive $0xFFFF  }
0x22: {  	s17 =	rddreg [dreg:$0x6]  }
0x23: {  	[tilespmem:s3], [sflag:$0xB] =	stream.linear.gather [hbm4b:s17+s3], $0x80, $0x38;
	[tilespmem:$0x1E800] =	vst v63  }
0x24: {  	s21 =	simm.s32 $0x400;
	s18 =	rddreg [dreg:$0x7]  }
0x25: {  	[tilespmem:s21], [sflag:$0x10] =	stream.linear.gather [hbm4b:s18+s3], $0x80, $0x38;
	[tilespmem:$0x1E800] =	vst v63  }
0x26: {  	s19 =	rddreg [dreg:$0x8];
	s18 =	simm.s32 $0x80  }
0x27: {  	[tilespmem:s18], [sflag:$0xC] =	stream.linear.gather [hbm4b:s19+s3], $0x80, $0x38;
	[tilespmem:$0x1E800] =	vst v63  }
0x28: {  	s20 =	rddreg [dreg:$0x9];
	s17 =	simm.s32 $0x480  }
0x29: {  	[tilespmem:s17], [sflag:$0x11] =	stream.linear.gather [hbm4b:s20+s3], $0x80, $0x38;
	[tilespmem:$0x1E800] =	vst v63  }
0x2a: {  	s22 =	rddreg [dreg:$0xa];
	s19 =	simm.s32 $0x100  }
0x2b: {  	[tilespmem:s19], [sflag:$0xD] =	stream.linear.gather [hbm4b:s22+s3], $0x80, $0x38;
	[tilespmem:$0x1E800] =	vst v63  }
0x2c: {  	s24 =	simm.s32 $0x500;
	s23 =	rddreg [dreg:$0xb]  }
0x2d: {  	[tilespmem:s24], [sflag:$0x12] =	stream.linear.gather [hbm4b:s23+s3], $0x80, $0x38;
	[tilespmem:$0x1E800] =	vst v63  }
0x2e: {  	s25 =	rddreg [dreg:$0xc];
	s20 =	simm.s32 $0x180  }
0x2f: {  	[tilespmem:s20], [sflag:$0xE] =	stream.linear.gather [hbm4b:s25+s3], $0x80, $0x38;
	[tilespmem:$0x1E800] =	vst v63  }
0x30: {  	s28 =	simm.s32 $0x580;
	s26 =	rddreg [dreg:$0xd]  }
0x31: {  	[tilespmem:s28], [sflag:$0x13] =	stream.linear.gather [hbm4b:s26+s3], $0x80, $0x38;
	[tilespmem:$0x1E800] =	vst v63  }
0x32: {  	s29 =	rddreg [dreg:$0xe];
	s22 =	simm.s32 $0x200  }
0x33: {  	[tilespmem:s22], [sflag:$0xF] =	stream.linear.gather [hbm4b:s29+s3], $0x80, $0x38;
	[tilespmem:$0x1E800] =	vst v63  }
0x34: {  	s31 =	simm.s32 $0x600;
	s30 =	rddreg [dreg:$0xf];
	s24 =	simm.s32 $0xB  }
0x35: {  	[tilespmem:s31], [sflag:$0x14] =	stream.linear.gather [hbm4b:s30+s3], $0x80, $0x38;
	[tilespmem:$0x1E800] =	vst v63  }
0x36: {  	_ =	swait.ge [sflag:s24], $0x80  }
0x37: {  	[sflag:s24] =	ssyncset.done $0x0  }
0x38: {  	s25 =	simm.s32 $0x800;
	s26 =	simm.s32 $0xC;
	[sflag:s24] =	ssyncadd.s32 $0xFFFFFF80  }
0x39: {  	[tilespmem:s25], [sflag:$0x1] =	stream.indirect.gather [hbm4b:s4+s8], $0x80, s3, s8, $0xb8;
	[tilespmem:$0x1E800] =	vst v63  }
0x3a: {  	_ =	swait.ge [sflag:s26], $0x80  }
0x3b: {  	[sflag:s26] =	ssyncset.done $0x0  }
0x3c: {  	s15 =	simm.s32 $0xD;
	s28 =	simm.s32 $0x2800;
	[sflag:s26] =	ssyncadd.s32 $0xFFFFFF80  }
0x3d: {  	[tilespmem:s28], [sflag:$0x2] =	stream.indirect.gather [hbm4b:s4+s8], $0x80, s18, s8, $0xb8;
	[tilespmem:$0x1E800] =	vst v63  }
0x3e: {  	_ =	swait.ge [sflag:s15], $0x80  }
0x3f: {  	[sflag:s15] =	ssyncset.done $0x0  }
0x40: {  	s23 =	simm.s32 $0x4800;
	s29 =	simm.s32 $0xE;
	[sflag:s15] =	ssyncadd.s32 $0xFFFFFF80  }
0x41: {  	[tilespmem:s23], [sflag:$0x3] =	stream.indirect.gather [hbm4b:s4+s8], $0x80, s19, s8, $0xb8;
	[tilespmem:$0x1E800] =	vst v63  }
0x42: {  	_ =	swait.ge [sflag:s29], $0x80  }
0x43: {  	[sflag:s29] =	ssyncset.done $0x0  }
0x44: {  	s9 =	simm.s32 $0x6800;
	s30 =	simm.s32 $0xF;
	[sflag:s29] =	ssyncadd.s32 $0xFFFFFF80  }
0x45: {  	[tilespmem:s9], [sflag:$0x4] =	stream.indirect.gather [hbm4b:s4+s8], $0x80, s20, s8, $0xb8;
	[tilespmem:$0x1E800] =	vst v63  }
0x46: {  	_ =	swait.ge [sflag:s30], $0x80  }
0x47: {  	[sflag:s30] =	ssyncset.done $0x0  }
0x48: {  	s10 =	simm.s32 $0x8800;
	s31 =	simm.s32 $0x10;
	[sflag:s30] =	ssyncadd.s32 $0xFFFFFF80  }
0x49: {  	[tilespmem:s10], [sflag:$0x5] =	stream.indirect.gather [hbm4b:s4+s8], $0x80, s22, s8, $0xb8;
	[tilespmem:$0x1E800] =	vst v63  }
0x4a: {  	_ =	swait.ge [sflag:s31], $0x80  }
0x4b: {  	s13 =	simm.s32 $0x280;
	[sflag:s31] =	ssyncset.done $0x0  }
0x4c: {  	s0 =	sand.u32 $0xFC00, s13;
	s11 =	simm.s32 $0x1;
	[sflag:s31] =	ssyncadd.s32 $0xFFFFFF80  }
0x4d: {  	s1 =	sand.u32 $0x380, s13;
	s10 =	sadd.s32 s7, s0;
	_ =	swait.ge [sflag:s11], $0x2000  }
0x4e: {  	s1 =	sor.u32 s1, s10;
	[sflag:s11] =	ssyncset.done $0x0  }
0x4f: {  	s1 =	sshrl.u32 s1, $0x3;
	[sflag:s11] =	ssyncadd.s32 $0xFFFFE000  }
0x50: {  	[spmem:s2] =	stream.indirect.scatter.add.f32 [tilespmem:s25], [sflag:$0x6], $0x80, s21, s8, $0xb8;
	[tilespmem:$0x1E800] =	vst v63  }
0x51: {  	s13 =	simm.s32 $0x11;
	s11 =	sadd.s32 s5, s1  }
0x52: {  	[tilespmem:s3], [sflag:$0xB] =	stream.linear.gather [hbm4b:s11+s3], $0x80, $0x38;
	[tilespmem:$0x1E800] =	vst v63  }
0x53: {  	_ =	swait.ge [sflag:s13], $0x80  }
0x54: {  	s10 =	simm.s32 $0x300;
	[sflag:s13] =	ssyncset.done $0x0  }
0x55: {  	s0 =	sand.u32 $0xFC00, s10;
	[sflag:s13] =	ssyncadd.s32 $0xFFFFFF80;
	s13 =	simm.s32 $0x2  }
0x56: {  	s10 =	sand.u32 $0x380, s10;
	s11 =	sadd.s32 s7, s0;
	_ =	swait.ge [sflag:s13], $0x2000  }
0x57: {  	s10 =	sor.u32 s10, s11;
	[sflag:s13] =	ssyncset.done $0x0  }
0x58: {  	s10 =	sshrl.u32 s10, $0x3;
	[sflag:s13] =	ssyncadd.s32 $0xFFFFE000  }
0x59: {  	[spmem:s2] =	stream.indirect.scatter.add.f32 [tilespmem:s28], [sflag:$0x7], $0x80, s17, s8, $0xb8;
	[tilespmem:$0x1E800] =	vst v63  }
0x5a: {  	s0 =	sadd.s32 s5, s10;
	s13 =	simm.s32 $0x12  }
0x5b: {  	[tilespmem:s18], [sflag:$0xC] =	stream.linear.gather [hbm4b:s0+s3], $0x80, $0x38;
	[tilespmem:$0x1E800] =	vst v63  }
0x5c: {  	_ =	swait.ge [sflag:s13], $0x80  }
0x5d: {  	s11 =	simm.s32 $0x380;
	[sflag:s13] =	ssyncset.done $0x0  }
0x5e: {  	s0 =	simm.s32 $0x3;
	[sflag:s13] =	ssyncadd.s32 $0xFFFFFF80;
	s13 =	sand.u32 $0xFC00, s11  }
0x5f: {  	s11 =	sand.u32 $0x380, s11;
	_ =	swait.ge [sflag:s0], $0x2000;
	s13 =	sadd.s32 s7, s13  }
0x60: {  	[sflag:s0] =	ssyncset.done $0x0;
	s11 =	sor.u32 s11, s13  }
0x61: {  	s14 =	simm.s32 $0x500;
	[sflag:s0] =	ssyncadd.s32 $0xFFFFE000;
	s11 =	sshrl.u32 s11, $0x3  }
0x62: {  	[spmem:s2] =	stream.indirect.scatter.add.f32 [tilespmem:s23], [sflag:$0x8], $0x80, s14, s8, $0xb8;
	[tilespmem:$0x1E800] =	vst v63  }
0x63: {  	s0 =	sadd.s32 s5, s11  }
0x64: {  	[tilespmem:s19], [sflag:$0xD] =	stream.linear.gather [hbm4b:s0+s3], $0x80, $0x38;
	[tilespmem:$0x1E800] =	vst v63  }
0x65: {  	s0 =	simm.s32 $0x13  }
0x66: {  	s13 =	simm.s32 $0x400;
	_ =	swait.ge [sflag:s0], $0x80  }
0x67: {  	s13 =	sand.u32 $0xFC00, s13;
	[sflag:s0] =	ssyncset.done $0x0  }
0x68: {  	s14 =	simm.s32 $0x0;
	[sflag:s0] =	ssyncadd.s32 $0xFFFFFF80;
	s0 =	simm.s32 $0x4  }
0x69: {  	s13 =	sadd.s32 s7, s13;
	s14 =	sand.u32 $0x380, s14;
	_ =	swait.ge [sflag:s0], $0x2000  }
0x6a: {  	s16 =	simm.s32 $0x580;
	s13 =	sor.u32 s14, s13;
	[sflag:s0] =	ssyncset.done $0x0  }
0x6b: {  	s9 =	simm.s32 $0x6800;
	s13 =	sshrl.u32 s13, $0x3;
	[sflag:s0] =	ssyncadd.s32 $0xFFFFE000  }
0x6c: {  	[spmem:s2] =	stream.indirect.scatter.add.f32 [tilespmem:s9], [sflag:$0x9], $0x80, s16, s8, $0xb8;
	[tilespmem:$0x1E800] =	vst v63  }
0x6d: {  	s14 =	simm.s32 $0x14;
	s9 =	sadd.s32 s5, s13  }
0x6e: {  	[tilespmem:s20], [sflag:$0xE] =	stream.linear.gather [hbm4b:s9+s3], $0x80, $0x38;
	[tilespmem:$0x1E800] =	vst v63  }
0x6f: {  	_ =	swait.ge [sflag:s14], $0x80  }
0x70: {  	[sflag:s14] =	ssyncset.done $0x0  }
0x71: {  	s0 =	simm.s32 $0x5;
	s16 =	sand.u32 $0xFC00, s17;
	[sflag:s14] =	ssyncadd.s32 $0xFFFFFF80  }
0x72: {  	s9 =	sand.u32 $0x380, s17;
	s14 =	sadd.s32 s7, s16;
	_ =	swait.ge [sflag:s0], $0x2000  }
0x73: {  	s16 =	simm.s32 $0x8800;
	s14 =	sor.u32 s9, s14;
	[sflag:s0] =	ssyncset.done $0x0  }
0x74: {  	s9 =	simm.s32 $0x600;
	s14 =	sshrl.u32 s14, $0x3;
	[sflag:s0] =	ssyncadd.s32 $0xFFFFE000  }
0x75: {  	[spmem:s2] =	stream.indirect.scatter.add.f32 [tilespmem:s16], [sflag:$0xA], $0x80, s9, s8, $0xb8;
	[tilespmem:$0x1E800] =	vst v63  }
0x76: {  	s0 =	sadd.s32 s5, s14;
	s16 =	simm.s32 $0x6  }
0x77: {  	[tilespmem:s22], [sflag:$0xF] =	stream.linear.gather [hbm4b:s0+s3], $0x80, $0x38;
	[tilespmem:$0x1E800] =	vst v63  }
0x78: {  	_ =	swait.ge [sflag:s16], $0x2000  }
0x79: {  	[sflag:s16] =	ssyncset.done $0x0  }
0x7a: {  	s1 =	sadd.s32 s6, s1;
	[sflag:s16] =	ssyncadd.s32 $0xFFFFE000  }
0x7b: {  	[tilespmem:s21], [sflag:$0x10] =	stream.linear.gather [hbm4b:s1+s3], $0x80, $0x38;
	[tilespmem:$0x1E800] =	vst v63  }
0x7c: {  	_ =	swait.ge [sflag:s24], $0x80  }
0x7d: {  	[sflag:s24] =	ssyncset.done $0x0  }
0x7e: {  	s1 =	simm.s32 $0x7;
	[sflag:s24] =	ssyncadd.s32 $0xFFFFFF80  }
0x7f: {  	[tilespmem:s25], [sflag:$0x1] =	stream.indirect.gather [hbm4b:s4+s8], $0x80, s3, s8, $0xb8;
	[tilespmem:$0x1E800] =	vst v63  }
0x80: {  	_ =	swait.ge [sflag:s1], $0x2000  }
0x81: {  	[sflag:s1] =	ssyncset.done $0x0  }
0x82: {  	s10 =	sadd.s32 s6, s10;
	[sflag:s1] =	ssyncadd.s32 $0xFFFFE000  }
0x83: {  	[tilespmem:s17], [sflag:$0x11] =	stream.linear.gather [hbm4b:s10+s3], $0x80, $0x38;
	[tilespmem:$0x1E800] =	vst v63  }
0x84: {  	_ =	swait.ge [sflag:s26], $0x80  }
0x85: {  	[sflag:s26] =	ssyncset.done $0x0  }
0x86: {  	s16 =	simm.s32 $0x8;
	[sflag:s26] =	ssyncadd.s32 $0xFFFFFF80  }
0x87: {  	[tilespmem:s28], [sflag:$0x2] =	stream.indirect.gather [hbm4b:s4+s8], $0x80, s18, s8, $0xb8;
	[tilespmem:$0x1E800] =	vst v63  }
0x88: {  	_ =	swait.ge [sflag:s16], $0x2000  }
0x89: {  	[sflag:s16] =	ssyncset.done $0x0  }
0x8a: {  	s17 =	sadd.s32 s6, s11;
	s18 =	simm.s32 $0x500;
	[sflag:s16] =	ssyncadd.s32 $0xFFFFE000  }
0x8b: {  	[tilespmem:s18], [sflag:$0x12] =	stream.linear.gather [hbm4b:s17+s3], $0x80, $0x38;
	[tilespmem:$0x1E800] =	vst v63  }
0x8c: {  	_ =	swait.ge [sflag:s15], $0x80  }
0x8d: {  	[sflag:s15] =	ssyncset.done $0x0  }
0x8e: {  	s21 =	simm.s32 $0x9;
	[sflag:s15] =	ssyncadd.s32 $0xFFFFFF80  }
0x8f: {  	[tilespmem:s23], [sflag:$0x3] =	stream.indirect.gather [hbm4b:s4+s8], $0x80, s19, s8, $0xb8;
	[tilespmem:$0x1E800] =	vst v63  }
0x90: {  	_ =	swait.ge [sflag:s21], $0x2000  }
0x91: {  	[sflag:s21] =	ssyncset.done $0x0  }
0x92: {  	s24 =	simm.s32 $0x580;
	s23 =	sadd.s32 s6, s13;
	[sflag:s21] =	ssyncadd.s32 $0xFFFFE000  }
0x93: {  	[tilespmem:s24], [sflag:$0x13] =	stream.linear.gather [hbm4b:s23+s3], $0x80, $0x38;
	[tilespmem:$0x1E800] =	vst v63  }
0x94: {  	_ =	swait.ge [sflag:s29], $0x80  }
0x95: {  	[sflag:s29] =	ssyncset.done $0x0  }
0x96: {  	s25 =	simm.s32 $0x6800;
	[sflag:s29] =	ssyncadd.s32 $0xFFFFFF80  }
0x97: {  	[tilespmem:s25], [sflag:$0x4] =	stream.indirect.gather [hbm4b:s4+s8], $0x80, s20, s8, $0xb8;
	[tilespmem:$0x1E800] =	vst v63  }
0x98: {  	_ =	swait.ge [sflag:s12], $0x2000  }
0x99: {  	[sflag:s12] =	ssyncset.done $0x0  }
0x9a: {  	s26 =	sadd.s32 s6, s14;
	[sflag:s12] =	ssyncadd.s32 $0xFFFFE000  }
0x9b: {  	[tilespmem:s9], [sflag:$0x14] =	stream.linear.gather [hbm4b:s26+s3], $0x80, $0x38;
	[tilespmem:$0x1E800] =	vst v63  }
0x9c: {  	_ =	swait.ge [sflag:s30], $0x80  }
0x9d: {  	[sflag:s30] =	ssyncset.done $0x0  }
0x9e: {  	s28 =	simm.s32 $0x8800;
	[sflag:s30] =	ssyncadd.s32 $0xFFFFFF80  }
0x9f: {  	[tilespmem:s28], [sflag:$0x5] =	stream.indirect.gather [hbm4b:s4+s8], $0x80, s22, s8, $0xb8;
	[tilespmem:$0x1E800] =	vst v63  }
0xa0: {  	s1 =	simm.s32 $0x980;
	s29 =	simm.s32 $0x500;
	_ =	swait.ge [sflag:s31], $0x80  }
0xa1: {  	s14 =	simm.s32 $0x700;
	s30 =	sand.u32 $0xFC00, s29;
	[sflag:s31] =	ssyncset.done $0x0  }
0xa2: {  	s11 =	sand.u32 $0x380, s29;
	s10 =	sadd.s32 s7, s30;
	[sflag:s31] =	ssyncadd.s32 $0xFFFFFF80  }
.LBB2_2:
0xa3: {  	s11 =	sor.u32 s11, s10;
	s13 =	simm.s32 $0x1  }
0xa4: {  	s10 =	smov.u32 s1;
	s16 =	sadd.s32 $0x280, s1;
	_ =	swait.ge [sflag:s13], $0x2000  }
0xa5: {  	p0 =	sne.s32 s1, $0x4F80;
	s18 =	sshrl.u32 s11, $0x3;
	[sflag:s13] =	ssyncset.done $0x0  }
0xa6: {  	s17 =	simm.s32 $0x400;
	s26 =	simm.s32 $0x800;
	[sflag:s13] =	ssyncadd.s32 $0xFFFFE000  }
0xa7: {  	[spmem:s2] =	stream.indirect.scatter.add.f32 [tilespmem:s26], [sflag:$0x6], $0x80, s17, s8, $0xb8;
	[tilespmem:$0x1E800] =	vst v63  }
0xa8: {  	s11 =	simm.s32 $0x11;
	s1 =	sadd.s32 s5, s18  }
0xa9: {  	[tilespmem:s3], [sflag:$0xB] =	stream.linear.gather [hbm4b:s1+s3], $0x80, $0x38;
	[tilespmem:$0x1E800] =	vst v63  }
0xaa: {  	_ =	swait.ge [sflag:s11], $0x80  }
0xab: {  	s1 =	sadd.s32 $0xFFFFFE80, s14;
	[sflag:s11] =	ssyncset.done $0x0  }
0xac: {  	s13 =	simm.s32 $0x2;
	[sflag:s11] =	ssyncadd.s32 $0xFFFFFF80;
	s11 =	sand.u32 $0xFC00, s1  }
0xad: {  	s1 =	sand.u32 $0x380, s1;
	_ =	swait.ge [sflag:s13], $0x2000;
	s11 =	sadd.s32 s7, s11  }
0xae: {  	s28 =	simm.s32 $0x2800;
	[sflag:s13] =	ssyncset.done $0x0;
	s1 =	sor.u32 s1, s11  }
0xaf: {  	s0 =	simm.s32 $0x480;
	[sflag:s13] =	ssyncadd.s32 $0xFFFFE000;
	s1 =	sshrl.u32 s1, $0x3  }
0xb0: {  	[spmem:s2] =	stream.indirect.scatter.add.f32 [tilespmem:s28], [sflag:$0x7], $0x80, s0, s8, $0xb8;
	[tilespmem:$0x1E800] =	vst v63  }
0xb1: {  	s19 =	simm.s32 $0x80;
	s11 =	sadd.s32 s5, s1  }
0xb2: {  	[tilespmem:s19], [sflag:$0xC] =	stream.linear.gather [hbm4b:s11+s3], $0x80, $0x38;
	[tilespmem:$0x1E800] =	vst v63  }
0xb3: {  	s11 =	simm.s32 $0x12  }
0xb4: {  	_ =	swait.ge [sflag:s11], $0x80  }
0xb5: {  	[sflag:s11] =	ssyncset.done $0x0  }
0xb6: {  	s15 =	simm.s32 $0x3;
	[sflag:s11] =	ssyncadd.s32 $0xFFFFFF80;
	s11 =	sadd.s32 $0xFFFFFF00, s14  }
0xb7: {  	s21 =	simm.s32 $0x500;
	_ =	swait.ge [sflag:s15], $0x2000;
	s13 =	sand.u32 $0xFC00, s11  }
0xb8: {  	s11 =	sand.u32 $0x380, s11;
	[sflag:s15] =	ssyncset.done $0x0;
	s13 =	sadd.s32 s7, s13  }
0xb9: {  	s29 =	simm.s32 $0x4800;
	[sflag:s15] =	ssyncadd.s32 $0xFFFFE000;
	s11 =	sor.u32 s11, s13  }
0xba: {  	[spmem:s2] =	stream.indirect.scatter.add.f32 [tilespmem:s29], [sflag:$0x8], $0x80, s21, s8, $0xb8;
	[tilespmem:$0x1E800] =	vst v63  }
0xbb: {  	s11 =	sshrl.u32 s11, $0x3  }
0xbc: {  	s20 =	simm.s32 $0x100;
	s22 =	simm.s32 $0x13;
	s13 =	sadd.s32 s5, s11  }
0xbd: {  	[tilespmem:s20], [sflag:$0xD] =	stream.linear.gather [hbm4b:s13+s3], $0x80, $0x38;
	[tilespmem:$0x1E800] =	vst v63  }
0xbe: {  	_ =	swait.ge [sflag:s22], $0x80  }
0xbf: {  	s15 =	sadd.s32 $0xFFFFFB80, s14;
	s13 =	sadd.s32 $0xFFFFFF80, s14;
	[sflag:s22] =	ssyncset.done $0x0  }
0xc0: {  	s13 =	sand.u32 $0xFC00, s13;
	[sflag:s22] =	ssyncadd.s32 $0xFFFFFF80;
	s22 =	simm.s32 $0x4  }
0xc1: {  	s15 =	sand.u32 $0x380, s15;
	s13 =	sadd.s32 s7, s13;
	_ =	swait.ge [sflag:s22], $0x2000  }
0xc2: {  	s23 =	simm.s32 $0x580;
	s13 =	sor.u32 s15, s13;
	[sflag:s22] =	ssyncset.done $0x0  }
0xc3: {  	s30 =	simm.s32 $0x6800;
	s13 =	sshrl.u32 s13, $0x3;
	[sflag:s22] =	ssyncadd.s32 $0xFFFFE000  }
0xc4: {  	[spmem:s2] =	stream.indirect.scatter.add.f32 [tilespmem:s30], [sflag:$0x9], $0x80, s23, s8, $0xb8;
	[tilespmem:$0x1E800] =	vst v63  }
0xc5: {  	s15 =	sadd.s32 s5, s13;
	s22 =	simm.s32 $0x180  }
0xc6: {  	[tilespmem:s22], [sflag:$0xE] =	stream.linear.gather [hbm4b:s15+s3], $0x80, $0x38;
	[tilespmem:$0x1E800] =	vst v63  }
0xc7: {  	s15 =	simm.s32 $0x14  }
0xc8: {  	_ =	swait.ge [sflag:s15], $0x80  }
0xc9: {  	s24 =	simm.s32 $0x5;
	[sflag:s15] =	ssyncset.done $0x0  }
0xca: {  	s25 =	simm.s32 $0x600;
	[sflag:s15] =	ssyncadd.s32 $0xFFFFFF80;
	s15 =	sand.u32 $0xFC00, s14  }
0xcb: {  	s14 =	sand.u32 $0x380, s14;
	_ =	swait.ge [sflag:s24], $0x2000;
	s15 =	sadd.s32 s7, s15  }
0xcc: {  	[sflag:s24] =	ssyncset.done $0x0;
	s15 =	sor.u32 s14, s15;
	s14 =	smov.u32 s10  }
0xcd: {  	s31 =	simm.s32 $0x8800;
	[sflag:s24] =	ssyncadd.s32 $0xFFFFE000;
	s10 =	sshrl.u32 s15, $0x3  }
0xce: {  	[spmem:s2] =	stream.indirect.scatter.add.f32 [tilespmem:s31], [sflag:$0xA], $0x80, s25, s8, $0xb8;
	[tilespmem:$0x1E800] =	vst v63  }
0xcf: {  	s9 =	simm.s32 $0x6;
	s24 =	simm.s32 $0x200;
	s15 =	sadd.s32 s5, s10  }
0xd0: {  	[tilespmem:s24], [sflag:$0xF] =	stream.linear.gather [hbm4b:s15+s3], $0x80, $0x38;
	[tilespmem:$0x1E800] =	vst v63  }
0xd1: {  	s15 =	sadd.s32 s6, s18;
	_ =	swait.ge [sflag:s9], $0x2000  }
0xd2: {  	[sflag:s9] =	ssyncset.done $0x0  }
0xd3: {  	[sflag:s9] =	ssyncadd.s32 $0xFFFFE000  }
0xd4: {  	[tilespmem:s17], [sflag:$0x10] =	stream.linear.gather [hbm4b:s15+s3], $0x80, $0x38;
	[tilespmem:$0x1E800] =	vst v63  }
0xd5: {  	s15 =	simm.s32 $0xB  }
0xd6: {  	_ =	swait.ge [sflag:s15], $0x80  }
0xd7: {  	[sflag:s15] =	ssyncset.done $0x0  }
0xd8: {  	s9 =	simm.s32 $0x7;
	[sflag:s15] =	ssyncadd.s32 $0xFFFFFF80  }
0xd9: {  	[tilespmem:s26], [sflag:$0x1] =	stream.indirect.gather [hbm4b:s4+s8], $0x80, s3, s8, $0xb8;
	[tilespmem:$0x1E800] =	vst v63  }
0xda: {  	_ =	swait.ge [sflag:s9], $0x2000  }
0xdb: {  	s1 =	sadd.s32 s6, s1;
	[sflag:s9] =	ssyncset.done $0x0  }
0xdc: {  	[sflag:s9] =	ssyncadd.s32 $0xFFFFE000  }
0xdd: {  	[tilespmem:s0], [sflag:$0x11] =	stream.linear.gather [hbm4b:s1+s3], $0x80, $0x38;
	[tilespmem:$0x1E800] =	vst v63  }
0xde: {  	s1 =	simm.s32 $0xC  }
0xdf: {  	_ =	swait.ge [sflag:s1], $0x80  }
0xe0: {  	[sflag:s1] =	ssyncset.done $0x0  }
0xe1: {  	s0 =	simm.s32 $0x8;
	[sflag:s1] =	ssyncadd.s32 $0xFFFFFF80  }
0xe2: {  	[tilespmem:s28], [sflag:$0x2] =	stream.indirect.gather [hbm4b:s4+s8], $0x80, s19, s8, $0xb8;
	[tilespmem:$0x1E800] =	vst v63  }
0xe3: {  	_ =	swait.ge [sflag:s0], $0x2000  }
0xe4: {  	s1 =	sadd.s32 s6, s11;
	[sflag:s0] =	ssyncset.done $0x0  }
0xe5: {  	[sflag:s0] =	ssyncadd.s32 $0xFFFFE000  }
0xe6: {  	[tilespmem:s21], [sflag:$0x12] =	stream.linear.gather [hbm4b:s1+s3], $0x80, $0x38;
	[tilespmem:$0x1E800] =	vst v63  }
0xe7: {  	s1 =	simm.s32 $0xD  }
0xe8: {  	_ =	swait.ge [sflag:s1], $0x80  }
0xe9: {  	[sflag:s1] =	ssyncset.done $0x0  }
0xea: {  	s0 =	simm.s32 $0x9;
	[sflag:s1] =	ssyncadd.s32 $0xFFFFFF80  }
0xeb: {  	[tilespmem:s29], [sflag:$0x3] =	stream.indirect.gather [hbm4b:s4+s8], $0x80, s20, s8, $0xb8;
	[tilespmem:$0x1E800] =	vst v63  }
0xec: {  	_ =	swait.ge [sflag:s0], $0x2000  }
0xed: {  	s1 =	sadd.s32 s6, s13;
	[sflag:s0] =	ssyncset.done $0x0  }
0xee: {  	[sflag:s0] =	ssyncadd.s32 $0xFFFFE000  }
0xef: {  	[tilespmem:s23], [sflag:$0x13] =	stream.linear.gather [hbm4b:s1+s3], $0x80, $0x38;
	[tilespmem:$0x1E800] =	vst v63  }
0xf0: {  	s1 =	simm.s32 $0xE  }
0xf1: {  	_ =	swait.ge [sflag:s1], $0x80  }
0xf2: {  	[sflag:s1] =	ssyncset.done $0x0  }
0xf3: {  	[sflag:s1] =	ssyncadd.s32 $0xFFFFFF80  }
0xf4: {  	[tilespmem:s30], [sflag:$0x4] =	stream.indirect.gather [hbm4b:s4+s8], $0x80, s22, s8, $0xb8;
	[tilespmem:$0x1E800] =	vst v63  }
0xf5: {  	_ =	swait.ge [sflag:s12], $0x2000  }
0xf6: {  	s1 =	sadd.s32 s6, s10;
	[sflag:s12] =	ssyncset.done $0x0  }
0xf7: {  	[sflag:s12] =	ssyncadd.s32 $0xFFFFE000  }
0xf8: {  	[tilespmem:s25], [sflag:$0x14] =	stream.linear.gather [hbm4b:s1+s3], $0x80, $0x38;
	[tilespmem:$0x1E800] =	vst v63  }
0xf9: {  	s1 =	simm.s32 $0xF  }
0xfa: {  	_ =	swait.ge [sflag:s1], $0x80  }
0xfb: {  	[sflag:s1] =	ssyncset.done $0x0  }
.Ltmp0:
0xfc: {  	s13 =	simm.s32 $0x10;
	[sflag:s1] =	ssyncadd.s32 $0xFFFFFF80;
	(pc) =	sbr.rel @p0 .LBB2_2-.Ltmp0, $4  }
0xfd: {  	[tilespmem:s31], [sflag:$0x5] =	stream.indirect.gather [hbm4b:s4+s8], $0x80, s24, s8, $0xb8;
	[tilespmem:$0x1E800] =	vst v63  }
0xfe: {  	s1 =	sadd.s32 $0xFFFFFE00, s14;
	_ =	swait.ge [sflag:s13], $0x80  }
0xff: {  	s10 =	sand.u32 $0xFC00, s1;
	s11 =	sand.u32 $0x380, s1;
	[sflag:s13] =	ssyncset.done $0x0  }
0x100: {  	s1 =	smov.u32 s16;
	s10 =	sadd.s32 s7, s10;
	[sflag:s13] =	ssyncadd.s32 $0xFFFFFF80  }
0x101: {  	s30 =	simm.s32 $0x1  }
0x102: {  	_ =	swait.ge [sflag:s30], $0x2000  }
0x103: {  	s1 =	sor.u32 s11, s10;
	s0 =	simm.s32 $0x400;
	[sflag:s30] =	ssyncset.done $0x0  }
0x104: {  	s9 =	simm.s32 $0x800;
	s1 =	sshrl.u32 s1, $0x3;
	[sflag:s30] =	ssyncadd.s32 $0xFFFFE000  }
0x105: {  	[spmem:s2] =	stream.indirect.scatter.add.f32 [tilespmem:s9], [sflag:$0x6], $0x80, s0, s8, $0xb8;
	[tilespmem:$0x1E800] =	vst v63  }
0x106: {  	s31 =	simm.s32 $0x11;
	s22 =	sadd.s32 s5, s1  }
0x107: {  	[tilespmem:s3], [sflag:$0xB] =	stream.linear.gather [hbm4b:s22+s3], $0x80, $0x38;
	[tilespmem:$0x1E800] =	vst v63  }
0x108: {  	_ =	swait.ge [sflag:s31], $0x80  }
0x109: {  	s23 =	sadd.s32 $0xFFFFFE80, s14;
	[sflag:s31] =	ssyncset.done $0x0  }
0x10a: {  	s21 =	simm.s32 $0x2;
	s24 =	sand.u32 $0xFC00, s23;
	[sflag:s31] =	ssyncadd.s32 $0xFFFFFF80  }
0x10b: {  	s10 =	sand.u32 $0x380, s23;
	s11 =	sadd.s32 s7, s24;
	_ =	swait.ge [sflag:s21], $0x2000  }
0x10c: {  	s25 =	simm.s32 $0x2800;
	s10 =	sor.u32 s10, s11;
	[sflag:s21] =	ssyncset.done $0x0  }
0x10d: {  	s26 =	simm.s32 $0x480;
	s10 =	sshrl.u32 s10, $0x3;
	[sflag:s21] =	ssyncadd.s32 $0xFFFFE000  }
0x10e: {  	[spmem:s2] =	stream.indirect.scatter.add.f32 [tilespmem:s25], [sflag:$0x7], $0x80, s26, s8, $0xb8;
	[tilespmem:$0x1E800] =	vst v63  }
0x10f: {  	s29 =	simm.s32 $0x80;
	s20 =	simm.s32 $0x12;
	s28 =	sadd.s32 s5, s10  }
0x110: {  	[tilespmem:s29], [sflag:$0xC] =	stream.linear.gather [hbm4b:s28+s3], $0x80, $0x38;
	[tilespmem:$0x1E800] =	vst v63  }
0x111: {  	_ =	swait.ge [sflag:s20], $0x80  }
0x112: {  	s0 =	sadd.s32 $0xFFFFFF00, s14;
	[sflag:s20] =	ssyncset.done $0x0  }
0x113: {  	s19 =	simm.s32 $0x3;
	s13 =	sand.u32 $0xFC00, s0;
	[sflag:s20] =	ssyncadd.s32 $0xFFFFFF80  }
0x114: {  	s11 =	sand.u32 $0x380, s0;
	s13 =	sadd.s32 s7, s13;
	_ =	swait.ge [sflag:s19], $0x2000  }
0x115: {  	s15 =	simm.s32 $0x4800;
	s11 =	sor.u32 s11, s13;
	[sflag:s19] =	ssyncset.done $0x0  }
0x116: {  	s13 =	simm.s32 $0x500;
	s11 =	sshrl.u32 s11, $0x3;
	[sflag:s19] =	ssyncadd.s32 $0xFFFFE000  }
0x117: {  	[spmem:s2] =	stream.indirect.scatter.add.f32 [tilespmem:s15], [sflag:$0x8], $0x80, s13, s8, $0xb8;
	[tilespmem:$0x1E800] =	vst v63  }
0x118: {  	s18 =	simm.s32 $0x13;
	s16 =	sadd.s32 s5, s11;
	s25 =	simm.s32 $0x100  }
0x119: {  	[tilespmem:s25], [sflag:$0xD] =	stream.linear.gather [hbm4b:s16+s3], $0x80, $0x38;
	[tilespmem:$0x1E800] =	vst v63  }
0x11a: {  	_ =	swait.ge [sflag:s18], $0x80  }
0x11b: {  	s17 =	sadd.s32 $0xFFFFFF80, s14;
	s15 =	sadd.s32 $0xFFFFFB80, s14;
	[sflag:s18] =	ssyncset.done $0x0  }
0x11c: {  	s13 =	sand.u32 $0xFC00, s17;
	s17 =	simm.s32 $0x4;
	[sflag:s18] =	ssyncadd.s32 $0xFFFFFF80  }
0x11d: {  	s13 =	sadd.s32 s7, s13;
	s15 =	sand.u32 $0x380, s15;
	_ =	swait.ge [sflag:s17], $0x2000  }
0x11e: {  	s26 =	simm.s32 $0x580;
	s13 =	sor.u32 s15, s13;
	[sflag:s17] =	ssyncset.done $0x0  }
0x11f: {  	s28 =	simm.s32 $0x6800;
	s13 =	sshrl.u32 s13, $0x3;
	[sflag:s17] =	ssyncadd.s32 $0xFFFFE000  }
0x120: {  	[spmem:s2] =	stream.indirect.scatter.add.f32 [tilespmem:s28], [sflag:$0x9], $0x80, s26, s8, $0xb8;
	[tilespmem:$0x1E800] =	vst v63  }
0x121: {  	s23 =	simm.s32 $0x180;
	s16 =	simm.s32 $0x14;
	s22 =	sadd.s32 s5, s13  }
0x122: {  	[tilespmem:s23], [sflag:$0xE] =	stream.linear.gather [hbm4b:s22+s3], $0x80, $0x38;
	[tilespmem:$0x1E800] =	vst v63  }
0x123: {  	_ =	swait.ge [sflag:s16], $0x80  }
0x124: {  	[sflag:s16] =	ssyncset.done $0x0  }
0x125: {  	s24 =	sand.u32 $0xFC00, s14;
	s0 =	simm.s32 $0x5;
	[sflag:s16] =	ssyncadd.s32 $0xFFFFFF80  }
0x126: {  	s29 =	sand.u32 $0x380, s14;
	s15 =	sadd.s32 s7, s24;
	_ =	swait.ge [sflag:s0], $0x2000  }
0x127: {  	s24 =	simm.s32 $0x600;
	s14 =	sor.u32 s29, s15;
	[sflag:s0] =	ssyncset.done $0x0  }
0x128: {  	s29 =	simm.s32 $0x8800;
	s14 =	sshrl.u32 s14, $0x3;
	[sflag:s0] =	ssyncadd.s32 $0xFFFFE000  }
0x129: {  	[spmem:s2] =	stream.indirect.scatter.add.f32 [tilespmem:s29], [sflag:$0xA], $0x80, s24, s8, $0xb8;
	[tilespmem:$0x1E800] =	vst v63  }
0x12a: {  	s15 =	sadd.s32 s5, s14;
	s22 =	simm.s32 $0x200  }
0x12b: {  	[tilespmem:s22], [sflag:$0xF] =	stream.linear.gather [hbm4b:s15+s3], $0x80, $0x38;
	[tilespmem:$0x1E800] =	vst v63  }
0x12c: {  	s15 =	simm.s32 $0x6  }
0x12d: {  	_ =	swait.ge [sflag:s15], $0x2000  }
0x12e: {  	[sflag:s15] =	ssyncset.done $0x0  }
0x12f: {  	s1 =	sadd.s32 s6, s1;
	s9 =	simm.s32 $0x400;
	[sflag:s15] =	ssyncadd.s32 $0xFFFFE000  }
0x130: {  	[tilespmem:s9], [sflag:$0x10] =	stream.linear.gather [hbm4b:s1+s3], $0x80, $0x38;
	[tilespmem:$0x1E800] =	vst v63  }
0x131: {  	s9 =	simm.s32 $0xB  }
0x132: {  	_ =	swait.ge [sflag:s9], $0x80  }
0x133: {  	[sflag:s9] =	ssyncset.done $0x0  }
0x134: {  	[sflag:s9] =	ssyncadd.s32 $0xFFFFFF80;
	s9 =	simm.s32 $0x800  }
0x135: {  	[tilespmem:s9], [sflag:$0x1] =	stream.indirect.gather [hbm4b:s4+s8], $0x80, s3, s8, $0xb8;
	[tilespmem:$0x1E800] =	vst v63  }
0x136: {  	s9 =	simm.s32 $0x7  }
0x137: {  	_ =	swait.ge [sflag:s9], $0x2000  }
0x138: {  	[sflag:s9] =	ssyncset.done $0x0  }
0x139: {  	s1 =	sadd.s32 s6, s10;
	s10 =	simm.s32 $0x480;
	[sflag:s9] =	ssyncadd.s32 $0xFFFFE000  }
0x13a: {  	[tilespmem:s10], [sflag:$0x11] =	stream.linear.gather [hbm4b:s1+s3], $0x80, $0x38;
	[tilespmem:$0x1E800] =	vst v63  }
0x13b: {  	s10 =	simm.s32 $0xC  }
0x13c: {  	_ =	swait.ge [sflag:s10], $0x80  }
0x13d: {  	[sflag:s10] =	ssyncset.done $0x0  }
0x13e: {  	s1 =	simm.s32 $0x2800;
	[sflag:s10] =	ssyncadd.s32 $0xFFFFFF80;
	s10 =	simm.s32 $0x80  }
0x13f: {  	[tilespmem:s1], [sflag:$0x2] =	stream.indirect.gather [hbm4b:s4+s8], $0x80, s10, s8, $0xb8;
	[tilespmem:$0x1E800] =	vst v63  }
0x140: {  	s10 =	simm.s32 $0x8  }
0x141: {  	_ =	swait.ge [sflag:s10], $0x2000  }
0x142: {  	[sflag:s10] =	ssyncset.done $0x0  }
0x143: {  	s1 =	sadd.s32 s6, s11;
	s11 =	simm.s32 $0x500;
	[sflag:s10] =	ssyncadd.s32 $0xFFFFE000  }
0x144: {  	[tilespmem:s11], [sflag:$0x12] =	stream.linear.gather [hbm4b:s1+s3], $0x80, $0x38;
	[tilespmem:$0x1E800] =	vst v63  }
0x145: {  	s11 =	simm.s32 $0xD  }
0x146: {  	_ =	swait.ge [sflag:s11], $0x80  }
0x147: {  	[sflag:s11] =	ssyncset.done $0x0  }
0x148: {  	[sflag:s11] =	ssyncadd.s32 $0xFFFFFF80;
	s11 =	simm.s32 $0x4800  }
0x149: {  	[tilespmem:s11], [sflag:$0x3] =	stream.indirect.gather [hbm4b:s4+s8], $0x80, s25, s8, $0xb8;
	[tilespmem:$0x1E800] =	vst v63  }
0x14a: {  	s11 =	simm.s32 $0x9  }
0x14b: {  	_ =	swait.ge [sflag:s11], $0x2000  }
0x14c: {  	[sflag:s11] =	ssyncset.done $0x0  }
0x14d: {  	s13 =	sadd.s32 s6, s13;
	[sflag:s11] =	ssyncadd.s32 $0xFFFFE000  }
0x14e: {  	[tilespmem:s26], [sflag:$0x13] =	stream.linear.gather [hbm4b:s13+s3], $0x80, $0x38;
	[tilespmem:$0x1E800] =	vst v63  }
0x14f: {  	s13 =	simm.s32 $0xE  }
0x150: {  	_ =	swait.ge [sflag:s13], $0x80  }
0x151: {  	[sflag:s13] =	ssyncset.done $0x0  }
0x152: {  	[sflag:s13] =	ssyncadd.s32 $0xFFFFFF80  }
0x153: {  	[tilespmem:s28], [sflag:$0x4] =	stream.indirect.gather [hbm4b:s4+s8], $0x80, s23, s8, $0xb8;
	[tilespmem:$0x1E800] =	vst v63  }
0x154: {  	_ =	swait.ge [sflag:s12], $0x2000  }
0x155: {  	[sflag:s12] =	ssyncset.done $0x0  }
0x156: {  	s13 =	sadd.s32 s6, s14;
	s14 =	simm.s32 $0xF;
	[sflag:s12] =	ssyncadd.s32 $0xFFFFE000  }
0x157: {  	[tilespmem:s24], [sflag:$0x14] =	stream.linear.gather [hbm4b:s13+s3], $0x80, $0x38;
	[tilespmem:$0x1E800] =	vst v63  }
0x158: {  	_ =	swait.ge [sflag:s14], $0x80  }
0x159: {  	[sflag:s14] =	ssyncset.done $0x0  }
0x15a: {  	s23 =	simm.s32 $0x10;
	[sflag:s14] =	ssyncadd.s32 $0xFFFFFF80  }
0x15b: {  	[tilespmem:s29], [sflag:$0x5] =	stream.indirect.gather [hbm4b:s4+s8], $0x80, s22, s8, $0xb8;
	[tilespmem:$0x1E800] =	vst v63  }
0x15c: {  	_ =	swait.ge [sflag:s23], $0x80  }
0x15d: {  	[sflag:s23] =	ssyncset.done $0x0  }
0x15e: {  	[sflag:s23] =	ssyncadd.s32 $0xFFFFFF80  }
0x15f: {  	_ =	swait.ge [sflag:s30], $0x2000  }
0x160: {  	[sflag:s30] =	ssyncset.done $0x0  }
0x161: {  	s13 =	simm.s32 $0x400;
	s14 =	simm.s32 $0x800;
	[sflag:s30] =	ssyncadd.s32 $0xFFFFE000  }
0x162: {  	[spmem:s2] =	stream.indirect.scatter.add.f32 [tilespmem:s14], [sflag:$0x6], $0x80, s13, s8, $0xb8;
	[tilespmem:$0x1E800] =	vst v63  }
0x163: {  	_ =	swait.ge [sflag:s31], $0x80  }
0x164: {  	[sflag:s31] =	ssyncset.done $0x0  }
0x165: {  	[sflag:s31] =	ssyncadd.s32 $0xFFFFFF80  }
0x166: {  	_ =	swait.ge [sflag:s21], $0x2000  }
0x167: {  	[sflag:s21] =	ssyncset.done $0x0  }
0x168: {  	s22 =	simm.s32 $0x2800;
	[sflag:s21] =	ssyncadd.s32 $0xFFFFE000;
	s21 =	simm.s32 $0x480  }
0x169: {  	[spmem:s2] =	stream.indirect.scatter.add.f32 [tilespmem:s22], [sflag:$0x7], $0x80, s21, s8, $0xb8;
	[tilespmem:$0x1E800] =	vst v63  }
0x16a: {  	_ =	swait.ge [sflag:s20], $0x80  }
0x16b: {  	[sflag:s20] =	ssyncset.done $0x0  }
0x16c: {  	[sflag:s20] =	ssyncadd.s32 $0xFFFFFF80  }
0x16d: {  	_ =	swait.ge [sflag:s19], $0x2000  }
0x16e: {  	[sflag:s19] =	ssyncset.done $0x0  }
0x16f: {  	s25 =	simm.s32 $0x4800;
	s23 =	simm.s32 $0x500;
	[sflag:s19] =	ssyncadd.s32 $0xFFFFE000  }
0x170: {  	[spmem:s2] =	stream.indirect.scatter.add.f32 [tilespmem:s25], [sflag:$0x8], $0x80, s23, s8, $0xb8;
	[tilespmem:$0x1E800] =	vst v63  }
0x171: {  	_ =	swait.ge [sflag:s18], $0x80  }
0x172: {  	[sflag:s18] =	ssyncset.done $0x0  }
0x173: {  	[sflag:s18] =	ssyncadd.s32 $0xFFFFFF80  }
0x174: {  	_ =	swait.ge [sflag:s17], $0x2000  }
0x175: {  	[sflag:s17] =	ssyncset.done $0x0  }
0x176: {  	[sflag:s17] =	ssyncadd.s32 $0xFFFFE000  }
0x177: {  	[spmem:s2] =	stream.indirect.scatter.add.f32 [tilespmem:s28], [sflag:$0x9], $0x80, s26, s8, $0xb8;
	[tilespmem:$0x1E800] =	vst v63  }
0x178: {  	_ =	swait.ge [sflag:s16], $0x80  }
0x179: {  	[sflag:s16] =	ssyncset.done $0x0  }
0x17a: {  	[sflag:s16] =	ssyncadd.s32 $0xFFFFFF80  }
0x17b: {  	_ =	swait.ge [sflag:s0], $0x2000  }
0x17c: {  	[sflag:s0] =	ssyncset.done $0x0  }
0x17d: {  	[sflag:s0] =	ssyncadd.s32 $0xFFFFE000  }
0x17e: {  	[spmem:s2] =	stream.indirect.scatter.add.f32 [tilespmem:s29], [sflag:$0xA], $0x80, s24, s8, $0xb8;
	[tilespmem:$0x1E800] =	vst v63  }
0x17f: {  	_ =	swait.ge [sflag:s15], $0x2000  }
0x180: {  	[sflag:s15] =	ssyncset.done $0x0  }
0x181: {  	[sflag:s15] =	ssyncadd.s32 $0xFFFFE000  }
0x182: {  	_ =	swait.ge [sflag:s9], $0x2000  }
0x183: {  	[sflag:s9] =	ssyncset.done $0x0  }
0x184: {  	[sflag:s9] =	ssyncadd.s32 $0xFFFFE000  }
0x185: {  	_ =	swait.ge [sflag:s10], $0x2000  }
0x186: {  	[sflag:s10] =	ssyncset.done $0x0  }
0x187: {  	[sflag:s10] =	ssyncadd.s32 $0xFFFFE000  }
0x188: {  	_ =	swait.ge [sflag:s11], $0x2000  }
0x189: {  	[sflag:s11] =	ssyncset.done $0x0  }
0x18a: {  	[sflag:s11] =	ssyncadd.s32 $0xFFFFE000  }
0x18b: {  	_ =	swait.ge [sflag:s12], $0x2000  }
0x18c: {  	[sflag:s12] =	ssyncset.done $0x0  }
0x18d: {  	[sflag:s12] =	ssyncadd.s32 $0xFFFFE000  }
0x18e: {  	[bflag:$0x0] =	sbarrier.arrive $0xFFFF  }
0x18f: {  	s11 =	rddreg [dreg:$0x5]  }
0x190: {  	s28 =	rddreg [dreg:$0x10]  }
0x191: {  	s10 =	simm.s32 $0x15;
	s29 =	rddreg [dreg:$0x13]  }
0x192: {  	[hbm:s28], [sflag:s11] =	dma.local [spmem:s29], $0x2800  }
0x193: {  	_ =	swait.ge [sflag:s10], $0x2800  }
0x194: {  	s30 =	rddreg [dreg:$0x12]  }
0x195: {  	s31 =	rddreg [dreg:$0x11];
	s0 =	sadd.s32 $0x1, s30  }
0x196: {  	p0 =	sne.s32 s0, s31  }
.Ltmp1:
0x197: {  	_ = 	snop;
	(pc) =	sbr.rel @p0 .LBB2_1-.Ltmp1, $3  }
0x198: {  	_ =	sdelay $0x1  }
0x199: {  	[sflag:s10] =	ssyncset.done $0x0  }
0x19a: {  	[sflag:s10] =	ssyncadd.s32 $0xFFFFD800  }
0x19b: {  	_ =	sfence.sel $0x180000  }
0x19c: {  	[bflag:$0x0] =	sbarrier.arrive $0xFFFF  }
0x19d: {  	_ =	strace $0x9000004A  }
0x19e: {  	s0 =	stileid.u32;
	[bflag:$0x2] =	sbarrier.arrive $0xFFFF  }
0x19f: {  	p0 =	sne.s32 s0, $0x0;
	s0 =	rddreg [dreg:$0x2]  }
0x1a0: {  	s0 =	sadd.s32 @!p0 $0x100000, s0  }
0x1a1: {  	[sflag:s0] =	ssyncadd.tile.s32 @!p0 $0x1;
	_ =	shalt  }
.Lfunc_end2:
_tile_overlayer_lowered:
.L_overlay_start_2:
0x1a2: {  	(tag) =	ssettag $0x2  }
0x1a3: {  	s0 =	rddreg [dreg:$0x0];
	s2 =	stileid.u32  }
0x1a4: {  	s1 =	rddreg [dreg:$0x1];
	p0 =	sne.s32 s2, $0x0  }
0x1a5: {  	s3 =	rddreg [dreg:$0x2];
	[bflag:$0x3] =	sbarrier.arrive $0xFFFF;
	s2 =	simm.s32 @!p0 $0x1C15  }
0x1a6: {  	[timem:s3], [sflag:s2] =	dma.local @!p0 [hbm:s0], s1  }
0x1a7: {  	s0 =	simm.s32 @!p0 $0x15  }
0x1a8: {  	_ =	swait.ge @!p0 [sflag:s0], s1  }
0x1a9: {  	s1 =	ssub.s32 @!p0 $0x0, s1;
	[sflag:s0] =	ssyncset.done @!p0 $0x0  }
0x1aa: {  	[sflag:s0] =	ssyncadd.s32 @!p0 s1  }
0x1ab: {  	[bflag:$0x3] =	sbarrier.arrive $0xFFFF  }
0x1ac: {  	_ =	shalt  }

// kernel: kernel.15.cloned.1.call-start
scs
__scs_entry_jumppad:
0x0: {  	(pc) =	sbr.rel $0x88, $3  }
0x1: {  	(tag) =	ssettag $0x0;
	lr =	simm.s32 $0x1  }
0x2: {  	[smem:$0x3F9B] =	sst lr;
	_ =	strace $0xD0000000  }
0x3: {  	_ = 	snop  }
0x4: {  	_ = 	snop  }
0x5: {  	_ = 	snop  }
0x6: {  	_ = 	snop  }
0x7: {  	_ = 	snop  }
__scs_overlays_trampoline_lowered:
0x8: {  	[smem:$0x3FAA] =	sst s0  }
0x9: {  	[smem:$0x3FAB] =	sst s1  }
0xa: {  	[smem:$0x3FAC] =	sst s2  }
0xb: {  	[smem:$0x3FAD] =	sst s3  }
0xc: {  	[smem:$0x3FAE] =	sst s4  }
0xd: {  	[smem:$0x3FAF] =	sst s5  }
0xe: {  	[smem:$0x3FB0] =	sst s6  }
0xf: {  	[smem:$0x3FB1] =	sst s7  }
0x10: {  	[smem:$0x3FB2] =	sst s8  }
0x11: {  	[smem:$0x3FB3] =	sst s9;
	s0 =	simm.s32 @!p0 $0x0  }
0x12: {  	s1 =	sld [smem:$0x3F99];
	s0 =	simm.s32 @p0 $0x1  }
0x13: {  	[smem:$0x3FB4] =	sst s0;
	s0 =	simm.s32 @!p1 $0x0  }
0x14: {  	s2 =	sld [smem:$0x3F98];
	s0 =	simm.s32 @p1 $0x1  }
0x15: {  	[smem:$0x3FB5] =	sst s0;
	s0 =	simm.s32 @!p2 $0x0  }
0x16: {  	s3 =	sld [smem:$0x3FDB];
	s0 =	simm.s32 @p2 $0x1  }
0x17: {  	s4 =	simm.s32 $0x1BF5;
	[smem:$0x3FB7] =	sst s0  }
0x18: {  	s0 =	sld [smem:$0x3F9A];
	_ =	swait.ge [sflag:s4], $0x0  }
0x19: {  	s7 =	sld [smem:$0x3F9B]  }
0x1a: {  	s8 =	sadd.s32 $0xFFFFE003, lr  }
0x1b: {  	s9 =	sadd.s32 $0xFFFFFEF7, lr;
	s5 =	simm.s32 $0xFFFFFFFF;
	p2 =	slt.u32 s8, $0xFFFFF086  }
0x1c: {  	p1 =	slt.u32 s9, $0xF7A;
	s5 =	simm.s32 @!p2 $0x0  }
0x1d: {  	s5 =	simm.s32 @p1 $0x1;
	p0 =	seq.s32 s7, s2  }
0x1e: {  	s7 =	smul.u32 @!p0 $0xF7A, s2;
	p2 =	seq.s32 @!p0 s5, $0x0  }
0x1f: {  	s9 =	smul.u32 $0xF7A, s1;
	s8 =	simm.s32 @!p0 $0x1BF5;
	p2 =	por !p2, p0  }
0x20: {  	[sflag:s8] =	ssyncset.s32 @!p0 $0xFFFFF086;
	s6 =	sadd.s32 @!p0 s3, s7;
	s7 =	simm.s32 @!p0 $0x108  }
0x21: {  	s3 =	sadd.s32 s3, s9;
	s6 =	sadd.s32 @!p0 $0x88, s6;
	s7 =	simm.s32 @p2 $0x1082  }
0x22: {  	[simem:s7], [sflag:s8] =	dma.local @!p0 [hbm:s6], $0xF7A  }
0x23: {  	s9 =	sor.u32 $0xD0000000, s2;
	s6 =	simm.s32 $0x108;
	_ =	swait.ge @!p0 [sflag:s8], $0x0  }
0x24: {  	s3 =	sadd.s32 $0x88, s3;
	s6 =	simm.s32 @!p1 $0x1082;
	[sflag:s4] =	ssyncset.s32 $0xFFFFF086  }
0x25: {  	[simem:s6], [sflag:s4] =	dma.local [hbm:s3], $0xF7A  }
0x26: {  	[smem:$0x3F9B] =	sst s1;
	(tag) =	ssettag s2;
	_ =	strace s9  }
0x27: {  	s1 =	sld [smem:$0x3FAB]  }
0x28: {  	s2 =	sld [smem:$0x3FAC]  }
0x29: {  	s4 =	sld [smem:$0x3FAE]  }
0x2a: {  	p0 =	seq.s32 s5, $0x0;
	s5 =	sld [smem:$0x3FAF]  }
0x2b: {  	s6 =	sld [smem:$0x3FB0]  }
0x2c: {  	s7 =	sld [smem:$0x3FB1]  }
0x2d: {  	s3 =	simm.s32 $0x108;
	s8 =	sld [smem:$0x3FB2]  }
0x2e: {  	s3 =	simm.s32 @!p0 $0x1082;
	s9 =	sld [smem:$0x3FB3]  }
0x2f: {  	lr =	sadd.s32 s0, s3;
	s0 =	sld [smem:$0x3FAA]  }
0x30: {  	s3 =	sld [smem:$0x3FAD]  }
0x31: {  	[smem:$0x3FB6] =	sst s10  }
0x32: {  	s10 =	sld [smem:$0x3FB4];
	_ =	sdelay $0x3  }
0x33: {  	p0 =	seq.s32 s10, $0x1;
	s10 =	sld [smem:$0x3FB6];
	_ =	sdelay $0x3  }
0x34: {  	[smem:$0x3FB6] =	sst s10  }
0x35: {  	s10 =	sld [smem:$0x3FB5];
	_ =	sdelay $0x3  }
0x36: {  	p1 =	seq.s32 s10, $0x1;
	s10 =	sld [smem:$0x3FB6];
	_ =	sdelay $0x3  }
0x37: {  	[smem:$0x3FB6] =	sst s10  }
0x38: {  	s10 =	sld [smem:$0x3FB7]  }
0x39: {  	_ = 	snop;
	(pc) =	sbr.ind lr, $3  }
0x3a: {  	_ = 	snop  }
0x3b: {  	_ = 	snop  }
0x3c: {  	p2 =	seq.s32 s10, $0x1;
	s10 =	sld [smem:$0x3FB6]  }
0x3d: {  	_ =	shalt  }
0x3e: {  	_ =	shalt  }
0x3f: {  	_ =	shalt  }
0x40: {  	_ =	shalt  }
0x41: {  	_ =	shalt  }
0x42: {  	_ =	shalt  }
0x43: {  	_ =	shalt  }
0x44: {  	_ =	shalt  }
0x45: {  	_ =	shalt  }
0x46: {  	_ =	shalt  }
0x47: {  	_ =	shalt  }
0x48: {  	_ =	shalt  }
0x49: {  	_ =	shalt  }
0x4a: {  	_ =	shalt  }
0x4b: {  	_ =	shalt  }
0x4c: {  	_ =	shalt  }
0x4d: {  	_ =	shalt  }
0x4e: {  	_ =	shalt  }
0x4f: {  	_ =	shalt  }
0x50: {  	_ =	shalt  }
0x51: {  	_ =	shalt  }
0x52: {  	_ =	shalt  }
0x53: {  	_ =	shalt  }
0x54: {  	_ =	shalt  }
0x55: {  	_ =	shalt  }
0x56: {  	_ =	shalt  }
0x57: {  	_ =	shalt  }
0x58: {  	_ =	shalt  }
0x59: {  	_ =	shalt  }
0x5a: {  	_ =	shalt  }
0x5b: {  	_ =	shalt  }
0x5c: {  	_ =	shalt  }
0x5d: {  	_ =	shalt  }
0x5e: {  	_ =	shalt  }
0x5f: {  	_ =	shalt  }
0x60: {  	_ =	shalt  }
0x61: {  	_ =	shalt  }
0x62: {  	_ =	shalt  }
0x63: {  	_ =	shalt  }
0x64: {  	_ =	shalt  }
0x65: {  	_ =	shalt  }
0x66: {  	_ =	shalt  }
0x67: {  	_ =	shalt  }
0x68: {  	_ =	shalt  }
0x69: {  	_ =	shalt  }
0x6a: {  	_ =	shalt  }
0x6b: {  	_ =	shalt  }
0x6c: {  	_ =	shalt  }
0x6d: {  	_ =	shalt  }
0x6e: {  	_ =	shalt  }
0x6f: {  	_ =	shalt  }
0x70: {  	_ =	shalt  }
0x71: {  	_ =	shalt  }
0x72: {  	_ =	shalt  }
0x73: {  	_ =	shalt  }
0x74: {  	_ =	shalt  }
0x75: {  	_ =	shalt  }
0x76: {  	_ =	shalt  }
0x77: {  	_ =	shalt  }
0x78: {  	_ =	shalt  }
0x79: {  	_ =	shalt  }
0x7a: {  	_ =	shalt  }
0x7b: {  	_ =	shalt  }
0x7c: {  	_ =	shalt  }
0x7d: {  	_ =	shalt  }
0x7e: {  	_ =	shalt  }
0x7f: {  	_ =	shalt  }
0x80: {  	_ =	shalt  }
0x81: {  	_ =	shalt  }
0x82: {  	_ =	shalt  }
0x83: {  	_ =	shalt  }
0x84: {  	_ =	shalt  }
0x85: {  	_ =	shalt  }
0x86: {  	_ =	shalt  }
0x87: {  	_ =	shalt  }
.Lfunc_end0:
.L_simem_size_0:
called_computation.2_lowered:
.L_overlay_start_0:
0x88: {  	s2 =	sld [smem:$0x3FD9]  }
0x89: {  	s3 =	sld [smem:$0x3FFE];
	_ =	sdelay $0x1  }
0x8a: {  	s1 =	srdreg.scid  }
0x8b: {  	s0 =	sand.u32 $0x1, s1  }
0x8c: {  	s16 =	sshll.u32 s0, $0xA;
	s2 =	sadd.s32 s3, s2  }
0x8d: {  	s2 =	sadd.s32 s2, s16  }
0x8e: {  	[smem:$0x3FC2] =	sst s2  }
0x8f: {  	_ = 	snop  }
0x90: {  	(tm) =	ssettm $0x1  }
0x91: {  	s17 =	sld [smem:$0x3FFB];
	_ =	sdelay $0x3  }
0x92: {  	_ =	strace s17  }
0x93: {  	s2 =	sld [smem:$0x3FFC];
	_ =	sdelay $0x3  }
0x94: {  	_ =	strace s2  }
0x95: {  	s2 =	sld [smem:$0x3FFD];
	_ =	sdelay $0x3  }
0x96: {  	_ =	strace s2  }
0x97: {  	_ =	strace $0x8FFFFFFF  }
0x98: {  	s18 =	sld [smem:$0x3FDB];
	_ =	sdelay $0x1  }
0x99: {  	s19 =	simm.s32 $_scs_section_size  }
0x9a: {  	s4 =	simm.s32 $_size__tile_overlayer_lowered;
	s5 =	simm.s32 $_tile_overlayer_lowered  }
0x9b: {  	s22 =	simm.s32 $0x1BFF;
	s21 =	sshll.u32 s5, $0x1;
	s2 =	sadd.s32 s19, s18  }
0x9c: {  	s6 =	simm.s32 $0x0;
	s20 =	sshll.u32 s4, $0x1;
	s4 =	sadd.s32 s21, s2  }
0x9d: {  	[timem:s6], [sflag:s22] =	dma.local [hbm:s4], s20  }
0x9e: {  	_ =	swait.ge [sflag:s22], s20  }
0x9f: {  	s3 =	ssub.s32 $0x0, s20;
	[sflag:s22] =	ssyncset.done $0x0  }
0xa0: {  	[sflag:s22] =	ssyncadd.s32 s3;
	_ =	sdelay $0x1  }
0xa1: {  	s23 =	simm.s32 $0x1B8B  }
0xa2: {  	_ =	swait.ge [sflag:s23], $0x1  }
0xa3: {  	[sflag:s23] =	ssyncset.done $0x0  }
0xa4: {  	s25 =	simm.s32 $0x1B8E;
	s24 =	sld [smem:$0x3FFE];
	[sflag:s23] =	ssyncadd.s32 $0xFFFFFFFF  }
0xa5: {  	s26 =	simm.s32 $execute0_lowered;
	[smem:$0x3FD2] =	sst s25  }
0xa6: {  	s4 =	sshll.u32 s26, $0x1;
	_ =	strace $0x8000004C;
	[dreg:$0x1] =	wrdreg $0xFFFFFFFF  }
0xa7: {  	s28 =	simm.s32 $_size_execute0_lowered;
	s2 =	sadd.s32 s2, s4;
	[dreg:$0x0] =	wrdreg $0x0  }
0xa8: {  	s4 =	sshll.u32 s28, $0x1;
	[dreg:$0x2] =	wrdreg s2  }
0xa9: {  	[dreg:$0x3] =	wrdreg s4  }
0xaa: {  	[dreg:$0x4] =	wrdreg $0xC0  }
0xab: {  	_ =	task [dreg:s6], $0x5FFFF  }
0xac: {  	[dreg:$0x1] =	wrdreg $0xFFFFFFFF  }
0xad: {  	[dreg:$0x0] =	wrdreg $0x60  }
0xae: {  	[dreg:$0x2] =	wrdreg s24  }
0xaf: {  	[dreg:$0x3] =	wrdreg $0xA8000  }
0xb0: {  	[dreg:$0x4] =	wrdreg $0x9  }
0xb1: {  	_ =	task.clear_ibuf [dreg:s6], $0x5FFFF;
	_ =	strace $0x9000004C  }
0xb2: {  	s29 =	simm.s32 $0x9;
	_ =	strace $0x8000004E  }
0xb3: {  	_ =	swait.ge [sflag:s29], $0x1  }
0xb4: {  	[sflag:s29] =	ssyncadd.s32 $0xFFFFFFFF  }
0xb5: {  	_ =	strace $0x9000004E  }
0xb6: {  	_ =	sfence  }
0xb7: {  	s30 =	sld [smem:$0x0];
	_ =	sdelay $0x2  }
0xb8: {  	s31 =	sshll.u32 s1, $0xD;
	s1 =	sshrl.u32 s1, $0x2  }
0xb9: {  	s3 =	sand.u32 $0x4000, s31;
	s1 =	sadd.s32 s1, s30  }
0xba: {  	s0 =	sor.u32 s3, s0;
	s1 =	sshll.u32 s1, $0x11  }
0xbb: {  	s0 =	sor.u32 s1, s0  }
0xbc: {  	s0 =	sadd.s32 $0x8F2B, s0  }
0xbd: {  	[sflag:s0] =	ssyncadd.remote.s32 $0x1  }
0xbe: {  	_ =	sfence.sel $0xFFFF  }
0xbf: {  	[dreg:$0x0] =	wrdreg $0xFFFFFFFF;
	(pc) =	sbr.abs _section_cstart, $3  }
0xc0: {  	[dreg:$0x1] =	wrdreg $0xFFFFFFFF  }
0xc1: {  	_ =	task.clear_ibuf [dreg:s6], $0x2FFFF;
	_ =	strace $0x9FFFFFFF  }
0xc2: {  	(tm) =	ssettm $0x7FFFFFFF  }
0xc3: {  	_ =	shalt  }
tec
execute0_lowered:
.L_overlay_start_1:
0x0: {  	(tag) =	ssettag $0x1  }
0x1: {  	s0 =	rddreg [dreg:$0x0]  }
0x2: {  	s2 =	rddreg [dreg:$0x1];
	s3 =	simm.s32 $0x0;
	s12 =	stileid.u32  }
0x3: {  	s4 =	srdreg.scid;
	[smem:$0x7FF] =	sst s3  }
0x4: {  	s1 =	smul.u32 $0x14000, s12;
	s7 =	sand.u32 $0x1, s4;
	s4 =	sadd.s32 $0xA2000, s0  }
0x5: {  	s5 =	sadd.s32 $0x8E000, s0;
	s14 =	smul.u32 $0x50000, s12;
	s18 =	sshll.u32 s12, $0x6  }
0x6: {  	_ =	strace $0x8000004D;
	s9 =	smul.u32 $0x140000, s7;
	s10 =	sshll.u32 s7, $0x4  }
0x7: {  	s11 =	ssub.s32 $0x2, s7;
	s8 =	sshrl.u32 s1, $0x3;
	s15 =	sor.u32 s12, s10  }
0x8: {  	s16 =	sshrl.u32 s11, $0x1;
	s8 =	sadd.s32 s8, s0;
	s1 =	sadd.s32 s1, s9  }
0x9: {  	s9 =	sshrl.u32 s14, $0x2;
	s17 =	ssub.s32 s11, s16;
	s11 =	sor.u32 $0x1C15, s18  }
0xa: {  	s7 =	smul.u32 $0x5000, s15;
	s9 =	sadd.s32 s9, s2;
	[dreg:$0x5] =	wrdreg s11  }
0xb: {  	s6 =	sadd.s32 $0x2000, s0;
	s8 =	sadd.s32 $0x16000, s8;
	[dreg:$0x3] =	wrdreg s9  }
0xc: {  	s31 =	smax.u32 s17, $0x1;
	[dreg:$0x4] =	wrdreg s8;
	s19 =	sshrl.u32 s7, $0x3  }
0xd: {  	s1 =	sshrl.u32 s1, $0x3;
	[dreg:$0x11] =	wrdreg s31;
	s20 =	sadd.s32 s5, s19  }
0xe: {  	s0 =	sadd.s32 s1, s0;
	s22 =	sadd.s32 s6, s19;
	[dreg:$0x6] =	wrdreg s20  }
0xf: {  	s21 =	sor.u32 $0x10, s19;
	s0 =	sadd.s32 $0xCA000, s0;
	[dreg:$0x7] =	wrdreg s22  }
0x10: {  	s23 =	sadd.s32 s5, s21;
	[dreg:$0x10] =	wrdreg s0  }
0x11: {  	s24 =	sor.u32 $0x20, s19;
	s8 =	sadd.s32 s6, s21;
	[dreg:$0x8] =	wrdreg s23  }
0x12: {  	s25 =	sadd.s32 s5, s24;
	[dreg:$0x9] =	wrdreg s8  }
0x13: {  	s26 =	sor.u32 $0x30, s19;
	s10 =	sadd.s32 s6, s24;
	[dreg:$0xa] =	wrdreg s25  }
0x14: {  	s9 =	sor.u32 $0x40, s19;
	s28 =	sadd.s32 s5, s26;
	[dreg:$0xb] =	wrdreg s10  }
0x15: {  	s29 =	sadd.s32 s5, s9;
	[dreg:$0xc] =	wrdreg s28  }
0x16: {  	s12 =	simm.s32 $0xA;
	s30 =	sadd.s32 s6, s9;
	[dreg:$0xe] =	wrdreg s29  }
0x17: {  	s0 =	simm.s32 $0x0;
	s8 =	sadd.s32 s6, s26;
	[dreg:$0xf] =	wrdreg s30  }
0x18: {  	s10 =	simm.s32 $0x15;
	[dreg:$0xd] =	wrdreg s8;
	s8 =	simm.s32 $0x40  }
.LBB2_1:
0x19: {  	[dreg:$0x12] =	wrdreg s0  }
0x1a: {  	s1 =	rddreg [dreg:$0x3]  }
0x1b: {  	s16 =	rddreg [dreg:$0x4];
	s15 =	sshrl.u32 s1, $0x3  }
0x1c: {  	[dreg:$0x13] =	wrdreg s15  }
0x1d: {  	[spmem:s15], [sflag:s11] =	dma.local [hbm:s16], $0x2800  }
0x1e: {  	_ =	swait.ge [sflag:s10], $0x2800  }
0x1f: {  	[sflag:s10] =	ssyncset.done $0x0  }
0x20: {  	[sflag:s10] =	ssyncadd.s32 $0xFFFFD800  }
0x21: {  	[bflag:$0x0] =	sbarrier.arrive $0xFFFF  }
0x22: {  	s17 =	rddreg [dreg:$0x6]  }
0x23: {  	[tilespmem:s3], [sflag:$0xB] =	stream.linear.gather [hbm4b:s17+s3], $0x80, $0x38;
	[tilespmem:$0x1E800] =	vst v63  }
0x24: {  	s21 =	simm.s32 $0x400;
	s18 =	rddreg [dreg:$0x7]  }
0x25: {  	[tilespmem:s21], [sflag:$0x10] =	stream.linear.gather [hbm4b:s18+s3], $0x80, $0x38;
	[tilespmem:$0x1E800] =	vst v63  }
0x26: {  	s19 =	rddreg [dreg:$0x8];
	s18 =	simm.s32 $0x80  }
0x27: {  	[tilespmem:s18], [sflag:$0xC] =	stream.linear.gather [hbm4b:s19+s3], $0x80, $0x38;
	[tilespmem:$0x1E800] =	vst v63  }
0x28: {  	s20 =	rddreg [dreg:$0x9];
	s17 =	simm.s32 $0x480  }
0x29: {  	[tilespmem:s17], [sflag:$0x11] =	stream.linear.gather [hbm4b:s20+s3], $0x80, $0x38;
	[tilespmem:$0x1E800] =	vst v63  }
0x2a: {  	s22 =	rddreg [dreg:$0xa];
	s19 =	simm.s32 $0x100  }
0x2b: {  	[tilespmem:s19], [sflag:$0xD] =	stream.linear.gather [hbm4b:s22+s3], $0x80, $0x38;
	[tilespmem:$0x1E800] =	vst v63  }
0x2c: {  	s24 =	simm.s32 $0x500;
	s23 =	rddreg [dreg:$0xb]  }
0x2d: {  	[tilespmem:s24], [sflag:$0x12] =	stream.linear.gather [hbm4b:s23+s3], $0x80, $0x38;
	[tilespmem:$0x1E800] =	vst v63  }
0x2e: {  	s25 =	rddreg [dreg:$0xc];
	s20 =	simm.s32 $0x180  }
0x2f: {  	[tilespmem:s20], [sflag:$0xE] =	stream.linear.gather [hbm4b:s25+s3], $0x80, $0x38;
	[tilespmem:$0x1E800] =	vst v63  }
0x30: {  	s28 =	simm.s32 $0x580;
	s26 =	rddreg [dreg:$0xd]  }
0x31: {  	[tilespmem:s28], [sflag:$0x13] =	stream.linear.gather [hbm4b:s26+s3], $0x80, $0x38;
	[tilespmem:$0x1E800] =	vst v63  }
0x32: {  	s29 =	rddreg [dreg:$0xe];
	s22 =	simm.s32 $0x200  }
0x33: {  	[tilespmem:s22], [sflag:$0xF] =	stream.linear.gather [hbm4b:s29+s3], $0x80, $0x38;
	[tilespmem:$0x1E800] =	vst v63  }
0x34: {  	s31 =	simm.s32 $0x600;
	s30 =	rddreg [dreg:$0xf];
	s24 =	simm.s32 $0xB  }
0x35: {  	[tilespmem:s31], [sflag:$0x14] =	stream.linear.gather [hbm4b:s30+s3], $0x80, $0x38;
	[tilespmem:$0x1E800] =	vst v63  }
0x36: {  	_ =	swait.ge [sflag:s24], $0x80  }
0x37: {  	[sflag:s24] =	ssyncset.done $0x0  }
0x38: {  	s25 =	simm.s32 $0x800;
	s26 =	simm.s32 $0xC;
	[sflag:s24] =	ssyncadd.s32 $0xFFFFFF80  }
0x39: {  	[tilespmem:s25], [sflag:$0x1] =	stream.indirect.gather [hbm4b:s4+s8], $0x80, s3, s8, $0xb8;
	[tilespmem:$0x1E800] =	vst v63  }
0x3a: {  	_ =	swait.ge [sflag:s26], $0x80  }
0x3b: {  	[sflag:s26] =	ssyncset.done $0x0  }
0x3c: {  	s15 =	simm.s32 $0xD;
	s28 =	simm.s32 $0x2800;
	[sflag:s26] =	ssyncadd.s32 $0xFFFFFF80  }
0x3d: {  	[tilespmem:s28], [sflag:$0x2] =	stream.indirect.gather [hbm4b:s4+s8], $0x80, s18, s8, $0xb8;
	[tilespmem:$0x1E800] =	vst v63  }
0x3e: {  	_ =	swait.ge [sflag:s15], $0x80  }
0x3f: {  	[sflag:s15] =	ssyncset.done $0x0  }
0x40: {  	s23 =	simm.s32 $0x4800;
	s29 =	simm.s32 $0xE;
	[sflag:s15] =	ssyncadd.s32 $0xFFFFFF80  }
0x41: {  	[tilespmem:s23], [sflag:$0x3] =	stream.indirect.gather [hbm4b:s4+s8], $0x80, s19, s8, $0xb8;
	[tilespmem:$0x1E800] =	vst v63  }
0x42: {  	_ =	swait.ge [sflag:s29], $0x80  }
0x43: {  	[sflag:s29] =	ssyncset.done $0x0  }
0x44: {  	s9 =	simm.s32 $0x6800;
	s30 =	simm.s32 $0xF;
	[sflag:s29] =	ssyncadd.s32 $0xFFFFFF80  }
0x45: {  	[tilespmem:s9], [sflag:$0x4] =	stream.indirect.gather [hbm4b:s4+s8], $0x80, s20, s8, $0xb8;
	[tilespmem:$0x1E800] =	vst v63  }
0x46: {  	_ =	swait.ge [sflag:s30], $0x80  }
0x47: {  	[sflag:s30] =	ssyncset.done $0x0  }
0x48: {  	s10 =	simm.s32 $0x8800;
	s31 =	simm.s32 $0x10;
	[sflag:s30] =	ssyncadd.s32 $0xFFFFFF80  }
0x49: {  	[tilespmem:s10], [sflag:$0x5] =	stream.indirect.gather [hbm4b:s4+s8], $0x80, s22, s8, $0xb8;
	[tilespmem:$0x1E800] =	vst v63  }
0x4a: {  	_ =	swait.ge [sflag:s31], $0x80  }
0x4b: {  	s13 =	simm.s32 $0x280;
	[sflag:s31] =	ssyncset.done $0x0  }
0x4c: {  	s0 =	sand.u32 $0xFC00, s13;
	s11 =	simm.s32 $0x1;
	[sflag:s31] =	ssyncadd.s32 $0xFFFFFF80  }
0x4d: {  	s1 =	sand.u32 $0x380, s13;
	s10 =	sadd.s32 s7, s0;
	_ =	swait.ge [sflag:s11], $0x2000  }
0x4e: {  	s1 =	sor.u32 s1, s10;
	[sflag:s11] =	ssyncset.done $0x0  }
0x4f: {  	s1 =	sshrl.u32 s1, $0x3;
	[sflag:s11] =	ssyncadd.s32 $0xFFFFE000  }
0x50: {  	[spmem:s2] =	stream.indirect.scatter.add.f32 [tilespmem:s25], [sflag:$0x6], $0x80, s21, s8, $0xb8;
	[tilespmem:$0x1E800] =	vst v63  }
0x51: {  	s13 =	simm.s32 $0x11;
	s11 =	sadd.s32 s5, s1  }
0x52: {  	[tilespmem:s3], [sflag:$0xB] =	stream.linear.gather [hbm4b:s11+s3], $0x80, $0x38;
	[tilespmem:$0x1E800] =	vst v63  }
0x53: {  	_ =	swait.ge [sflag:s13], $0x80  }
0x54: {  	s10 =	simm.s32 $0x300;
	[sflag:s13] =	ssyncset.done $0x0  }
0x55: {  	s0 =	sand.u32 $0xFC00, s10;
	[sflag:s13] =	ssyncadd.s32 $0xFFFFFF80;
	s13 =	simm.s32 $0x2  }
0x56: {  	s10 =	sand.u32 $0x380, s10;
	s11 =	sadd.s32 s7, s0;
	_ =	swait.ge [sflag:s13], $0x2000  }
0x57: {  	s10 =	sor.u32 s10, s11;
	[sflag:s13] =	ssyncset.done $0x0  }
0x58: {  	s10 =	sshrl.u32 s10, $0x3;
	[sflag:s13] =	ssyncadd.s32 $0xFFFFE000  }
0x59: {  	[spmem:s2] =	stream.indirect.scatter.add.f32 [tilespmem:s28], [sflag:$0x7], $0x80, s17, s8, $0xb8;
	[tilespmem:$0x1E800] =	vst v63  }
0x5a: {  	s0 =	sadd.s32 s5, s10;
	s13 =	simm.s32 $0x12  }
0x5b: {  	[tilespmem:s18], [sflag:$0xC] =	stream.linear.gather [hbm4b:s0+s3], $0x80, $0x38;
	[tilespmem:$0x1E800] =	vst v63  }
0x5c: {  	_ =	swait.ge [sflag:s13], $0x80  }
0x5d: {  	s11 =	simm.s32 $0x380;
	[sflag:s13] =	ssyncset.done $0x0  }
0x5e: {  	s0 =	simm.s32 $0x3;
	[sflag:s13] =	ssyncadd.s32 $0xFFFFFF80;
	s13 =	sand.u32 $0xFC00, s11  }
0x5f: {  	s11 =	sand.u32 $0x380, s11;
	_ =	swait.ge [sflag:s0], $0x2000;
	s13 =	sadd.s32 s7, s13  }
0x60: {  	[sflag:s0] =	ssyncset.done $0x0;
	s11 =	sor.u32 s11, s13  }
0x61: {  	s14 =	simm.s32 $0x500;
	[sflag:s0] =	ssyncadd.s32 $0xFFFFE000;
	s11 =	sshrl.u32 s11, $0x3  }
0x62: {  	[spmem:s2] =	stream.indirect.scatter.add.f32 [tilespmem:s23], [sflag:$0x8], $0x80, s14, s8, $0xb8;
	[tilespmem:$0x1E800] =	vst v63  }
0x63: {  	s0 =	sadd.s32 s5, s11  }
0x64: {  	[tilespmem:s19], [sflag:$0xD] =	stream.linear.gather [hbm4b:s0+s3], $0x80, $0x38;
	[tilespmem:$0x1E800] =	vst v63  }
0x65: {  	s0 =	simm.s32 $0x13  }
0x66: {  	s13 =	simm.s32 $0x400;
	_ =	swait.ge [sflag:s0], $0x80  }
0x67: {  	s13 =	sand.u32 $0xFC00, s13;
	[sflag:s0] =	ssyncset.done $0x0  }
0x68: {  	s14 =	simm.s32 $0x0;
	[sflag:s0] =	ssyncadd.s32 $0xFFFFFF80;
	s0 =	simm.s32 $0x4  }
0x69: {  	s13 =	sadd.s32 s7, s13;
	s14 =	sand.u32 $0x380, s14;
	_ =	swait.ge [sflag:s0], $0x2000  }
0x6a: {  	s16 =	simm.s32 $0x580;
	s13 =	sor.u32 s14, s13;
	[sflag:s0] =	ssyncset.done $0x0  }
0x6b: {  	s9 =	simm.s32 $0x6800;
	s13 =	sshrl.u32 s13, $0x3;
	[sflag:s0] =	ssyncadd.s32 $0xFFFFE000  }
0x6c: {  	[spmem:s2] =	stream.indirect.scatter.add.f32 [tilespmem:s9], [sflag:$0x9], $0x80, s16, s8, $0xb8;
	[tilespmem:$0x1E800] =	vst v63  }
0x6d: {  	s14 =	simm.s32 $0x14;
	s9 =	sadd.s32 s5, s13  }
0x6e: {  	[tilespmem:s20], [sflag:$0xE] =	stream.linear.gather [hbm4b:s9+s3], $0x80, $0x38;
	[tilespmem:$0x1E800] =	vst v63  }
0x6f: {  	_ =	swait.ge [sflag:s14], $0x80  }
0x70: {  	[sflag:s14] =	ssyncset.done $0x0  }
0x71: {  	s0 =	simm.s32 $0x5;
	s16 =	sand.u32 $0xFC00, s17;
	[sflag:s14] =	ssyncadd.s32 $0xFFFFFF80  }
0x72: {  	s9 =	sand.u32 $0x380, s17;
	s14 =	sadd.s32 s7, s16;
	_ =	swait.ge [sflag:s0], $0x2000  }
0x73: {  	s16 =	simm.s32 $0x8800;
	s14 =	sor.u32 s9, s14;
	[sflag:s0] =	ssyncset.done $0x0  }
0x74: {  	s9 =	simm.s32 $0x600;
	s14 =	sshrl.u32 s14, $0x3;
	[sflag:s0] =	ssyncadd.s32 $0xFFFFE000  }
0x75: {  	[spmem:s2] =	stream.indirect.scatter.add.f32 [tilespmem:s16], [sflag:$0xA], $0x80, s9, s8, $0xb8;
	[tilespmem:$0x1E800] =	vst v63  }
0x76: {  	s0 =	sadd.s32 s5, s14;
	s16 =	simm.s32 $0x6  }
0x77: {  	[tilespmem:s22], [sflag:$0xF] =	stream.linear.gather [hbm4b:s0+s3], $0x80, $0x38;
	[tilespmem:$0x1E800] =	vst v63  }
0x78: {  	_ =	swait.ge [sflag:s16], $0x2000  }
0x79: {  	[sflag:s16] =	ssyncset.done $0x0  }
0x7a: {  	s1 =	sadd.s32 s6, s1;
	[sflag:s16] =	ssyncadd.s32 $0xFFFFE000  }
0x7b: {  	[tilespmem:s21], [sflag:$0x10] =	stream.linear.gather [hbm4b:s1+s3], $0x80, $0x38;
	[tilespmem:$0x1E800] =	vst v63  }
0x7c: {  	_ =	swait.ge [sflag:s24], $0x80  }
0x7d: {  	[sflag:s24] =	ssyncset.done $0x0  }
0x7e: {  	s1 =	simm.s32 $0x7;
	[sflag:s24] =	ssyncadd.s32 $0xFFFFFF80  }
0x7f: {  	[tilespmem:s25], [sflag:$0x1] =	stream.indirect.gather [hbm4b:s4+s8], $0x80, s3, s8, $0xb8;
	[tilespmem:$0x1E800] =	vst v63  }
0x80: {  	_ =	swait.ge [sflag:s1], $0x2000  }
0x81: {  	[sflag:s1] =	ssyncset.done $0x0  }
0x82: {  	s10 =	sadd.s32 s6, s10;
	[sflag:s1] =	ssyncadd.s32 $0xFFFFE000  }
0x83: {  	[tilespmem:s17], [sflag:$0x11] =	stream.linear.gather [hbm4b:s10+s3], $0x80, $0x38;
	[tilespmem:$0x1E800] =	vst v63  }
0x84: {  	_ =	swait.ge [sflag:s26], $0x80  }
0x85: {  	[sflag:s26] =	ssyncset.done $0x0  }
0x86: {  	s16 =	simm.s32 $0x8;
	[sflag:s26] =	ssyncadd.s32 $0xFFFFFF80  }
0x87: {  	[tilespmem:s28], [sflag:$0x2] =	stream.indirect.gather [hbm4b:s4+s8], $0x80, s18, s8, $0xb8;
	[tilespmem:$0x1E800] =	vst v63  }
0x88: {  	_ =	swait.ge [sflag:s16], $0x2000  }
0x89: {  	[sflag:s16] =	ssyncset.done $0x0  }
0x8a: {  	s17 =	sadd.s32 s6, s11;
	s18 =	simm.s32 $0x500;
	[sflag:s16] =	ssyncadd.s32 $0xFFFFE000  }
0x8b: {  	[tilespmem:s18], [sflag:$0x12] =	stream.linear.gather [hbm4b:s17+s3], $0x80, $0x38;
	[tilespmem:$0x1E800] =	vst v63  }
0x8c: {  	_ =	swait.ge [sflag:s15], $0x80  }
0x8d: {  	[sflag:s15] =	ssyncset.done $0x0  }
0x8e: {  	s21 =	simm.s32 $0x9;
	[sflag:s15] =	ssyncadd.s32 $0xFFFFFF80  }
0x8f: {  	[tilespmem:s23], [sflag:$0x3] =	stream.indirect.gather [hbm4b:s4+s8], $0x80, s19, s8, $0xb8;
	[tilespmem:$0x1E800] =	vst v63  }
0x90: {  	_ =	swait.ge [sflag:s21], $0x2000  }
0x91: {  	[sflag:s21] =	ssyncset.done $0x0  }
0x92: {  	s24 =	simm.s32 $0x580;
	s23 =	sadd.s32 s6, s13;
	[sflag:s21] =	ssyncadd.s32 $0xFFFFE000  }
0x93: {  	[tilespmem:s24], [sflag:$0x13] =	stream.linear.gather [hbm4b:s23+s3], $0x80, $0x38;
	[tilespmem:$0x1E800] =	vst v63  }
0x94: {  	_ =	swait.ge [sflag:s29], $0x80  }
0x95: {  	[sflag:s29] =	ssyncset.done $0x0  }
0x96: {  	s25 =	simm.s32 $0x6800;
	[sflag:s29] =	ssyncadd.s32 $0xFFFFFF80  }
0x97: {  	[tilespmem:s25], [sflag:$0x4] =	stream.indirect.gather [hbm4b:s4+s8], $0x80, s20, s8, $0xb8;
	[tilespmem:$0x1E800] =	vst v63  }
0x98: {  	_ =	swait.ge [sflag:s12], $0x2000  }
0x99: {  	[sflag:s12] =	ssyncset.done $0x0  }
0x9a: {  	s26 =	sadd.s32 s6, s14;
	[sflag:s12] =	ssyncadd.s32 $0xFFFFE000  }
0x9b: {  	[tilespmem:s9], [sflag:$0x14] =	stream.linear.gather [hbm4b:s26+s3], $0x80, $0x38;
	[tilespmem:$0x1E800] =	vst v63  }
0x9c: {  	_ =	swait.ge [sflag:s30], $0x80  }
0x9d: {  	[sflag:s30] =	ssyncset.done $0x0  }
0x9e: {  	s28 =	simm.s32 $0x8800;
	[sflag:s30] =	ssyncadd.s32 $0xFFFFFF80  }
0x9f: {  	[tilespmem:s28], [sflag:$0x5] =	stream.indirect.gather [hbm4b:s4+s8], $0x80, s22, s8, $0xb8;
	[tilespmem:$0x1E800] =	vst v63  }
0xa0: {  	s1 =	simm.s32 $0x980;
	s29 =	simm.s32 $0x500;
	_ =	swait.ge [sflag:s31], $0x80  }
0xa1: {  	s14 =	simm.s32 $0x700;
	s30 =	sand.u32 $0xFC00, s29;
	[sflag:s31] =	ssyncset.done $0x0  }
0xa2: {  	s11 =	sand.u32 $0x380, s29;
	s10 =	sadd.s32 s7, s30;
	[sflag:s31] =	ssyncadd.s32 $0xFFFFFF80  }
.LBB2_2:
0xa3: {  	s11 =	sor.u32 s11, s10;
	s13 =	simm.s32 $0x1  }
0xa4: {  	s10 =	smov.u32 s1;
	s16 =	sadd.s32 $0x280, s1;
	_ =	swait.ge [sflag:s13], $0x2000  }
0xa5: {  	p0 =	sne.s32 s1, $0x4F80;
	s18 =	sshrl.u32 s11, $0x3;
	[sflag:s13] =	ssyncset.done $0x0  }
0xa6: {  	s17 =	simm.s32 $0x400;
	s26 =	simm.s32 $0x800;
	[sflag:s13] =	ssyncadd.s32 $0xFFFFE000  }
0xa7: {  	[spmem:s2] =	stream.indirect.scatter.add.f32 [tilespmem:s26], [sflag:$0x6], $0x80, s17, s8, $0xb8;
	[tilespmem:$0x1E800] =	vst v63  }
0xa8: {  	s11 =	simm.s32 $0x11;
	s1 =	sadd.s32 s5, s18  }
0xa9: {  	[tilespmem:s3], [sflag:$0xB] =	stream.linear.gather [hbm4b:s1+s3], $0x80, $0x38;
	[tilespmem:$0x1E800] =	vst v63  }
0xaa: {  	_ =	swait.ge [sflag:s11], $0x80  }
0xab: {  	s1 =	sadd.s32 $0xFFFFFE80, s14;
	[sflag:s11] =	ssyncset.done $0x0  }
0xac: {  	s13 =	simm.s32 $0x2;
	[sflag:s11] =	ssyncadd.s32 $0xFFFFFF80;
	s11 =	sand.u32 $0xFC00, s1  }
0xad: {  	s1 =	sand.u32 $0x380, s1;
	_ =	swait.ge [sflag:s13], $0x2000;
	s11 =	sadd.s32 s7, s11  }
0xae: {  	s28 =	simm.s32 $0x2800;
	[sflag:s13] =	ssyncset.done $0x0;
	s1 =	sor.u32 s1, s11  }
0xaf: {  	s0 =	simm.s32 $0x480;
	[sflag:s13] =	ssyncadd.s32 $0xFFFFE000;
	s1 =	sshrl.u32 s1, $0x3  }
0xb0: {  	[spmem:s2] =	stream.indirect.scatter.add.f32 [tilespmem:s28], [sflag:$0x7], $0x80, s0, s8, $0xb8;
	[tilespmem:$0x1E800] =	vst v63  }
0xb1: {  	s19 =	simm.s32 $0x80;
	s11 =	sadd.s32 s5, s1  }
0xb2: {  	[tilespmem:s19], [sflag:$0xC] =	stream.linear.gather [hbm4b:s11+s3], $0x80, $0x38;
	[tilespmem:$0x1E800] =	vst v63  }
0xb3: {  	s11 =	simm.s32 $0x12  }
0xb4: {  	_ =	swait.ge [sflag:s11], $0x80  }
0xb5: {  	[sflag:s11] =	ssyncset.done $0x0  }
0xb6: {  	s15 =	simm.s32 $0x3;
	[sflag:s11] =	ssyncadd.s32 $0xFFFFFF80;
	s11 =	sadd.s32 $0xFFFFFF00, s14  }
0xb7: {  	s21 =	simm.s32 $0x500;
	_ =	swait.ge [sflag:s15], $0x2000;
	s13 =	sand.u32 $0xFC00, s11  }
0xb8: {  	s11 =	sand.u32 $0x380, s11;
	[sflag:s15] =	ssyncset.done $0x0;
	s13 =	sadd.s32 s7, s13  }
0xb9: {  	s29 =	simm.s32 $0x4800;
	[sflag:s15] =	ssyncadd.s32 $0xFFFFE000;
	s11 =	sor.u32 s11, s13  }
0xba: {  	[spmem:s2] =	stream.indirect.scatter.add.f32 [tilespmem:s29], [sflag:$0x8], $0x80, s21, s8, $0xb8;
	[tilespmem:$0x1E800] =	vst v63  }
0xbb: {  	s11 =	sshrl.u32 s11, $0x3  }
0xbc: {  	s20 =	simm.s32 $0x100;
	s22 =	simm.s32 $0x13;
	s13 =	sadd.s32 s5, s11  }
0xbd: {  	[tilespmem:s20], [sflag:$0xD] =	stream.linear.gather [hbm4b:s13+s3], $0x80, $0x38;
	[tilespmem:$0x1E800] =	vst v63  }
0xbe: {  	_ =	swait.ge [sflag:s22], $0x80  }
0xbf: {  	s15 =	sadd.s32 $0xFFFFFB80, s14;
	s13 =	sadd.s32 $0xFFFFFF80, s14;
	[sflag:s22] =	ssyncset.done $0x0  }
0xc0: {  	s13 =	sand.u32 $0xFC00, s13;
	[sflag:s22] =	ssyncadd.s32 $0xFFFFFF80;
	s22 =	simm.s32 $0x4  }
0xc1: {  	s15 =	sand.u32 $0x380, s15;
	s13 =	sadd.s32 s7, s13;
	_ =	swait.ge [sflag:s22], $0x2000  }
0xc2: {  	s23 =	simm.s32 $0x580;
	s13 =	sor.u32 s15, s13;
	[sflag:s22] =	ssyncset.done $0x0  }
0xc3: {  	s30 =	simm.s32 $0x6800;
	s13 =	sshrl.u32 s13, $0x3;
	[sflag:s22] =	ssyncadd.s32 $0xFFFFE000  }
0xc4: {  	[spmem:s2] =	stream.indirect.scatter.add.f32 [tilespmem:s30], [sflag:$0x9], $0x80, s23, s8, $0xb8;
	[tilespmem:$0x1E800] =	vst v63  }
0xc5: {  	s15 =	sadd.s32 s5, s13;
	s22 =	simm.s32 $0x180  }
0xc6: {  	[tilespmem:s22], [sflag:$0xE] =	stream.linear.gather [hbm4b:s15+s3], $0x80, $0x38;
	[tilespmem:$0x1E800] =	vst v63  }
0xc7: {  	s15 =	simm.s32 $0x14  }
0xc8: {  	_ =	swait.ge [sflag:s15], $0x80  }
0xc9: {  	s24 =	simm.s32 $0x5;
	[sflag:s15] =	ssyncset.done $0x0  }
0xca: {  	s25 =	simm.s32 $0x600;
	[sflag:s15] =	ssyncadd.s32 $0xFFFFFF80;
	s15 =	sand.u32 $0xFC00, s14  }
0xcb: {  	s14 =	sand.u32 $0x380, s14;
	_ =	swait.ge [sflag:s24], $0x2000;
	s15 =	sadd.s32 s7, s15  }
0xcc: {  	[sflag:s24] =	ssyncset.done $0x0;
	s15 =	sor.u32 s14, s15;
	s14 =	smov.u32 s10  }
0xcd: {  	s31 =	simm.s32 $0x8800;
	[sflag:s24] =	ssyncadd.s32 $0xFFFFE000;
	s10 =	sshrl.u32 s15, $0x3  }
0xce: {  	[spmem:s2] =	stream.indirect.scatter.add.f32 [tilespmem:s31], [sflag:$0xA], $0x80, s25, s8, $0xb8;
	[tilespmem:$0x1E800] =	vst v63  }
0xcf: {  	s9 =	simm.s32 $0x6;
	s24 =	simm.s32 $0x200;
	s15 =	sadd.s32 s5, s10  }
0xd0: {  	[tilespmem:s24], [sflag:$0xF] =	stream.linear.gather [hbm4b:s15+s3], $0x80, $0x38;
	[tilespmem:$0x1E800] =	vst v63  }
0xd1: {  	s15 =	sadd.s32 s6, s18;
	_ =	swait.ge [sflag:s9], $0x2000  }
0xd2: {  	[sflag:s9] =	ssyncset.done $0x0  }
0xd3: {  	[sflag:s9] =	ssyncadd.s32 $0xFFFFE000  }
0xd4: {  	[tilespmem:s17], [sflag:$0x10] =	stream.linear.gather [hbm4b:s15+s3], $0x80, $0x38;
	[tilespmem:$0x1E800] =	vst v63  }
0xd5: {  	s15 =	simm.s32 $0xB  }
0xd6: {  	_ =	swait.ge [sflag:s15], $0x80  }
0xd7: {  	[sflag:s15] =	ssyncset.done $0x0  }
0xd8: {  	s9 =	simm.s32 $0x7;
	[sflag:s15] =	ssyncadd.s32 $0xFFFFFF80  }
0xd9: {  	[tilespmem:s26], [sflag:$0x1] =	stream.indirect.gather [hbm4b:s4+s8], $0x80, s3, s8, $0xb8;
	[tilespmem:$0x1E800] =	vst v63  }
0xda: {  	_ =	swait.ge [sflag:s9], $0x2000  }
0xdb: {  	s1 =	sadd.s32 s6, s1;
	[sflag:s9] =	ssyncset.done $0x0  }
0xdc: {  	[sflag:s9] =	ssyncadd.s32 $0xFFFFE000  }
0xdd: {  	[tilespmem:s0], [sflag:$0x11] =	stream.linear.gather [hbm4b:s1+s3], $0x80, $0x38;
	[tilespmem:$0x1E800] =	vst v63  }
0xde: {  	s1 =	simm.s32 $0xC  }
0xdf: {  	_ =	swait.ge [sflag:s1], $0x80  }
0xe0: {  	[sflag:s1] =	ssyncset.done $0x0  }
0xe1: {  	s0 =	simm.s32 $0x8;
	[sflag:s1] =	ssyncadd.s32 $0xFFFFFF80  }
0xe2: {  	[tilespmem:s28], [sflag:$0x2] =	stream.indirect.gather [hbm4b:s4+s8], $0x80, s19, s8, $0xb8;
	[tilespmem:$0x1E800] =	vst v63  }
0xe3: {  	_ =	swait.ge [sflag:s0], $0x2000  }
0xe4: {  	s1 =	sadd.s32 s6, s11;
	[sflag:s0] =	ssyncset.done $0x0  }
0xe5: {  	[sflag:s0] =	ssyncadd.s32 $0xFFFFE000  }
0xe6: {  	[tilespmem:s21], [sflag:$0x12] =	stream.linear.gather [hbm4b:s1+s3], $0x80, $0x38;
	[tilespmem:$0x1E800] =	vst v63  }
0xe7: {  	s1 =	simm.s32 $0xD  }
0xe8: {  	_ =	swait.ge [sflag:s1], $0x80  }
0xe9: {  	[sflag:s1] =	ssyncset.done $0x0  }
0xea: {  	s0 =	simm.s32 $0x9;
	[sflag:s1] =	ssyncadd.s32 $0xFFFFFF80  }
0xeb: {  	[tilespmem:s29], [sflag:$0x3] =	stream.indirect.gather [hbm4b:s4+s8], $0x80, s20, s8, $0xb8;
	[tilespmem:$0x1E800] =	vst v63  }
0xec: {  	_ =	swait.ge [sflag:s0], $0x2000  }
0xed: {  	s1 =	sadd.s32 s6, s13;
	[sflag:s0] =	ssyncset.done $0x0  }
0xee: {  	[sflag:s0] =	ssyncadd.s32 $0xFFFFE000  }
0xef: {  	[tilespmem:s23], [sflag:$0x13] =	stream.linear.gather [hbm4b:s1+s3], $0x80, $0x38;
	[tilespmem:$0x1E800] =	vst v63  }
0xf0: {  	s1 =	simm.s32 $0xE  }
0xf1: {  	_ =	swait.ge [sflag:s1], $0x80  }
0xf2: {  	[sflag:s1] =	ssyncset.done $0x0  }
0xf3: {  	[sflag:s1] =	ssyncadd.s32 $0xFFFFFF80  }
0xf4: {  	[tilespmem:s30], [sflag:$0x4] =	stream.indirect.gather [hbm4b:s4+s8], $0x80, s22, s8, $0xb8;
	[tilespmem:$0x1E800] =	vst v63  }
0xf5: {  	_ =	swait.ge [sflag:s12], $0x2000  }
0xf6: {  	s1 =	sadd.s32 s6, s10;
	[sflag:s12] =	ssyncset.done $0x0  }
0xf7: {  	[sflag:s12] =	ssyncadd.s32 $0xFFFFE000  }
0xf8: {  	[tilespmem:s25], [sflag:$0x14] =	stream.linear.gather [hbm4b:s1+s3], $0x80, $0x38;
	[tilespmem:$0x1E800] =	vst v63  }
0xf9: {  	s1 =	simm.s32 $0xF  }
0xfa: {  	_ =	swait.ge [sflag:s1], $0x80  }
0xfb: {  	[sflag:s1] =	ssyncset.done $0x0  }
.Ltmp0:
0xfc: {  	s13 =	simm.s32 $0x10;
	[sflag:s1] =	ssyncadd.s32 $0xFFFFFF80;
	(pc) =	sbr.rel @p0 .LBB2_2-.Ltmp0, $4  }
0xfd: {  	[tilespmem:s31], [sflag:$0x5] =	stream.indirect.gather [hbm4b:s4+s8], $0x80, s24, s8, $0xb8;
	[tilespmem:$0x1E800] =	vst v63  }
0xfe: {  	s1 =	sadd.s32 $0xFFFFFE00, s14;
	_ =	swait.ge [sflag:s13], $0x80  }
0xff: {  	s10 =	sand.u32 $0xFC00, s1;
	s11 =	sand.u32 $0x380, s1;
	[sflag:s13] =	ssyncset.done $0x0  }
0x100: {  	s1 =	smov.u32 s16;
	s10 =	sadd.s32 s7, s10;
	[sflag:s13] =	ssyncadd.s32 $0xFFFFFF80  }
0x101: {  	s30 =	simm.s32 $0x1  }
0x102: {  	_ =	swait.ge [sflag:s30], $0x2000  }
0x103: {  	s1 =	sor.u32 s11, s10;
	s0 =	simm.s32 $0x400;
	[sflag:s30] =	ssyncset.done $0x0  }
0x104: {  	s9 =	simm.s32 $0x800;
	s1 =	sshrl.u32 s1, $0x3;
	[sflag:s30] =	ssyncadd.s32 $0xFFFFE000  }
0x105: {  	[spmem:s2] =	stream.indirect.scatter.add.f32 [tilespmem:s9], [sflag:$0x6], $0x80, s0, s8, $0xb8;
	[tilespmem:$0x1E800] =	vst v63  }
0x106: {  	s31 =	simm.s32 $0x11;
	s22 =	sadd.s32 s5, s1  }
0x107: {  	[tilespmem:s3], [sflag:$0xB] =	stream.linear.gather [hbm4b:s22+s3], $0x80, $0x38;
	[tilespmem:$0x1E800] =	vst v63  }
0x108: {  	_ =	swait.ge [sflag:s31], $0x80  }
0x109: {  	s23 =	sadd.s32 $0xFFFFFE80, s14;
	[sflag:s31] =	ssyncset.done $0x0  }
0x10a: {  	s21 =	simm.s32 $0x2;
	s24 =	sand.u32 $0xFC00, s23;
	[sflag:s31] =	ssyncadd.s32 $0xFFFFFF80  }
0x10b: {  	s10 =	sand.u32 $0x380, s23;
	s11 =	sadd.s32 s7, s24;
	_ =	swait.ge [sflag:s21], $0x2000  }
0x10c: {  	s25 =	simm.s32 $0x2800;
	s10 =	sor.u32 s10, s11;
	[sflag:s21] =	ssyncset.done $0x0  }
0x10d: {  	s26 =	simm.s32 $0x480;
	s10 =	sshrl.u32 s10, $0x3;
	[sflag:s21] =	ssyncadd.s32 $0xFFFFE000  }
0x10e: {  	[spmem:s2] =	stream.indirect.scatter.add.f32 [tilespmem:s25], [sflag:$0x7], $0x80, s26, s8, $0xb8;
	[tilespmem:$0x1E800] =	vst v63  }
0x10f: {  	s29 =	simm.s32 $0x80;
	s20 =	simm.s32 $0x12;
	s28 =	sadd.s32 s5, s10  }
0x110: {  	[tilespmem:s29], [sflag:$0xC] =	stream.linear.gather [hbm4b:s28+s3], $0x80, $0x38;
	[tilespmem:$0x1E800] =	vst v63  }
0x111: {  	_ =	swait.ge [sflag:s20], $0x80  }
0x112: {  	s0 =	sadd.s32 $0xFFFFFF00, s14;
	[sflag:s20] =	ssyncset.done $0x0  }
0x113: {  	s19 =	simm.s32 $0x3;
	s13 =	sand.u32 $0xFC00, s0;
	[sflag:s20] =	ssyncadd.s32 $0xFFFFFF80  }
0x114: {  	s11 =	sand.u32 $0x380, s0;
	s13 =	sadd.s32 s7, s13;
	_ =	swait.ge [sflag:s19], $0x2000  }
0x115: {  	s15 =	simm.s32 $0x4800;
	s11 =	sor.u32 s11, s13;
	[sflag:s19] =	ssyncset.done $0x0  }
0x116: {  	s13 =	simm.s32 $0x500;
	s11 =	sshrl.u32 s11, $0x3;
	[sflag:s19] =	ssyncadd.s32 $0xFFFFE000  }
0x117: {  	[spmem:s2] =	stream.indirect.scatter.add.f32 [tilespmem:s15], [sflag:$0x8], $0x80, s13, s8, $0xb8;
	[tilespmem:$0x1E800] =	vst v63  }
0x118: {  	s18 =	simm.s32 $0x13;
	s16 =	sadd.s32 s5, s11;
	s25 =	simm.s32 $0x100  }
0x119: {  	[tilespmem:s25], [sflag:$0xD] =	stream.linear.gather [hbm4b:s16+s3], $0x80, $0x38;
	[tilespmem:$0x1E800] =	vst v63  }
0x11a: {  	_ =	swait.ge [sflag:s18], $0x80  }
0x11b: {  	s17 =	sadd.s32 $0xFFFFFF80, s14;
	s15 =	sadd.s32 $0xFFFFFB80, s14;
	[sflag:s18] =	ssyncset.done $0x0  }
0x11c: {  	s13 =	sand.u32 $0xFC00, s17;
	s17 =	simm.s32 $0x4;
	[sflag:s18] =	ssyncadd.s32 $0xFFFFFF80  }
0x11d: {  	s13 =	sadd.s32 s7, s13;
	s15 =	sand.u32 $0x380, s15;
	_ =	swait.ge [sflag:s17], $0x2000  }
0x11e: {  	s26 =	simm.s32 $0x580;
	s13 =	sor.u32 s15, s13;
	[sflag:s17] =	ssyncset.done $0x0  }
0x11f: {  	s28 =	simm.s32 $0x6800;
	s13 =	sshrl.u32 s13, $0x3;
	[sflag:s17] =	ssyncadd.s32 $0xFFFFE000  }
0x120: {  	[spmem:s2] =	stream.indirect.scatter.add.f32 [tilespmem:s28], [sflag:$0x9], $0x80, s26, s8, $0xb8;
	[tilespmem:$0x1E800] =	vst v63  }
0x121: {  	s23 =	simm.s32 $0x180;
	s16 =	simm.s32 $0x14;
	s22 =	sadd.s32 s5, s13  }
0x122: {  	[tilespmem:s23], [sflag:$0xE] =	stream.linear.gather [hbm4b:s22+s3], $0x80, $0x38;
	[tilespmem:$0x1E800] =	vst v63  }
0x123: {  	_ =	swait.ge [sflag:s16], $0x80  }
0x124: {  	[sflag:s16] =	ssyncset.done $0x0  }
0x125: {  	s24 =	sand.u32 $0xFC00, s14;
	s0 =	simm.s32 $0x5;
	[sflag:s16] =	ssyncadd.s32 $0xFFFFFF80  }
0x126: {  	s29 =	sand.u32 $0x380, s14;
	s15 =	sadd.s32 s7, s24;
	_ =	swait.ge [sflag:s0], $0x2000  }
0x127: {  	s24 =	simm.s32 $0x600;
	s14 =	sor.u32 s29, s15;
	[sflag:s0] =	ssyncset.done $0x0  }
0x128: {  	s29 =	simm.s32 $0x8800;
	s14 =	sshrl.u32 s14, $0x3;
	[sflag:s0] =	ssyncadd.s32 $0xFFFFE000  }
0x129: {  	[spmem:s2] =	stream.indirect.scatter.add.f32 [tilespmem:s29], [sflag:$0xA], $0x80, s24, s8, $0xb8;
	[tilespmem:$0x1E800] =	vst v63  }
0x12a: {  	s15 =	sadd.s32 s5, s14;
	s22 =	simm.s32 $0x200  }
0x12b: {  	[tilespmem:s22], [sflag:$0xF] =	stream.linear.gather [hbm4b:s15+s3], $0x80, $0x38;
	[tilespmem:$0x1E800] =	vst v63  }
0x12c: {  	s15 =	simm.s32 $0x6  }
0x12d: {  	_ =	swait.ge [sflag:s15], $0x2000  }
0x12e: {  	[sflag:s15] =	ssyncset.done $0x0  }
0x12f: {  	s1 =	sadd.s32 s6, s1;
	s9 =	simm.s32 $0x400;
	[sflag:s15] =	ssyncadd.s32 $0xFFFFE000  }
0x130: {  	[tilespmem:s9], [sflag:$0x10] =	stream.linear.gather [hbm4b:s1+s3], $0x80, $0x38;
	[tilespmem:$0x1E800] =	vst v63  }
0x131: {  	s9 =	simm.s32 $0xB  }
0x132: {  	_ =	swait.ge [sflag:s9], $0x80  }
0x133: {  	[sflag:s9] =	ssyncset.done $0x0  }
0x134: {  	[sflag:s9] =	ssyncadd.s32 $0xFFFFFF80;
	s9 =	simm.s32 $0x800  }
0x135: {  	[tilespmem:s9], [sflag:$0x1] =	stream.indirect.gather [hbm4b:s4+s8], $0x80, s3, s8, $0xb8;
	[tilespmem:$0x1E800] =	vst v63  }
0x136: {  	s9 =	simm.s32 $0x7  }
0x137: {  	_ =	swait.ge [sflag:s9], $0x2000  }
0x138: {  	[sflag:s9] =	ssyncset.done $0x0  }
0x139: {  	s1 =	sadd.s32 s6, s10;
	s10 =	simm.s32 $0x480;
	[sflag:s9] =	ssyncadd.s32 $0xFFFFE000  }
0x13a: {  	[tilespmem:s10], [sflag:$0x11] =	stream.linear.gather [hbm4b:s1+s3], $0x80, $0x38;
	[tilespmem:$0x1E800] =	vst v63  }
0x13b: {  	s10 =	simm.s32 $0xC  }
0x13c: {  	_ =	swait.ge [sflag:s10], $0x80  }
0x13d: {  	[sflag:s10] =	ssyncset.done $0x0  }
0x13e: {  	s1 =	simm.s32 $0x2800;
	[sflag:s10] =	ssyncadd.s32 $0xFFFFFF80;
	s10 =	simm.s32 $0x80  }
0x13f: {  	[tilespmem:s1], [sflag:$0x2] =	stream.indirect.gather [hbm4b:s4+s8], $0x80, s10, s8, $0xb8;
	[tilespmem:$0x1E800] =	vst v63  }
0x140: {  	s10 =	simm.s32 $0x8  }
0x141: {  	_ =	swait.ge [sflag:s10], $0x2000  }
0x142: {  	[sflag:s10] =	ssyncset.done $0x0  }
0x143: {  	s1 =	sadd.s32 s6, s11;
	s11 =	simm.s32 $0x500;
	[sflag:s10] =	ssyncadd.s32 $0xFFFFE000  }
0x144: {  	[tilespmem:s11], [sflag:$0x12] =	stream.linear.gather [hbm4b:s1+s3], $0x80, $0x38;
	[tilespmem:$0x1E800] =	vst v63  }
0x145: {  	s11 =	simm.s32 $0xD  }
0x146: {  	_ =	swait.ge [sflag:s11], $0x80  }
0x147: {  	[sflag:s11] =	ssyncset.done $0x0  }
0x148: {  	[sflag:s11] =	ssyncadd.s32 $0xFFFFFF80;
	s11 =	simm.s32 $0x4800  }
0x149: {  	[tilespmem:s11], [sflag:$0x3] =	stream.indirect.gather [hbm4b:s4+s8], $0x80, s25, s8, $0xb8;
	[tilespmem:$0x1E800] =	vst v63  }
0x14a: {  	s11 =	simm.s32 $0x9  }
0x14b: {  	_ =	swait.ge [sflag:s11], $0x2000  }
0x14c: {  	[sflag:s11] =	ssyncset.done $0x0  }
0x14d: {  	s13 =	sadd.s32 s6, s13;
	[sflag:s11] =	ssyncadd.s32 $0xFFFFE000  }
0x14e: {  	[tilespmem:s26], [sflag:$0x13] =	stream.linear.gather [hbm4b:s13+s3], $0x80, $0x38;
	[tilespmem:$0x1E800] =	vst v63  }
0x14f: {  	s13 =	simm.s32 $0xE  }
0x150: {  	_ =	swait.ge [sflag:s13], $0x80  }
0x151: {  	[sflag:s13] =	ssyncset.done $0x0  }
0x152: {  	[sflag:s13] =	ssyncadd.s32 $0xFFFFFF80  }
0x153: {  	[tilespmem:s28], [sflag:$0x4] =	stream.indirect.gather [hbm4b:s4+s8], $0x80, s23, s8, $0xb8;
	[tilespmem:$0x1E800] =	vst v63  }
0x154: {  	_ =	swait.ge [sflag:s12], $0x2000  }
0x155: {  	[sflag:s12] =	ssyncset.done $0x0  }
0x156: {  	s13 =	sadd.s32 s6, s14;
	s14 =	simm.s32 $0xF;
	[sflag:s12] =	ssyncadd.s32 $0xFFFFE000  }
0x157: {  	[tilespmem:s24], [sflag:$0x14] =	stream.linear.gather [hbm4b:s13+s3], $0x80, $0x38;
	[tilespmem:$0x1E800] =	vst v63  }
0x158: {  	_ =	swait.ge [sflag:s14], $0x80  }
0x159: {  	[sflag:s14] =	ssyncset.done $0x0  }
0x15a: {  	s23 =	simm.s32 $0x10;
	[sflag:s14] =	ssyncadd.s32 $0xFFFFFF80  }
0x15b: {  	[tilespmem:s29], [sflag:$0x5] =	stream.indirect.gather [hbm4b:s4+s8], $0x80, s22, s8, $0xb8;
	[tilespmem:$0x1E800] =	vst v63  }
0x15c: {  	_ =	swait.ge [sflag:s23], $0x80  }
0x15d: {  	[sflag:s23] =	ssyncset.done $0x0  }
0x15e: {  	[sflag:s23] =	ssyncadd.s32 $0xFFFFFF80  }
0x15f: {  	_ =	swait.ge [sflag:s30], $0x2000  }
0x160: {  	[sflag:s30] =	ssyncset.done $0x0  }
0x161: {  	s13 =	simm.s32 $0x400;
	s14 =	simm.s32 $0x800;
	[sflag:s30] =	ssyncadd.s32 $0xFFFFE000  }
0x162: {  	[spmem:s2] =	stream.indirect.scatter.add.f32 [tilespmem:s14], [sflag:$0x6], $0x80, s13, s8, $0xb8;
	[tilespmem:$0x1E800] =	vst v63  }
0x163: {  	_ =	swait.ge [sflag:s31], $0x80  }
0x164: {  	[sflag:s31] =	ssyncset.done $0x0  }
0x165: {  	[sflag:s31] =	ssyncadd.s32 $0xFFFFFF80  }
0x166: {  	_ =	swait.ge [sflag:s21], $0x2000  }
0x167: {  	[sflag:s21] =	ssyncset.done $0x0  }
0x168: {  	s22 =	simm.s32 $0x2800;
	[sflag:s21] =	ssyncadd.s32 $0xFFFFE000;
	s21 =	simm.s32 $0x480  }
0x169: {  	[spmem:s2] =	stream.indirect.scatter.add.f32 [tilespmem:s22], [sflag:$0x7], $0x80, s21, s8, $0xb8;
	[tilespmem:$0x1E800] =	vst v63  }
0x16a: {  	_ =	swait.ge [sflag:s20], $0x80  }
0x16b: {  	[sflag:s20] =	ssyncset.done $0x0  }
0x16c: {  	[sflag:s20] =	ssyncadd.s32 $0xFFFFFF80  }
0x16d: {  	_ =	swait.ge [sflag:s19], $0x2000  }
0x16e: {  	[sflag:s19] =	ssyncset.done $0x0  }
0x16f: {  	s25 =	simm.s32 $0x4800;
	s23 =	simm.s32 $0x500;
	[sflag:s19] =	ssyncadd.s32 $0xFFFFE000  }
0x170: {  	[spmem:s2] =	stream.indirect.scatter.add.f32 [tilespmem:s25], [sflag:$0x8], $0x80, s23, s8, $0xb8;
	[tilespmem:$0x1E800] =	vst v63  }
0x171: {  	_ =	swait.ge [sflag:s18], $0x80  }
0x172: {  	[sflag:s18] =	ssyncset.done $0x0  }
0x173: {  	[sflag:s18] =	ssyncadd.s32 $0xFFFFFF80  }
0x174: {  	_ =	swait.ge [sflag:s17], $0x2000  }
0x175: {  	[sflag:s17] =	ssyncset.done $0x0  }
0x176: {  	[sflag:s17] =	ssyncadd.s32 $0xFFFFE000  }
0x177: {  	[spmem:s2] =	stream.indirect.scatter.add.f32 [tilespmem:s28], [sflag:$0x9], $0x80, s26, s8, $0xb8;
	[tilespmem:$0x1E800] =	vst v63  }
0x178: {  	_ =	swait.ge [sflag:s16], $0x80  }
0x179: {  	[sflag:s16] =	ssyncset.done $0x0  }
0x17a: {  	[sflag:s16] =	ssyncadd.s32 $0xFFFFFF80  }
0x17b: {  	_ =	swait.ge [sflag:s0], $0x2000  }
0x17c: {  	[sflag:s0] =	ssyncset.done $0x0  }
0x17d: {  	[sflag:s0] =	ssyncadd.s32 $0xFFFFE000  }
0x17e: {  	[spmem:s2] =	stream.indirect.scatter.add.f32 [tilespmem:s29], [sflag:$0xA], $0x80, s24, s8, $0xb8;
	[tilespmem:$0x1E800] =	vst v63  }
0x17f: {  	_ =	swait.ge [sflag:s15], $0x2000  }
0x180: {  	[sflag:s15] =	ssyncset.done $0x0  }
0x181: {  	[sflag:s15] =	ssyncadd.s32 $0xFFFFE000  }
0x182: {  	_ =	swait.ge [sflag:s9], $0x2000  }
0x183: {  	[sflag:s9] =	ssyncset.done $0x0  }
0x184: {  	[sflag:s9] =	ssyncadd.s32 $0xFFFFE000  }
0x185: {  	_ =	swait.ge [sflag:s10], $0x2000  }
0x186: {  	[sflag:s10] =	ssyncset.done $0x0  }
0x187: {  	[sflag:s10] =	ssyncadd.s32 $0xFFFFE000  }
0x188: {  	_ =	swait.ge [sflag:s11], $0x2000  }
0x189: {  	[sflag:s11] =	ssyncset.done $0x0  }
0x18a: {  	[sflag:s11] =	ssyncadd.s32 $0xFFFFE000  }
0x18b: {  	_ =	swait.ge [sflag:s12], $0x2000  }
0x18c: {  	[sflag:s12] =	ssyncset.done $0x0  }
0x18d: {  	[sflag:s12] =	ssyncadd.s32 $0xFFFFE000  }
0x18e: {  	[bflag:$0x0] =	sbarrier.arrive $0xFFFF  }
0x18f: {  	s11 =	rddreg [dreg:$0x5]  }
0x190: {  	s28 =	rddreg [dreg:$0x10]  }
0x191: {  	s10 =	simm.s32 $0x15;
	s29 =	rddreg [dreg:$0x13]  }
0x192: {  	[hbm:s28], [sflag:s11] =	dma.local [spmem:s29], $0x2800  }
0x193: {  	_ =	swait.ge [sflag:s10], $0x2800  }
0x194: {  	s30 =	rddreg [dreg:$0x12]  }
0x195: {  	s31 =	rddreg [dreg:$0x11];
	s0 =	sadd.s32 $0x1, s30  }
0x196: {  	p0 =	sne.s32 s0, s31  }
.Ltmp1:
0x197: {  	_ = 	snop;
	(pc) =	sbr.rel @p0 .LBB2_1-.Ltmp1, $3  }
0x198: {  	_ =	sdelay $0x1  }
0x199: {  	[sflag:s10] =	ssyncset.done $0x0  }
0x19a: {  	[sflag:s10] =	ssyncadd.s32 $0xFFFFD800  }
0x19b: {  	_ =	sfence.sel $0x180000  }
0x19c: {  	[bflag:$0x0] =	sbarrier.arrive $0xFFFF  }
0x19d: {  	_ =	strace $0x9000004D  }
0x19e: {  	s0 =	stileid.u32;
	[bflag:$0x2] =	sbarrier.arrive $0xFFFF  }
0x19f: {  	p0 =	sne.s32 s0, $0x0;
	s0 =	rddreg [dreg:$0x2]  }
0x1a0: {  	s0 =	sadd.s32 @!p0 $0x100000, s0  }
0x1a1: {  	[sflag:s0] =	ssyncadd.tile.s32 @!p0 $0x1;
	_ =	shalt  }
.Lfunc_end2:
_tile_overlayer_lowered:
.L_overlay_start_2:
0x1a2: {  	(tag) =	ssettag $0x2  }
0x1a3: {  	s0 =	rddreg [dreg:$0x0];
	s2 =	stileid.u32  }
0x1a4: {  	s1 =	rddreg [dreg:$0x1];
	p0 =	sne.s32 s2, $0x0  }
0x1a5: {  	s3 =	rddreg [dreg:$0x2];
	[bflag:$0x3] =	sbarrier.arrive $0xFFFF;
	s2 =	simm.s32 @!p0 $0x1C15  }
0x1a6: {  	[timem:s3], [sflag:s2] =	dma.local @!p0 [hbm:s0], s1  }
0x1a7: {  	s0 =	simm.s32 @!p0 $0x15  }
0x1a8: {  	_ =	swait.ge @!p0 [sflag:s0], s1  }
0x1a9: {  	s1 =	ssub.s32 @!p0 $0x0, s1;
	[sflag:s0] =	ssyncset.done @!p0 $0x0  }
0x1aa: {  	[sflag:s0] =	ssyncadd.s32 @!p0 s1  }
0x1ab: {  	[bflag:$0x3] =	sbarrier.arrive $0xFFFF  }
0x1ac: {  	_ =	shalt  }

// kernel: kernel.9.cloned.1.call-start
scs
__scs_entry_jumppad:
0x0: {  	(pc) =	sbr.rel $0x88, $3  }
0x1: {  	(tag) =	ssettag $0x0;
	lr =	simm.s32 $0x1  }
0x2: {  	[smem:$0x3F9B] =	sst lr;
	_ =	strace $0xD0000000  }
0x3: {  	_ = 	snop  }
0x4: {  	_ = 	snop  }
0x5: {  	_ = 	snop  }
0x6: {  	_ = 	snop  }
0x7: {  	_ = 	snop  }
__scs_overlays_trampoline_lowered:
0x8: {  	[smem:$0x3FAA] =	sst s0  }
0x9: {  	[smem:$0x3FAB] =	sst s1  }
0xa: {  	[smem:$0x3FAC] =	sst s2  }
0xb: {  	[smem:$0x3FAD] =	sst s3  }
0xc: {  	[smem:$0x3FAE] =	sst s4  }
0xd: {  	[smem:$0x3FAF] =	sst s5  }
0xe: {  	[smem:$0x3FB0] =	sst s6  }
0xf: {  	[smem:$0x3FB1] =	sst s7  }
0x10: {  	[smem:$0x3FB2] =	sst s8  }
0x11: {  	[smem:$0x3FB3] =	sst s9;
	s0 =	simm.s32 @!p0 $0x0  }
0x12: {  	s1 =	sld [smem:$0x3F99];
	s0 =	simm.s32 @p0 $0x1  }
0x13: {  	[smem:$0x3FB4] =	sst s0;
	s0 =	simm.s32 @!p1 $0x0  }
0x14: {  	s2 =	sld [smem:$0x3F98];
	s0 =	simm.s32 @p1 $0x1  }
0x15: {  	[smem:$0x3FB5] =	sst s0;
	s0 =	simm.s32 @!p2 $0x0  }
0x16: {  	s3 =	sld [smem:$0x3FDB];
	s0 =	simm.s32 @p2 $0x1  }
0x17: {  	s4 =	simm.s32 $0x1BF5;
	[smem:$0x3FB7] =	sst s0  }
0x18: {  	s0 =	sld [smem:$0x3F9A];
	_ =	swait.ge [sflag:s4], $0x0  }
0x19: {  	s7 =	sld [smem:$0x3F9B]  }
0x1a: {  	s8 =	sadd.s32 $0xFFFFE003, lr  }
0x1b: {  	s9 =	sadd.s32 $0xFFFFFEF7, lr;
	s5 =	simm.s32 $0xFFFFFFFF;
	p2 =	slt.u32 s8, $0xFFFFF086  }
0x1c: {  	p1 =	slt.u32 s9, $0xF7A;
	s5 =	simm.s32 @!p2 $0x0  }
0x1d: {  	s5 =	simm.s32 @p1 $0x1;
	p0 =	seq.s32 s7, s2  }
0x1e: {  	s7 =	smul.u32 @!p0 $0xF7A, s2;
	p2 =	seq.s32 @!p0 s5, $0x0  }
0x1f: {  	s9 =	smul.u32 $0xF7A, s1;
	s8 =	simm.s32 @!p0 $0x1BF5;
	p2 =	por !p2, p0  }
0x20: {  	[sflag:s8] =	ssyncset.s32 @!p0 $0xFFFFF086;
	s6 =	sadd.s32 @!p0 s3, s7;
	s7 =	simm.s32 @!p0 $0x108  }
0x21: {  	s3 =	sadd.s32 s3, s9;
	s6 =	sadd.s32 @!p0 $0x88, s6;
	s7 =	simm.s32 @p2 $0x1082  }
0x22: {  	[simem:s7], [sflag:s8] =	dma.local @!p0 [hbm:s6], $0xF7A  }
0x23: {  	s9 =	sor.u32 $0xD0000000, s2;
	s6 =	simm.s32 $0x108;
	_ =	swait.ge @!p0 [sflag:s8], $0x0  }
0x24: {  	s3 =	sadd.s32 $0x88, s3;
	s6 =	simm.s32 @!p1 $0x1082;
	[sflag:s4] =	ssyncset.s32 $0xFFFFF086  }
0x25: {  	[simem:s6], [sflag:s4] =	dma.local [hbm:s3], $0xF7A  }
0x26: {  	[smem:$0x3F9B] =	sst s1;
	(tag) =	ssettag s2;
	_ =	strace s9  }
0x27: {  	s1 =	sld [smem:$0x3FAB]  }
0x28: {  	s2 =	sld [smem:$0x3FAC]  }
0x29: {  	s4 =	sld [smem:$0x3FAE]  }
0x2a: {  	p0 =	seq.s32 s5, $0x0;
	s5 =	sld [smem:$0x3FAF]  }
0x2b: {  	s6 =	sld [smem:$0x3FB0]  }
0x2c: {  	s7 =	sld [smem:$0x3FB1]  }
0x2d: {  	s3 =	simm.s32 $0x108;
	s8 =	sld [smem:$0x3FB2]  }
0x2e: {  	s3 =	simm.s32 @!p0 $0x1082;
	s9 =	sld [smem:$0x3FB3]  }
0x2f: {  	lr =	sadd.s32 s0, s3;
	s0 =	sld [smem:$0x3FAA]  }
0x30: {  	s3 =	sld [smem:$0x3FAD]  }
0x31: {  	[smem:$0x3FB6] =	sst s10  }
0x32: {  	s10 =	sld [smem:$0x3FB4];
	_ =	sdelay $0x3  }
0x33: {  	p0 =	seq.s32 s10, $0x1;
	s10 =	sld [smem:$0x3FB6];
	_ =	sdelay $0x3  }
0x34: {  	[smem:$0x3FB6] =	sst s10  }
0x35: {  	s10 =	sld [smem:$0x3FB5];
	_ =	sdelay $0x3  }
0x36: {  	p1 =	seq.s32 s10, $0x1;
	s10 =	sld [smem:$0x3FB6];
	_ =	sdelay $0x3  }
0x37: {  	[smem:$0x3FB6] =	sst s10  }
0x38: {  	s10 =	sld [smem:$0x3FB7]  }
0x39: {  	_ = 	snop;
	(pc) =	sbr.ind lr, $3  }
0x3a: {  	_ = 	snop  }
0x3b: {  	_ = 	snop  }
0x3c: {  	p2 =	seq.s32 s10, $0x1;
	s10 =	sld [smem:$0x3FB6]  }
0x3d: {  	_ =	shalt  }
0x3e: {  	_ =	shalt  }
0x3f: {  	_ =	shalt  }
0x40: {  	_ =	shalt  }
0x41: {  	_ =	shalt  }
0x42: {  	_ =	shalt  }
0x43: {  	_ =	shalt  }
0x44: {  	_ =	shalt  }
0x45: {  	_ =	shalt  }
0x46: {  	_ =	shalt  }
0x47: {  	_ =	shalt  }
0x48: {  	_ =	shalt  }
0x49: {  	_ =	shalt  }
0x4a: {  	_ =	shalt  }
0x4b: {  	_ =	shalt  }
0x4c: {  	_ =	shalt  }
0x4d: {  	_ =	shalt  }
0x4e: {  	_ =	shalt  }
0x4f: {  	_ =	shalt  }
0x50: {  	_ =	shalt  }
0x51: {  	_ =	shalt  }
0x52: {  	_ =	shalt  }
0x53: {  	_ =	shalt  }
0x54: {  	_ =	shalt  }
0x55: {  	_ =	shalt  }
0x56: {  	_ =	shalt  }
0x57: {  	_ =	shalt  }
0x58: {  	_ =	shalt  }
0x59: {  	_ =	shalt  }
0x5a: {  	_ =	shalt  }
0x5b: {  	_ =	shalt  }
0x5c: {  	_ =	shalt  }
0x5d: {  	_ =	shalt  }
0x5e: {  	_ =	shalt  }
0x5f: {  	_ =	shalt  }
0x60: {  	_ =	shalt  }
0x61: {  	_ =	shalt  }
0x62: {  	_ =	shalt  }
0x63: {  	_ =	shalt  }
0x64: {  	_ =	shalt  }
0x65: {  	_ =	shalt  }
0x66: {  	_ =	shalt  }
0x67: {  	_ =	shalt  }
0x68: {  	_ =	shalt  }
0x69: {  	_ =	shalt  }
0x6a: {  	_ =	shalt  }
0x6b: {  	_ =	shalt  }
0x6c: {  	_ =	shalt  }
0x6d: {  	_ =	shalt  }
0x6e: {  	_ =	shalt  }
0x6f: {  	_ =	shalt  }
0x70: {  	_ =	shalt  }
0x71: {  	_ =	shalt  }
0x72: {  	_ =	shalt  }
0x73: {  	_ =	shalt  }
0x74: {  	_ =	shalt  }
0x75: {  	_ =	shalt  }
0x76: {  	_ =	shalt  }
0x77: {  	_ =	shalt  }
0x78: {  	_ =	shalt  }
0x79: {  	_ =	shalt  }
0x7a: {  	_ =	shalt  }
0x7b: {  	_ =	shalt  }
0x7c: {  	_ =	shalt  }
0x7d: {  	_ =	shalt  }
0x7e: {  	_ =	shalt  }
0x7f: {  	_ =	shalt  }
0x80: {  	_ =	shalt  }
0x81: {  	_ =	shalt  }
0x82: {  	_ =	shalt  }
0x83: {  	_ =	shalt  }
0x84: {  	_ =	shalt  }
0x85: {  	_ =	shalt  }
0x86: {  	_ =	shalt  }
0x87: {  	_ =	shalt  }
.Lfunc_end0:
.L_simem_size_0:
called_computation_lowered:
.L_overlay_start_0:
0x88: {  	s2 =	sld [smem:$0x3FD9]  }
0x89: {  	s3 =	sld [smem:$0x3FFE];
	_ =	sdelay $0x1  }
0x8a: {  	s1 =	srdreg.scid  }
0x8b: {  	s0 =	sand.u32 $0x1, s1  }
0x8c: {  	s17 =	sshll.u32 s0, $0xA;
	s2 =	sadd.s32 s3, s2  }
0x8d: {  	s2 =	sadd.s32 s2, s17  }
0x8e: {  	[smem:$0x3FC2] =	sst s2  }
0x8f: {  	_ = 	snop  }
0x90: {  	s2 =	sld [smem:$0x3FD0];
	(tm) =	ssettm $0x1  }
0x91: {  	s18 =	sld [smem:$0x3FFB];
	_ =	sdelay $0x3  }
0x92: {  	_ =	strace s18  }
0x93: {  	s3 =	sld [smem:$0x3FFC];
	_ =	sdelay $0x3  }
0x94: {  	_ =	strace s3  }
0x95: {  	s3 =	sld [smem:$0x3FFD];
	_ =	sdelay $0x3  }
0x96: {  	_ =	strace s3  }
0x97: {  	_ =	strace $0x8FFFFFFF  }
0x98: {  	s19 =	sld [smem:$0x3FDB];
	_ =	sdelay $0x1  }
0x99: {  	s4 =	simm.s32 $_scs_section_size  }
0x9a: {  	s5 =	simm.s32 $_size__tile_overlayer_lowered;
	s6 =	simm.s32 $_tile_overlayer_lowered  }
0x9b: {  	s22 =	simm.s32 $0x1BFF;
	s21 =	sshll.u32 s6, $0x1;
	s3 =	sadd.s32 s4, s19  }
0x9c: {  	s7 =	simm.s32 $0x0;
	s20 =	sshll.u32 s5, $0x1;
	s5 =	sadd.s32 s21, s3  }
0x9d: {  	[timem:s7], [sflag:s22] =	dma.local [hbm:s5], s20  }
0x9e: {  	_ =	swait.ge [sflag:s22], s20  }
0x9f: {  	s4 =	ssub.s32 $0x0, s20;
	[sflag:s22] =	ssyncset.done $0x0  }
0xa0: {  	[sflag:s22] =	ssyncadd.s32 s4;
	_ =	sdelay $0x1  }
0xa1: {  	s23 =	simm.s32 $0x1B8B  }
0xa2: {  	_ =	swait.ge [sflag:s23], $0x1  }
0xa3: {  	[sflag:s23] =	ssyncset.done $0x0  }
0xa4: {  	s25 =	simm.s32 $0x1B8E;
	s24 =	sld [smem:$0x3FFE];
	[sflag:s23] =	ssyncadd.s32 $0xFFFFFFFF  }
0xa5: {  	s26 =	simm.s32 $execute0_lowered;
	[smem:$0x3FD2] =	sst s25  }
0xa6: {  	s5 =	sshll.u32 s26, $0x1;
	_ =	strace $0x80000046;
	[dreg:$0x1] =	wrdreg $0xFFFFFFFF  }
0xa7: {  	s28 =	simm.s32 $_size_execute0_lowered;
	s3 =	sadd.s32 s3, s5;
	[dreg:$0x0] =	wrdreg $0x0  }
0xa8: {  	s5 =	sshll.u32 s28, $0x1;
	[dreg:$0x2] =	wrdreg s3  }
0xa9: {  	[dreg:$0x3] =	wrdreg s5  }
0xaa: {  	[dreg:$0x4] =	wrdreg $0xC0  }
0xab: {  	_ =	task [dreg:s7], $0x5FFFF  }
0xac: {  	[dreg:$0x1] =	wrdreg $0xFFFFFFFF  }
0xad: {  	[dreg:$0x0] =	wrdreg $0x60  }
0xae: {  	[dreg:$0x2] =	wrdreg s24  }
0xaf: {  	[dreg:$0x3] =	wrdreg s2  }
0xb0: {  	[dreg:$0x4] =	wrdreg $0x70000  }
0xb1: {  	[dreg:$0x5] =	wrdreg $0x9  }
0xb2: {  	_ =	task.clear_ibuf [dreg:s7], $0x6FFFF;
	_ =	strace $0x90000046  }
0xb3: {  	s29 =	simm.s32 $0x9;
	_ =	strace $0x80000048  }
0xb4: {  	_ =	swait.ge [sflag:s29], $0x1  }
0xb5: {  	[sflag:s29] =	ssyncadd.s32 $0xFFFFFFFF  }
0xb6: {  	_ =	strace $0x90000048  }
0xb7: {  	_ =	sfence  }
0xb8: {  	s30 =	sld [smem:$0x0];
	_ =	sdelay $0x2  }
0xb9: {  	s31 =	sshll.u32 s1, $0xD;
	s1 =	sshrl.u32 s1, $0x2  }
0xba: {  	s3 =	sand.u32 $0x4000, s31;
	s1 =	sadd.s32 s1, s30  }
0xbb: {  	s0 =	sor.u32 s3, s0;
	s1 =	sshll.u32 s1, $0x11  }
0xbc: {  	s0 =	sor.u32 s1, s0  }
0xbd: {  	s0 =	sadd.s32 $0x8F2B, s0  }
0xbe: {  	[sflag:s0] =	ssyncadd.remote.s32 $0x1  }
0xbf: {  	_ =	sfence.sel $0xFFFF  }
0xc0: {  	[dreg:$0x0] =	wrdreg $0xFFFFFFFF;
	(pc) =	sbr.abs _section_cstart, $3  }
0xc1: {  	[dreg:$0x1] =	wrdreg $0xFFFFFFFF  }
0xc2: {  	_ =	task.clear_ibuf [dreg:s7], $0x2FFFF;
	_ =	strace $0x9FFFFFFF  }
0xc3: {  	(tm) =	ssettm $0x7FFFFFFF  }
tec
execute0_lowered:
.L_overlay_start_1:
0x0: {  	(tag) =	ssettag $0x1  }
0x1: {  	s6 =	rddreg [dreg:$0x0]  }
0x2: {  	s0 =	srdreg.scid;
	s2 =	rddreg [dreg:$0x1]  }
0x3: {  	s3 =	rddreg [dreg:$0x2];
	s4 =	simm.s32 $0x0;
	s13 =	simm.s32 $0x40  }
0x4: {  	s14 =	simm.s32 $0x1;
	s5 =	sand.u32 $0x1, s0;
	s0 =	stileid.u32  }
0x5: {  	s15 =	simm.s32 $0x0;
	[smem:$0x7FF] =	sst s4;
	s8 =	smul.u32 $0x14000, s0  }
0x6: {  	s1 =	sshll.u32 s5, $0x4;
	s9 =	smul.u32 $0x140000, s5;
	s5 =	ssub.s32 $0x2, s5  }
0x7: {  	s28 =	smul.u32 $0x50000, s0;
	s31 =	sshll.u32 s0, $0x6;
	s1 =	sor.u32 s0, s1  }
0x8: {  	s29 =	sshrl.u32 s5, $0x1;
	s7 =	smul.u32 $0xA00, s1;
	s1 =	rddreg [dreg:$0x3]  }
0x9: {  	_ =	strace $0x80000047;
	s10 =	sshrl.u32 s8, $0x3;
	s8 =	sadd.s32 s8, s9  }
0xa: {  	s11 =	ssub.s32 s5, s29;
	s30 =	sshrl.u32 s28, $0x2;
	s8 =	sshrl.u32 s8, $0x3  }
0xb: {  	s10 =	sadd.s32 s10, s6;
	s12 =	sadd.s32 s30, s3;
	s9 =	smax.u32 s11, $0x1  }
0xc: {  	s11 =	simm.s32 $0x2;
	s7 =	sadd.s32 s7, s6;
	s8 =	sadd.s32 s8, s6  }
0xd: {  	s5 =	sadd.s32 $0x16000, s10;
	s6 =	sor.u32 $0x1C02, s31;
	s10 =	sshrl.u32 s12, $0x3  }
0xe: {  	s12 =	simm.s32 $0x5000;
	s7 =	sadd.s32 $0x2000, s7;
	s8 =	sadd.s32 $0x3E000, s8  }
.LBB2_1:
0xf: {  	[spmem:s10], [sflag:s6] =	dma.local [hbm:s5], $0x2800  }
0x10: {  	_ =	swait.ge [sflag:s11], $0x2800  }
0x11: {  	[sflag:s11] =	ssyncset.done $0x0  }
0x12: {  	[sflag:s11] =	ssyncadd.s32 $0xFFFFD800  }
0x13: {  	[tilespmem:s12], [sflag:$0x2] =	stream.linear.gather [hbm4b:s2+s4], $0x2000, $0x38;
	[tilespmem:$0x1B000] =	vst v63  }
0x14: {  	_ =	swait.ge [sflag:s11], $0x2000  }
0x15: {  	[sflag:s11] =	ssyncset.done $0x0  }
0x16: {  	[sflag:s11] =	ssyncadd.s32 $0xFFFFE000  }
0x17: {  	[tilespmem:s4], [sflag:$0x2] =	stream.linear.gather [hbm4b:s7+s4], $0x5000, $0x38;
	[tilespmem:$0x1B000] =	vst v63  }
0x18: {  	_ =	swait.ge [sflag:s11], $0x5000  }
0x19: {  	[sflag:s11] =	ssyncset.done $0x0  }
0x1a: {  	[sflag:s11] =	ssyncadd.s32 $0xFFFFB000  }
0x1b: {  	s16 =	simm.s32 $0x0;
	[bflag:$0x0] =	sbarrier.arrive $0xFFFF  }
.LBB2_2:
0x1c: {  	p0 =	sne.s32 s16, $0x13E00  }
.Ltmp0:
0x1d: {  	_ = 	snop;
	(pc) =	sbr.rel @p0 .LBB2_2-.Ltmp0, $3  }
0x1e: {  	_ =	sdelay $0x1  }
0x1f: {  	s17 =	sshra.s32 s16, $0x2;
	s16 =	sadd.s32 $0x200, s16  }
0x20: {  	[spmem:s3] =	stream.indirect.scatter.add.f32 [tilespmem:s12], [sflag:$0x1], $0x80, s17, s13, $0xb8;
	[tilespmem:$0x1B000] =	vst v63  }
0x21: {  	_ =	swait.ge [sflag:s14], $0x2000  }
0x22: {  	s16 =	simm.s32 $0x9F;
	[sflag:s14] =	ssyncset.done $0x0  }
.LBB2_4:
0x23: {  	p0 =	sne.s32 s16, $0x1;
	s16 =	sadd.s32 $0xFFFFFFFF, s16;
	[sflag:s14] =	ssyncadd.s32 $0xFFFFE000  }
.Ltmp1:
0x24: {  	(pc) =	sbr.rel @p0 .LBB2_4-.Ltmp1, $3  }
0x25: {  	_ =	sdelay $0x1  }
0x26: {  	_ =	swait.ge [sflag:s14], $0x2000  }
0x27: {  	[sflag:s14] =	ssyncset.done $0x0  }
0x28: {  	s15 =	sadd.s32 $0x1, s15  }
0x29: {  	[sflag:s14] =	ssyncadd.s32 $0xFFFFE000;
	p0 =	sne.s32 s15, s9  }
.Ltmp2:
0x2a: {  	[bflag:$0x0] =	sbarrier.arrive $0xFFFF;
	(pc) =	sbr.rel @p0 .LBB2_1-.Ltmp2, $4  }
0x2b: {  	[hbm:s8], [sflag:s6] =	dma.local [spmem:s10], $0x2800  }
0x2c: {  	_ =	swait.ge [sflag:s11], $0x2800  }
0x2d: {  	[sflag:s11] =	ssyncset.done $0x0  }
0x2e: {  	[sflag:s11] =	ssyncadd.s32 $0xFFFFD800  }
0x2f: {  	_ =	sfence.sel $0x180000  }
0x30: {  	[bflag:$0x0] =	sbarrier.arrive $0xFFFF  }
0x31: {  	p0 =	sne.s32 s0, $0x0;
	_ =	strace $0x90000047  }
0x32: {  	s0 =	sadd.s32 @!p0 $0x100000, s1;
	[bflag:$0x2] =	sbarrier.arrive $0xFFFF  }
0x33: {  	[sflag:s0] =	ssyncadd.tile.s32 @!p0 $0x1;
	_ =	shalt  }
.Lfunc_end2:
_tile_overlayer_lowered:
.L_overlay_start_2:
0x34: {  	(tag) =	ssettag $0x2  }
0x35: {  	s0 =	rddreg [dreg:$0x0];
	s2 =	stileid.u32  }
0x36: {  	s1 =	rddreg [dreg:$0x1];
	p0 =	sne.s32 s2, $0x0  }
0x37: {  	s3 =	rddreg [dreg:$0x2];
	[bflag:$0x3] =	sbarrier.arrive $0xFFFF;
	s2 =	simm.s32 @!p0 $0x1C02  }
0x38: {  	[timem:s3], [sflag:s2] =	dma.local @!p0 [hbm:s0], s1  }
0x39: {  	s0 =	simm.s32 @!p0 $0x2  }
0x3a: {  	_ =	swait.ge @!p0 [sflag:s0], s1  }
0x3b: {  	s1 =	ssub.s32 @!p0 $0x0, s1;
	[sflag:s0] =	ssyncset.done @!p0 $0x0  }
0x3c: {  	[sflag:s0] =	ssyncadd.s32 @!p0 s1  }
0x3d: {  	[bflag:$0x3] =	sbarrier.arrive $0xFFFF  }
0x3e: {  	_ =	shalt  }

</sc_bundles>
